<compile_context>
chip_gen: v7x
topology: tpu7x:2x2x1
jax: 0.10.2.dev20260603
libtpu: 0.0.44.dev20260713+nightly
codegen_flags: <defaults>
</compile_context>

<pallas_src>
import functools

import jax
import jax.numpy as jnp
from jax import lax
from jax.experimental import pallas as pl
from jax.experimental.pallas import tpu as pltpu
from jax.experimental.pallas import tpu_sc as plsc

_B = 16384
_D = 64
_V = 100000
_EPS = 1e-5
_H = _B // 2
_NT = 16
_FPT = _D // _NT
_NV = _H // 16
_SLICE = _H // _NT
_PASS = ((0, 33336), (33336, 33336), (66672, _V - 66672))
_NP = len(_PASS)
_BUFW = 33336


def _rsqrt(v):
    i = lax.bitcast_convert_type(v, jnp.int32)
    i = jnp.int32(0x5F3759DF) - lax.shift_right_arithmetic(i, 1)
    y = lax.bitcast_convert_type(i, jnp.float32)
    hv = jnp.float32(0.5) * v
    for _ in range(2):
        y = y * (jnp.float32(1.5) - hv * y * y)
    return y


def _bcast_lane(vec, lane):
    idx = jnp.full((16,), lane, dtype=jnp.int32)
    return vec.at[idx].get(mode="promise_in_bounds")


def _body(x_hbm, tab_hbm, gamma_hbm, beta_hbm, out_hbm,
          idx_v, buf0, buf1, g_v, sum_v, sq_v, part_v,
          gam_v, bet_v, sh_part, sh_stats, sem0, sem1, wsem, psem):
    cid = lax.axis_index("c")
    sid = lax.axis_index("s")
    bbase = cid * _H

    pltpu.sync_copy(x_hbm.at[pl.ds(bbase, _H)], idx_v)
    pltpu.sync_copy(gamma_hbm, gam_v)
    pltpu.sync_copy(beta_hbm, bet_v)

    bufs = (buf0, buf1)
    sems = (sem0, sem1)
    lanes = lax.iota(jnp.int32, 16)
    inv_d = jnp.float32(1.0 / _D)

    def start(i):
        k, p = divmod(i, _NP)
        off, sz = _PASS[p]
        f = sid * _FPT + k
        return pltpu.async_copy(tab_hbm.at[f, pl.ds(off, sz)],
                                bufs[i % 2].at[pl.ds(0, sz)], sems[i % 2])

    def run_pass(buf, p):
        off, sz = _PASS[p]
        lo = jnp.int32(off)

        def vbody(v):
            base = v * 16
            iv = idx_v[pl.ds(base, 16)]
            loc = iv - lo
            ul = lax.bitcast_convert_type(loc, jnp.uint32)
            m = ul < jnp.uint32(sz)
            locc = lax.bitcast_convert_type(
                jnp.minimum(ul, jnp.uint32(sz - 1)), jnp.int32)
            g = plsc.load_gather(buf, [locc], mask=m)
            plsc.store_scatter(g_v, [lanes + base], g, mask=m)

        plsc.parallel_loop(0, _NV, unroll=8)(vbody)

    def accumulate(k):
        def abody(v):
            sl = pl.ds(v * 16, 16)
            g = g_v[sl]
            if k == 0:
                sum_v[sl] = g
                sq_v[sl] = g * g
            else:
                sum_v[sl] = sum_v[sl] + g
                sq_v[sl] = sq_v[sl] + g * g

        plsc.parallel_loop(0, _NV, unroll=8)(abody)

    parks = [None] * _FPT
    cps = [start(0), None]
    for i in range(_NP * _FPT):
        k, p = divmod(i, _NP)
        if i + 1 < _NP * _FPT:
            cps[(i + 1) % 2] = start(i + 1)
        cps[i % 2].wait()
        if p == 0 and k > 0:
            parks[k - 1].wait()
        run_pass(bufs[i % 2], p)
        if p == _NP - 1:
            accumulate(k)
            f = sid * _FPT + k
            parks[k] = pltpu.async_copy(
                g_v, out_hbm.at[f, pl.ds(bbase, _H)], wsem)

    parks[_FPT - 1].wait()

    f0 = sid * _FPT
    pfs = [pltpu.async_copy(out_hbm.at[f0 + k, pl.ds(bbase, _H)],
                            buf1.at[pl.ds(k * _H, _H)], psem)
           for k in range(_FPT)]

    pltpu.sync_copy(sum_v, sh_part.at[sid, 0])
    pltpu.sync_copy(sq_v, sh_part.at[sid, 1])
    plsc.subcore_barrier()

    st = sid * _SLICE

    pltpu.sync_copy(sh_part.at[:, 0, pl.ds(st, _SLICE)], part_v)

    def red_sum(v):
        sl = pl.ds(v * 16, 16)
        acc = part_v[0, sl]
        for t in range(1, _NT):
            acc = acc + part_v[t, sl]
        g_v[pl.ds(v * 16, 16)] = acc * inv_d

    plsc.parallel_loop(0, _SLICE // 16, unroll=4)(red_sum)

    pltpu.sync_copy(sh_part.at[:, 1, pl.ds(st, _SLICE)], part_v)

    def red_sq(v):
        sl = pl.ds(v * 16, 16)
        acc = part_v[0, sl]
        for t in range(1, _NT):
            acc = acc + part_v[t, sl]
        mean = g_v[pl.ds(v * 16, 16)]
        var = acc * inv_d - mean * mean + jnp.float32(_EPS)
        g_v[pl.ds(_SLICE + v * 16, 16)] = _rsqrt(var)

    plsc.parallel_loop(0, _SLICE // 16, unroll=4)(red_sq)

    pltpu.sync_copy(g_v.at[pl.ds(0, _SLICE)], sh_stats.at[0, pl.ds(st, _SLICE)])
    pltpu.sync_copy(g_v.at[pl.ds(_SLICE, _SLICE)],
                    sh_stats.at[1, pl.ds(st, _SLICE)])
    plsc.subcore_barrier()

    pltpu.sync_copy(sh_stats.at[0], buf0.at[pl.ds(0, _H)])
    pltpu.sync_copy(sh_stats.at[1], buf0.at[pl.ds(_H, _H)])

    writes = []
    for k in range(_FPT):
        f = sid * _FPT + k
        chunk = (f // 16) * 16
        lane = f - chunk
        gam = _bcast_lane(gam_v[pl.ds(chunk, 16)], lane)
        bet = _bcast_lane(bet_v[pl.ds(chunk, 16)], lane)
        pfs[k].wait()

        def norm(v, k=k, gam=gam, bet=bet):
            sl = pl.ds(k * _H + v * 16, 16)
            mean = buf0[pl.ds(v * 16, 16)]
            rs = buf0[pl.ds(_H + v * 16, 16)]
            buf1[sl] = ((buf1[sl] - mean) * rs) * gam + bet

        plsc.parallel_loop(0, _NV, unroll=8)(norm)
        writes.append(pltpu.async_copy(buf1.at[pl.ds(k * _H, _H)],
                                       out_hbm.at[f, pl.ds(bbase, _H)], wsem))
    for w in writes:
        w.wait()


def kernel(x, table, gamma, beta):
    mesh = plsc.VectorSubcoreMesh(core_axis_name="c", subcore_axis_name="s")
    f = pl.kernel(
        _body,
        mesh=mesh,
        out_type=jax.ShapeDtypeStruct((_D, _B), jnp.float32),
        scratch_types=[
            pltpu.VMEM((_H,), jnp.int32),
            pltpu.VMEM((_BUFW,), jnp.float32),
            pltpu.VMEM((_BUFW,), jnp.float32),
            pltpu.VMEM((_H,), jnp.float32),
            pltpu.VMEM((_H,), jnp.float32),
            pltpu.VMEM((_H,), jnp.float32),
            pltpu.VMEM((_NT, _SLICE), jnp.float32),
            pltpu.VMEM((_D,), jnp.float32),
            pltpu.VMEM((_D,), jnp.float32),
            pltpu.VMEM_SHARED((_NT, 2, _H), jnp.float32),
            pltpu.VMEM_SHARED((2, _H), jnp.float32),
            pltpu.SemaphoreType.DMA,
            pltpu.SemaphoreType.DMA,
            pltpu.SemaphoreType.DMA,
            pltpu.SemaphoreType.DMA,
        ],
        compiler_params=pltpu.CompilerParams(use_tc_tiling_on_sc=False,
                                             needs_layout_passes=False),
    )
    out_t = f(x.astype(jnp.int32), table.T, gamma, beta)
    return out_t.T

# --- scband reference (transcript-rebuilt; emitter-appended) ---
"""Pipeline reference for scband-batch-label-encoder-74071005987013 (READ-ONLY COPY).

The authoritative reference and input builder live on the scoring server;
editing this copy changes nothing except your own understanding.
"""

import jax, jax.numpy as jnp
import numpy as np

NUM_EMBEDDINGS = 100000
EMBED_DIM = 64
BATCH = 16384
EPS = 1e-5


def setup_inputs(seed: int = 0) -> dict:
    key = jax.random.key(seed)
    k_idx, k_tab = jax.random.split(key)
    x = jax.random.randint(k_idx, (BATCH,), 0, NUM_EMBEDDINGS, dtype=jnp.int64 if jax.config.jax_enable_x64 else jnp.int32)
    table = jax.random.normal(k_tab, (NUM_EMBEDDINGS, EMBED_DIM), dtype=jnp.float32)
    gamma = jnp.ones((EMBED_DIM,), dtype=jnp.float32)
    beta = jnp.zeros((EMBED_DIM,), dtype=jnp.float32)
    return {"x": x, "table": table, "gamma": gamma, "beta": beta}


def reference(x, table, gamma, beta):
    # embedding lookup
    emb = jnp.take(table, x, axis=0)
    # LayerNorm over last dim (eps=1e-5, matching torch.nn.LayerNorm default)
    mean = jnp.mean(emb, axis=-1, keepdims=True)
    var = jnp.mean(jnp.square(emb - mean), axis=-1, keepdims=True)
    normed = (emb - mean) / jnp.sqrt(var + EPS)
    return normed * gamma + beta

if __name__ == "__main__":
    import jax
    _d = setup_inputs()
    print(jax.jit(kernel)(*tuple(_d.values())))

</pallas_src>

<mosaic_0001>
#map = affine_map<(d0, d1) -> (0)>
#map1 = affine_map<(d0, d1) -> (0, 0)>
module attributes {stable_mosaic.version = 14 : i64} {
  func.func @_body(%arg0: i32, %arg1: i32, %arg2: memref<16384xi32, #tpu.memory_space<hbm>>, %arg3: memref<64x100000xf32, #tpu.memory_space<hbm>>, %arg4: memref<64xf32, #tpu.memory_space<hbm>>, %arg5: memref<64xf32, #tpu.memory_space<hbm>>, %arg6: memref<64x16384xf32, #tpu.memory_space<hbm>>, %arg7: memref<8192xi32, #tpu.memory_space<vmem>>, %arg8: memref<33336xf32, #tpu.memory_space<vmem>>, %arg9: memref<33336xf32, #tpu.memory_space<vmem>>, %arg10: memref<8192xf32, #tpu.memory_space<vmem>>, %arg11: memref<8192xf32, #tpu.memory_space<vmem>>, %arg12: memref<8192xf32, #tpu.memory_space<vmem>>, %arg13: memref<16x512xf32, #tpu.memory_space<vmem>>, %arg14: memref<64xf32, #tpu.memory_space<vmem>>, %arg15: memref<64xf32, #tpu.memory_space<vmem>>, %arg16: memref<16x2x8192xf32, #tpu.memory_space<vmem_shared>>, %arg17: memref<2x8192xf32, #tpu.memory_space<vmem_shared>>, %arg18: memref<!tpu.dma_semaphore, #tpu.memory_space<semaphore_mem>>, %arg19: memref<!tpu.dma_semaphore, #tpu.memory_space<semaphore_mem>>, %arg20: memref<!tpu.dma_semaphore, #tpu.memory_space<semaphore_mem>>, %arg21: memref<!tpu.dma_semaphore, #tpu.memory_space<semaphore_mem>>) attributes {dimension_semantics = [#tpu.dimension_semantics<core_parallel>, #tpu.dimension_semantics<subcore_parallel>], iteration_bounds = array<i64: 2, 16>, scalar_prefetch = 0 : i64, scratch_operands = 15 : i64, tpu.core_type = #tpu.core_type<sc_vector_subcore>, window_params = [{transform_indices = #map}, {transform_indices = #map1}, {transform_indices = #map}, {transform_indices = #map}, {transform_indices = #map1}]} {
    %mul3A = arith.constant 8192 : i32
    %mul3A_0 = arith.muli %arg0, %mul3A : i32
    "tpu.region"() ({
      %run_scoped3A_777 = tpu.sem_alloc : memref<!tpu.dma_semaphore, #tpu.memory_space<semaphore_mem>>
      %dma_start3A_778 = tpu.memref_slice %arg2[%mul3A_0] : memref<16384xi32, #tpu.memory_space<hbm>> -> memref<8192xi32, #tpu.memory_space<hbm>>
      %dma_start3A_779 = tpu.memref_slice %arg2[%mul3A_0] : memref<16384xi32, #tpu.memory_space<hbm>> -> memref<8192xi32, #tpu.memory_space<hbm>>
      tpu.enqueue_dma source(%dma_start3A_779 : memref<8192xi32, #tpu.memory_space<hbm>>) target(%arg7 : memref<8192xi32, #tpu.memory_space<vmem>>) target_semaphore(%run_scoped3A_777 : memref<!tpu.dma_semaphore, #tpu.memory_space<semaphore_mem>>)
      %dma_wait3A_780 = tpu.memref_slice %arg2[%mul3A_0] : memref<16384xi32, #tpu.memory_space<hbm>> -> memref<8192xi32, #tpu.memory_space<hbm>>
      %dma_wait3A_781 = tpu.memref_slice %arg2[%mul3A_0] : memref<16384xi32, #tpu.memory_space<hbm>> -> memref<8192xi32, #tpu.memory_space<hbm>>
      tpu.wait_dma2 semaphore(%run_scoped3A_777 : memref<!tpu.dma_semaphore, #tpu.memory_space<semaphore_mem>>) src(%dma_wait3A_781 : memref<8192xi32, #tpu.memory_space<hbm>>) dst(%arg7 : memref<8192xi32, #tpu.memory_space<vmem>>)
      tpu.yield
    }) : () -> ()
    "tpu.region"() ({
      %run_scoped3A_777 = tpu.sem_alloc : memref<!tpu.dma_semaphore, #tpu.memory_space<semaphore_mem>>
      tpu.enqueue_dma source(%arg4 : memref<64xf32, #tpu.memory_space<hbm>>) target(%arg14 : memref<64xf32, #tpu.memory_space<vmem>>) target_semaphore(%run_scoped3A_777 : memref<!tpu.dma_semaphore, #tpu.memory_space<semaphore_mem>>)
      tpu.wait_dma2 semaphore(%run_scoped3A_777 : memref<!tpu.dma_semaphore, #tpu.memory_space<semaphore_mem>>) src(%arg4 : memref<64xf32, #tpu.memory_space<hbm>>) dst(%arg14 : memref<64xf32, #tpu.memory_space<vmem>>)
      tpu.yield
    }) : () -> ()
    "tpu.region"() ({
      %run_scoped3A_777 = tpu.sem_alloc : memref<!tpu.dma_semaphore, #tpu.memory_space<semaphore_mem>>
      tpu.enqueue_dma source(%arg5 : memref<64xf32, #tpu.memory_space<hbm>>) target(%arg15 : memref<64xf32, #tpu.memory_space<vmem>>) target_semaphore(%run_scoped3A_777 : memref<!tpu.dma_semaphore, #tpu.memory_space<semaphore_mem>>)
      tpu.wait_dma2 semaphore(%run_scoped3A_777 : memref<!tpu.dma_semaphore, #tpu.memory_space<semaphore_mem>>) src(%arg5 : memref<64xf32, #tpu.memory_space<hbm>>) dst(%arg15 : memref<64xf32, #tpu.memory_space<vmem>>)
      tpu.yield
    }) : () -> ()
    %iota3A = tpu.iota {dimensions = array<i32: 0>} : vector<16xi32>
    %mul3A_1 = arith.constant 4 : i32
    %mul3A_2 = arith.muli %arg1, %mul3A_1 : i32
    %add3A = arith.constant 0 : i32
    %add3A_3 = arith.addi %mul3A_2, %add3A : i32
    %dma_start3A = arith.constant 0 : i32
    %dma_start3A_4 = tpu.memref_slice %arg8[%dma_start3A] : memref<33336xf32, #tpu.memory_space<vmem>> -> memref<33336xf32, #tpu.memory_space<vmem>>
    %dma_start3A_5 = arith.constant 0 : i32
    %dma_start3A_6 = tpu.memref_slice %arg3[%add3A_3, %dma_start3A_5] : memref<64x100000xf32, #tpu.memory_space<hbm>> -> memref<1x33336xf32, #tpu.memory_space<hbm>>
    %dma_start3A_7 = tpu.memref_squeeze %dma_start3A_6 : memref<1x33336xf32, #tpu.memory_space<hbm>> -> memref<33336xf32, #tpu.memory_space<hbm>>
    %dma_start3A_8 = arith.constant 0 : i32
    %dma_start3A_9 = tpu.memref_slice %arg8[%dma_start3A_8] : memref<33336xf32, #tpu.memory_space<vmem>> -> memref<33336xf32, #tpu.memory_space<vmem>>
    %dma_start3A_10 = arith.constant 0 : i32
    %dma_start3A_11 = tpu.memref_slice %arg3[%add3A_3, %dma_start3A_10] : memref<64x100000xf32, #tpu.memory_space<hbm>> -> memref<1x33336xf32, #tpu.memory_space<hbm>>
    %dma_start3A_12 = tpu.memref_squeeze %dma_start3A_11 : memref<1x33336xf32, #tpu.memory_space<hbm>> -> memref<33336xf32, #tpu.memory_space<hbm>>
    tpu.enqueue_dma source(%dma_start3A_12 : memref<33336xf32, #tpu.memory_space<hbm>>) target(%dma_start3A_9 : memref<33336xf32, #tpu.memory_space<vmem>>) target_semaphore(%arg18 : memref<!tpu.dma_semaphore, #tpu.memory_space<semaphore_mem>>)
    %mul3A_13 = arith.constant 4 : i32
    %mul3A_14 = arith.muli %arg1, %mul3A_13 : i32
    %add3A_15 = arith.constant 0 : i32
    %add3A_16 = arith.addi %mul3A_14, %add3A_15 : i32
    %dma_start3A_17 = arith.constant 0 : i32
    %dma_start3A_18 = tpu.memref_slice %arg9[%dma_start3A_17] : memref<33336xf32, #tpu.memory_space<vmem>> -> memref<33336xf32, #tpu.memory_space<vmem>>
    %dma_start3A_19 = arith.constant 33336 : i32
    %dma_start3A_20 = tpu.memref_slice %arg3[%add3A_16, %dma_start3A_19] : memref<64x100000xf32, #tpu.memory_space<hbm>> -> memref<1x33336xf32, #tpu.memory_space<hbm>>
    %dma_start3A_21 = tpu.memref_squeeze %dma_start3A_20 : memref<1x33336xf32, #tpu.memory_space<hbm>> -> memref<33336xf32, #tpu.memory_space<hbm>>
    %dma_start3A_22 = arith.constant 0 : i32
    %dma_start3A_23 = tpu.memref_slice %arg9[%dma_start3A_22] : memref<33336xf32, #tpu.memory_space<vmem>> -> memref<33336xf32, #tpu.memory_space<vmem>>
    %dma_start3A_24 = arith.constant 33336 : i32
    %dma_start3A_25 = tpu.memref_slice %arg3[%add3A_16, %dma_start3A_24] : memref<64x100000xf32, #tpu.memory_space<hbm>> -> memref<1x33336xf32, #tpu.memory_space<hbm>>
    %dma_start3A_26 = tpu.memref_squeeze %dma_start3A_25 : memref<1x33336xf32, #tpu.memory_space<hbm>> -> memref<33336xf32, #tpu.memory_space<hbm>>
    tpu.enqueue_dma source(%dma_start3A_26 : memref<33336xf32, #tpu.memory_space<hbm>>) target(%dma_start3A_23 : memref<33336xf32, #tpu.memory_space<vmem>>) target_semaphore(%arg19 : memref<!tpu.dma_semaphore, #tpu.memory_space<semaphore_mem>>)
    %dma_wait3A = arith.constant 0 : i32
    %dma_wait3A_27 = tpu.memref_slice %arg8[%dma_wait3A] : memref<33336xf32, #tpu.memory_space<vmem>> -> memref<33336xf32, #tpu.memory_space<vmem>>
    %dma_wait3A_28 = arith.constant 0 : i32
    %dma_wait3A_29 = tpu.memref_slice %arg3[%add3A_3, %dma_wait3A_28] : memref<64x100000xf32, #tpu.memory_space<hbm>> -> memref<1x33336xf32, #tpu.memory_space<hbm>>
    %dma_wait3A_30 = tpu.memref_squeeze %dma_wait3A_29 : memref<1x33336xf32, #tpu.memory_space<hbm>> -> memref<33336xf32, #tpu.memory_space<hbm>>
    %dma_wait3A_31 = arith.constant 0 : i32
    %dma_wait3A_32 = tpu.memref_slice %arg8[%dma_wait3A_31] : memref<33336xf32, #tpu.memory_space<vmem>> -> memref<33336xf32, #tpu.memory_space<vmem>>
    %dma_wait3A_33 = arith.constant 0 : i32
    %dma_wait3A_34 = tpu.memref_slice %arg3[%add3A_3, %dma_wait3A_33] : memref<64x100000xf32, #tpu.memory_space<hbm>> -> memref<1x33336xf32, #tpu.memory_space<hbm>>
    %dma_wait3A_35 = tpu.memref_squeeze %dma_wait3A_34 : memref<1x33336xf32, #tpu.memory_space<hbm>> -> memref<33336xf32, #tpu.memory_space<hbm>>
    tpu.wait_dma2 semaphore(%arg18 : memref<!tpu.dma_semaphore, #tpu.memory_space<semaphore_mem>>) src(%dma_wait3A_35 : memref<33336xf32, #tpu.memory_space<hbm>>) dst(%dma_wait3A_32 : memref<33336xf32, #tpu.memory_space<vmem>>)
    %parallel_loop3A = arith.constant 0 : i32
    %parallel_loop3A_36 = arith.constant 512 : i32
    %parallel_loop3A_37 = arith.constant 1 : i32
    %parallel_loop3A_38 = arith.constant 0 : i32
    scf.for %parallel_loop3A_777 = %parallel_loop3A to %parallel_loop3A_36 step %parallel_loop3A_37  : i32 {
      %parallel_loop3A_778 = arith.constant 16 : i32
      %parallel_loop3A_779 = arith.muli %parallel_loop3A_777, %parallel_loop3A_778 : i32
      %parallel_loop3A_780 = arith.index_cast %parallel_loop3A_779 : i32 to index
      %parallel_loop3A_781 = tpu.vector_load %arg7[%parallel_loop3A_780] {strides = array<i32>} : memref<8192xi32, #tpu.memory_space<vmem>>, vector<16xi32>,
      %parallel_loop3A_782 = vector.broadcast %parallel_loop3A_38 : i32 to vector<16xi32>
      %parallel_loop3A_783 = arith.subi %parallel_loop3A_781, %parallel_loop3A_782 : vector<16xi32>
      %parallel_loop3A_784 = tpu.bitcast %parallel_loop3A_783 : vector<16xi32> -> vector<16xi32>
      %parallel_loop3A_785 = arith.constant 33336 : i32
      %parallel_loop3A_786 = vector.broadcast %parallel_loop3A_785 : i32 to vector<16xi32>
      %parallel_loop3A_787 = arith.cmpi ult, %parallel_loop3A_784, %parallel_loop3A_786 : vector<16xi32>
      %parallel_loop3A_788 = arith.constant 33335 : i32
      %parallel_loop3A_789 = vector.broadcast %parallel_loop3A_788 : i32 to vector<16xi32>
      %parallel_loop3A_790 = arith.minui %parallel_loop3A_784, %parallel_loop3A_789 : vector<16xi32>
      %parallel_loop3A_791 = tpu.bitcast %parallel_loop3A_790 : vector<16xi32> -> vector<16xi32>
      %parallel_loop3A_792 = tpu.vector_load_idx %arg8[%parallel_loop3A_791] masked %parallel_loop3A_787 : memref<33336xf32, #tpu.memory_space<vmem>>[vector<16xi32>], vector<16xf32>, vector<16xi1>
      %parallel_loop3A_793 = vector.broadcast %parallel_loop3A_779 : i32 to vector<16xi32>
      %parallel_loop3A_794 = arith.addi %iota3A, %parallel_loop3A_793 : vector<16xi32>
      tpu.vector_store_idx %arg10[%parallel_loop3A_794], %parallel_loop3A_792 masked %parallel_loop3A_787 : memref<8192xf32, #tpu.memory_space<vmem>>[vector<16xi32>], vector<16xf32>, vector<16xi1>
    } {sc.loop_unroll_factor = 8 : i64, sc.parallel_access}
    %mul3A_39 = arith.constant 4 : i32
    %mul3A_40 = arith.muli %arg1, %mul3A_39 : i32
    %add3A_41 = arith.constant 0 : i32
    %add3A_42 = arith.addi %mul3A_40, %add3A_41 : i32
    %dma_start3A_43 = arith.constant 0 : i32
    %dma_start3A_44 = tpu.memref_slice %arg8[%dma_start3A_43] : memref<33336xf32, #tpu.memory_space<vmem>> -> memref<33328xf32, #tpu.memory_space<vmem>>
    %dma_start3A_45 = arith.constant 66672 : i32
    %dma_start3A_46 = tpu.memref_slice %arg3[%add3A_42, %dma_start3A_45] : memref<64x100000xf32, #tpu.memory_space<hbm>> -> memref<1x33328xf32, #tpu.memory_space<hbm>>
    %dma_start3A_47 = tpu.memref_squeeze %dma_start3A_46 : memref<1x33328xf32, #tpu.memory_space<hbm>> -> memref<33328xf32, #tpu.memory_space<hbm>>
    %dma_start3A_48 = arith.constant 0 : i32
    %dma_start3A_49 = tpu.memref_slice %arg8[%dma_start3A_48] : memref<33336xf32, #tpu.memory_space<vmem>> -> memref<33328xf32, #tpu.memory_space<vmem>>
    %dma_start3A_50 = arith.constant 66672 : i32
    %dma_start3A_51 = tpu.memref_slice %arg3[%add3A_42, %dma_start3A_50] : memref<64x100000xf32, #tpu.memory_space<hbm>> -> memref<1x33328xf32, #tpu.memory_space<hbm>>
    %dma_start3A_52 = tpu.memref_squeeze %dma_start3A_51 : memref<1x33328xf32, #tpu.memory_space<hbm>> -> memref<33328xf32, #tpu.memory_space<hbm>>
    tpu.enqueue_dma source(%dma_start3A_52 : memref<33328xf32, #tpu.memory_space<hbm>>) target(%dma_start3A_49 : memref<33328xf32, #tpu.memory_space<vmem>>) target_semaphore(%arg18 : memref<!tpu.dma_semaphore, #tpu.memory_space<semaphore_mem>>)
    %dma_wait3A_53 = arith.constant 0 : i32
    %dma_wait3A_54 = tpu.memref_slice %arg9[%dma_wait3A_53] : memref<33336xf32, #tpu.memory_space<vmem>> -> memref<33336xf32, #tpu.memory_space<vmem>>
    %dma_wait3A_55 = arith.constant 33336 : i32
    %dma_wait3A_56 = tpu.memref_slice %arg3[%add3A_16, %dma_wait3A_55] : memref<64x100000xf32, #tpu.memory_space<hbm>> -> memref<1x33336xf32, #tpu.memory_space<hbm>>
    %dma_wait3A_57 = tpu.memref_squeeze %dma_wait3A_56 : memref<1x33336xf32, #tpu.memory_space<hbm>> -> memref<33336xf32, #tpu.memory_space<hbm>>
    %dma_wait3A_58 = arith.constant 0 : i32
    %dma_wait3A_59 = tpu.memref_slice %arg9[%dma_wait3A_58] : memref<33336xf32, #tpu.memory_space<vmem>> -> memref<33336xf32, #tpu.memory_space<vmem>>
    %dma_wait3A_60 = arith.constant 33336 : i32
    %dma_wait3A_61 = tpu.memref_slice %arg3[%add3A_16, %dma_wait3A_60] : memref<64x100000xf32, #tpu.memory_space<hbm>> -> memref<1x33336xf32, #tpu.memory_space<hbm>>
    %dma_wait3A_62 = tpu.memref_squeeze %dma_wait3A_61 : memref<1x33336xf32, #tpu.memory_space<hbm>> -> memref<33336xf32, #tpu.memory_space<hbm>>
    tpu.wait_dma2 semaphore(%arg19 : memref<!tpu.dma_semaphore, #tpu.memory_space<semaphore_mem>>) src(%dma_wait3A_62 : memref<33336xf32, #tpu.memory_space<hbm>>) dst(%dma_wait3A_59 : memref<33336xf32, #tpu.memory_space<vmem>>)
    %parallel_loop3A_63 = arith.constant 0 : i32
    %parallel_loop3A_64 = arith.constant 512 : i32
    %parallel_loop3A_65 = arith.constant 1 : i32
    %parallel_loop3A_66 = arith.constant 33336 : i32
    scf.for %parallel_loop3A_777 = %parallel_loop3A_63 to %parallel_loop3A_64 step %parallel_loop3A_65  : i32 {
      %parallel_loop3A_778 = arith.constant 16 : i32
      %parallel_loop3A_779 = arith.muli %parallel_loop3A_777, %parallel_loop3A_778 : i32
      %parallel_loop3A_780 = arith.index_cast %parallel_loop3A_779 : i32 to index
      %parallel_loop3A_781 = tpu.vector_load %arg7[%parallel_loop3A_780] {strides = array<i32>} : memref<8192xi32, #tpu.memory_space<vmem>>, vector<16xi32>,
      %parallel_loop3A_782 = vector.broadcast %parallel_loop3A_66 : i32 to vector<16xi32>
      %parallel_loop3A_783 = arith.subi %parallel_loop3A_781, %parallel_loop3A_782 : vector<16xi32>
      %parallel_loop3A_784 = tpu.bitcast %parallel_loop3A_783 : vector<16xi32> -> vector<16xi32>
      %parallel_loop3A_785 = arith.constant 33336 : i32
      %parallel_loop3A_786 = vector.broadcast %parallel_loop3A_785 : i32 to vector<16xi32>
      %parallel_loop3A_787 = arith.cmpi ult, %parallel_loop3A_784, %parallel_loop3A_786 : vector<16xi32>
      %parallel_loop3A_788 = arith.constant 33335 : i32
      %parallel_loop3A_789 = vector.broadcast %parallel_loop3A_788 : i32 to vector<16xi32>
      %parallel_loop3A_790 = arith.minui %parallel_loop3A_784, %parallel_loop3A_789 : vector<16xi32>
      %parallel_loop3A_791 = tpu.bitcast %parallel_loop3A_790 : vector<16xi32> -> vector<16xi32>
      %parallel_loop3A_792 = tpu.vector_load_idx %arg9[%parallel_loop3A_791] masked %parallel_loop3A_787 : memref<33336xf32, #tpu.memory_space<vmem>>[vector<16xi32>], vector<16xf32>, vector<16xi1>
      %parallel_loop3A_793 = vector.broadcast %parallel_loop3A_779 : i32 to vector<16xi32>
      %parallel_loop3A_794 = arith.addi %iota3A, %parallel_loop3A_793 : vector<16xi32>
      tpu.vector_store_idx %arg10[%parallel_loop3A_794], %parallel_loop3A_792 masked %parallel_loop3A_787 : memref<8192xf32, #tpu.memory_space<vmem>>[vector<16xi32>], vector<16xf32>, vector<16xi1>
    } {sc.loop_unroll_factor = 8 : i64, sc.parallel_access}
    %mul3A_67 = arith.constant 4 : i32
    %mul3A_68 = arith.muli %arg1, %mul3A_67 : i32
    %add3A_69 = arith.constant 1 : i32
    %add3A_70 = arith.addi %mul3A_68, %add3A_69 : i32
    %dma_start3A_71 = arith.constant 0 : i32
    %dma_start3A_72 = tpu.memref_slice %arg9[%dma_start3A_71] : memref<33336xf32, #tpu.memory_space<vmem>> -> memref<33336xf32, #tpu.memory_space<vmem>>
    %dma_start3A_73 = arith.constant 0 : i32
    %dma_start3A_74 = tpu.memref_slice %arg3[%add3A_70, %dma_start3A_73] : memref<64x100000xf32, #tpu.memory_space<hbm>> -> memref<1x33336xf32, #tpu.memory_space<hbm>>
    %dma_start3A_75 = tpu.memref_squeeze %dma_start3A_74 : memref<1x33336xf32, #tpu.memory_space<hbm>> -> memref<33336xf32, #tpu.memory_space<hbm>>
    %dma_start3A_76 = arith.constant 0 : i32
    %dma_start3A_77 = tpu.memref_slice %arg9[%dma_start3A_76] : memref<33336xf32, #tpu.memory_space<vmem>> -> memref<33336xf32, #tpu.memory_space<vmem>>
    %dma_start3A_78 = arith.constant 0 : i32
    %dma_start3A_79 = tpu.memref_slice %arg3[%add3A_70, %dma_start3A_78] : memref<64x100000xf32, #tpu.memory_space<hbm>> -> memref<1x33336xf32, #tpu.memory_space<hbm>>
    %dma_start3A_80 = tpu.memref_squeeze %dma_start3A_79 : memref<1x33336xf32, #tpu.memory_space<hbm>> -> memref<33336xf32, #tpu.memory_space<hbm>>
    tpu.enqueue_dma source(%dma_start3A_80 : memref<33336xf32, #tpu.memory_space<hbm>>) target(%dma_start3A_77 : memref<33336xf32, #tpu.memory_space<vmem>>) target_semaphore(%arg19 : memref<!tpu.dma_semaphore, #tpu.memory_space<semaphore_mem>>)
    %dma_wait3A_81 = arith.constant 0 : i32
    %dma_wait3A_82 = tpu.memref_slice %arg8[%dma_wait3A_81] : memref<33336xf32, #tpu.memory_space<vmem>> -> memref<33328xf32, #tpu.memory_space<vmem>>
    %dma_wait3A_83 = arith.constant 66672 : i32
    %dma_wait3A_84 = tpu.memref_slice %arg3[%add3A_42, %dma_wait3A_83] : memref<64x100000xf32, #tpu.memory_space<hbm>> -> memref<1x33328xf32, #tpu.memory_space<hbm>>
    %dma_wait3A_85 = tpu.memref_squeeze %dma_wait3A_84 : memref<1x33328xf32, #tpu.memory_space<hbm>> -> memref<33328xf32, #tpu.memory_space<hbm>>
    %dma_wait3A_86 = arith.constant 0 : i32
    %dma_wait3A_87 = tpu.memref_slice %arg8[%dma_wait3A_86] : memref<33336xf32, #tpu.memory_space<vmem>> -> memref<33328xf32, #tpu.memory_space<vmem>>
    %dma_wait3A_88 = arith.constant 66672 : i32
    %dma_wait3A_89 = tpu.memref_slice %arg3[%add3A_42, %dma_wait3A_88] : memref<64x100000xf32, #tpu.memory_space<hbm>> -> memref<1x33328xf32, #tpu.memory_space<hbm>>
    %dma_wait3A_90 = tpu.memref_squeeze %dma_wait3A_89 : memref<1x33328xf32, #tpu.memory_space<hbm>> -> memref<33328xf32, #tpu.memory_space<hbm>>
    tpu.wait_dma2 semaphore(%arg18 : memref<!tpu.dma_semaphore, #tpu.memory_space<semaphore_mem>>) src(%dma_wait3A_90 : memref<33328xf32, #tpu.memory_space<hbm>>) dst(%dma_wait3A_87 : memref<33328xf32, #tpu.memory_space<vmem>>)
    %parallel_loop3A_91 = arith.constant 0 : i32
    %parallel_loop3A_92 = arith.constant 512 : i32
    %parallel_loop3A_93 = arith.constant 1 : i32
    %parallel_loop3A_94 = arith.constant 66672 : i32
    scf.for %parallel_loop3A_777 = %parallel_loop3A_91 to %parallel_loop3A_92 step %parallel_loop3A_93  : i32 {
      %parallel_loop3A_778 = arith.constant 16 : i32
      %parallel_loop3A_779 = arith.muli %parallel_loop3A_777, %parallel_loop3A_778 : i32
      %parallel_loop3A_780 = arith.index_cast %parallel_loop3A_779 : i32 to index
      %parallel_loop3A_781 = tpu.vector_load %arg7[%parallel_loop3A_780] {strides = array<i32>} : memref<8192xi32, #tpu.memory_space<vmem>>, vector<16xi32>,
      %parallel_loop3A_782 = vector.broadcast %parallel_loop3A_94 : i32 to vector<16xi32>
      %parallel_loop3A_783 = arith.subi %parallel_loop3A_781, %parallel_loop3A_782 : vector<16xi32>
      %parallel_loop3A_784 = tpu.bitcast %parallel_loop3A_783 : vector<16xi32> -> vector<16xi32>
      %parallel_loop3A_785 = arith.constant 33328 : i32
      %parallel_loop3A_786 = vector.broadcast %parallel_loop3A_785 : i32 to vector<16xi32>
      %parallel_loop3A_787 = arith.cmpi ult, %parallel_loop3A_784, %parallel_loop3A_786 : vector<16xi32>
      %parallel_loop3A_788 = arith.constant 33327 : i32
      %parallel_loop3A_789 = vector.broadcast %parallel_loop3A_788 : i32 to vector<16xi32>
      %parallel_loop3A_790 = arith.minui %parallel_loop3A_784, %parallel_loop3A_789 : vector<16xi32>
      %parallel_loop3A_791 = tpu.bitcast %parallel_loop3A_790 : vector<16xi32> -> vector<16xi32>
      %parallel_loop3A_792 = tpu.vector_load_idx %arg8[%parallel_loop3A_791] masked %parallel_loop3A_787 : memref<33336xf32, #tpu.memory_space<vmem>>[vector<16xi32>], vector<16xf32>, vector<16xi1>
      %parallel_loop3A_793 = vector.broadcast %parallel_loop3A_779 : i32 to vector<16xi32>
      %parallel_loop3A_794 = arith.addi %iota3A, %parallel_loop3A_793 : vector<16xi32>
      tpu.vector_store_idx %arg10[%parallel_loop3A_794], %parallel_loop3A_792 masked %parallel_loop3A_787 : memref<8192xf32, #tpu.memory_space<vmem>>[vector<16xi32>], vector<16xf32>, vector<16xi1>
    } {sc.loop_unroll_factor = 8 : i64, sc.parallel_access}
    %parallel_loop3A_95 = arith.constant 0 : i32
    %parallel_loop3A_96 = arith.constant 512 : i32
    %parallel_loop3A_97 = arith.constant 1 : i32
    scf.for %parallel_loop3A_777 = %parallel_loop3A_95 to %parallel_loop3A_96 step %parallel_loop3A_97  : i32 {
      %parallel_loop3A_778 = arith.constant 16 : i32
      %parallel_loop3A_779 = arith.muli %parallel_loop3A_777, %parallel_loop3A_778 : i32
      %parallel_loop3A_780 = arith.index_cast %parallel_loop3A_779 : i32 to index
      %parallel_loop3A_781 = tpu.vector_load %arg10[%parallel_loop3A_780] {strides = array<i32>} : memref<8192xf32, #tpu.memory_space<vmem>>, vector<16xf32>,
      %parallel_loop3A_782 = arith.index_cast %parallel_loop3A_779 : i32 to index
      %parallel_loop3A_783 = tpu.vector_load %arg11[%parallel_loop3A_782] {strides = array<i32>} : memref<8192xf32, #tpu.memory_space<vmem>>, vector<16xf32>,
      tpu.vector_store %arg11[%parallel_loop3A_782], %parallel_loop3A_781 {strides = array<i32>} : memref<8192xf32, #tpu.memory_space<vmem>>, vector<16xf32>,
      %parallel_loop3A_784 = arith.mulf %parallel_loop3A_781, %parallel_loop3A_781 : vector<16xf32>
      %parallel_loop3A_785 = arith.index_cast %parallel_loop3A_779 : i32 to index
      %parallel_loop3A_786 = tpu.vector_load %arg12[%parallel_loop3A_785] {strides = array<i32>} : memref<8192xf32, #tpu.memory_space<vmem>>, vector<16xf32>,
      tpu.vector_store %arg12[%parallel_loop3A_785], %parallel_loop3A_784 {strides = array<i32>} : memref<8192xf32, #tpu.memory_space<vmem>>, vector<16xf32>,
    } {sc.loop_unroll_factor = 8 : i64, sc.parallel_access}
    %mul3A_98 = arith.constant 4 : i32
    %mul3A_99 = arith.muli %arg1, %mul3A_98 : i32
    %add3A_100 = arith.constant 0 : i32
    %add3A_101 = arith.addi %mul3A_99, %add3A_100 : i32
    %dma_start3A_102 = tpu.memref_slice %arg6[%add3A_101, %mul3A_0] : memref<64x16384xf32, #tpu.memory_space<hbm>> -> memref<1x8192xf32, #tpu.memory_space<hbm>>
    %dma_start3A_103 = tpu.memref_squeeze %dma_start3A_102 : memref<1x8192xf32, #tpu.memory_space<hbm>> -> memref<8192xf32, #tpu.memory_space<hbm>>
    %dma_start3A_104 = tpu.memref_slice %arg6[%add3A_101, %mul3A_0] : memref<64x16384xf32, #tpu.memory_space<hbm>> -> memref<1x8192xf32, #tpu.memory_space<hbm>>
    %dma_start3A_105 = tpu.memref_squeeze %dma_start3A_104 : memref<1x8192xf32, #tpu.memory_space<hbm>> -> memref<8192xf32, #tpu.memory_space<hbm>>
    tpu.enqueue_dma source(%arg10 : memref<8192xf32, #tpu.memory_space<vmem>>) target(%dma_start3A_105 : memref<8192xf32, #tpu.memory_space<hbm>>) target_semaphore(%arg20 : memref<!tpu.dma_semaphore, #tpu.memory_space<semaphore_mem>>)
    %mul3A_106 = arith.constant 4 : i32
    %mul3A_107 = arith.muli %arg1, %mul3A_106 : i32
    %add3A_108 = arith.constant 1 : i32
    %add3A_109 = arith.addi %mul3A_107, %add3A_108 : i32
    %dma_start3A_110 = arith.constant 0 : i32
    %dma_start3A_111 = tpu.memref_slice %arg8[%dma_start3A_110] : memref<33336xf32, #tpu.memory_space<vmem>> -> memref<33336xf32, #tpu.memory_space<vmem>>
    %dma_start3A_112 = arith.constant 33336 : i32
    %dma_start3A_113 = tpu.memref_slice %arg3[%add3A_109, %dma_start3A_112] : memref<64x100000xf32, #tpu.memory_space<hbm>> -> memref<1x33336xf32, #tpu.memory_space<hbm>>
    %dma_start3A_114 = tpu.memref_squeeze %dma_start3A_113 : memref<1x33336xf32, #tpu.memory_space<hbm>> -> memref<33336xf32, #tpu.memory_space<hbm>>
    %dma_start3A_115 = arith.constant 0 : i32
    %dma_start3A_116 = tpu.memref_slice %arg8[%dma_start3A_115] : memref<33336xf32, #tpu.memory_space<vmem>> -> memref<33336xf32, #tpu.memory_space<vmem>>
    %dma_start3A_117 = arith.constant 33336 : i32
    %dma_start3A_118 = tpu.memref_slice %arg3[%add3A_109, %dma_start3A_117] : memref<64x100000xf32, #tpu.memory_space<hbm>> -> memref<1x33336xf32, #tpu.memory_space<hbm>>
    %dma_start3A_119 = tpu.memref_squeeze %dma_start3A_118 : memref<1x33336xf32, #tpu.memory_space<hbm>> -> memref<33336xf32, #tpu.memory_space<hbm>>
    tpu.enqueue_dma source(%dma_start3A_119 : memref<33336xf32, #tpu.memory_space<hbm>>) target(%dma_start3A_116 : memref<33336xf32, #tpu.memory_space<vmem>>) target_semaphore(%arg18 : memref<!tpu.dma_semaphore, #tpu.memory_space<semaphore_mem>>)
    %dma_wait3A_120 = arith.constant 0 : i32
    %dma_wait3A_121 = tpu.memref_slice %arg9[%dma_wait3A_120] : memref<33336xf32, #tpu.memory_space<vmem>> -> memref<33336xf32, #tpu.memory_space<vmem>>
    %dma_wait3A_122 = arith.constant 0 : i32
    %dma_wait3A_123 = tpu.memref_slice %arg3[%add3A_70, %dma_wait3A_122] : memref<64x100000xf32, #tpu.memory_space<hbm>> -> memref<1x33336xf32, #tpu.memory_space<hbm>>
    %dma_wait3A_124 = tpu.memref_squeeze %dma_wait3A_123 : memref<1x33336xf32, #tpu.memory_space<hbm>> -> memref<33336xf32, #tpu.memory_space<hbm>>
    %dma_wait3A_125 = arith.constant 0 : i32
    %dma_wait3A_126 = tpu.memref_slice %arg9[%dma_wait3A_125] : memref<33336xf32, #tpu.memory_space<vmem>> -> memref<33336xf32, #tpu.memory_space<vmem>>
    %dma_wait3A_127 = arith.constant 0 : i32
    %dma_wait3A_128 = tpu.memref_slice %arg3[%add3A_70, %dma_wait3A_127] : memref<64x100000xf32, #tpu.memory_space<hbm>> -> memref<1x33336xf32, #tpu.memory_space<hbm>>
    %dma_wait3A_129 = tpu.memref_squeeze %dma_wait3A_128 : memref<1x33336xf32, #tpu.memory_space<hbm>> -> memref<33336xf32, #tpu.memory_space<hbm>>
    tpu.wait_dma2 semaphore(%arg19 : memref<!tpu.dma_semaphore, #tpu.memory_space<semaphore_mem>>) src(%dma_wait3A_129 : memref<33336xf32, #tpu.memory_space<hbm>>) dst(%dma_wait3A_126 : memref<33336xf32, #tpu.memory_space<vmem>>)
    %dma_wait3A_130 = tpu.memref_slice %arg6[%add3A_101, %mul3A_0] : memref<64x16384xf32, #tpu.memory_space<hbm>> -> memref<1x8192xf32, #tpu.memory_space<hbm>>
    %dma_wait3A_131 = tpu.memref_squeeze %dma_wait3A_130 : memref<1x8192xf32, #tpu.memory_space<hbm>> -> memref<8192xf32, #tpu.memory_space<hbm>>
    %dma_wait3A_132 = tpu.memref_slice %arg6[%add3A_101, %mul3A_0] : memref<64x16384xf32, #tpu.memory_space<hbm>> -> memref<1x8192xf32, #tpu.memory_space<hbm>>
    %dma_wait3A_133 = tpu.memref_squeeze %dma_wait3A_132 : memref<1x8192xf32, #tpu.memory_space<hbm>> -> memref<8192xf32, #tpu.memory_space<hbm>>
    tpu.wait_dma2 semaphore(%arg20 : memref<!tpu.dma_semaphore, #tpu.memory_space<semaphore_mem>>) src(%arg10 : memref<8192xf32, #tpu.memory_space<vmem>>) dst(%dma_wait3A_133 : memref<8192xf32, #tpu.memory_space<hbm>>)
    %parallel_loop3A_134 = arith.constant 0 : i32
    %parallel_loop3A_135 = arith.constant 512 : i32
    %parallel_loop3A_136 = arith.constant 1 : i32
    %parallel_loop3A_137 = arith.constant 0 : i32
    scf.for %parallel_loop3A_777 = %parallel_loop3A_134 to %parallel_loop3A_135 step %parallel_loop3A_136  : i32 {
      %parallel_loop3A_778 = arith.constant 16 : i32
      %parallel_loop3A_779 = arith.muli %parallel_loop3A_777, %parallel_loop3A_778 : i32
      %parallel_loop3A_780 = arith.index_cast %parallel_loop3A_779 : i32 to index
      %parallel_loop3A_781 = tpu.vector_load %arg7[%parallel_loop3A_780] {strides = array<i32>} : memref<8192xi32, #tpu.memory_space<vmem>>, vector<16xi32>,
      %parallel_loop3A_782 = vector.broadcast %parallel_loop3A_137 : i32 to vector<16xi32>
      %parallel_loop3A_783 = arith.subi %parallel_loop3A_781, %parallel_loop3A_782 : vector<16xi32>
      %parallel_loop3A_784 = tpu.bitcast %parallel_loop3A_783 : vector<16xi32> -> vector<16xi32>
      %parallel_loop3A_785 = arith.constant 33336 : i32
      %parallel_loop3A_786 = vector.broadcast %parallel_loop3A_785 : i32 to vector<16xi32>
      %parallel_loop3A_787 = arith.cmpi ult, %parallel_loop3A_784, %parallel_loop3A_786 : vector<16xi32>
      %parallel_loop3A_788 = arith.constant 33335 : i32
      %parallel_loop3A_789 = vector.broadcast %parallel_loop3A_788 : i32 to vector<16xi32>
      %parallel_loop3A_790 = arith.minui %parallel_loop3A_784, %parallel_loop3A_789 : vector<16xi32>
      %parallel_loop3A_791 = tpu.bitcast %parallel_loop3A_790 : vector<16xi32> -> vector<16xi32>
      %parallel_loop3A_792 = tpu.vector_load_idx %arg9[%parallel_loop3A_791] masked %parallel_loop3A_787 : memref<33336xf32, #tpu.memory_space<vmem>>[vector<16xi32>], vector<16xf32>, vector<16xi1>
      %parallel_loop3A_793 = vector.broadcast %parallel_loop3A_779 : i32 to vector<16xi32>
      %parallel_loop3A_794 = arith.addi %iota3A, %parallel_loop3A_793 : vector<16xi32>
      tpu.vector_store_idx %arg10[%parallel_loop3A_794], %parallel_loop3A_792 masked %parallel_loop3A_787 : memref<8192xf32, #tpu.memory_space<vmem>>[vector<16xi32>], vector<16xf32>, vector<16xi1>
    } {sc.loop_unroll_factor = 8 : i64, sc.parallel_access}
    %mul3A_138 = arith.constant 4 : i32
    %mul3A_139 = arith.muli %arg1, %mul3A_138 : i32
    %add3A_140 = arith.constant 1 : i32
    %add3A_141 = arith.addi %mul3A_139, %add3A_140 : i32
    %dma_start3A_142 = arith.constant 0 : i32
    %dma_start3A_143 = tpu.memref_slice %arg9[%dma_start3A_142] : memref<33336xf32, #tpu.memory_space<vmem>> -> memref<33328xf32, #tpu.memory_space<vmem>>
    %dma_start3A_144 = arith.constant 66672 : i32
    %dma_start3A_145 = tpu.memref_slice %arg3[%add3A_141, %dma_start3A_144] : memref<64x100000xf32, #tpu.memory_space<hbm>> -> memref<1x33328xf32, #tpu.memory_space<hbm>>
    %dma_start3A_146 = tpu.memref_squeeze %dma_start3A_145 : memref<1x33328xf32, #tpu.memory_space<hbm>> -> memref<33328xf32, #tpu.memory_space<hbm>>
    %dma_start3A_147 = arith.constant 0 : i32
    %dma_start3A_148 = tpu.memref_slice %arg9[%dma_start3A_147] : memref<33336xf32, #tpu.memory_space<vmem>> -> memref<33328xf32, #tpu.memory_space<vmem>>
    %dma_start3A_149 = arith.constant 66672 : i32
    %dma_start3A_150 = tpu.memref_slice %arg3[%add3A_141, %dma_start3A_149] : memref<64x100000xf32, #tpu.memory_space<hbm>> -> memref<1x33328xf32, #tpu.memory_space<hbm>>
    %dma_start3A_151 = tpu.memref_squeeze %dma_start3A_150 : memref<1x33328xf32, #tpu.memory_space<hbm>> -> memref<33328xf32, #tpu.memory_space<hbm>>
    tpu.enqueue_dma source(%dma_start3A_151 : memref<33328xf32, #tpu.memory_space<hbm>>) target(%dma_start3A_148 : memref<33328xf32, #tpu.memory_space<vmem>>) target_semaphore(%arg19 : memref<!tpu.dma_semaphore, #tpu.memory_space<semaphore_mem>>)
    %dma_wait3A_152 = arith.constant 0 : i32
    %dma_wait3A_153 = tpu.memref_slice %arg8[%dma_wait3A_152] : memref<33336xf32, #tpu.memory_space<vmem>> -> memref<33336xf32, #tpu.memory_space<vmem>>
    %dma_wait3A_154 = arith.constant 33336 : i32
    %dma_wait3A_155 = tpu.memref_slice %arg3[%add3A_109, %dma_wait3A_154] : memref<64x100000xf32, #tpu.memory_space<hbm>> -> memref<1x33336xf32, #tpu.memory_space<hbm>>
    %dma_wait3A_156 = tpu.memref_squeeze %dma_wait3A_155 : memref<1x33336xf32, #tpu.memory_space<hbm>> -> memref<33336xf32, #tpu.memory_space<hbm>>
    %dma_wait3A_157 = arith.constant 0 : i32
    %dma_wait3A_158 = tpu.memref_slice %arg8[%dma_wait3A_157] : memref<33336xf32, #tpu.memory_space<vmem>> -> memref<33336xf32, #tpu.memory_space<vmem>>
    %dma_wait3A_159 = arith.constant 33336 : i32
    %dma_wait3A_160 = tpu.memref_slice %arg3[%add3A_109, %dma_wait3A_159] : memref<64x100000xf32, #tpu.memory_space<hbm>> -> memref<1x33336xf32, #tpu.memory_space<hbm>>
    %dma_wait3A_161 = tpu.memref_squeeze %dma_wait3A_160 : memref<1x33336xf32, #tpu.memory_space<hbm>> -> memref<33336xf32, #tpu.memory_space<hbm>>
    tpu.wait_dma2 semaphore(%arg18 : memref<!tpu.dma_semaphore, #tpu.memory_space<semaphore_mem>>) src(%dma_wait3A_161 : memref<33336xf32, #tpu.memory_space<hbm>>) dst(%dma_wait3A_158 : memref<33336xf32, #tpu.memory_space<vmem>>)
    %parallel_loop3A_162 = arith.constant 0 : i32
    %parallel_loop3A_163 = arith.constant 512 : i32
    %parallel_loop3A_164 = arith.constant 1 : i32
    %parallel_loop3A_165 = arith.constant 33336 : i32
    scf.for %parallel_loop3A_777 = %parallel_loop3A_162 to %parallel_loop3A_163 step %parallel_loop3A_164  : i32 {
      %parallel_loop3A_778 = arith.constant 16 : i32
      %parallel_loop3A_779 = arith.muli %parallel_loop3A_777, %parallel_loop3A_778 : i32
      %parallel_loop3A_780 = arith.index_cast %parallel_loop3A_779 : i32 to index
      %parallel_loop3A_781 = tpu.vector_load %arg7[%parallel_loop3A_780] {strides = array<i32>} : memref<8192xi32, #tpu.memory_space<vmem>>, vector<16xi32>,
      %parallel_loop3A_782 = vector.broadcast %parallel_loop3A_165 : i32 to vector<16xi32>
      %parallel_loop3A_783 = arith.subi %parallel_loop3A_781, %parallel_loop3A_782 : vector<16xi32>
      %parallel_loop3A_784 = tpu.bitcast %parallel_loop3A_783 : vector<16xi32> -> vector<16xi32>
      %parallel_loop3A_785 = arith.constant 33336 : i32
      %parallel_loop3A_786 = vector.broadcast %parallel_loop3A_785 : i32 to vector<16xi32>
      %parallel_loop3A_787 = arith.cmpi ult, %parallel_loop3A_784, %parallel_loop3A_786 : vector<16xi32>
      %parallel_loop3A_788 = arith.constant 33335 : i32
      %parallel_loop3A_789 = vector.broadcast %parallel_loop3A_788 : i32 to vector<16xi32>
      %parallel_loop3A_790 = arith.minui %parallel_loop3A_784, %parallel_loop3A_789 : vector<16xi32>
      %parallel_loop3A_791 = tpu.bitcast %parallel_loop3A_790 : vector<16xi32> -> vector<16xi32>
      %parallel_loop3A_792 = tpu.vector_load_idx %arg8[%parallel_loop3A_791] masked %parallel_loop3A_787 : memref<33336xf32, #tpu.memory_space<vmem>>[vector<16xi32>], vector<16xf32>, vector<16xi1>
      %parallel_loop3A_793 = vector.broadcast %parallel_loop3A_779 : i32 to vector<16xi32>
      %parallel_loop3A_794 = arith.addi %iota3A, %parallel_loop3A_793 : vector<16xi32>
      tpu.vector_store_idx %arg10[%parallel_loop3A_794], %parallel_loop3A_792 masked %parallel_loop3A_787 : memref<8192xf32, #tpu.memory_space<vmem>>[vector<16xi32>], vector<16xf32>, vector<16xi1>
    } {sc.loop_unroll_factor = 8 : i64, sc.parallel_access}
    %mul3A_166 = arith.constant 4 : i32
    %mul3A_167 = arith.muli %arg1, %mul3A_166 : i32
    %add3A_168 = arith.constant 2 : i32
    %add3A_169 = arith.addi %mul3A_167, %add3A_168 : i32
    %dma_start3A_170 = arith.constant 0 : i32
    %dma_start3A_171 = tpu.memref_slice %arg8[%dma_start3A_170] : memref<33336xf32, #tpu.memory_space<vmem>> -> memref<33336xf32, #tpu.memory_space<vmem>>
    %dma_start3A_172 = arith.constant 0 : i32
    %dma_start3A_173 = tpu.memref_slice %arg3[%add3A_169, %dma_start3A_172] : memref<64x100000xf32, #tpu.memory_space<hbm>> -> memref<1x33336xf32, #tpu.memory_space<hbm>>
    %dma_start3A_174 = tpu.memref_squeeze %dma_start3A_173 : memref<1x33336xf32, #tpu.memory_space<hbm>> -> memref<33336xf32, #tpu.memory_space<hbm>>
    %dma_start3A_175 = arith.constant 0 : i32
    %dma_start3A_176 = tpu.memref_slice %arg8[%dma_start3A_175] : memref<33336xf32, #tpu.memory_space<vmem>> -> memref<33336xf32, #tpu.memory_space<vmem>>
    %dma_start3A_177 = arith.constant 0 : i32
    %dma_start3A_178 = tpu.memref_slice %arg3[%add3A_169, %dma_start3A_177] : memref<64x100000xf32, #tpu.memory_space<hbm>> -> memref<1x33336xf32, #tpu.memory_space<hbm>>
    %dma_start3A_179 = tpu.memref_squeeze %dma_start3A_178 : memref<1x33336xf32, #tpu.memory_space<hbm>> -> memref<33336xf32, #tpu.memory_space<hbm>>
    tpu.enqueue_dma source(%dma_start3A_179 : memref<33336xf32, #tpu.memory_space<hbm>>) target(%dma_start3A_176 : memref<33336xf32, #tpu.memory_space<vmem>>) target_semaphore(%arg18 : memref<!tpu.dma_semaphore, #tpu.memory_space<semaphore_mem>>)
    %dma_wait3A_180 = arith.constant 0 : i32
    %dma_wait3A_181 = tpu.memref_slice %arg9[%dma_wait3A_180] : memref<33336xf32, #tpu.memory_space<vmem>> -> memref<33328xf32, #tpu.memory_space<vmem>>
    %dma_wait3A_182 = arith.constant 66672 : i32
    %dma_wait3A_183 = tpu.memref_slice %arg3[%add3A_141, %dma_wait3A_182] : memref<64x100000xf32, #tpu.memory_space<hbm>> -> memref<1x33328xf32, #tpu.memory_space<hbm>>
    %dma_wait3A_184 = tpu.memref_squeeze %dma_wait3A_183 : memref<1x33328xf32, #tpu.memory_space<hbm>> -> memref<33328xf32, #tpu.memory_space<hbm>>
    %dma_wait3A_185 = arith.constant 0 : i32
    %dma_wait3A_186 = tpu.memref_slice %arg9[%dma_wait3A_185] : memref<33336xf32, #tpu.memory_space<vmem>> -> memref<33328xf32, #tpu.memory_space<vmem>>
    %dma_wait3A_187 = arith.constant 66672 : i32
    %dma_wait3A_188 = tpu.memref_slice %arg3[%add3A_141, %dma_wait3A_187] : memref<64x100000xf32, #tpu.memory_space<hbm>> -> memref<1x33328xf32, #tpu.memory_space<hbm>>
    %dma_wait3A_189 = tpu.memref_squeeze %dma_wait3A_188 : memref<1x33328xf32, #tpu.memory_space<hbm>> -> memref<33328xf32, #tpu.memory_space<hbm>>
    tpu.wait_dma2 semaphore(%arg19 : memref<!tpu.dma_semaphore, #tpu.memory_space<semaphore_mem>>) src(%dma_wait3A_189 : memref<33328xf32, #tpu.memory_space<hbm>>) dst(%dma_wait3A_186 : memref<33328xf32, #tpu.memory_space<vmem>>)
    %parallel_loop3A_190 = arith.constant 0 : i32
    %parallel_loop3A_191 = arith.constant 512 : i32
    %parallel_loop3A_192 = arith.constant 1 : i32
    %parallel_loop3A_193 = arith.constant 66672 : i32
    scf.for %parallel_loop3A_777 = %parallel_loop3A_190 to %parallel_loop3A_191 step %parallel_loop3A_192  : i32 {
      %parallel_loop3A_778 = arith.constant 16 : i32
      %parallel_loop3A_779 = arith.muli %parallel_loop3A_777, %parallel_loop3A_778 : i32
      %parallel_loop3A_780 = arith.index_cast %parallel_loop3A_779 : i32 to index
      %parallel_loop3A_781 = tpu.vector_load %arg7[%parallel_loop3A_780] {strides = array<i32>} : memref<8192xi32, #tpu.memory_space<vmem>>, vector<16xi32>,
      %parallel_loop3A_782 = vector.broadcast %parallel_loop3A_193 : i32 to vector<16xi32>
      %parallel_loop3A_783 = arith.subi %parallel_loop3A_781, %parallel_loop3A_782 : vector<16xi32>
      %parallel_loop3A_784 = tpu.bitcast %parallel_loop3A_783 : vector<16xi32> -> vector<16xi32>
      %parallel_loop3A_785 = arith.constant 33328 : i32
      %parallel_loop3A_786 = vector.broadcast %parallel_loop3A_785 : i32 to vector<16xi32>
      %parallel_loop3A_787 = arith.cmpi ult, %parallel_loop3A_784, %parallel_loop3A_786 : vector<16xi32>
      %parallel_loop3A_788 = arith.constant 33327 : i32
      %parallel_loop3A_789 = vector.broadcast %parallel_loop3A_788 : i32 to vector<16xi32>
      %parallel_loop3A_790 = arith.minui %parallel_loop3A_784, %parallel_loop3A_789 : vector<16xi32>
      %parallel_loop3A_791 = tpu.bitcast %parallel_loop3A_790 : vector<16xi32> -> vector<16xi32>
      %parallel_loop3A_792 = tpu.vector_load_idx %arg9[%parallel_loop3A_791] masked %parallel_loop3A_787 : memref<33336xf32, #tpu.memory_space<vmem>>[vector<16xi32>], vector<16xf32>, vector<16xi1>
      %parallel_loop3A_793 = vector.broadcast %parallel_loop3A_779 : i32 to vector<16xi32>
      %parallel_loop3A_794 = arith.addi %iota3A, %parallel_loop3A_793 : vector<16xi32>
      tpu.vector_store_idx %arg10[%parallel_loop3A_794], %parallel_loop3A_792 masked %parallel_loop3A_787 : memref<8192xf32, #tpu.memory_space<vmem>>[vector<16xi32>], vector<16xf32>, vector<16xi1>
    } {sc.loop_unroll_factor = 8 : i64, sc.parallel_access}
    %parallel_loop3A_194 = arith.constant 0 : i32
    %parallel_loop3A_195 = arith.constant 512 : i32
    %parallel_loop3A_196 = arith.constant 1 : i32
    scf.for %parallel_loop3A_777 = %parallel_loop3A_194 to %parallel_loop3A_195 step %parallel_loop3A_196  : i32 {
      %parallel_loop3A_778 = arith.constant 16 : i32
      %parallel_loop3A_779 = arith.muli %parallel_loop3A_777, %parallel_loop3A_778 : i32
      %parallel_loop3A_780 = arith.index_cast %parallel_loop3A_779 : i32 to index
      %parallel_loop3A_781 = tpu.vector_load %arg10[%parallel_loop3A_780] {strides = array<i32>} : memref<8192xf32, #tpu.memory_space<vmem>>, vector<16xf32>,
      %parallel_loop3A_782 = arith.index_cast %parallel_loop3A_779 : i32 to index
      %parallel_loop3A_783 = tpu.vector_load %arg11[%parallel_loop3A_782] {strides = array<i32>} : memref<8192xf32, #tpu.memory_space<vmem>>, vector<16xf32>,
      %parallel_loop3A_784 = arith.addf %parallel_loop3A_783, %parallel_loop3A_781 : vector<16xf32>
      %parallel_loop3A_785 = arith.index_cast %parallel_loop3A_779 : i32 to index
      %parallel_loop3A_786 = tpu.vector_load %arg11[%parallel_loop3A_785] {strides = array<i32>} : memref<8192xf32, #tpu.memory_space<vmem>>, vector<16xf32>,
      tpu.vector_store %arg11[%parallel_loop3A_785], %parallel_loop3A_784 {strides = array<i32>} : memref<8192xf32, #tpu.memory_space<vmem>>, vector<16xf32>,
      %parallel_loop3A_787 = arith.index_cast %parallel_loop3A_779 : i32 to index
      %parallel_loop3A_788 = tpu.vector_load %arg12[%parallel_loop3A_787] {strides = array<i32>} : memref<8192xf32, #tpu.memory_space<vmem>>, vector<16xf32>,
      %parallel_loop3A_789 = arith.mulf %parallel_loop3A_781, %parallel_loop3A_781 : vector<16xf32>
      %parallel_loop3A_790 = arith.addf %parallel_loop3A_788, %parallel_loop3A_789 : vector<16xf32>
      %parallel_loop3A_791 = arith.index_cast %parallel_loop3A_779 : i32 to index
      %parallel_loop3A_792 = tpu.vector_load %arg12[%parallel_loop3A_791] {strides = array<i32>} : memref<8192xf32, #tpu.memory_space<vmem>>, vector<16xf32>,
      tpu.vector_store %arg12[%parallel_loop3A_791], %parallel_loop3A_790 {strides = array<i32>} : memref<8192xf32, #tpu.memory_space<vmem>>, vector<16xf32>,
    } {sc.loop_unroll_factor = 8 : i64, sc.parallel_access}
    %mul3A_197 = arith.constant 4 : i32
    %mul3A_198 = arith.muli %arg1, %mul3A_197 : i32
    %add3A_199 = arith.constant 1 : i32
    %add3A_200 = arith.addi %mul3A_198, %add3A_199 : i32
    %dma_start3A_201 = tpu.memref_slice %arg6[%add3A_200, %mul3A_0] : memref<64x16384xf32, #tpu.memory_space<hbm>> -> memref<1x8192xf32, #tpu.memory_space<hbm>>
    %dma_start3A_202 = tpu.memref_squeeze %dma_start3A_201 : memref<1x8192xf32, #tpu.memory_space<hbm>> -> memref<8192xf32, #tpu.memory_space<hbm>>
    %dma_start3A_203 = tpu.memref_slice %arg6[%add3A_200, %mul3A_0] : memref<64x16384xf32, #tpu.memory_space<hbm>> -> memref<1x8192xf32, #tpu.memory_space<hbm>>
    %dma_start3A_204 = tpu.memref_squeeze %dma_start3A_203 : memref<1x8192xf32, #tpu.memory_space<hbm>> -> memref<8192xf32, #tpu.memory_space<hbm>>
    tpu.enqueue_dma source(%arg10 : memref<8192xf32, #tpu.memory_space<vmem>>) target(%dma_start3A_204 : memref<8192xf32, #tpu.memory_space<hbm>>) target_semaphore(%arg20 : memref<!tpu.dma_semaphore, #tpu.memory_space<semaphore_mem>>)
    %mul3A_205 = arith.constant 4 : i32
    %mul3A_206 = arith.muli %arg1, %mul3A_205 : i32
    %add3A_207 = arith.constant 2 : i32
    %add3A_208 = arith.addi %mul3A_206, %add3A_207 : i32
    %dma_start3A_209 = arith.constant 0 : i32
    %dma_start3A_210 = tpu.memref_slice %arg9[%dma_start3A_209] : memref<33336xf32, #tpu.memory_space<vmem>> -> memref<33336xf32, #tpu.memory_space<vmem>>
    %dma_start3A_211 = arith.constant 33336 : i32
    %dma_start3A_212 = tpu.memref_slice %arg3[%add3A_208, %dma_start3A_211] : memref<64x100000xf32, #tpu.memory_space<hbm>> -> memref<1x33336xf32, #tpu.memory_space<hbm>>
    %dma_start3A_213 = tpu.memref_squeeze %dma_start3A_212 : memref<1x33336xf32, #tpu.memory_space<hbm>> -> memref<33336xf32, #tpu.memory_space<hbm>>
    %dma_start3A_214 = arith.constant 0 : i32
    %dma_start3A_215 = tpu.memref_slice %arg9[%dma_start3A_214] : memref<33336xf32, #tpu.memory_space<vmem>> -> memref<33336xf32, #tpu.memory_space<vmem>>
    %dma_start3A_216 = arith.constant 33336 : i32
    %dma_start3A_217 = tpu.memref_slice %arg3[%add3A_208, %dma_start3A_216] : memref<64x100000xf32, #tpu.memory_space<hbm>> -> memref<1x33336xf32, #tpu.memory_space<hbm>>
    %dma_start3A_218 = tpu.memref_squeeze %dma_start3A_217 : memref<1x33336xf32, #tpu.memory_space<hbm>> -> memref<33336xf32, #tpu.memory_space<hbm>>
    tpu.enqueue_dma source(%dma_start3A_218 : memref<33336xf32, #tpu.memory_space<hbm>>) target(%dma_start3A_215 : memref<33336xf32, #tpu.memory_space<vmem>>) target_semaphore(%arg19 : memref<!tpu.dma_semaphore, #tpu.memory_space<semaphore_mem>>)
    %dma_wait3A_219 = arith.constant 0 : i32
    %dma_wait3A_220 = tpu.memref_slice %arg8[%dma_wait3A_219] : memref<33336xf32, #tpu.memory_space<vmem>> -> memref<33336xf32, #tpu.memory_space<vmem>>
    %dma_wait3A_221 = arith.constant 0 : i32
    %dma_wait3A_222 = tpu.memref_slice %arg3[%add3A_169, %dma_wait3A_221] : memref<64x100000xf32, #tpu.memory_space<hbm>> -> memref<1x33336xf32, #tpu.memory_space<hbm>>
    %dma_wait3A_223 = tpu.memref_squeeze %dma_wait3A_222 : memref<1x33336xf32, #tpu.memory_space<hbm>> -> memref<33336xf32, #tpu.memory_space<hbm>>
    %dma_wait3A_224 = arith.constant 0 : i32
    %dma_wait3A_225 = tpu.memref_slice %arg8[%dma_wait3A_224] : memref<33336xf32, #tpu.memory_space<vmem>> -> memref<33336xf32, #tpu.memory_space<vmem>>
    %dma_wait3A_226 = arith.constant 0 : i32
    %dma_wait3A_227 = tpu.memref_slice %arg3[%add3A_169, %dma_wait3A_226] : memref<64x100000xf32, #tpu.memory_space<hbm>> -> memref<1x33336xf32, #tpu.memory_space<hbm>>
    %dma_wait3A_228 = tpu.memref_squeeze %dma_wait3A_227 : memref<1x33336xf32, #tpu.memory_space<hbm>> -> memref<33336xf32, #tpu.memory_space<hbm>>
    tpu.wait_dma2 semaphore(%arg18 : memref<!tpu.dma_semaphore, #tpu.memory_space<semaphore_mem>>) src(%dma_wait3A_228 : memref<33336xf32, #tpu.memory_space<hbm>>) dst(%dma_wait3A_225 : memref<33336xf32, #tpu.memory_space<vmem>>)
    %dma_wait3A_229 = tpu.memref_slice %arg6[%add3A_200, %mul3A_0] : memref<64x16384xf32, #tpu.memory_space<hbm>> -> memref<1x8192xf32, #tpu.memory_space<hbm>>
    %dma_wait3A_230 = tpu.memref_squeeze %dma_wait3A_229 : memref<1x8192xf32, #tpu.memory_space<hbm>> -> memref<8192xf32, #tpu.memory_space<hbm>>
    %dma_wait3A_231 = tpu.memref_slice %arg6[%add3A_200, %mul3A_0] : memref<64x16384xf32, #tpu.memory_space<hbm>> -> memref<1x8192xf32, #tpu.memory_space<hbm>>
    %dma_wait3A_232 = tpu.memref_squeeze %dma_wait3A_231 : memref<1x8192xf32, #tpu.memory_space<hbm>> -> memref<8192xf32, #tpu.memory_space<hbm>>
    tpu.wait_dma2 semaphore(%arg20 : memref<!tpu.dma_semaphore, #tpu.memory_space<semaphore_mem>>) src(%arg10 : memref<8192xf32, #tpu.memory_space<vmem>>) dst(%dma_wait3A_232 : memref<8192xf32, #tpu.memory_space<hbm>>)
    %parallel_loop3A_233 = arith.constant 0 : i32
    %parallel_loop3A_234 = arith.constant 512 : i32
    %parallel_loop3A_235 = arith.constant 1 : i32
    %parallel_loop3A_236 = arith.constant 0 : i32
    scf.for %parallel_loop3A_777 = %parallel_loop3A_233 to %parallel_loop3A_234 step %parallel_loop3A_235  : i32 {
      %parallel_loop3A_778 = arith.constant 16 : i32
      %parallel_loop3A_779 = arith.muli %parallel_loop3A_777, %parallel_loop3A_778 : i32
      %parallel_loop3A_780 = arith.index_cast %parallel_loop3A_779 : i32 to index
      %parallel_loop3A_781 = tpu.vector_load %arg7[%parallel_loop3A_780] {strides = array<i32>} : memref<8192xi32, #tpu.memory_space<vmem>>, vector<16xi32>,
      %parallel_loop3A_782 = vector.broadcast %parallel_loop3A_236 : i32 to vector<16xi32>
      %parallel_loop3A_783 = arith.subi %parallel_loop3A_781, %parallel_loop3A_782 : vector<16xi32>
      %parallel_loop3A_784 = tpu.bitcast %parallel_loop3A_783 : vector<16xi32> -> vector<16xi32>
      %parallel_loop3A_785 = arith.constant 33336 : i32
      %parallel_loop3A_786 = vector.broadcast %parallel_loop3A_785 : i32 to vector<16xi32>
      %parallel_loop3A_787 = arith.cmpi ult, %parallel_loop3A_784, %parallel_loop3A_786 : vector<16xi32>
      %parallel_loop3A_788 = arith.constant 33335 : i32
      %parallel_loop3A_789 = vector.broadcast %parallel_loop3A_788 : i32 to vector<16xi32>
      %parallel_loop3A_790 = arith.minui %parallel_loop3A_784, %parallel_loop3A_789 : vector<16xi32>
      %parallel_loop3A_791 = tpu.bitcast %parallel_loop3A_790 : vector<16xi32> -> vector<16xi32>
      %parallel_loop3A_792 = tpu.vector_load_idx %arg8[%parallel_loop3A_791] masked %parallel_loop3A_787 : memref<33336xf32, #tpu.memory_space<vmem>>[vector<16xi32>], vector<16xf32>, vector<16xi1>
      %parallel_loop3A_793 = vector.broadcast %parallel_loop3A_779 : i32 to vector<16xi32>
      %parallel_loop3A_794 = arith.addi %iota3A, %parallel_loop3A_793 : vector<16xi32>
      tpu.vector_store_idx %arg10[%parallel_loop3A_794], %parallel_loop3A_792 masked %parallel_loop3A_787 : memref<8192xf32, #tpu.memory_space<vmem>>[vector<16xi32>], vector<16xf32>, vector<16xi1>
    } {sc.loop_unroll_factor = 8 : i64, sc.parallel_access}
    %mul3A_237 = arith.constant 4 : i32
    %mul3A_238 = arith.muli %arg1, %mul3A_237 : i32
    %add3A_239 = arith.constant 2 : i32
    %add3A_240 = arith.addi %mul3A_238, %add3A_239 : i32
    %dma_start3A_241 = arith.constant 0 : i32
    %dma_start3A_242 = tpu.memref_slice %arg8[%dma_start3A_241] : memref<33336xf32, #tpu.memory_space<vmem>> -> memref<33328xf32, #tpu.memory_space<vmem>>
    %dma_start3A_243 = arith.constant 66672 : i32
    %dma_start3A_244 = tpu.memref_slice %arg3[%add3A_240, %dma_start3A_243] : memref<64x100000xf32, #tpu.memory_space<hbm>> -> memref<1x33328xf32, #tpu.memory_space<hbm>>
    %dma_start3A_245 = tpu.memref_squeeze %dma_start3A_244 : memref<1x33328xf32, #tpu.memory_space<hbm>> -> memref<33328xf32, #tpu.memory_space<hbm>>
    %dma_start3A_246 = arith.constant 0 : i32
    %dma_start3A_247 = tpu.memref_slice %arg8[%dma_start3A_246] : memref<33336xf32, #tpu.memory_space<vmem>> -> memref<33328xf32, #tpu.memory_space<vmem>>
    %dma_start3A_248 = arith.constant 66672 : i32
    %dma_start3A_249 = tpu.memref_slice %arg3[%add3A_240, %dma_start3A_248] : memref<64x100000xf32, #tpu.memory_space<hbm>> -> memref<1x33328xf32, #tpu.memory_space<hbm>>
    %dma_start3A_250 = tpu.memref_squeeze %dma_start3A_249 : memref<1x33328xf32, #tpu.memory_space<hbm>> -> memref<33328xf32, #tpu.memory_space<hbm>>
    tpu.enqueue_dma source(%dma_start3A_250 : memref<33328xf32, #tpu.memory_space<hbm>>) target(%dma_start3A_247 : memref<33328xf32, #tpu.memory_space<vmem>>) target_semaphore(%arg18 : memref<!tpu.dma_semaphore, #tpu.memory_space<semaphore_mem>>)
    %dma_wait3A_251 = arith.constant 0 : i32
    %dma_wait3A_252 = tpu.memref_slice %arg9[%dma_wait3A_251] : memref<33336xf32, #tpu.memory_space<vmem>> -> memref<33336xf32, #tpu.memory_space<vmem>>
    %dma_wait3A_253 = arith.constant 33336 : i32
    %dma_wait3A_254 = tpu.memref_slice %arg3[%add3A_208, %dma_wait3A_253] : memref<64x100000xf32, #tpu.memory_space<hbm>> -> memref<1x33336xf32, #tpu.memory_space<hbm>>
    %dma_wait3A_255 = tpu.memref_squeeze %dma_wait3A_254 : memref<1x33336xf32, #tpu.memory_space<hbm>> -> memref<33336xf32, #tpu.memory_space<hbm>>
    %dma_wait3A_256 = arith.constant 0 : i32
    %dma_wait3A_257 = tpu.memref_slice %arg9[%dma_wait3A_256] : memref<33336xf32, #tpu.memory_space<vmem>> -> memref<33336xf32, #tpu.memory_space<vmem>>
    %dma_wait3A_258 = arith.constant 33336 : i32
    %dma_wait3A_259 = tpu.memref_slice %arg3[%add3A_208, %dma_wait3A_258] : memref<64x100000xf32, #tpu.memory_space<hbm>> -> memref<1x33336xf32, #tpu.memory_space<hbm>>
    %dma_wait3A_260 = tpu.memref_squeeze %dma_wait3A_259 : memref<1x33336xf32, #tpu.memory_space<hbm>> -> memref<33336xf32, #tpu.memory_space<hbm>>
    tpu.wait_dma2 semaphore(%arg19 : memref<!tpu.dma_semaphore, #tpu.memory_space<semaphore_mem>>) src(%dma_wait3A_260 : memref<33336xf32, #tpu.memory_space<hbm>>) dst(%dma_wait3A_257 : memref<33336xf32, #tpu.memory_space<vmem>>)
    %parallel_loop3A_261 = arith.constant 0 : i32
    %parallel_loop3A_262 = arith.constant 512 : i32
    %parallel_loop3A_263 = arith.constant 1 : i32
    %parallel_loop3A_264 = arith.constant 33336 : i32
    scf.for %parallel_loop3A_777 = %parallel_loop3A_261 to %parallel_loop3A_262 step %parallel_loop3A_263  : i32 {
      %parallel_loop3A_778 = arith.constant 16 : i32
      %parallel_loop3A_779 = arith.muli %parallel_loop3A_777, %parallel_loop3A_778 : i32
      %parallel_loop3A_780 = arith.index_cast %parallel_loop3A_779 : i32 to index
      %parallel_loop3A_781 = tpu.vector_load %arg7[%parallel_loop3A_780] {strides = array<i32>} : memref<8192xi32, #tpu.memory_space<vmem>>, vector<16xi32>,
      %parallel_loop3A_782 = vector.broadcast %parallel_loop3A_264 : i32 to vector<16xi32>
      %parallel_loop3A_783 = arith.subi %parallel_loop3A_781, %parallel_loop3A_782 : vector<16xi32>
      %parallel_loop3A_784 = tpu.bitcast %parallel_loop3A_783 : vector<16xi32> -> vector<16xi32>
      %parallel_loop3A_785 = arith.constant 33336 : i32
      %parallel_loop3A_786 = vector.broadcast %parallel_loop3A_785 : i32 to vector<16xi32>
      %parallel_loop3A_787 = arith.cmpi ult, %parallel_loop3A_784, %parallel_loop3A_786 : vector<16xi32>
      %parallel_loop3A_788 = arith.constant 33335 : i32
      %parallel_loop3A_789 = vector.broadcast %parallel_loop3A_788 : i32 to vector<16xi32>
      %parallel_loop3A_790 = arith.minui %parallel_loop3A_784, %parallel_loop3A_789 : vector<16xi32>
      %parallel_loop3A_791 = tpu.bitcast %parallel_loop3A_790 : vector<16xi32> -> vector<16xi32>
      %parallel_loop3A_792 = tpu.vector_load_idx %arg9[%parallel_loop3A_791] masked %parallel_loop3A_787 : memref<33336xf32, #tpu.memory_space<vmem>>[vector<16xi32>], vector<16xf32>, vector<16xi1>
      %parallel_loop3A_793 = vector.broadcast %parallel_loop3A_779 : i32 to vector<16xi32>
      %parallel_loop3A_794 = arith.addi %iota3A, %parallel_loop3A_793 : vector<16xi32>
      tpu.vector_store_idx %arg10[%parallel_loop3A_794], %parallel_loop3A_792 masked %parallel_loop3A_787 : memref<8192xf32, #tpu.memory_space<vmem>>[vector<16xi32>], vector<16xf32>, vector<16xi1>
    } {sc.loop_unroll_factor = 8 : i64, sc.parallel_access}
    %mul3A_265 = arith.constant 4 : i32
    %mul3A_266 = arith.muli %arg1, %mul3A_265 : i32
    %add3A_267 = arith.constant 3 : i32
    %add3A_268 = arith.addi %mul3A_266, %add3A_267 : i32
    %dma_start3A_269 = arith.constant 0 : i32
    %dma_start3A_270 = tpu.memref_slice %arg9[%dma_start3A_269] : memref<33336xf32, #tpu.memory_space<vmem>> -> memref<33336xf32, #tpu.memory_space<vmem>>
    %dma_start3A_271 = arith.constant 0 : i32
    %dma_start3A_272 = tpu.memref_slice %arg3[%add3A_268, %dma_start3A_271] : memref<64x100000xf32, #tpu.memory_space<hbm>> -> memref<1x33336xf32, #tpu.memory_space<hbm>>
    %dma_start3A_273 = tpu.memref_squeeze %dma_start3A_272 : memref<1x33336xf32, #tpu.memory_space<hbm>> -> memref<33336xf32, #tpu.memory_space<hbm>>
    %dma_start3A_274 = arith.constant 0 : i32
    %dma_start3A_275 = tpu.memref_slice %arg9[%dma_start3A_274] : memref<33336xf32, #tpu.memory_space<vmem>> -> memref<33336xf32, #tpu.memory_space<vmem>>
    %dma_start3A_276 = arith.constant 0 : i32
    %dma_start3A_277 = tpu.memref_slice %arg3[%add3A_268, %dma_start3A_276] : memref<64x100000xf32, #tpu.memory_space<hbm>> -> memref<1x33336xf32, #tpu.memory_space<hbm>>
    %dma_start3A_278 = tpu.memref_squeeze %dma_start3A_277 : memref<1x33336xf32, #tpu.memory_space<hbm>> -> memref<33336xf32, #tpu.memory_space<hbm>>
    tpu.enqueue_dma source(%dma_start3A_278 : memref<33336xf32, #tpu.memory_space<hbm>>) target(%dma_start3A_275 : memref<33336xf32, #tpu.memory_space<vmem>>) target_semaphore(%arg19 : memref<!tpu.dma_semaphore, #tpu.memory_space<semaphore_mem>>)
    %dma_wait3A_279 = arith.constant 0 : i32
    %dma_wait3A_280 = tpu.memref_slice %arg8[%dma_wait3A_279] : memref<33336xf32, #tpu.memory_space<vmem>> -> memref<33328xf32, #tpu.memory_space<vmem>>
    %dma_wait3A_281 = arith.constant 66672 : i32
    %dma_wait3A_282 = tpu.memref_slice %arg3[%add3A_240, %dma_wait3A_281] : memref<64x100000xf32, #tpu.memory_space<hbm>> -> memref<1x33328xf32, #tpu.memory_space<hbm>>
    %dma_wait3A_283 = tpu.memref_squeeze %dma_wait3A_282 : memref<1x33328xf32, #tpu.memory_space<hbm>> -> memref<33328xf32, #tpu.memory_space<hbm>>
    %dma_wait3A_284 = arith.constant 0 : i32
    %dma_wait3A_285 = tpu.memref_slice %arg8[%dma_wait3A_284] : memref<33336xf32, #tpu.memory_space<vmem>> -> memref<33328xf32, #tpu.memory_space<vmem>>
    %dma_wait3A_286 = arith.constant 66672 : i32
    %dma_wait3A_287 = tpu.memref_slice %arg3[%add3A_240, %dma_wait3A_286] : memref<64x100000xf32, #tpu.memory_space<hbm>> -> memref<1x33328xf32, #tpu.memory_space<hbm>>
    %dma_wait3A_288 = tpu.memref_squeeze %dma_wait3A_287 : memref<1x33328xf32, #tpu.memory_space<hbm>> -> memref<33328xf32, #tpu.memory_space<hbm>>
    tpu.wait_dma2 semaphore(%arg18 : memref<!tpu.dma_semaphore, #tpu.memory_space<semaphore_mem>>) src(%dma_wait3A_288 : memref<33328xf32, #tpu.memory_space<hbm>>) dst(%dma_wait3A_285 : memref<33328xf32, #tpu.memory_space<vmem>>)
    %parallel_loop3A_289 = arith.constant 0 : i32
    %parallel_loop3A_290 = arith.constant 512 : i32
    %parallel_loop3A_291 = arith.constant 1 : i32
    %parallel_loop3A_292 = arith.constant 66672 : i32
    scf.for %parallel_loop3A_777 = %parallel_loop3A_289 to %parallel_loop3A_290 step %parallel_loop3A_291  : i32 {
      %parallel_loop3A_778 = arith.constant 16 : i32
      %parallel_loop3A_779 = arith.muli %parallel_loop3A_777, %parallel_loop3A_778 : i32
      %parallel_loop3A_780 = arith.index_cast %parallel_loop3A_779 : i32 to index
      %parallel_loop3A_781 = tpu.vector_load %arg7[%parallel_loop3A_780] {strides = array<i32>} : memref<8192xi32, #tpu.memory_space<vmem>>, vector<16xi32>,
      %parallel_loop3A_782 = vector.broadcast %parallel_loop3A_292 : i32 to vector<16xi32>
      %parallel_loop3A_783 = arith.subi %parallel_loop3A_781, %parallel_loop3A_782 : vector<16xi32>
      %parallel_loop3A_784 = tpu.bitcast %parallel_loop3A_783 : vector<16xi32> -> vector<16xi32>
      %parallel_loop3A_785 = arith.constant 33328 : i32
      %parallel_loop3A_786 = vector.broadcast %parallel_loop3A_785 : i32 to vector<16xi32>
      %parallel_loop3A_787 = arith.cmpi ult, %parallel_loop3A_784, %parallel_loop3A_786 : vector<16xi32>
      %parallel_loop3A_788 = arith.constant 33327 : i32
      %parallel_loop3A_789 = vector.broadcast %parallel_loop3A_788 : i32 to vector<16xi32>
      %parallel_loop3A_790 = arith.minui %parallel_loop3A_784, %parallel_loop3A_789 : vector<16xi32>
      %parallel_loop3A_791 = tpu.bitcast %parallel_loop3A_790 : vector<16xi32> -> vector<16xi32>
      %parallel_loop3A_792 = tpu.vector_load_idx %arg8[%parallel_loop3A_791] masked %parallel_loop3A_787 : memref<33336xf32, #tpu.memory_space<vmem>>[vector<16xi32>], vector<16xf32>, vector<16xi1>
      %parallel_loop3A_793 = vector.broadcast %parallel_loop3A_779 : i32 to vector<16xi32>
      %parallel_loop3A_794 = arith.addi %iota3A, %parallel_loop3A_793 : vector<16xi32>
      tpu.vector_store_idx %arg10[%parallel_loop3A_794], %parallel_loop3A_792 masked %parallel_loop3A_787 : memref<8192xf32, #tpu.memory_space<vmem>>[vector<16xi32>], vector<16xf32>, vector<16xi1>
    } {sc.loop_unroll_factor = 8 : i64, sc.parallel_access}
    %parallel_loop3A_293 = arith.constant 0 : i32
    %parallel_loop3A_294 = arith.constant 512 : i32
    %parallel_loop3A_295 = arith.constant 1 : i32
    scf.for %parallel_loop3A_777 = %parallel_loop3A_293 to %parallel_loop3A_294 step %parallel_loop3A_295  : i32 {
      %parallel_loop3A_778 = arith.constant 16 : i32
      %parallel_loop3A_779 = arith.muli %parallel_loop3A_777, %parallel_loop3A_778 : i32
      %parallel_loop3A_780 = arith.index_cast %parallel_loop3A_779 : i32 to index
      %parallel_loop3A_781 = tpu.vector_load %arg10[%parallel_loop3A_780] {strides = array<i32>} : memref<8192xf32, #tpu.memory_space<vmem>>, vector<16xf32>,
      %parallel_loop3A_782 = arith.index_cast %parallel_loop3A_779 : i32 to index
      %parallel_loop3A_783 = tpu.vector_load %arg11[%parallel_loop3A_782] {strides = array<i32>} : memref<8192xf32, #tpu.memory_space<vmem>>, vector<16xf32>,
      %parallel_loop3A_784 = arith.addf %parallel_loop3A_783, %parallel_loop3A_781 : vector<16xf32>
      %parallel_loop3A_785 = arith.index_cast %parallel_loop3A_779 : i32 to index
      %parallel_loop3A_786 = tpu.vector_load %arg11[%parallel_loop3A_785] {strides = array<i32>} : memref<8192xf32, #tpu.memory_space<vmem>>, vector<16xf32>,
      tpu.vector_store %arg11[%parallel_loop3A_785], %parallel_loop3A_784 {strides = array<i32>} : memref<8192xf32, #tpu.memory_space<vmem>>, vector<16xf32>,
      %parallel_loop3A_787 = arith.index_cast %parallel_loop3A_779 : i32 to index
      %parallel_loop3A_788 = tpu.vector_load %arg12[%parallel_loop3A_787] {strides = array<i32>} : memref<8192xf32, #tpu.memory_space<vmem>>, vector<16xf32>,
      %parallel_loop3A_789 = arith.mulf %parallel_loop3A_781, %parallel_loop3A_781 : vector<16xf32>
      %parallel_loop3A_790 = arith.addf %parallel_loop3A_788, %parallel_loop3A_789 : vector<16xf32>
      %parallel_loop3A_791 = arith.index_cast %parallel_loop3A_779 : i32 to index
      %parallel_loop3A_792 = tpu.vector_load %arg12[%parallel_loop3A_791] {strides = array<i32>} : memref<8192xf32, #tpu.memory_space<vmem>>, vector<16xf32>,
      tpu.vector_store %arg12[%parallel_loop3A_791], %parallel_loop3A_790 {strides = array<i32>} : memref<8192xf32, #tpu.memory_space<vmem>>, vector<16xf32>,
    } {sc.loop_unroll_factor = 8 : i64, sc.parallel_access}
    %mul3A_296 = arith.constant 4 : i32
    %mul3A_297 = arith.muli %arg1, %mul3A_296 : i32
    %add3A_298 = arith.constant 2 : i32
    %add3A_299 = arith.addi %mul3A_297, %add3A_298 : i32
    %dma_start3A_300 = tpu.memref_slice %arg6[%add3A_299, %mul3A_0] : memref<64x16384xf32, #tpu.memory_space<hbm>> -> memref<1x8192xf32, #tpu.memory_space<hbm>>
    %dma_start3A_301 = tpu.memref_squeeze %dma_start3A_300 : memref<1x8192xf32, #tpu.memory_space<hbm>> -> memref<8192xf32, #tpu.memory_space<hbm>>
    %dma_start3A_302 = tpu.memref_slice %arg6[%add3A_299, %mul3A_0] : memref<64x16384xf32, #tpu.memory_space<hbm>> -> memref<1x8192xf32, #tpu.memory_space<hbm>>
    %dma_start3A_303 = tpu.memref_squeeze %dma_start3A_302 : memref<1x8192xf32, #tpu.memory_space<hbm>> -> memref<8192xf32, #tpu.memory_space<hbm>>
    tpu.enqueue_dma source(%arg10 : memref<8192xf32, #tpu.memory_space<vmem>>) target(%dma_start3A_303 : memref<8192xf32, #tpu.memory_space<hbm>>) target_semaphore(%arg20 : memref<!tpu.dma_semaphore, #tpu.memory_space<semaphore_mem>>)
    %mul3A_304 = arith.constant 4 : i32
    %mul3A_305 = arith.muli %arg1, %mul3A_304 : i32
    %add3A_306 = arith.constant 3 : i32
    %add3A_307 = arith.addi %mul3A_305, %add3A_306 : i32
    %dma_start3A_308 = arith.constant 0 : i32
    %dma_start3A_309 = tpu.memref_slice %arg8[%dma_start3A_308] : memref<33336xf32, #tpu.memory_space<vmem>> -> memref<33336xf32, #tpu.memory_space<vmem>>
    %dma_start3A_310 = arith.constant 33336 : i32
    %dma_start3A_311 = tpu.memref_slice %arg3[%add3A_307, %dma_start3A_310] : memref<64x100000xf32, #tpu.memory_space<hbm>> -> memref<1x33336xf32, #tpu.memory_space<hbm>>
    %dma_start3A_312 = tpu.memref_squeeze %dma_start3A_311 : memref<1x33336xf32, #tpu.memory_space<hbm>> -> memref<33336xf32, #tpu.memory_space<hbm>>
    %dma_start3A_313 = arith.constant 0 : i32
    %dma_start3A_314 = tpu.memref_slice %arg8[%dma_start3A_313] : memref<33336xf32, #tpu.memory_space<vmem>> -> memref<33336xf32, #tpu.memory_space<vmem>>
    %dma_start3A_315 = arith.constant 33336 : i32
    %dma_start3A_316 = tpu.memref_slice %arg3[%add3A_307, %dma_start3A_315] : memref<64x100000xf32, #tpu.memory_space<hbm>> -> memref<1x33336xf32, #tpu.memory_space<hbm>>
    %dma_start3A_317 = tpu.memref_squeeze %dma_start3A_316 : memref<1x33336xf32, #tpu.memory_space<hbm>> -> memref<33336xf32, #tpu.memory_space<hbm>>
    tpu.enqueue_dma source(%dma_start3A_317 : memref<33336xf32, #tpu.memory_space<hbm>>) target(%dma_start3A_314 : memref<33336xf32, #tpu.memory_space<vmem>>) target_semaphore(%arg18 : memref<!tpu.dma_semaphore, #tpu.memory_space<semaphore_mem>>)
    %dma_wait3A_318 = arith.constant 0 : i32
    %dma_wait3A_319 = tpu.memref_slice %arg9[%dma_wait3A_318] : memref<33336xf32, #tpu.memory_space<vmem>> -> memref<33336xf32, #tpu.memory_space<vmem>>
    %dma_wait3A_320 = arith.constant 0 : i32
    %dma_wait3A_321 = tpu.memref_slice %arg3[%add3A_268, %dma_wait3A_320] : memref<64x100000xf32, #tpu.memory_space<hbm>> -> memref<1x33336xf32, #tpu.memory_space<hbm>>
    %dma_wait3A_322 = tpu.memref_squeeze %dma_wait3A_321 : memref<1x33336xf32, #tpu.memory_space<hbm>> -> memref<33336xf32, #tpu.memory_space<hbm>>
    %dma_wait3A_323 = arith.constant 0 : i32
    %dma_wait3A_324 = tpu.memref_slice %arg9[%dma_wait3A_323] : memref<33336xf32, #tpu.memory_space<vmem>> -> memref<33336xf32, #tpu.memory_space<vmem>>
    %dma_wait3A_325 = arith.constant 0 : i32
    %dma_wait3A_326 = tpu.memref_slice %arg3[%add3A_268, %dma_wait3A_325] : memref<64x100000xf32, #tpu.memory_space<hbm>> -> memref<1x33336xf32, #tpu.memory_space<hbm>>
    %dma_wait3A_327 = tpu.memref_squeeze %dma_wait3A_326 : memref<1x33336xf32, #tpu.memory_space<hbm>> -> memref<33336xf32, #tpu.memory_space<hbm>>
    tpu.wait_dma2 semaphore(%arg19 : memref<!tpu.dma_semaphore, #tpu.memory_space<semaphore_mem>>) src(%dma_wait3A_327 : memref<33336xf32, #tpu.memory_space<hbm>>) dst(%dma_wait3A_324 : memref<33336xf32, #tpu.memory_space<vmem>>)
    %dma_wait3A_328 = tpu.memref_slice %arg6[%add3A_299, %mul3A_0] : memref<64x16384xf32, #tpu.memory_space<hbm>> -> memref<1x8192xf32, #tpu.memory_space<hbm>>
    %dma_wait3A_329 = tpu.memref_squeeze %dma_wait3A_328 : memref<1x8192xf32, #tpu.memory_space<hbm>> -> memref<8192xf32, #tpu.memory_space<hbm>>
    %dma_wait3A_330 = tpu.memref_slice %arg6[%add3A_299, %mul3A_0] : memref<64x16384xf32, #tpu.memory_space<hbm>> -> memref<1x8192xf32, #tpu.memory_space<hbm>>
    %dma_wait3A_331 = tpu.memref_squeeze %dma_wait3A_330 : memref<1x8192xf32, #tpu.memory_space<hbm>> -> memref<8192xf32, #tpu.memory_space<hbm>>
    tpu.wait_dma2 semaphore(%arg20 : memref<!tpu.dma_semaphore, #tpu.memory_space<semaphore_mem>>) src(%arg10 : memref<8192xf32, #tpu.memory_space<vmem>>) dst(%dma_wait3A_331 : memref<8192xf32, #tpu.memory_space<hbm>>)
    %parallel_loop3A_332 = arith.constant 0 : i32
    %parallel_loop3A_333 = arith.constant 512 : i32
    %parallel_loop3A_334 = arith.constant 1 : i32
    %parallel_loop3A_335 = arith.constant 0 : i32
    scf.for %parallel_loop3A_777 = %parallel_loop3A_332 to %parallel_loop3A_333 step %parallel_loop3A_334  : i32 {
      %parallel_loop3A_778 = arith.constant 16 : i32
      %parallel_loop3A_779 = arith.muli %parallel_loop3A_777, %parallel_loop3A_778 : i32
      %parallel_loop3A_780 = arith.index_cast %parallel_loop3A_779 : i32 to index
      %parallel_loop3A_781 = tpu.vector_load %arg7[%parallel_loop3A_780] {strides = array<i32>} : memref<8192xi32, #tpu.memory_space<vmem>>, vector<16xi32>,
      %parallel_loop3A_782 = vector.broadcast %parallel_loop3A_335 : i32 to vector<16xi32>
      %parallel_loop3A_783 = arith.subi %parallel_loop3A_781, %parallel_loop3A_782 : vector<16xi32>
      %parallel_loop3A_784 = tpu.bitcast %parallel_loop3A_783 : vector<16xi32> -> vector<16xi32>
      %parallel_loop3A_785 = arith.constant 33336 : i32
      %parallel_loop3A_786 = vector.broadcast %parallel_loop3A_785 : i32 to vector<16xi32>
      %parallel_loop3A_787 = arith.cmpi ult, %parallel_loop3A_784, %parallel_loop3A_786 : vector<16xi32>
      %parallel_loop3A_788 = arith.constant 33335 : i32
      %parallel_loop3A_789 = vector.broadcast %parallel_loop3A_788 : i32 to vector<16xi32>
      %parallel_loop3A_790 = arith.minui %parallel_loop3A_784, %parallel_loop3A_789 : vector<16xi32>
      %parallel_loop3A_791 = tpu.bitcast %parallel_loop3A_790 : vector<16xi32> -> vector<16xi32>
      %parallel_loop3A_792 = tpu.vector_load_idx %arg9[%parallel_loop3A_791] masked %parallel_loop3A_787 : memref<33336xf32, #tpu.memory_space<vmem>>[vector<16xi32>], vector<16xf32>, vector<16xi1>
      %parallel_loop3A_793 = vector.broadcast %parallel_loop3A_779 : i32 to vector<16xi32>
      %parallel_loop3A_794 = arith.addi %iota3A, %parallel_loop3A_793 : vector<16xi32>
      tpu.vector_store_idx %arg10[%parallel_loop3A_794], %parallel_loop3A_792 masked %parallel_loop3A_787 : memref<8192xf32, #tpu.memory_space<vmem>>[vector<16xi32>], vector<16xf32>, vector<16xi1>
    } {sc.loop_unroll_factor = 8 : i64, sc.parallel_access}
    %mul3A_336 = arith.constant 4 : i32
    %mul3A_337 = arith.muli %arg1, %mul3A_336 : i32
    %add3A_338 = arith.constant 3 : i32
    %add3A_339 = arith.addi %mul3A_337, %add3A_338 : i32
    %dma_start3A_340 = arith.constant 0 : i32
    %dma_start3A_341 = tpu.memref_slice %arg9[%dma_start3A_340] : memref<33336xf32, #tpu.memory_space<vmem>> -> memref<33328xf32, #tpu.memory_space<vmem>>
    %dma_start3A_342 = arith.constant 66672 : i32
    %dma_start3A_343 = tpu.memref_slice %arg3[%add3A_339, %dma_start3A_342] : memref<64x100000xf32, #tpu.memory_space<hbm>> -> memref<1x33328xf32, #tpu.memory_space<hbm>>
    %dma_start3A_344 = tpu.memref_squeeze %dma_start3A_343 : memref<1x33328xf32, #tpu.memory_space<hbm>> -> memref<33328xf32, #tpu.memory_space<hbm>>
    %dma_start3A_345 = arith.constant 0 : i32
    %dma_start3A_346 = tpu.memref_slice %arg9[%dma_start3A_345] : memref<33336xf32, #tpu.memory_space<vmem>> -> memref<33328xf32, #tpu.memory_space<vmem>>
    %dma_start3A_347 = arith.constant 66672 : i32
    %dma_start3A_348 = tpu.memref_slice %arg3[%add3A_339, %dma_start3A_347] : memref<64x100000xf32, #tpu.memory_space<hbm>> -> memref<1x33328xf32, #tpu.memory_space<hbm>>
    %dma_start3A_349 = tpu.memref_squeeze %dma_start3A_348 : memref<1x33328xf32, #tpu.memory_space<hbm>> -> memref<33328xf32, #tpu.memory_space<hbm>>
    tpu.enqueue_dma source(%dma_start3A_349 : memref<33328xf32, #tpu.memory_space<hbm>>) target(%dma_start3A_346 : memref<33328xf32, #tpu.memory_space<vmem>>) target_semaphore(%arg19 : memref<!tpu.dma_semaphore, #tpu.memory_space<semaphore_mem>>)
    %dma_wait3A_350 = arith.constant 0 : i32
    %dma_wait3A_351 = tpu.memref_slice %arg8[%dma_wait3A_350] : memref<33336xf32, #tpu.memory_space<vmem>> -> memref<33336xf32, #tpu.memory_space<vmem>>
    %dma_wait3A_352 = arith.constant 33336 : i32
    %dma_wait3A_353 = tpu.memref_slice %arg3[%add3A_307, %dma_wait3A_352] : memref<64x100000xf32, #tpu.memory_space<hbm>> -> memref<1x33336xf32, #tpu.memory_space<hbm>>
    %dma_wait3A_354 = tpu.memref_squeeze %dma_wait3A_353 : memref<1x33336xf32, #tpu.memory_space<hbm>> -> memref<33336xf32, #tpu.memory_space<hbm>>
    %dma_wait3A_355 = arith.constant 0 : i32
    %dma_wait3A_356 = tpu.memref_slice %arg8[%dma_wait3A_355] : memref<33336xf32, #tpu.memory_space<vmem>> -> memref<33336xf32, #tpu.memory_space<vmem>>
    %dma_wait3A_357 = arith.constant 33336 : i32
    %dma_wait3A_358 = tpu.memref_slice %arg3[%add3A_307, %dma_wait3A_357] : memref<64x100000xf32, #tpu.memory_space<hbm>> -> memref<1x33336xf32, #tpu.memory_space<hbm>>
    %dma_wait3A_359 = tpu.memref_squeeze %dma_wait3A_358 : memref<1x33336xf32, #tpu.memory_space<hbm>> -> memref<33336xf32, #tpu.memory_space<hbm>>
    tpu.wait_dma2 semaphore(%arg18 : memref<!tpu.dma_semaphore, #tpu.memory_space<semaphore_mem>>) src(%dma_wait3A_359 : memref<33336xf32, #tpu.memory_space<hbm>>) dst(%dma_wait3A_356 : memref<33336xf32, #tpu.memory_space<vmem>>)
    %parallel_loop3A_360 = arith.constant 0 : i32
    %parallel_loop3A_361 = arith.constant 512 : i32
    %parallel_loop3A_362 = arith.constant 1 : i32
    %parallel_loop3A_363 = arith.constant 33336 : i32
    scf.for %parallel_loop3A_777 = %parallel_loop3A_360 to %parallel_loop3A_361 step %parallel_loop3A_362  : i32 {
      %parallel_loop3A_778 = arith.constant 16 : i32
      %parallel_loop3A_779 = arith.muli %parallel_loop3A_777, %parallel_loop3A_778 : i32
      %parallel_loop3A_780 = arith.index_cast %parallel_loop3A_779 : i32 to index
      %parallel_loop3A_781 = tpu.vector_load %arg7[%parallel_loop3A_780] {strides = array<i32>} : memref<8192xi32, #tpu.memory_space<vmem>>, vector<16xi32>,
      %parallel_loop3A_782 = vector.broadcast %parallel_loop3A_363 : i32 to vector<16xi32>
      %parallel_loop3A_783 = arith.subi %parallel_loop3A_781, %parallel_loop3A_782 : vector<16xi32>
      %parallel_loop3A_784 = tpu.bitcast %parallel_loop3A_783 : vector<16xi32> -> vector<16xi32>
      %parallel_loop3A_785 = arith.constant 33336 : i32
      %parallel_loop3A_786 = vector.broadcast %parallel_loop3A_785 : i32 to vector<16xi32>
      %parallel_loop3A_787 = arith.cmpi ult, %parallel_loop3A_784, %parallel_loop3A_786 : vector<16xi32>
      %parallel_loop3A_788 = arith.constant 33335 : i32
      %parallel_loop3A_789 = vector.broadcast %parallel_loop3A_788 : i32 to vector<16xi32>
      %parallel_loop3A_790 = arith.minui %parallel_loop3A_784, %parallel_loop3A_789 : vector<16xi32>
      %parallel_loop3A_791 = tpu.bitcast %parallel_loop3A_790 : vector<16xi32> -> vector<16xi32>
      %parallel_loop3A_792 = tpu.vector_load_idx %arg8[%parallel_loop3A_791] masked %parallel_loop3A_787 : memref<33336xf32, #tpu.memory_space<vmem>>[vector<16xi32>], vector<16xf32>, vector<16xi1>
      %parallel_loop3A_793 = vector.broadcast %parallel_loop3A_779 : i32 to vector<16xi32>
      %parallel_loop3A_794 = arith.addi %iota3A, %parallel_loop3A_793 : vector<16xi32>
      tpu.vector_store_idx %arg10[%parallel_loop3A_794], %parallel_loop3A_792 masked %parallel_loop3A_787 : memref<8192xf32, #tpu.memory_space<vmem>>[vector<16xi32>], vector<16xf32>, vector<16xi1>
    } {sc.loop_unroll_factor = 8 : i64, sc.parallel_access}
    %dma_wait3A_364 = arith.constant 0 : i32
    %dma_wait3A_365 = tpu.memref_slice %arg9[%dma_wait3A_364] : memref<33336xf32, #tpu.memory_space<vmem>> -> memref<33328xf32, #tpu.memory_space<vmem>>
    %dma_wait3A_366 = arith.constant 66672 : i32
    %dma_wait3A_367 = tpu.memref_slice %arg3[%add3A_339, %dma_wait3A_366] : memref<64x100000xf32, #tpu.memory_space<hbm>> -> memref<1x33328xf32, #tpu.memory_space<hbm>>
    %dma_wait3A_368 = tpu.memref_squeeze %dma_wait3A_367 : memref<1x33328xf32, #tpu.memory_space<hbm>> -> memref<33328xf32, #tpu.memory_space<hbm>>
    %dma_wait3A_369 = arith.constant 0 : i32
    %dma_wait3A_370 = tpu.memref_slice %arg9[%dma_wait3A_369] : memref<33336xf32, #tpu.memory_space<vmem>> -> memref<33328xf32, #tpu.memory_space<vmem>>
    %dma_wait3A_371 = arith.constant 66672 : i32
    %dma_wait3A_372 = tpu.memref_slice %arg3[%add3A_339, %dma_wait3A_371] : memref<64x100000xf32, #tpu.memory_space<hbm>> -> memref<1x33328xf32, #tpu.memory_space<hbm>>
    %dma_wait3A_373 = tpu.memref_squeeze %dma_wait3A_372 : memref<1x33328xf32, #tpu.memory_space<hbm>> -> memref<33328xf32, #tpu.memory_space<hbm>>
    tpu.wait_dma2 semaphore(%arg19 : memref<!tpu.dma_semaphore, #tpu.memory_space<semaphore_mem>>) src(%dma_wait3A_373 : memref<33328xf32, #tpu.memory_space<hbm>>) dst(%dma_wait3A_370 : memref<33328xf32, #tpu.memory_space<vmem>>)
    %parallel_loop3A_374 = arith.constant 0 : i32
    %parallel_loop3A_375 = arith.constant 512 : i32
    %parallel_loop3A_376 = arith.constant 1 : i32
    %parallel_loop3A_377 = arith.constant 66672 : i32
    scf.for %parallel_loop3A_777 = %parallel_loop3A_374 to %parallel_loop3A_375 step %parallel_loop3A_376  : i32 {
      %parallel_loop3A_778 = arith.constant 16 : i32
      %parallel_loop3A_779 = arith.muli %parallel_loop3A_777, %parallel_loop3A_778 : i32
      %parallel_loop3A_780 = arith.index_cast %parallel_loop3A_779 : i32 to index
      %parallel_loop3A_781 = tpu.vector_load %arg7[%parallel_loop3A_780] {strides = array<i32>} : memref<8192xi32, #tpu.memory_space<vmem>>, vector<16xi32>,
      %parallel_loop3A_782 = vector.broadcast %parallel_loop3A_377 : i32 to vector<16xi32>
      %parallel_loop3A_783 = arith.subi %parallel_loop3A_781, %parallel_loop3A_782 : vector<16xi32>
      %parallel_loop3A_784 = tpu.bitcast %parallel_loop3A_783 : vector<16xi32> -> vector<16xi32>
      %parallel_loop3A_785 = arith.constant 33328 : i32
      %parallel_loop3A_786 = vector.broadcast %parallel_loop3A_785 : i32 to vector<16xi32>
      %parallel_loop3A_787 = arith.cmpi ult, %parallel_loop3A_784, %parallel_loop3A_786 : vector<16xi32>
      %parallel_loop3A_788 = arith.constant 33327 : i32
      %parallel_loop3A_789 = vector.broadcast %parallel_loop3A_788 : i32 to vector<16xi32>
      %parallel_loop3A_790 = arith.minui %parallel_loop3A_784, %parallel_loop3A_789 : vector<16xi32>
      %parallel_loop3A_791 = tpu.bitcast %parallel_loop3A_790 : vector<16xi32> -> vector<16xi32>
      %parallel_loop3A_792 = tpu.vector_load_idx %arg9[%parallel_loop3A_791] masked %parallel_loop3A_787 : memref<33336xf32, #tpu.memory_space<vmem>>[vector<16xi32>], vector<16xf32>, vector<16xi1>
      %parallel_loop3A_793 = vector.broadcast %parallel_loop3A_779 : i32 to vector<16xi32>
      %parallel_loop3A_794 = arith.addi %iota3A, %parallel_loop3A_793 : vector<16xi32>
      tpu.vector_store_idx %arg10[%parallel_loop3A_794], %parallel_loop3A_792 masked %parallel_loop3A_787 : memref<8192xf32, #tpu.memory_space<vmem>>[vector<16xi32>], vector<16xf32>, vector<16xi1>
    } {sc.loop_unroll_factor = 8 : i64, sc.parallel_access}
    %parallel_loop3A_378 = arith.constant 0 : i32
    %parallel_loop3A_379 = arith.constant 512 : i32
    %parallel_loop3A_380 = arith.constant 1 : i32
    scf.for %parallel_loop3A_777 = %parallel_loop3A_378 to %parallel_loop3A_379 step %parallel_loop3A_380  : i32 {
      %parallel_loop3A_778 = arith.constant 16 : i32
      %parallel_loop3A_779 = arith.muli %parallel_loop3A_777, %parallel_loop3A_778 : i32
      %parallel_loop3A_780 = arith.index_cast %parallel_loop3A_779 : i32 to index
      %parallel_loop3A_781 = tpu.vector_load %arg10[%parallel_loop3A_780] {strides = array<i32>} : memref<8192xf32, #tpu.memory_space<vmem>>, vector<16xf32>,
      %parallel_loop3A_782 = arith.index_cast %parallel_loop3A_779 : i32 to index
      %parallel_loop3A_783 = tpu.vector_load %arg11[%parallel_loop3A_782] {strides = array<i32>} : memref<8192xf32, #tpu.memory_space<vmem>>, vector<16xf32>,
      %parallel_loop3A_784 = arith.addf %parallel_loop3A_783, %parallel_loop3A_781 : vector<16xf32>
      %parallel_loop3A_785 = arith.index_cast %parallel_loop3A_779 : i32 to index
      %parallel_loop3A_786 = tpu.vector_load %arg11[%parallel_loop3A_785] {strides = array<i32>} : memref<8192xf32, #tpu.memory_space<vmem>>, vector<16xf32>,
      tpu.vector_store %arg11[%parallel_loop3A_785], %parallel_loop3A_784 {strides = array<i32>} : memref<8192xf32, #tpu.memory_space<vmem>>, vector<16xf32>,
      %parallel_loop3A_787 = arith.index_cast %parallel_loop3A_779 : i32 to index
      %parallel_loop3A_788 = tpu.vector_load %arg12[%parallel_loop3A_787] {strides = array<i32>} : memref<8192xf32, #tpu.memory_space<vmem>>, vector<16xf32>,
      %parallel_loop3A_789 = arith.mulf %parallel_loop3A_781, %parallel_loop3A_781 : vector<16xf32>
      %parallel_loop3A_790 = arith.addf %parallel_loop3A_788, %parallel_loop3A_789 : vector<16xf32>
      %parallel_loop3A_791 = arith.index_cast %parallel_loop3A_779 : i32 to index
      %parallel_loop3A_792 = tpu.vector_load %arg12[%parallel_loop3A_791] {strides = array<i32>} : memref<8192xf32, #tpu.memory_space<vmem>>, vector<16xf32>,
      tpu.vector_store %arg12[%parallel_loop3A_791], %parallel_loop3A_790 {strides = array<i32>} : memref<8192xf32, #tpu.memory_space<vmem>>, vector<16xf32>,
    } {sc.loop_unroll_factor = 8 : i64, sc.parallel_access}
    %mul3A_381 = arith.constant 4 : i32
    %mul3A_382 = arith.muli %arg1, %mul3A_381 : i32
    %add3A_383 = arith.constant 3 : i32
    %add3A_384 = arith.addi %mul3A_382, %add3A_383 : i32
    %dma_start3A_385 = tpu.memref_slice %arg6[%add3A_384, %mul3A_0] : memref<64x16384xf32, #tpu.memory_space<hbm>> -> memref<1x8192xf32, #tpu.memory_space<hbm>>
    %dma_start3A_386 = tpu.memref_squeeze %dma_start3A_385 : memref<1x8192xf32, #tpu.memory_space<hbm>> -> memref<8192xf32, #tpu.memory_space<hbm>>
    %dma_start3A_387 = tpu.memref_slice %arg6[%add3A_384, %mul3A_0] : memref<64x16384xf32, #tpu.memory_space<hbm>> -> memref<1x8192xf32, #tpu.memory_space<hbm>>
    %dma_start3A_388 = tpu.memref_squeeze %dma_start3A_387 : memref<1x8192xf32, #tpu.memory_space<hbm>> -> memref<8192xf32, #tpu.memory_space<hbm>>
    tpu.enqueue_dma source(%arg10 : memref<8192xf32, #tpu.memory_space<vmem>>) target(%dma_start3A_388 : memref<8192xf32, #tpu.memory_space<hbm>>) target_semaphore(%arg20 : memref<!tpu.dma_semaphore, #tpu.memory_space<semaphore_mem>>)
    %dma_wait3A_389 = tpu.memref_slice %arg6[%add3A_384, %mul3A_0] : memref<64x16384xf32, #tpu.memory_space<hbm>> -> memref<1x8192xf32, #tpu.memory_space<hbm>>
    %dma_wait3A_390 = tpu.memref_squeeze %dma_wait3A_389 : memref<1x8192xf32, #tpu.memory_space<hbm>> -> memref<8192xf32, #tpu.memory_space<hbm>>
    %dma_wait3A_391 = tpu.memref_slice %arg6[%add3A_384, %mul3A_0] : memref<64x16384xf32, #tpu.memory_space<hbm>> -> memref<1x8192xf32, #tpu.memory_space<hbm>>
    %dma_wait3A_392 = tpu.memref_squeeze %dma_wait3A_391 : memref<1x8192xf32, #tpu.memory_space<hbm>> -> memref<8192xf32, #tpu.memory_space<hbm>>
    tpu.wait_dma2 semaphore(%arg20 : memref<!tpu.dma_semaphore, #tpu.memory_space<semaphore_mem>>) src(%arg10 : memref<8192xf32, #tpu.memory_space<vmem>>) dst(%dma_wait3A_392 : memref<8192xf32, #tpu.memory_space<hbm>>)
    %mul3A_393 = arith.constant 4 : i32
    %mul3A_394 = arith.muli %arg1, %mul3A_393 : i32
    %add3A_395 = arith.constant 0 : i32
    %add3A_396 = arith.addi %mul3A_394, %add3A_395 : i32
    %dma_start3A_397 = arith.constant 0 : i32
    %dma_start3A_398 = tpu.memref_slice %arg9[%dma_start3A_397] : memref<33336xf32, #tpu.memory_space<vmem>> -> memref<8192xf32, #tpu.memory_space<vmem>>
    %dma_start3A_399 = tpu.memref_slice %arg6[%add3A_396, %mul3A_0] : memref<64x16384xf32, #tpu.memory_space<hbm>> -> memref<1x8192xf32, #tpu.memory_space<hbm>>
    %dma_start3A_400 = tpu.memref_squeeze %dma_start3A_399 : memref<1x8192xf32, #tpu.memory_space<hbm>> -> memref<8192xf32, #tpu.memory_space<hbm>>
    %dma_start3A_401 = arith.constant 0 : i32
    %dma_start3A_402 = tpu.memref_slice %arg9[%dma_start3A_401] : memref<33336xf32, #tpu.memory_space<vmem>> -> memref<8192xf32, #tpu.memory_space<vmem>>
    %dma_start3A_403 = tpu.memref_slice %arg6[%add3A_396, %mul3A_0] : memref<64x16384xf32, #tpu.memory_space<hbm>> -> memref<1x8192xf32, #tpu.memory_space<hbm>>
    %dma_start3A_404 = tpu.memref_squeeze %dma_start3A_403 : memref<1x8192xf32, #tpu.memory_space<hbm>> -> memref<8192xf32, #tpu.memory_space<hbm>>
    tpu.enqueue_dma source(%dma_start3A_404 : memref<8192xf32, #tpu.memory_space<hbm>>) target(%dma_start3A_402 : memref<8192xf32, #tpu.memory_space<vmem>>) target_semaphore(%arg21 : memref<!tpu.dma_semaphore, #tpu.memory_space<semaphore_mem>>)
    %add3A_405 = arith.constant 1 : i32
    %add3A_406 = arith.addi %mul3A_394, %add3A_405 : i32
    %dma_start3A_407 = arith.constant 8192 : i32
    %dma_start3A_408 = tpu.memref_slice %arg9[%dma_start3A_407] : memref<33336xf32, #tpu.memory_space<vmem>> -> memref<8192xf32, #tpu.memory_space<vmem>>
    %dma_start3A_409 = tpu.memref_slice %arg6[%add3A_406, %mul3A_0] : memref<64x16384xf32, #tpu.memory_space<hbm>> -> memref<1x8192xf32, #tpu.memory_space<hbm>>
    %dma_start3A_410 = tpu.memref_squeeze %dma_start3A_409 : memref<1x8192xf32, #tpu.memory_space<hbm>> -> memref<8192xf32, #tpu.memory_space<hbm>>
    %dma_start3A_411 = arith.constant 8192 : i32
    %dma_start3A_412 = tpu.memref_slice %arg9[%dma_start3A_411] : memref<33336xf32, #tpu.memory_space<vmem>> -> memref<8192xf32, #tpu.memory_space<vmem>>
    %dma_start3A_413 = tpu.memref_slice %arg6[%add3A_406, %mul3A_0] : memref<64x16384xf32, #tpu.memory_space<hbm>> -> memref<1x8192xf32, #tpu.memory_space<hbm>>
    %dma_start3A_414 = tpu.memref_squeeze %dma_start3A_413 : memref<1x8192xf32, #tpu.memory_space<hbm>> -> memref<8192xf32, #tpu.memory_space<hbm>>
    tpu.enqueue_dma source(%dma_start3A_414 : memref<8192xf32, #tpu.memory_space<hbm>>) target(%dma_start3A_412 : memref<8192xf32, #tpu.memory_space<vmem>>) target_semaphore(%arg21 : memref<!tpu.dma_semaphore, #tpu.memory_space<semaphore_mem>>)
    %add3A_415 = arith.constant 2 : i32
    %add3A_416 = arith.addi %mul3A_394, %add3A_415 : i32
    %dma_start3A_417 = arith.constant 16384 : i32
    %dma_start3A_418 = tpu.memref_slice %arg9[%dma_start3A_417] : memref<33336xf32, #tpu.memory_space<vmem>> -> memref<8192xf32, #tpu.memory_space<vmem>>
    %dma_start3A_419 = tpu.memref_slice %arg6[%add3A_416, %mul3A_0] : memref<64x16384xf32, #tpu.memory_space<hbm>> -> memref<1x8192xf32, #tpu.memory_space<hbm>>
    %dma_start3A_420 = tpu.memref_squeeze %dma_start3A_419 : memref<1x8192xf32, #tpu.memory_space<hbm>> -> memref<8192xf32, #tpu.memory_space<hbm>>
    %dma_start3A_421 = arith.constant 16384 : i32
    %dma_start3A_422 = tpu.memref_slice %arg9[%dma_start3A_421] : memref<33336xf32, #tpu.memory_space<vmem>> -> memref<8192xf32, #tpu.memory_space<vmem>>
    %dma_start3A_423 = tpu.memref_slice %arg6[%add3A_416, %mul3A_0] : memref<64x16384xf32, #tpu.memory_space<hbm>> -> memref<1x8192xf32, #tpu.memory_space<hbm>>
    %dma_start3A_424 = tpu.memref_squeeze %dma_start3A_423 : memref<1x8192xf32, #tpu.memory_space<hbm>> -> memref<8192xf32, #tpu.memory_space<hbm>>
    tpu.enqueue_dma source(%dma_start3A_424 : memref<8192xf32, #tpu.memory_space<hbm>>) target(%dma_start3A_422 : memref<8192xf32, #tpu.memory_space<vmem>>) target_semaphore(%arg21 : memref<!tpu.dma_semaphore, #tpu.memory_space<semaphore_mem>>)
    %add3A_425 = arith.constant 3 : i32
    %add3A_426 = arith.addi %mul3A_394, %add3A_425 : i32
    %dma_start3A_427 = arith.constant 24576 : i32
    %dma_start3A_428 = tpu.memref_slice %arg9[%dma_start3A_427] : memref<33336xf32, #tpu.memory_space<vmem>> -> memref<8192xf32, #tpu.memory_space<vmem>>
    %dma_start3A_429 = tpu.memref_slice %arg6[%add3A_426, %mul3A_0] : memref<64x16384xf32, #tpu.memory_space<hbm>> -> memref<1x8192xf32, #tpu.memory_space<hbm>>
    %dma_start3A_430 = tpu.memref_squeeze %dma_start3A_429 : memref<1x8192xf32, #tpu.memory_space<hbm>> -> memref<8192xf32, #tpu.memory_space<hbm>>
    %dma_start3A_431 = arith.constant 24576 : i32
    %dma_start3A_432 = tpu.memref_slice %arg9[%dma_start3A_431] : memref<33336xf32, #tpu.memory_space<vmem>> -> memref<8192xf32, #tpu.memory_space<vmem>>
    %dma_start3A_433 = tpu.memref_slice %arg6[%add3A_426, %mul3A_0] : memref<64x16384xf32, #tpu.memory_space<hbm>> -> memref<1x8192xf32, #tpu.memory_space<hbm>>
    %dma_start3A_434 = tpu.memref_squeeze %dma_start3A_433 : memref<1x8192xf32, #tpu.memory_space<hbm>> -> memref<8192xf32, #tpu.memory_space<hbm>>
    tpu.enqueue_dma source(%dma_start3A_434 : memref<8192xf32, #tpu.memory_space<hbm>>) target(%dma_start3A_432 : memref<8192xf32, #tpu.memory_space<vmem>>) target_semaphore(%arg21 : memref<!tpu.dma_semaphore, #tpu.memory_space<semaphore_mem>>)
    %run_scoped3A = arith.constant 0 : i32
    "tpu.region"() ({
      %run_scoped3A_777 = tpu.sem_alloc : memref<!tpu.dma_semaphore, #tpu.memory_space<semaphore_mem>>
      %dma_start3A_778 = arith.constant 0 : i32
      %dma_start3A_779 = tpu.memref_slice %arg16[%arg1, %run_scoped3A, %dma_start3A_778] : memref<16x2x8192xf32, #tpu.memory_space<vmem_shared>> -> memref<1x1x8192xf32, #tpu.memory_space<vmem_shared>>
      %dma_start3A_780 = tpu.memref_squeeze %dma_start3A_779 : memref<1x1x8192xf32, #tpu.memory_space<vmem_shared>> -> memref<8192xf32, #tpu.memory_space<vmem_shared>>
      %dma_start3A_781 = arith.constant 0 : i32
      %dma_start3A_782 = tpu.memref_slice %arg16[%arg1, %run_scoped3A, %dma_start3A_781] : memref<16x2x8192xf32, #tpu.memory_space<vmem_shared>> -> memref<1x1x8192xf32, #tpu.memory_space<vmem_shared>>
      %dma_start3A_783 = tpu.memref_squeeze %dma_start3A_782 : memref<1x1x8192xf32, #tpu.memory_space<vmem_shared>> -> memref<8192xf32, #tpu.memory_space<vmem_shared>>
      tpu.enqueue_dma source(%arg11 : memref<8192xf32, #tpu.memory_space<vmem>>) target(%dma_start3A_783 : memref<8192xf32, #tpu.memory_space<vmem_shared>>) target_semaphore(%run_scoped3A_777 : memref<!tpu.dma_semaphore, #tpu.memory_space<semaphore_mem>>)
      %dma_wait3A_784 = arith.constant 0 : i32
      %dma_wait3A_785 = tpu.memref_slice %arg16[%arg1, %run_scoped3A, %dma_wait3A_784] : memref<16x2x8192xf32, #tpu.memory_space<vmem_shared>> -> memref<1x1x8192xf32, #tpu.memory_space<vmem_shared>>
      %dma_wait3A_786 = tpu.memref_squeeze %dma_wait3A_785 : memref<1x1x8192xf32, #tpu.memory_space<vmem_shared>> -> memref<8192xf32, #tpu.memory_space<vmem_shared>>
      %dma_wait3A_787 = arith.constant 0 : i32
      %dma_wait3A_788 = tpu.memref_slice %arg16[%arg1, %run_scoped3A, %dma_wait3A_787] : memref<16x2x8192xf32, #tpu.memory_space<vmem_shared>> -> memref<1x1x8192xf32, #tpu.memory_space<vmem_shared>>
      %dma_wait3A_789 = tpu.memref_squeeze %dma_wait3A_788 : memref<1x1x8192xf32, #tpu.memory_space<vmem_shared>> -> memref<8192xf32, #tpu.memory_space<vmem_shared>>
      tpu.wait_dma2 semaphore(%run_scoped3A_777 : memref<!tpu.dma_semaphore, #tpu.memory_space<semaphore_mem>>) src(%arg11 : memref<8192xf32, #tpu.memory_space<vmem>>) dst(%dma_wait3A_789 : memref<8192xf32, #tpu.memory_space<vmem_shared>>)
      tpu.yield
    }) : () -> ()
    %run_scoped3A_435 = arith.constant 1 : i32
    "tpu.region"() ({
      %run_scoped3A_777 = tpu.sem_alloc : memref<!tpu.dma_semaphore, #tpu.memory_space<semaphore_mem>>
      %dma_start3A_778 = arith.constant 0 : i32
      %dma_start3A_779 = tpu.memref_slice %arg16[%arg1, %run_scoped3A_435, %dma_start3A_778] : memref<16x2x8192xf32, #tpu.memory_space<vmem_shared>> -> memref<1x1x8192xf32, #tpu.memory_space<vmem_shared>>
      %dma_start3A_780 = tpu.memref_squeeze %dma_start3A_779 : memref<1x1x8192xf32, #tpu.memory_space<vmem_shared>> -> memref<8192xf32, #tpu.memory_space<vmem_shared>>
      %dma_start3A_781 = arith.constant 0 : i32
      %dma_start3A_782 = tpu.memref_slice %arg16[%arg1, %run_scoped3A_435, %dma_start3A_781] : memref<16x2x8192xf32, #tpu.memory_space<vmem_shared>> -> memref<1x1x8192xf32, #tpu.memory_space<vmem_shared>>
      %dma_start3A_783 = tpu.memref_squeeze %dma_start3A_782 : memref<1x1x8192xf32, #tpu.memory_space<vmem_shared>> -> memref<8192xf32, #tpu.memory_space<vmem_shared>>
      tpu.enqueue_dma source(%arg12 : memref<8192xf32, #tpu.memory_space<vmem>>) target(%dma_start3A_783 : memref<8192xf32, #tpu.memory_space<vmem_shared>>) target_semaphore(%run_scoped3A_777 : memref<!tpu.dma_semaphore, #tpu.memory_space<semaphore_mem>>)
      %dma_wait3A_784 = arith.constant 0 : i32
      %dma_wait3A_785 = tpu.memref_slice %arg16[%arg1, %run_scoped3A_435, %dma_wait3A_784] : memref<16x2x8192xf32, #tpu.memory_space<vmem_shared>> -> memref<1x1x8192xf32, #tpu.memory_space<vmem_shared>>
      %dma_wait3A_786 = tpu.memref_squeeze %dma_wait3A_785 : memref<1x1x8192xf32, #tpu.memory_space<vmem_shared>> -> memref<8192xf32, #tpu.memory_space<vmem_shared>>
      %dma_wait3A_787 = arith.constant 0 : i32
      %dma_wait3A_788 = tpu.memref_slice %arg16[%arg1, %run_scoped3A_435, %dma_wait3A_787] : memref<16x2x8192xf32, #tpu.memory_space<vmem_shared>> -> memref<1x1x8192xf32, #tpu.memory_space<vmem_shared>>
      %dma_wait3A_789 = tpu.memref_squeeze %dma_wait3A_788 : memref<1x1x8192xf32, #tpu.memory_space<vmem_shared>> -> memref<8192xf32, #tpu.memory_space<vmem_shared>>
      tpu.wait_dma2 semaphore(%run_scoped3A_777 : memref<!tpu.dma_semaphore, #tpu.memory_space<semaphore_mem>>) src(%arg12 : memref<8192xf32, #tpu.memory_space<vmem>>) dst(%dma_wait3A_789 : memref<8192xf32, #tpu.memory_space<vmem_shared>>)
      tpu.yield
    }) : () -> ()
    %barrier3A = arith.constant 0 : index
    tpu.barrier barrier_id(%barrier3A)
    %mul3A_436 = arith.constant 512 : i32
    %mul3A_437 = arith.muli %arg1, %mul3A_436 : i32
    %run_scoped3A_438 = arith.constant 0 : i32
    "tpu.region"() ({
      %run_scoped3A_777 = tpu.sem_alloc : memref<!tpu.dma_semaphore, #tpu.memory_space<semaphore_mem>>
      %dma_start3A_778 = arith.constant 0 : i32
      %dma_start3A_779 = tpu.memref_slice %arg16[%dma_start3A_778, %run_scoped3A_438, %mul3A_437] : memref<16x2x8192xf32, #tpu.memory_space<vmem_shared>> -> memref<16x1x512xf32, #tpu.memory_space<vmem_shared>>
      %dma_start3A_780 = tpu.memref_squeeze %dma_start3A_779 : memref<16x1x512xf32, #tpu.memory_space<vmem_shared>> -> memref<16x512xf32, #tpu.memory_space<vmem_shared>>
      %dma_start3A_781 = arith.constant 0 : i32
      %dma_start3A_782 = tpu.memref_slice %arg16[%dma_start3A_781, %run_scoped3A_438, %mul3A_437] : memref<16x2x8192xf32, #tpu.memory_space<vmem_shared>> -> memref<16x1x512xf32, #tpu.memory_space<vmem_shared>>
      %dma_start3A_783 = tpu.memref_squeeze %dma_start3A_782 : memref<16x1x512xf32, #tpu.memory_space<vmem_shared>> -> memref<16x512xf32, #tpu.memory_space<vmem_shared>>
      tpu.enqueue_dma source(%dma_start3A_783 : memref<16x512xf32, #tpu.memory_space<vmem_shared>>) target(%arg13 : memref<16x512xf32, #tpu.memory_space<vmem>>) target_semaphore(%run_scoped3A_777 : memref<!tpu.dma_semaphore, #tpu.memory_space<semaphore_mem>>)
      %dma_wait3A_784 = arith.constant 0 : i32
      %dma_wait3A_785 = tpu.memref_slice %arg16[%dma_wait3A_784, %run_scoped3A_438, %mul3A_437] : memref<16x2x8192xf32, #tpu.memory_space<vmem_shared>> -> memref<16x1x512xf32, #tpu.memory_space<vmem_shared>>
      %dma_wait3A_786 = tpu.memref_squeeze %dma_wait3A_785 : memref<16x1x512xf32, #tpu.memory_space<vmem_shared>> -> memref<16x512xf32, #tpu.memory_space<vmem_shared>>
      %dma_wait3A_787 = arith.constant 0 : i32
      %dma_wait3A_788 = tpu.memref_slice %arg16[%dma_wait3A_787, %run_scoped3A_438, %mul3A_437] : memref<16x2x8192xf32, #tpu.memory_space<vmem_shared>> -> memref<16x1x512xf32, #tpu.memory_space<vmem_shared>>
      %dma_wait3A_789 = tpu.memref_squeeze %dma_wait3A_788 : memref<16x1x512xf32, #tpu.memory_space<vmem_shared>> -> memref<16x512xf32, #tpu.memory_space<vmem_shared>>
      tpu.wait_dma2 semaphore(%run_scoped3A_777 : memref<!tpu.dma_semaphore, #tpu.memory_space<semaphore_mem>>) src(%dma_wait3A_789 : memref<16x512xf32, #tpu.memory_space<vmem_shared>>) dst(%arg13 : memref<16x512xf32, #tpu.memory_space<vmem>>)
      tpu.yield
    }) : () -> ()
    %parallel_loop3A_439 = arith.constant 0 : i32
    %parallel_loop3A_440 = arith.constant 32 : i32
    %parallel_loop3A_441 = arith.constant 1 : i32
    %parallel_loop3A_442 = arith.constant 1.562500e-02 : f32
    scf.for %parallel_loop3A_777 = %parallel_loop3A_439 to %parallel_loop3A_440 step %parallel_loop3A_441  : i32 {
      %parallel_loop3A_778 = arith.constant 16 : i32
      %parallel_loop3A_779 = arith.muli %parallel_loop3A_777, %parallel_loop3A_778 : i32
      %parallel_loop3A_780 = arith.constant 0 : i32
      %parallel_loop3A_781 = arith.index_cast %parallel_loop3A_780 : i32 to index
      %parallel_loop3A_782 = arith.index_cast %parallel_loop3A_779 : i32 to index
      %parallel_loop3A_783 = tpu.vector_load %arg13[%parallel_loop3A_781, %parallel_loop3A_782] {strides = array<i32>} : memref<16x512xf32, #tpu.memory_space<vmem>>, vector<16xf32>,
      %parallel_loop3A_784 = arith.constant 1 : i32
      %parallel_loop3A_785 = arith.index_cast %parallel_loop3A_784 : i32 to index
      %parallel_loop3A_786 = arith.index_cast %parallel_loop3A_779 : i32 to index
      %parallel_loop3A_787 = tpu.vector_load %arg13[%parallel_loop3A_785, %parallel_loop3A_786] {strides = array<i32>} : memref<16x512xf32, #tpu.memory_space<vmem>>, vector<16xf32>,
      %parallel_loop3A_788 = arith.addf %parallel_loop3A_783, %parallel_loop3A_787 : vector<16xf32>
      %parallel_loop3A_789 = arith.constant 2 : i32
      %parallel_loop3A_790 = arith.index_cast %parallel_loop3A_789 : i32 to index
      %parallel_loop3A_791 = arith.index_cast %parallel_loop3A_779 : i32 to index
      %parallel_loop3A_792 = tpu.vector_load %arg13[%parallel_loop3A_790, %parallel_loop3A_791] {strides = array<i32>} : memref<16x512xf32, #tpu.memory_space<vmem>>, vector<16xf32>,
      %parallel_loop3A_793 = arith.addf %parallel_loop3A_788, %parallel_loop3A_792 : vector<16xf32>
      %parallel_loop3A_794 = arith.constant 3 : i32
      %parallel_loop3A_795 = arith.index_cast %parallel_loop3A_794 : i32 to index
      %parallel_loop3A_796 = arith.index_cast %parallel_loop3A_779 : i32 to index
      %parallel_loop3A_797 = tpu.vector_load %arg13[%parallel_loop3A_795, %parallel_loop3A_796] {strides = array<i32>} : memref<16x512xf32, #tpu.memory_space<vmem>>, vector<16xf32>,
      %parallel_loop3A_798 = arith.addf %parallel_loop3A_793, %parallel_loop3A_797 : vector<16xf32>
      %parallel_loop3A_799 = arith.constant 4 : i32
      %parallel_loop3A_800 = arith.index_cast %parallel_loop3A_799 : i32 to index
      %parallel_loop3A_801 = arith.index_cast %parallel_loop3A_779 : i32 to index
      %parallel_loop3A_802 = tpu.vector_load %arg13[%parallel_loop3A_800, %parallel_loop3A_801] {strides = array<i32>} : memref<16x512xf32, #tpu.memory_space<vmem>>, vector<16xf32>,
      %parallel_loop3A_803 = arith.addf %parallel_loop3A_798, %parallel_loop3A_802 : vector<16xf32>
      %parallel_loop3A_804 = arith.constant 5 : i32
      %parallel_loop3A_805 = arith.index_cast %parallel_loop3A_804 : i32 to index
      %parallel_loop3A_806 = arith.index_cast %parallel_loop3A_779 : i32 to index
      %parallel_loop3A_807 = tpu.vector_load %arg13[%parallel_loop3A_805, %parallel_loop3A_806] {strides = array<i32>} : memref<16x512xf32, #tpu.memory_space<vmem>>, vector<16xf32>,
      %parallel_loop3A_808 = arith.addf %parallel_loop3A_803, %parallel_loop3A_807 : vector<16xf32>
      %parallel_loop3A_809 = arith.constant 6 : i32
      %parallel_loop3A_810 = arith.index_cast %parallel_loop3A_809 : i32 to index
      %parallel_loop3A_811 = arith.index_cast %parallel_loop3A_779 : i32 to index
      %parallel_loop3A_812 = tpu.vector_load %arg13[%parallel_loop3A_810, %parallel_loop3A_811] {strides = array<i32>} : memref<16x512xf32, #tpu.memory_space<vmem>>, vector<16xf32>,
      %parallel_loop3A_813 = arith.addf %parallel_loop3A_808, %parallel_loop3A_812 : vector<16xf32>
      %parallel_loop3A_814 = arith.constant 7 : i32
      %parallel_loop3A_815 = arith.index_cast %parallel_loop3A_814 : i32 to index
      %parallel_loop3A_816 = arith.index_cast %parallel_loop3A_779 : i32 to index
      %parallel_loop3A_817 = tpu.vector_load %arg13[%parallel_loop3A_815, %parallel_loop3A_816] {strides = array<i32>} : memref<16x512xf32, #tpu.memory_space<vmem>>, vector<16xf32>,
      %parallel_loop3A_818 = arith.addf %parallel_loop3A_813, %parallel_loop3A_817 : vector<16xf32>
      %parallel_loop3A_819 = arith.constant 8 : i32
      %parallel_loop3A_820 = arith.index_cast %parallel_loop3A_819 : i32 to index
      %parallel_loop3A_821 = arith.index_cast %parallel_loop3A_779 : i32 to index
      %parallel_loop3A_822 = tpu.vector_load %arg13[%parallel_loop3A_820, %parallel_loop3A_821] {strides = array<i32>} : memref<16x512xf32, #tpu.memory_space<vmem>>, vector<16xf32>,
      %parallel_loop3A_823 = arith.addf %parallel_loop3A_818, %parallel_loop3A_822 : vector<16xf32>
      %parallel_loop3A_824 = arith.constant 9 : i32
      %parallel_loop3A_825 = arith.index_cast %parallel_loop3A_824 : i32 to index
      %parallel_loop3A_826 = arith.index_cast %parallel_loop3A_779 : i32 to index
      %parallel_loop3A_827 = tpu.vector_load %arg13[%parallel_loop3A_825, %parallel_loop3A_826] {strides = array<i32>} : memref<16x512xf32, #tpu.memory_space<vmem>>, vector<16xf32>,
      %parallel_loop3A_828 = arith.addf %parallel_loop3A_823, %parallel_loop3A_827 : vector<16xf32>
      %parallel_loop3A_829 = arith.constant 10 : i32
      %parallel_loop3A_830 = arith.index_cast %parallel_loop3A_829 : i32 to index
      %parallel_loop3A_831 = arith.index_cast %parallel_loop3A_779 : i32 to index
      %parallel_loop3A_832 = tpu.vector_load %arg13[%parallel_loop3A_830, %parallel_loop3A_831] {strides = array<i32>} : memref<16x512xf32, #tpu.memory_space<vmem>>, vector<16xf32>,
      %parallel_loop3A_833 = arith.addf %parallel_loop3A_828, %parallel_loop3A_832 : vector<16xf32>
      %parallel_loop3A_834 = arith.constant 11 : i32
      %parallel_loop3A_835 = arith.index_cast %parallel_loop3A_834 : i32 to index
      %parallel_loop3A_836 = arith.index_cast %parallel_loop3A_779 : i32 to index
      %parallel_loop3A_837 = tpu.vector_load %arg13[%parallel_loop3A_835, %parallel_loop3A_836] {strides = array<i32>} : memref<16x512xf32, #tpu.memory_space<vmem>>, vector<16xf32>,
      %parallel_loop3A_838 = arith.addf %parallel_loop3A_833, %parallel_loop3A_837 : vector<16xf32>
      %parallel_loop3A_839 = arith.constant 12 : i32
      %parallel_loop3A_840 = arith.index_cast %parallel_loop3A_839 : i32 to index
      %parallel_loop3A_841 = arith.index_cast %parallel_loop3A_779 : i32 to index
      %parallel_loop3A_842 = tpu.vector_load %arg13[%parallel_loop3A_840, %parallel_loop3A_841] {strides = array<i32>} : memref<16x512xf32, #tpu.memory_space<vmem>>, vector<16xf32>,
      %parallel_loop3A_843 = arith.addf %parallel_loop3A_838, %parallel_loop3A_842 : vector<16xf32>
      %parallel_loop3A_844 = arith.constant 13 : i32
      %parallel_loop3A_845 = arith.index_cast %parallel_loop3A_844 : i32 to index
      %parallel_loop3A_846 = arith.index_cast %parallel_loop3A_779 : i32 to index
      %parallel_loop3A_847 = tpu.vector_load %arg13[%parallel_loop3A_845, %parallel_loop3A_846] {strides = array<i32>} : memref<16x512xf32, #tpu.memory_space<vmem>>, vector<16xf32>,
      %parallel_loop3A_848 = arith.addf %parallel_loop3A_843, %parallel_loop3A_847 : vector<16xf32>
      %parallel_loop3A_849 = arith.constant 14 : i32
      %parallel_loop3A_850 = arith.index_cast %parallel_loop3A_849 : i32 to index
      %parallel_loop3A_851 = arith.index_cast %parallel_loop3A_779 : i32 to index
      %parallel_loop3A_852 = tpu.vector_load %arg13[%parallel_loop3A_850, %parallel_loop3A_851] {strides = array<i32>} : memref<16x512xf32, #tpu.memory_space<vmem>>, vector<16xf32>,
      %parallel_loop3A_853 = arith.addf %parallel_loop3A_848, %parallel_loop3A_852 : vector<16xf32>
      %parallel_loop3A_854 = arith.constant 15 : i32
      %parallel_loop3A_855 = arith.index_cast %parallel_loop3A_854 : i32 to index
      %parallel_loop3A_856 = arith.index_cast %parallel_loop3A_779 : i32 to index
      %parallel_loop3A_857 = tpu.vector_load %arg13[%parallel_loop3A_855, %parallel_loop3A_856] {strides = array<i32>} : memref<16x512xf32, #tpu.memory_space<vmem>>, vector<16xf32>,
      %parallel_loop3A_858 = arith.addf %parallel_loop3A_853, %parallel_loop3A_857 : vector<16xf32>
      %parallel_loop3A_859 = vector.broadcast %parallel_loop3A_442 : f32 to vector<16xf32>
      %parallel_loop3A_860 = arith.mulf %parallel_loop3A_858, %parallel_loop3A_859 : vector<16xf32>
      %parallel_loop3A_861 = arith.constant 16 : i32
      %parallel_loop3A_862 = arith.muli %parallel_loop3A_777, %parallel_loop3A_861 : i32
      %parallel_loop3A_863 = arith.index_cast %parallel_loop3A_862 : i32 to index
      %parallel_loop3A_864 = tpu.vector_load %arg10[%parallel_loop3A_863] {strides = array<i32>} : memref<8192xf32, #tpu.memory_space<vmem>>, vector<16xf32>,
      tpu.vector_store %arg10[%parallel_loop3A_863], %parallel_loop3A_860 {strides = array<i32>} : memref<8192xf32, #tpu.memory_space<vmem>>, vector<16xf32>,
    } {sc.loop_unroll_factor = 4 : i64, sc.parallel_access}
    %run_scoped3A_443 = arith.constant 1 : i32
    "tpu.region"() ({
      %run_scoped3A_777 = tpu.sem_alloc : memref<!tpu.dma_semaphore, #tpu.memory_space<semaphore_mem>>
      %dma_start3A_778 = arith.constant 0 : i32
      %dma_start3A_779 = tpu.memref_slice %arg16[%dma_start3A_778, %run_scoped3A_443, %mul3A_437] : memref<16x2x8192xf32, #tpu.memory_space<vmem_shared>> -> memref<16x1x512xf32, #tpu.memory_space<vmem_shared>>
      %dma_start3A_780 = tpu.memref_squeeze %dma_start3A_779 : memref<16x1x512xf32, #tpu.memory_space<vmem_shared>> -> memref<16x512xf32, #tpu.memory_space<vmem_shared>>
      %dma_start3A_781 = arith.constant 0 : i32
      %dma_start3A_782 = tpu.memref_slice %arg16[%dma_start3A_781, %run_scoped3A_443, %mul3A_437] : memref<16x2x8192xf32, #tpu.memory_space<vmem_shared>> -> memref<16x1x512xf32, #tpu.memory_space<vmem_shared>>
      %dma_start3A_783 = tpu.memref_squeeze %dma_start3A_782 : memref<16x1x512xf32, #tpu.memory_space<vmem_shared>> -> memref<16x512xf32, #tpu.memory_space<vmem_shared>>
      tpu.enqueue_dma source(%dma_start3A_783 : memref<16x512xf32, #tpu.memory_space<vmem_shared>>) target(%arg13 : memref<16x512xf32, #tpu.memory_space<vmem>>) target_semaphore(%run_scoped3A_777 : memref<!tpu.dma_semaphore, #tpu.memory_space<semaphore_mem>>)
      %dma_wait3A_784 = arith.constant 0 : i32
      %dma_wait3A_785 = tpu.memref_slice %arg16[%dma_wait3A_784, %run_scoped3A_443, %mul3A_437] : memref<16x2x8192xf32, #tpu.memory_space<vmem_shared>> -> memref<16x1x512xf32, #tpu.memory_space<vmem_shared>>
      %dma_wait3A_786 = tpu.memref_squeeze %dma_wait3A_785 : memref<16x1x512xf32, #tpu.memory_space<vmem_shared>> -> memref<16x512xf32, #tpu.memory_space<vmem_shared>>
      %dma_wait3A_787 = arith.constant 0 : i32
      %dma_wait3A_788 = tpu.memref_slice %arg16[%dma_wait3A_787, %run_scoped3A_443, %mul3A_437] : memref<16x2x8192xf32, #tpu.memory_space<vmem_shared>> -> memref<16x1x512xf32, #tpu.memory_space<vmem_shared>>
      %dma_wait3A_789 = tpu.memref_squeeze %dma_wait3A_788 : memref<16x1x512xf32, #tpu.memory_space<vmem_shared>> -> memref<16x512xf32, #tpu.memory_space<vmem_shared>>
      tpu.wait_dma2 semaphore(%run_scoped3A_777 : memref<!tpu.dma_semaphore, #tpu.memory_space<semaphore_mem>>) src(%dma_wait3A_789 : memref<16x512xf32, #tpu.memory_space<vmem_shared>>) dst(%arg13 : memref<16x512xf32, #tpu.memory_space<vmem>>)
      tpu.yield
    }) : () -> ()
    %parallel_loop3A_444 = arith.constant 0 : i32
    %parallel_loop3A_445 = arith.constant 32 : i32
    %parallel_loop3A_446 = arith.constant 1 : i32
    %parallel_loop3A_447 = arith.constant 1.562500e-02 : f32
    scf.for %parallel_loop3A_777 = %parallel_loop3A_444 to %parallel_loop3A_445 step %parallel_loop3A_446  : i32 {
      %parallel_loop3A_778 = arith.constant 16 : i32
      %parallel_loop3A_779 = arith.muli %parallel_loop3A_777, %parallel_loop3A_778 : i32
      %parallel_loop3A_780 = arith.constant 0 : i32
      %parallel_loop3A_781 = arith.index_cast %parallel_loop3A_780 : i32 to index
      %parallel_loop3A_782 = arith.index_cast %parallel_loop3A_779 : i32 to index
      %parallel_loop3A_783 = tpu.vector_load %arg13[%parallel_loop3A_781, %parallel_loop3A_782] {strides = array<i32>} : memref<16x512xf32, #tpu.memory_space<vmem>>, vector<16xf32>,
      %parallel_loop3A_784 = arith.constant 1 : i32
      %parallel_loop3A_785 = arith.index_cast %parallel_loop3A_784 : i32 to index
      %parallel_loop3A_786 = arith.index_cast %parallel_loop3A_779 : i32 to index
      %parallel_loop3A_787 = tpu.vector_load %arg13[%parallel_loop3A_785, %parallel_loop3A_786] {strides = array<i32>} : memref<16x512xf32, #tpu.memory_space<vmem>>, vector<16xf32>,
      %parallel_loop3A_788 = arith.addf %parallel_loop3A_783, %parallel_loop3A_787 : vector<16xf32>
      %parallel_loop3A_789 = arith.constant 2 : i32
      %parallel_loop3A_790 = arith.index_cast %parallel_loop3A_789 : i32 to index
      %parallel_loop3A_791 = arith.index_cast %parallel_loop3A_779 : i32 to index
      %parallel_loop3A_792 = tpu.vector_load %arg13[%parallel_loop3A_790, %parallel_loop3A_791] {strides = array<i32>} : memref<16x512xf32, #tpu.memory_space<vmem>>, vector<16xf32>,
      %parallel_loop3A_793 = arith.addf %parallel_loop3A_788, %parallel_loop3A_792 : vector<16xf32>
      %parallel_loop3A_794 = arith.constant 3 : i32
      %parallel_loop3A_795 = arith.index_cast %parallel_loop3A_794 : i32 to index
      %parallel_loop3A_796 = arith.index_cast %parallel_loop3A_779 : i32 to index
      %parallel_loop3A_797 = tpu.vector_load %arg13[%parallel_loop3A_795, %parallel_loop3A_796] {strides = array<i32>} : memref<16x512xf32, #tpu.memory_space<vmem>>, vector<16xf32>,
      %parallel_loop3A_798 = arith.addf %parallel_loop3A_793, %parallel_loop3A_797 : vector<16xf32>
      %parallel_loop3A_799 = arith.constant 4 : i32
      %parallel_loop3A_800 = arith.index_cast %parallel_loop3A_799 : i32 to index
      %parallel_loop3A_801 = arith.index_cast %parallel_loop3A_779 : i32 to index
      %parallel_loop3A_802 = tpu.vector_load %arg13[%parallel_loop3A_800, %parallel_loop3A_801] {strides = array<i32>} : memref<16x512xf32, #tpu.memory_space<vmem>>, vector<16xf32>,
      %parallel_loop3A_803 = arith.addf %parallel_loop3A_798, %parallel_loop3A_802 : vector<16xf32>
      %parallel_loop3A_804 = arith.constant 5 : i32
      %parallel_loop3A_805 = arith.index_cast %parallel_loop3A_804 : i32 to index
      %parallel_loop3A_806 = arith.index_cast %parallel_loop3A_779 : i32 to index
      %parallel_loop3A_807 = tpu.vector_load %arg13[%parallel_loop3A_805, %parallel_loop3A_806] {strides = array<i32>} : memref<16x512xf32, #tpu.memory_space<vmem>>, vector<16xf32>,
      %parallel_loop3A_808 = arith.addf %parallel_loop3A_803, %parallel_loop3A_807 : vector<16xf32>
      %parallel_loop3A_809 = arith.constant 6 : i32
      %parallel_loop3A_810 = arith.index_cast %parallel_loop3A_809 : i32 to index
      %parallel_loop3A_811 = arith.index_cast %parallel_loop3A_779 : i32 to index
      %parallel_loop3A_812 = tpu.vector_load %arg13[%parallel_loop3A_810, %parallel_loop3A_811] {strides = array<i32>} : memref<16x512xf32, #tpu.memory_space<vmem>>, vector<16xf32>,
      %parallel_loop3A_813 = arith.addf %parallel_loop3A_808, %parallel_loop3A_812 : vector<16xf32>
      %parallel_loop3A_814 = arith.constant 7 : i32
      %parallel_loop3A_815 = arith.index_cast %parallel_loop3A_814 : i32 to index
      %parallel_loop3A_816 = arith.index_cast %parallel_loop3A_779 : i32 to index
      %parallel_loop3A_817 = tpu.vector_load %arg13[%parallel_loop3A_815, %parallel_loop3A_816] {strides = array<i32>} : memref<16x512xf32, #tpu.memory_space<vmem>>, vector<16xf32>,
      %parallel_loop3A_818 = arith.addf %parallel_loop3A_813, %parallel_loop3A_817 : vector<16xf32>
      %parallel_loop3A_819 = arith.constant 8 : i32
      %parallel_loop3A_820 = arith.index_cast %parallel_loop3A_819 : i32 to index
      %parallel_loop3A_821 = arith.index_cast %parallel_loop3A_779 : i32 to index
      %parallel_loop3A_822 = tpu.vector_load %arg13[%parallel_loop3A_820, %parallel_loop3A_821] {strides = array<i32>} : memref<16x512xf32, #tpu.memory_space<vmem>>, vector<16xf32>,
      %parallel_loop3A_823 = arith.addf %parallel_loop3A_818, %parallel_loop3A_822 : vector<16xf32>
      %parallel_loop3A_824 = arith.constant 9 : i32
      %parallel_loop3A_825 = arith.index_cast %parallel_loop3A_824 : i32 to index
      %parallel_loop3A_826 = arith.index_cast %parallel_loop3A_779 : i32 to index
      %parallel_loop3A_827 = tpu.vector_load %arg13[%parallel_loop3A_825, %parallel_loop3A_826] {strides = array<i32>} : memref<16x512xf32, #tpu.memory_space<vmem>>, vector<16xf32>,
      %parallel_loop3A_828 = arith.addf %parallel_loop3A_823, %parallel_loop3A_827 : vector<16xf32>
      %parallel_loop3A_829 = arith.constant 10 : i32
      %parallel_loop3A_830 = arith.index_cast %parallel_loop3A_829 : i32 to index
      %parallel_loop3A_831 = arith.index_cast %parallel_loop3A_779 : i32 to index
      %parallel_loop3A_832 = tpu.vector_load %arg13[%parallel_loop3A_830, %parallel_loop3A_831] {strides = array<i32>} : memref<16x512xf32, #tpu.memory_space<vmem>>, vector<16xf32>,
      %parallel_loop3A_833 = arith.addf %parallel_loop3A_828, %parallel_loop3A_832 : vector<16xf32>
      %parallel_loop3A_834 = arith.constant 11 : i32
      %parallel_loop3A_835 = arith.index_cast %parallel_loop3A_834 : i32 to index
      %parallel_loop3A_836 = arith.index_cast %parallel_loop3A_779 : i32 to index
      %parallel_loop3A_837 = tpu.vector_load %arg13[%parallel_loop3A_835, %parallel_loop3A_836] {strides = array<i32>} : memref<16x512xf32, #tpu.memory_space<vmem>>, vector<16xf32>,
      %parallel_loop3A_838 = arith.addf %parallel_loop3A_833, %parallel_loop3A_837 : vector<16xf32>
      %parallel_loop3A_839 = arith.constant 12 : i32
      %parallel_loop3A_840 = arith.index_cast %parallel_loop3A_839 : i32 to index
      %parallel_loop3A_841 = arith.index_cast %parallel_loop3A_779 : i32 to index
      %parallel_loop3A_842 = tpu.vector_load %arg13[%parallel_loop3A_840, %parallel_loop3A_841] {strides = array<i32>} : memref<16x512xf32, #tpu.memory_space<vmem>>, vector<16xf32>,
      %parallel_loop3A_843 = arith.addf %parallel_loop3A_838, %parallel_loop3A_842 : vector<16xf32>
      %parallel_loop3A_844 = arith.constant 13 : i32
      %parallel_loop3A_845 = arith.index_cast %parallel_loop3A_844 : i32 to index
      %parallel_loop3A_846 = arith.index_cast %parallel_loop3A_779 : i32 to index
      %parallel_loop3A_847 = tpu.vector_load %arg13[%parallel_loop3A_845, %parallel_loop3A_846] {strides = array<i32>} : memref<16x512xf32, #tpu.memory_space<vmem>>, vector<16xf32>,
      %parallel_loop3A_848 = arith.addf %parallel_loop3A_843, %parallel_loop3A_847 : vector<16xf32>
      %parallel_loop3A_849 = arith.constant 14 : i32
      %parallel_loop3A_850 = arith.index_cast %parallel_loop3A_849 : i32 to index
      %parallel_loop3A_851 = arith.index_cast %parallel_loop3A_779 : i32 to index
      %parallel_loop3A_852 = tpu.vector_load %arg13[%parallel_loop3A_850, %parallel_loop3A_851] {strides = array<i32>} : memref<16x512xf32, #tpu.memory_space<vmem>>, vector<16xf32>,
      %parallel_loop3A_853 = arith.addf %parallel_loop3A_848, %parallel_loop3A_852 : vector<16xf32>
      %parallel_loop3A_854 = arith.constant 15 : i32
      %parallel_loop3A_855 = arith.index_cast %parallel_loop3A_854 : i32 to index
      %parallel_loop3A_856 = arith.index_cast %parallel_loop3A_779 : i32 to index
      %parallel_loop3A_857 = tpu.vector_load %arg13[%parallel_loop3A_855, %parallel_loop3A_856] {strides = array<i32>} : memref<16x512xf32, #tpu.memory_space<vmem>>, vector<16xf32>,
      %parallel_loop3A_858 = arith.addf %parallel_loop3A_853, %parallel_loop3A_857 : vector<16xf32>
      %parallel_loop3A_859 = arith.constant 16 : i32
      %parallel_loop3A_860 = arith.muli %parallel_loop3A_777, %parallel_loop3A_859 : i32
      %parallel_loop3A_861 = arith.index_cast %parallel_loop3A_860 : i32 to index
      %parallel_loop3A_862 = tpu.vector_load %arg10[%parallel_loop3A_861] {strides = array<i32>} : memref<8192xf32, #tpu.memory_space<vmem>>, vector<16xf32>,
      %parallel_loop3A_863 = vector.broadcast %parallel_loop3A_447 : f32 to vector<16xf32>
      %parallel_loop3A_864 = arith.mulf %parallel_loop3A_858, %parallel_loop3A_863 : vector<16xf32>
      %parallel_loop3A_865 = arith.mulf %parallel_loop3A_862, %parallel_loop3A_862 : vector<16xf32>
      %parallel_loop3A_866 = arith.subf %parallel_loop3A_864, %parallel_loop3A_865 : vector<16xf32>
      %parallel_loop3A_867 = arith.constant 9.99999974E-6 : f32
      %parallel_loop3A_868 = vector.broadcast %parallel_loop3A_867 : f32 to vector<16xf32>
      %parallel_loop3A_869 = arith.addf %parallel_loop3A_866, %parallel_loop3A_868 : vector<16xf32>
      %parallel_loop3A_870 = tpu.bitcast %parallel_loop3A_869 : vector<16xf32> -> vector<16xi32>
      %parallel_loop3A_871 = arith.constant 1 : i32
      %parallel_loop3A_872 = vector.broadcast %parallel_loop3A_871 : i32 to vector<16xi32>
      %parallel_loop3A_873 = arith.shrsi %parallel_loop3A_870, %parallel_loop3A_872 : vector<16xi32>
      %parallel_loop3A_874 = arith.constant 1597463007 : i32
      %parallel_loop3A_875 = vector.broadcast %parallel_loop3A_874 : i32 to vector<16xi32>
      %parallel_loop3A_876 = arith.subi %parallel_loop3A_875, %parallel_loop3A_873 : vector<16xi32>
      %parallel_loop3A_877 = tpu.bitcast %parallel_loop3A_876 : vector<16xi32> -> vector<16xf32>
      %parallel_loop3A_878 = arith.constant 5.000000e-01 : f32
      %parallel_loop3A_879 = vector.broadcast %parallel_loop3A_878 : f32 to vector<16xf32>
      %parallel_loop3A_880 = arith.mulf %parallel_loop3A_879, %parallel_loop3A_869 : vector<16xf32>
      %parallel_loop3A_881 = arith.mulf %parallel_loop3A_880, %parallel_loop3A_877 : vector<16xf32>
      %parallel_loop3A_882 = arith.mulf %parallel_loop3A_881, %parallel_loop3A_877 : vector<16xf32>
      %parallel_loop3A_883 = arith.constant 1.500000e+00 : f32
      %parallel_loop3A_884 = vector.broadcast %parallel_loop3A_883 : f32 to vector<16xf32>
      %parallel_loop3A_885 = arith.subf %parallel_loop3A_884, %parallel_loop3A_882 : vector<16xf32>
      %parallel_loop3A_886 = arith.mulf %parallel_loop3A_877, %parallel_loop3A_885 : vector<16xf32>
      %parallel_loop3A_887 = arith.mulf %parallel_loop3A_880, %parallel_loop3A_886 : vector<16xf32>
      %parallel_loop3A_888 = arith.mulf %parallel_loop3A_887, %parallel_loop3A_886 : vector<16xf32>
      %parallel_loop3A_889 = arith.constant 1.500000e+00 : f32
      %parallel_loop3A_890 = vector.broadcast %parallel_loop3A_889 : f32 to vector<16xf32>
      %parallel_loop3A_891 = arith.subf %parallel_loop3A_890, %parallel_loop3A_888 : vector<16xf32>
      %parallel_loop3A_892 = arith.mulf %parallel_loop3A_886, %parallel_loop3A_891 : vector<16xf32>
      %parallel_loop3A_893 = arith.constant 16 : i32
      %parallel_loop3A_894 = arith.muli %parallel_loop3A_777, %parallel_loop3A_893 : i32
      %parallel_loop3A_895 = arith.constant 512 : i32
      %parallel_loop3A_896 = arith.addi %parallel_loop3A_895, %parallel_loop3A_894 : i32
      %parallel_loop3A_897 = arith.index_cast %parallel_loop3A_896 : i32 to index
      %parallel_loop3A_898 = tpu.vector_load %arg10[%parallel_loop3A_897] {strides = array<i32>} : memref<8192xf32, #tpu.memory_space<vmem>>, vector<16xf32>,
      tpu.vector_store %arg10[%parallel_loop3A_897], %parallel_loop3A_892 {strides = array<i32>} : memref<8192xf32, #tpu.memory_space<vmem>>, vector<16xf32>,
    } {sc.loop_unroll_factor = 4 : i64, sc.parallel_access}
    %run_scoped3A_448 = arith.constant 0 : i32
    "tpu.region"() ({
      %run_scoped3A_777 = tpu.sem_alloc : memref<!tpu.dma_semaphore, #tpu.memory_space<semaphore_mem>>
      %dma_start3A_778 = arith.constant 0 : i32
      %dma_start3A_779 = tpu.memref_slice %arg10[%dma_start3A_778] : memref<8192xf32, #tpu.memory_space<vmem>> -> memref<512xf32, #tpu.memory_space<vmem>>
      %dma_start3A_780 = tpu.memref_slice %arg17[%run_scoped3A_448, %mul3A_437] : memref<2x8192xf32, #tpu.memory_space<vmem_shared>> -> memref<1x512xf32, #tpu.memory_space<vmem_shared>>
      %dma_start3A_781 = tpu.memref_squeeze %dma_start3A_780 : memref<1x512xf32, #tpu.memory_space<vmem_shared>> -> memref<512xf32, #tpu.memory_space<vmem_shared>>
      %dma_start3A_782 = tpu.memref_slice %arg17[%run_scoped3A_448, %mul3A_437] : memref<2x8192xf32, #tpu.memory_space<vmem_shared>> -> memref<1x512xf32, #tpu.memory_space<vmem_shared>>
      %dma_start3A_783 = tpu.memref_squeeze %dma_start3A_782 : memref<1x512xf32, #tpu.memory_space<vmem_shared>> -> memref<512xf32, #tpu.memory_space<vmem_shared>>
      %dma_start3A_784 = arith.constant 0 : i32
      %dma_start3A_785 = tpu.memref_slice %arg10[%dma_start3A_784] : memref<8192xf32, #tpu.memory_space<vmem>> -> memref<512xf32, #tpu.memory_space<vmem>>
      tpu.enqueue_dma source(%dma_start3A_785 : memref<512xf32, #tpu.memory_space<vmem>>) target(%dma_start3A_783 : memref<512xf32, #tpu.memory_space<vmem_shared>>) target_semaphore(%run_scoped3A_777 : memref<!tpu.dma_semaphore, #tpu.memory_space<semaphore_mem>>)
      %dma_wait3A_786 = arith.constant 0 : i32
      %dma_wait3A_787 = tpu.memref_slice %arg10[%dma_wait3A_786] : memref<8192xf32, #tpu.memory_space<vmem>> -> memref<512xf32, #tpu.memory_space<vmem>>
      %dma_wait3A_788 = tpu.memref_slice %arg17[%run_scoped3A_448, %mul3A_437] : memref<2x8192xf32, #tpu.memory_space<vmem_shared>> -> memref<1x512xf32, #tpu.memory_space<vmem_shared>>
      %dma_wait3A_789 = tpu.memref_squeeze %dma_wait3A_788 : memref<1x512xf32, #tpu.memory_space<vmem_shared>> -> memref<512xf32, #tpu.memory_space<vmem_shared>>
      %dma_wait3A_790 = tpu.memref_slice %arg17[%run_scoped3A_448, %mul3A_437] : memref<2x8192xf32, #tpu.memory_space<vmem_shared>> -> memref<1x512xf32, #tpu.memory_space<vmem_shared>>
      %dma_wait3A_791 = tpu.memref_squeeze %dma_wait3A_790 : memref<1x512xf32, #tpu.memory_space<vmem_shared>> -> memref<512xf32, #tpu.memory_space<vmem_shared>>
      %dma_wait3A_792 = arith.constant 0 : i32
      %dma_wait3A_793 = tpu.memref_slice %arg10[%dma_wait3A_792] : memref<8192xf32, #tpu.memory_space<vmem>> -> memref<512xf32, #tpu.memory_space<vmem>>
      tpu.wait_dma2 semaphore(%run_scoped3A_777 : memref<!tpu.dma_semaphore, #tpu.memory_space<semaphore_mem>>) src(%dma_wait3A_793 : memref<512xf32, #tpu.memory_space<vmem>>) dst(%dma_wait3A_791 : memref<512xf32, #tpu.memory_space<vmem_shared>>)
      tpu.yield
    }) : () -> ()
    %run_scoped3A_449 = arith.constant 1 : i32
    "tpu.region"() ({
      %run_scoped3A_777 = tpu.sem_alloc : memref<!tpu.dma_semaphore, #tpu.memory_space<semaphore_mem>>
      %dma_start3A_778 = arith.constant 512 : i32
      %dma_start3A_779 = tpu.memref_slice %arg10[%dma_start3A_778] : memref<8192xf32, #tpu.memory_space<vmem>> -> memref<512xf32, #tpu.memory_space<vmem>>
      %dma_start3A_780 = tpu.memref_slice %arg17[%run_scoped3A_449, %mul3A_437] : memref<2x8192xf32, #tpu.memory_space<vmem_shared>> -> memref<1x512xf32, #tpu.memory_space<vmem_shared>>
      %dma_start3A_781 = tpu.memref_squeeze %dma_start3A_780 : memref<1x512xf32, #tpu.memory_space<vmem_shared>> -> memref<512xf32, #tpu.memory_space<vmem_shared>>
      %dma_start3A_782 = tpu.memref_slice %arg17[%run_scoped3A_449, %mul3A_437] : memref<2x8192xf32, #tpu.memory_space<vmem_shared>> -> memref<1x512xf32, #tpu.memory_space<vmem_shared>>
      %dma_start3A_783 = tpu.memref_squeeze %dma_start3A_782 : memref<1x512xf32, #tpu.memory_space<vmem_shared>> -> memref<512xf32, #tpu.memory_space<vmem_shared>>
      %dma_start3A_784 = arith.constant 512 : i32
      %dma_start3A_785 = tpu.memref_slice %arg10[%dma_start3A_784] : memref<8192xf32, #tpu.memory_space<vmem>> -> memref<512xf32, #tpu.memory_space<vmem>>
      tpu.enqueue_dma source(%dma_start3A_785 : memref<512xf32, #tpu.memory_space<vmem>>) target(%dma_start3A_783 : memref<512xf32, #tpu.memory_space<vmem_shared>>) target_semaphore(%run_scoped3A_777 : memref<!tpu.dma_semaphore, #tpu.memory_space<semaphore_mem>>)
      %dma_wait3A_786 = arith.constant 512 : i32
      %dma_wait3A_787 = tpu.memref_slice %arg10[%dma_wait3A_786] : memref<8192xf32, #tpu.memory_space<vmem>> -> memref<512xf32, #tpu.memory_space<vmem>>
      %dma_wait3A_788 = tpu.memref_slice %arg17[%run_scoped3A_449, %mul3A_437] : memref<2x8192xf32, #tpu.memory_space<vmem_shared>> -> memref<1x512xf32, #tpu.memory_space<vmem_shared>>
      %dma_wait3A_789 = tpu.memref_squeeze %dma_wait3A_788 : memref<1x512xf32, #tpu.memory_space<vmem_shared>> -> memref<512xf32, #tpu.memory_space<vmem_shared>>
      %dma_wait3A_790 = tpu.memref_slice %arg17[%run_scoped3A_449, %mul3A_437] : memref<2x8192xf32, #tpu.memory_space<vmem_shared>> -> memref<1x512xf32, #tpu.memory_space<vmem_shared>>
      %dma_wait3A_791 = tpu.memref_squeeze %dma_wait3A_790 : memref<1x512xf32, #tpu.memory_space<vmem_shared>> -> memref<512xf32, #tpu.memory_space<vmem_shared>>
      %dma_wait3A_792 = arith.constant 512 : i32
      %dma_wait3A_793 = tpu.memref_slice %arg10[%dma_wait3A_792] : memref<8192xf32, #tpu.memory_space<vmem>> -> memref<512xf32, #tpu.memory_space<vmem>>
      tpu.wait_dma2 semaphore(%run_scoped3A_777 : memref<!tpu.dma_semaphore, #tpu.memory_space<semaphore_mem>>) src(%dma_wait3A_793 : memref<512xf32, #tpu.memory_space<vmem>>) dst(%dma_wait3A_791 : memref<512xf32, #tpu.memory_space<vmem_shared>>)
      tpu.yield
    }) : () -> ()
    %barrier3A_450 = arith.constant 0 : index
    tpu.barrier barrier_id(%barrier3A_450)
    %run_scoped3A_451 = arith.constant 0 : i32
    "tpu.region"() ({
      %run_scoped3A_777 = tpu.sem_alloc : memref<!tpu.dma_semaphore, #tpu.memory_space<semaphore_mem>>
      %dma_start3A_778 = arith.constant 0 : i32
      %dma_start3A_779 = tpu.memref_slice %arg8[%dma_start3A_778] : memref<33336xf32, #tpu.memory_space<vmem>> -> memref<8192xf32, #tpu.memory_space<vmem>>
      %dma_start3A_780 = arith.constant 0 : i32
      %dma_start3A_781 = tpu.memref_slice %arg17[%run_scoped3A_451, %dma_start3A_780] : memref<2x8192xf32, #tpu.memory_space<vmem_shared>> -> memref<1x8192xf32, #tpu.memory_space<vmem_shared>>
      %dma_start3A_782 = tpu.memref_squeeze %dma_start3A_781 : memref<1x8192xf32, #tpu.memory_space<vmem_shared>> -> memref<8192xf32, #tpu.memory_space<vmem_shared>>
      %dma_start3A_783 = arith.constant 0 : i32
      %dma_start3A_784 = tpu.memref_slice %arg8[%dma_start3A_783] : memref<33336xf32, #tpu.memory_space<vmem>> -> memref<8192xf32, #tpu.memory_space<vmem>>
      %dma_start3A_785 = arith.constant 0 : i32
      %dma_start3A_786 = tpu.memref_slice %arg17[%run_scoped3A_451, %dma_start3A_785] : memref<2x8192xf32, #tpu.memory_space<vmem_shared>> -> memref<1x8192xf32, #tpu.memory_space<vmem_shared>>
      %dma_start3A_787 = tpu.memref_squeeze %dma_start3A_786 : memref<1x8192xf32, #tpu.memory_space<vmem_shared>> -> memref<8192xf32, #tpu.memory_space<vmem_shared>>
      tpu.enqueue_dma source(%dma_start3A_787 : memref<8192xf32, #tpu.memory_space<vmem_shared>>) target(%dma_start3A_784 : memref<8192xf32, #tpu.memory_space<vmem>>) target_semaphore(%run_scoped3A_777 : memref<!tpu.dma_semaphore, #tpu.memory_space<semaphore_mem>>)
      %dma_wait3A_788 = arith.constant 0 : i32
      %dma_wait3A_789 = tpu.memref_slice %arg8[%dma_wait3A_788] : memref<33336xf32, #tpu.memory_space<vmem>> -> memref<8192xf32, #tpu.memory_space<vmem>>
      %dma_wait3A_790 = arith.constant 0 : i32
      %dma_wait3A_791 = tpu.memref_slice %arg17[%run_scoped3A_451, %dma_wait3A_790] : memref<2x8192xf32, #tpu.memory_space<vmem_shared>> -> memref<1x8192xf32, #tpu.memory_space<vmem_shared>>
      %dma_wait3A_792 = tpu.memref_squeeze %dma_wait3A_791 : memref<1x8192xf32, #tpu.memory_space<vmem_shared>> -> memref<8192xf32, #tpu.memory_space<vmem_shared>>
      %dma_wait3A_793 = arith.constant 0 : i32
      %dma_wait3A_794 = tpu.memref_slice %arg8[%dma_wait3A_793] : memref<33336xf32, #tpu.memory_space<vmem>> -> memref<8192xf32, #tpu.memory_space<vmem>>
      %dma_wait3A_795 = arith.constant 0 : i32
      %dma_wait3A_796 = tpu.memref_slice %arg17[%run_scoped3A_451, %dma_wait3A_795] : memref<2x8192xf32, #tpu.memory_space<vmem_shared>> -> memref<1x8192xf32, #tpu.memory_space<vmem_shared>>
      %dma_wait3A_797 = tpu.memref_squeeze %dma_wait3A_796 : memref<1x8192xf32, #tpu.memory_space<vmem_shared>> -> memref<8192xf32, #tpu.memory_space<vmem_shared>>
      tpu.wait_dma2 semaphore(%run_scoped3A_777 : memref<!tpu.dma_semaphore, #tpu.memory_space<semaphore_mem>>) src(%dma_wait3A_797 : memref<8192xf32, #tpu.memory_space<vmem_shared>>) dst(%dma_wait3A_794 : memref<8192xf32, #tpu.memory_space<vmem>>)
      tpu.yield
    }) : () -> ()
    %run_scoped3A_452 = arith.constant 1 : i32
    "tpu.region"() ({
      %run_scoped3A_777 = tpu.sem_alloc : memref<!tpu.dma_semaphore, #tpu.memory_space<semaphore_mem>>
      %dma_start3A_778 = arith.constant 8192 : i32
      %dma_start3A_779 = tpu.memref_slice %arg8[%dma_start3A_778] : memref<33336xf32, #tpu.memory_space<vmem>> -> memref<8192xf32, #tpu.memory_space<vmem>>
      %dma_start3A_780 = arith.constant 0 : i32
      %dma_start3A_781 = tpu.memref_slice %arg17[%run_scoped3A_452, %dma_start3A_780] : memref<2x8192xf32, #tpu.memory_space<vmem_shared>> -> memref<1x8192xf32, #tpu.memory_space<vmem_shared>>
      %dma_start3A_782 = tpu.memref_squeeze %dma_start3A_781 : memref<1x8192xf32, #tpu.memory_space<vmem_shared>> -> memref<8192xf32, #tpu.memory_space<vmem_shared>>
      %dma_start3A_783 = arith.constant 8192 : i32
      %dma_start3A_784 = tpu.memref_slice %arg8[%dma_start3A_783] : memref<33336xf32, #tpu.memory_space<vmem>> -> memref<8192xf32, #tpu.memory_space<vmem>>
      %dma_start3A_785 = arith.constant 0 : i32
      %dma_start3A_786 = tpu.memref_slice %arg17[%run_scoped3A_452, %dma_start3A_785] : memref<2x8192xf32, #tpu.memory_space<vmem_shared>> -> memref<1x8192xf32, #tpu.memory_space<vmem_shared>>
      %dma_start3A_787 = tpu.memref_squeeze %dma_start3A_786 : memref<1x8192xf32, #tpu.memory_space<vmem_shared>> -> memref<8192xf32, #tpu.memory_space<vmem_shared>>
      tpu.enqueue_dma source(%dma_start3A_787 : memref<8192xf32, #tpu.memory_space<vmem_shared>>) target(%dma_start3A_784 : memref<8192xf32, #tpu.memory_space<vmem>>) target_semaphore(%run_scoped3A_777 : memref<!tpu.dma_semaphore, #tpu.memory_space<semaphore_mem>>)
      %dma_wait3A_788 = arith.constant 8192 : i32
      %dma_wait3A_789 = tpu.memref_slice %arg8[%dma_wait3A_788] : memref<33336xf32, #tpu.memory_space<vmem>> -> memref<8192xf32, #tpu.memory_space<vmem>>
      %dma_wait3A_790 = arith.constant 0 : i32
      %dma_wait3A_791 = tpu.memref_slice %arg17[%run_scoped3A_452, %dma_wait3A_790] : memref<2x8192xf32, #tpu.memory_space<vmem_shared>> -> memref<1x8192xf32, #tpu.memory_space<vmem_shared>>
      %dma_wait3A_792 = tpu.memref_squeeze %dma_wait3A_791 : memref<1x8192xf32, #tpu.memory_space<vmem_shared>> -> memref<8192xf32, #tpu.memory_space<vmem_shared>>
      %dma_wait3A_793 = arith.constant 8192 : i32
      %dma_wait3A_794 = tpu.memref_slice %arg8[%dma_wait3A_793] : memref<33336xf32, #tpu.memory_space<vmem>> -> memref<8192xf32, #tpu.memory_space<vmem>>
      %dma_wait3A_795 = arith.constant 0 : i32
      %dma_wait3A_796 = tpu.memref_slice %arg17[%run_scoped3A_452, %dma_wait3A_795] : memref<2x8192xf32, #tpu.memory_space<vmem_shared>> -> memref<1x8192xf32, #tpu.memory_space<vmem_shared>>
      %dma_wait3A_797 = tpu.memref_squeeze %dma_wait3A_796 : memref<1x8192xf32, #tpu.memory_space<vmem_shared>> -> memref<8192xf32, #tpu.memory_space<vmem_shared>>
      tpu.wait_dma2 semaphore(%run_scoped3A_777 : memref<!tpu.dma_semaphore, #tpu.memory_space<semaphore_mem>>) src(%dma_wait3A_797 : memref<8192xf32, #tpu.memory_space<vmem_shared>>) dst(%dma_wait3A_794 : memref<8192xf32, #tpu.memory_space<vmem>>)
      tpu.yield
    }) : () -> ()
    %mul3A_453 = arith.constant 4 : i32
    %mul3A_454 = arith.muli %arg1, %mul3A_453 : i32
    %add3A_455 = arith.constant 0 : i32
    %add3A_456 = arith.addi %mul3A_454, %add3A_455 : i32
    %jit3A = arith.constant 16 : i32
    %div3A = arith.divsi %add3A_456, %jit3A : i32
    %sign3A = arith.constant 0 : i32
    %sign3A_457 = arith.cmpi sgt, %add3A_456, %sign3A : i32
    %sign3A_458 = arith.extui %sign3A_457 : i1 to i32
    %sign3A_459 = arith.constant 0 : i32
    %sign3A_460 = arith.cmpi slt, %add3A_456, %sign3A_459 : i32
    %sign3A_461 = arith.extui %sign3A_460 : i1 to i32
    %sign3A_462 = arith.subi %sign3A_458, %sign3A_461 : i32
    %sign3A_463 = arith.constant 0 : i32
    %sign3A_464 = arith.cmpi sgt, %jit3A, %sign3A_463 : i32
    %sign3A_465 = arith.extui %sign3A_464 : i1 to i32
    %sign3A_466 = arith.constant 0 : i32
    %sign3A_467 = arith.cmpi slt, %jit3A, %sign3A_466 : i32
    %sign3A_468 = arith.extui %sign3A_467 : i1 to i32
    %sign3A_469 = arith.subi %sign3A_465, %sign3A_468 : i32
    %ne3A = arith.cmpi ne, %sign3A_462, %sign3A_469 : i32
    %rem3A = arith.remsi %add3A_456, %jit3A : i32
    %ne3A_470 = arith.constant 0 : i32
    %ne3A_471 = arith.cmpi ne, %rem3A, %ne3A_470 : i32
    %and3A = arith.andi %ne3A, %ne3A_471 : i1
    %sub3A = arith.constant 1 : i32
    %sub3A_472 = arith.subi %div3A, %sub3A : i32
    %select_n3A = arith.select %and3A, %sub3A_472, %div3A : i32
    %mul3A_473 = arith.constant 16 : i32
    %mul3A_474 = arith.muli %select_n3A, %mul3A_473 : i32
    %sub3A_475 = arith.subi %add3A_456, %mul3A_474 : i32
    %get3A = arith.index_cast %mul3A_474 : i32 to index
    %get3A_476 = tpu.vector_load %arg14[%get3A] {strides = array<i32>} : memref<64xf32, #tpu.memory_space<vmem>>, vector<16xf32>,
    %broadcast_in_dim3A = vector.broadcast %sub3A_475 : i32 to vector<16xi32>
    %lt3A = arith.constant 0 : i32
    %lt3A_477 = vector.broadcast %lt3A : i32 to vector<16xi32>
    %lt3A_478 = arith.cmpi slt, %broadcast_in_dim3A, %lt3A_477 : vector<16xi32>
    %add3A_479 = arith.constant 16 : i32
    %add3A_480 = vector.broadcast %add3A_479 : i32 to vector<16xi32>
    %add3A_481 = arith.addi %broadcast_in_dim3A, %add3A_480 : vector<16xi32>
    %select_n3A_482 = arith.select %lt3A_478, %add3A_481, %broadcast_in_dim3A : vector<16xi1>, vector<16xi32>
    %broadcast_in_dim3A_483 = vector.shape_cast %select_n3A_482 : vector<16xi32> to vector<16x1xi32>
    %gather3A = vector.shape_cast %broadcast_in_dim3A_483 : vector<16x1xi32> to vector<16xi32>
    %gather3A_484 = tpu.dynamic_gather %get3A_476[%gather3A] in [0] : vector<16xf32>, vector<16xi32> -> vector<16xf32>
    %get3A_485 = arith.index_cast %mul3A_474 : i32 to index
    %get3A_486 = tpu.vector_load %arg15[%get3A_485] {strides = array<i32>} : memref<64xf32, #tpu.memory_space<vmem>>, vector<16xf32>,
    %broadcast_in_dim3A_487 = vector.broadcast %sub3A_475 : i32 to vector<16xi32>
    %lt3A_488 = arith.constant 0 : i32
    %lt3A_489 = vector.broadcast %lt3A_488 : i32 to vector<16xi32>
    %lt3A_490 = arith.cmpi slt, %broadcast_in_dim3A_487, %lt3A_489 : vector<16xi32>
    %add3A_491 = arith.constant 16 : i32
    %add3A_492 = vector.broadcast %add3A_491 : i32 to vector<16xi32>
    %add3A_493 = arith.addi %broadcast_in_dim3A_487, %add3A_492 : vector<16xi32>
    %select_n3A_494 = arith.select %lt3A_490, %add3A_493, %broadcast_in_dim3A_487 : vector<16xi1>, vector<16xi32>
    %broadcast_in_dim3A_495 = vector.shape_cast %select_n3A_494 : vector<16xi32> to vector<16x1xi32>
    %gather3A_496 = vector.shape_cast %broadcast_in_dim3A_495 : vector<16x1xi32> to vector<16xi32>
    %gather3A_497 = tpu.dynamic_gather %get3A_486[%gather3A_496] in [0] : vector<16xf32>, vector<16xi32> -> vector<16xf32>
    %dma_wait3A_498 = arith.constant 0 : i32
    %dma_wait3A_499 = tpu.memref_slice %arg9[%dma_wait3A_498] : memref<33336xf32, #tpu.memory_space<vmem>> -> memref<8192xf32, #tpu.memory_space<vmem>>
    %dma_wait3A_500 = tpu.memref_slice %arg6[%add3A_396, %mul3A_0] : memref<64x16384xf32, #tpu.memory_space<hbm>> -> memref<1x8192xf32, #tpu.memory_space<hbm>>
    %dma_wait3A_501 = tpu.memref_squeeze %dma_wait3A_500 : memref<1x8192xf32, #tpu.memory_space<hbm>> -> memref<8192xf32, #tpu.memory_space<hbm>>
    %dma_wait3A_502 = arith.constant 0 : i32
    %dma_wait3A_503 = tpu.memref_slice %arg9[%dma_wait3A_502] : memref<33336xf32, #tpu.memory_space<vmem>> -> memref<8192xf32, #tpu.memory_space<vmem>>
    %dma_wait3A_504 = tpu.memref_slice %arg6[%add3A_396, %mul3A_0] : memref<64x16384xf32, #tpu.memory_space<hbm>> -> memref<1x8192xf32, #tpu.memory_space<hbm>>
    %dma_wait3A_505 = tpu.memref_squeeze %dma_wait3A_504 : memref<1x8192xf32, #tpu.memory_space<hbm>> -> memref<8192xf32, #tpu.memory_space<hbm>>
    tpu.wait_dma2 semaphore(%arg21 : memref<!tpu.dma_semaphore, #tpu.memory_space<semaphore_mem>>) src(%dma_wait3A_505 : memref<8192xf32, #tpu.memory_space<hbm>>) dst(%dma_wait3A_503 : memref<8192xf32, #tpu.memory_space<vmem>>)
    %parallel_loop3A_506 = arith.constant 0 : i32
    %parallel_loop3A_507 = arith.constant 512 : i32
    %parallel_loop3A_508 = arith.constant 1 : i32
    scf.for %parallel_loop3A_777 = %parallel_loop3A_506 to %parallel_loop3A_507 step %parallel_loop3A_508  : i32 {
      %parallel_loop3A_778 = arith.constant 16 : i32
      %parallel_loop3A_779 = arith.muli %parallel_loop3A_777, %parallel_loop3A_778 : i32
      %parallel_loop3A_780 = arith.constant 0 : i32
      %parallel_loop3A_781 = arith.addi %parallel_loop3A_780, %parallel_loop3A_779 : i32
      %parallel_loop3A_782 = arith.constant 16 : i32
      %parallel_loop3A_783 = arith.muli %parallel_loop3A_777, %parallel_loop3A_782 : i32
      %parallel_loop3A_784 = arith.index_cast %parallel_loop3A_783 : i32 to index
      %parallel_loop3A_785 = tpu.vector_load %arg8[%parallel_loop3A_784] {strides = array<i32>} : memref<33336xf32, #tpu.memory_space<vmem>>, vector<16xf32>,
      %parallel_loop3A_786 = arith.constant 16 : i32
      %parallel_loop3A_787 = arith.muli %parallel_loop3A_777, %parallel_loop3A_786 : i32
      %parallel_loop3A_788 = arith.constant 8192 : i32
      %parallel_loop3A_789 = arith.addi %parallel_loop3A_788, %parallel_loop3A_787 : i32
      %parallel_loop3A_790 = arith.index_cast %parallel_loop3A_789 : i32 to index
      %parallel_loop3A_791 = tpu.vector_load %arg8[%parallel_loop3A_790] {strides = array<i32>} : memref<33336xf32, #tpu.memory_space<vmem>>, vector<16xf32>,
      %parallel_loop3A_792 = arith.index_cast %parallel_loop3A_781 : i32 to index
      %parallel_loop3A_793 = tpu.vector_load %arg9[%parallel_loop3A_792] {strides = array<i32>} : memref<33336xf32, #tpu.memory_space<vmem>>, vector<16xf32>,
      %parallel_loop3A_794 = arith.subf %parallel_loop3A_793, %parallel_loop3A_785 : vector<16xf32>
      %parallel_loop3A_795 = arith.mulf %parallel_loop3A_794, %parallel_loop3A_791 : vector<16xf32>
      %parallel_loop3A_796 = arith.mulf %parallel_loop3A_795, %gather3A_484 : vector<16xf32>
      %parallel_loop3A_797 = arith.addf %parallel_loop3A_796, %gather3A_497 : vector<16xf32>
      %parallel_loop3A_798 = arith.index_cast %parallel_loop3A_781 : i32 to index
      %parallel_loop3A_799 = tpu.vector_load %arg9[%parallel_loop3A_798] {strides = array<i32>} : memref<33336xf32, #tpu.memory_space<vmem>>, vector<16xf32>,
      tpu.vector_store %arg9[%parallel_loop3A_798], %parallel_loop3A_797 {strides = array<i32>} : memref<33336xf32, #tpu.memory_space<vmem>>, vector<16xf32>,
    } {sc.loop_unroll_factor = 8 : i64, sc.parallel_access}
    %dma_start3A_509 = arith.constant 0 : i32
    %dma_start3A_510 = tpu.memref_slice %arg9[%dma_start3A_509] : memref<33336xf32, #tpu.memory_space<vmem>> -> memref<8192xf32, #tpu.memory_space<vmem>>
    %dma_start3A_511 = tpu.memref_slice %arg6[%add3A_456, %mul3A_0] : memref<64x16384xf32, #tpu.memory_space<hbm>> -> memref<1x8192xf32, #tpu.memory_space<hbm>>
    %dma_start3A_512 = tpu.memref_squeeze %dma_start3A_511 : memref<1x8192xf32, #tpu.memory_space<hbm>> -> memref<8192xf32, #tpu.memory_space<hbm>>
    %dma_start3A_513 = tpu.memref_slice %arg6[%add3A_456, %mul3A_0] : memref<64x16384xf32, #tpu.memory_space<hbm>> -> memref<1x8192xf32, #tpu.memory_space<hbm>>
    %dma_start3A_514 = tpu.memref_squeeze %dma_start3A_513 : memref<1x8192xf32, #tpu.memory_space<hbm>> -> memref<8192xf32, #tpu.memory_space<hbm>>
    %dma_start3A_515 = arith.constant 0 : i32
    %dma_start3A_516 = tpu.memref_slice %arg9[%dma_start3A_515] : memref<33336xf32, #tpu.memory_space<vmem>> -> memref<8192xf32, #tpu.memory_space<vmem>>
    tpu.enqueue_dma source(%dma_start3A_516 : memref<8192xf32, #tpu.memory_space<vmem>>) target(%dma_start3A_514 : memref<8192xf32, #tpu.memory_space<hbm>>) target_semaphore(%arg20 : memref<!tpu.dma_semaphore, #tpu.memory_space<semaphore_mem>>)
    %mul3A_517 = arith.constant 4 : i32
    %mul3A_518 = arith.muli %arg1, %mul3A_517 : i32
    %add3A_519 = arith.constant 1 : i32
    %add3A_520 = arith.addi %mul3A_518, %add3A_519 : i32
    %jit3A_521 = arith.constant 16 : i32
    %div3A_522 = arith.divsi %add3A_520, %jit3A_521 : i32
    %sign3A_523 = arith.constant 0 : i32
    %sign3A_524 = arith.cmpi sgt, %add3A_520, %sign3A_523 : i32
    %sign3A_525 = arith.extui %sign3A_524 : i1 to i32
    %sign3A_526 = arith.constant 0 : i32
    %sign3A_527 = arith.cmpi slt, %add3A_520, %sign3A_526 : i32
    %sign3A_528 = arith.extui %sign3A_527 : i1 to i32
    %sign3A_529 = arith.subi %sign3A_525, %sign3A_528 : i32
    %sign3A_530 = arith.constant 0 : i32
    %sign3A_531 = arith.cmpi sgt, %jit3A_521, %sign3A_530 : i32
    %sign3A_532 = arith.extui %sign3A_531 : i1 to i32
    %sign3A_533 = arith.constant 0 : i32
    %sign3A_534 = arith.cmpi slt, %jit3A_521, %sign3A_533 : i32
    %sign3A_535 = arith.extui %sign3A_534 : i1 to i32
    %sign3A_536 = arith.subi %sign3A_532, %sign3A_535 : i32
    %ne3A_537 = arith.cmpi ne, %sign3A_529, %sign3A_536 : i32
    %rem3A_538 = arith.remsi %add3A_520, %jit3A_521 : i32
    %ne3A_539 = arith.constant 0 : i32
    %ne3A_540 = arith.cmpi ne, %rem3A_538, %ne3A_539 : i32
    %and3A_541 = arith.andi %ne3A_537, %ne3A_540 : i1
    %sub3A_542 = arith.constant 1 : i32
    %sub3A_543 = arith.subi %div3A_522, %sub3A_542 : i32
    %select_n3A_544 = arith.select %and3A_541, %sub3A_543, %div3A_522 : i32
    %mul3A_545 = arith.constant 16 : i32
    %mul3A_546 = arith.muli %select_n3A_544, %mul3A_545 : i32
    %sub3A_547 = arith.subi %add3A_520, %mul3A_546 : i32
    %get3A_548 = arith.index_cast %mul3A_546 : i32 to index
    %get3A_549 = tpu.vector_load %arg14[%get3A_548] {strides = array<i32>} : memref<64xf32, #tpu.memory_space<vmem>>, vector<16xf32>,
    %broadcast_in_dim3A_550 = vector.broadcast %sub3A_547 : i32 to vector<16xi32>
    %lt3A_551 = arith.constant 0 : i32
    %lt3A_552 = vector.broadcast %lt3A_551 : i32 to vector<16xi32>
    %lt3A_553 = arith.cmpi slt, %broadcast_in_dim3A_550, %lt3A_552 : vector<16xi32>
    %add3A_554 = arith.constant 16 : i32
    %add3A_555 = vector.broadcast %add3A_554 : i32 to vector<16xi32>
    %add3A_556 = arith.addi %broadcast_in_dim3A_550, %add3A_555 : vector<16xi32>
    %select_n3A_557 = arith.select %lt3A_553, %add3A_556, %broadcast_in_dim3A_550 : vector<16xi1>, vector<16xi32>
    %broadcast_in_dim3A_558 = vector.shape_cast %select_n3A_557 : vector<16xi32> to vector<16x1xi32>
    %gather3A_559 = vector.shape_cast %broadcast_in_dim3A_558 : vector<16x1xi32> to vector<16xi32>
    %gather3A_560 = tpu.dynamic_gather %get3A_549[%gather3A_559] in [0] : vector<16xf32>, vector<16xi32> -> vector<16xf32>
    %get3A_561 = arith.index_cast %mul3A_546 : i32 to index
    %get3A_562 = tpu.vector_load %arg15[%get3A_561] {strides = array<i32>} : memref<64xf32, #tpu.memory_space<vmem>>, vector<16xf32>,
    %broadcast_in_dim3A_563 = vector.broadcast %sub3A_547 : i32 to vector<16xi32>
    %lt3A_564 = arith.constant 0 : i32
    %lt3A_565 = vector.broadcast %lt3A_564 : i32 to vector<16xi32>
    %lt3A_566 = arith.cmpi slt, %broadcast_in_dim3A_563, %lt3A_565 : vector<16xi32>
    %add3A_567 = arith.constant 16 : i32
    %add3A_568 = vector.broadcast %add3A_567 : i32 to vector<16xi32>
    %add3A_569 = arith.addi %broadcast_in_dim3A_563, %add3A_568 : vector<16xi32>
    %select_n3A_570 = arith.select %lt3A_566, %add3A_569, %broadcast_in_dim3A_563 : vector<16xi1>, vector<16xi32>
    %broadcast_in_dim3A_571 = vector.shape_cast %select_n3A_570 : vector<16xi32> to vector<16x1xi32>
    %gather3A_572 = vector.shape_cast %broadcast_in_dim3A_571 : vector<16x1xi32> to vector<16xi32>
    %gather3A_573 = tpu.dynamic_gather %get3A_562[%gather3A_572] in [0] : vector<16xf32>, vector<16xi32> -> vector<16xf32>
    %dma_wait3A_574 = arith.constant 8192 : i32
    %dma_wait3A_575 = tpu.memref_slice %arg9[%dma_wait3A_574] : memref<33336xf32, #tpu.memory_space<vmem>> -> memref<8192xf32, #tpu.memory_space<vmem>>
    %dma_wait3A_576 = tpu.memref_slice %arg6[%add3A_406, %mul3A_0] : memref<64x16384xf32, #tpu.memory_space<hbm>> -> memref<1x8192xf32, #tpu.memory_space<hbm>>
    %dma_wait3A_577 = tpu.memref_squeeze %dma_wait3A_576 : memref<1x8192xf32, #tpu.memory_space<hbm>> -> memref<8192xf32, #tpu.memory_space<hbm>>
    %dma_wait3A_578 = arith.constant 8192 : i32
    %dma_wait3A_579 = tpu.memref_slice %arg9[%dma_wait3A_578] : memref<33336xf32, #tpu.memory_space<vmem>> -> memref<8192xf32, #tpu.memory_space<vmem>>
    %dma_wait3A_580 = tpu.memref_slice %arg6[%add3A_406, %mul3A_0] : memref<64x16384xf32, #tpu.memory_space<hbm>> -> memref<1x8192xf32, #tpu.memory_space<hbm>>
    %dma_wait3A_581 = tpu.memref_squeeze %dma_wait3A_580 : memref<1x8192xf32, #tpu.memory_space<hbm>> -> memref<8192xf32, #tpu.memory_space<hbm>>
    tpu.wait_dma2 semaphore(%arg21 : memref<!tpu.dma_semaphore, #tpu.memory_space<semaphore_mem>>) src(%dma_wait3A_581 : memref<8192xf32, #tpu.memory_space<hbm>>) dst(%dma_wait3A_579 : memref<8192xf32, #tpu.memory_space<vmem>>)
    %parallel_loop3A_582 = arith.constant 0 : i32
    %parallel_loop3A_583 = arith.constant 512 : i32
    %parallel_loop3A_584 = arith.constant 1 : i32
    scf.for %parallel_loop3A_777 = %parallel_loop3A_582 to %parallel_loop3A_583 step %parallel_loop3A_584  : i32 {
      %parallel_loop3A_778 = arith.constant 16 : i32
      %parallel_loop3A_779 = arith.muli %parallel_loop3A_777, %parallel_loop3A_778 : i32
      %parallel_loop3A_780 = arith.constant 8192 : i32
      %parallel_loop3A_781 = arith.addi %parallel_loop3A_780, %parallel_loop3A_779 : i32
      %parallel_loop3A_782 = arith.constant 16 : i32
      %parallel_loop3A_783 = arith.muli %parallel_loop3A_777, %parallel_loop3A_782 : i32
      %parallel_loop3A_784 = arith.index_cast %parallel_loop3A_783 : i32 to index
      %parallel_loop3A_785 = tpu.vector_load %arg8[%parallel_loop3A_784] {strides = array<i32>} : memref<33336xf32, #tpu.memory_space<vmem>>, vector<16xf32>,
      %parallel_loop3A_786 = arith.constant 16 : i32
      %parallel_loop3A_787 = arith.muli %parallel_loop3A_777, %parallel_loop3A_786 : i32
      %parallel_loop3A_788 = arith.constant 8192 : i32
      %parallel_loop3A_789 = arith.addi %parallel_loop3A_788, %parallel_loop3A_787 : i32
      %parallel_loop3A_790 = arith.index_cast %parallel_loop3A_789 : i32 to index
      %parallel_loop3A_791 = tpu.vector_load %arg8[%parallel_loop3A_790] {strides = array<i32>} : memref<33336xf32, #tpu.memory_space<vmem>>, vector<16xf32>,
      %parallel_loop3A_792 = arith.index_cast %parallel_loop3A_781 : i32 to index
      %parallel_loop3A_793 = tpu.vector_load %arg9[%parallel_loop3A_792] {strides = array<i32>} : memref<33336xf32, #tpu.memory_space<vmem>>, vector<16xf32>,
      %parallel_loop3A_794 = arith.subf %parallel_loop3A_793, %parallel_loop3A_785 : vector<16xf32>
      %parallel_loop3A_795 = arith.mulf %parallel_loop3A_794, %parallel_loop3A_791 : vector<16xf32>
      %parallel_loop3A_796 = arith.mulf %parallel_loop3A_795, %gather3A_560 : vector<16xf32>
      %parallel_loop3A_797 = arith.addf %parallel_loop3A_796, %gather3A_573 : vector<16xf32>
      %parallel_loop3A_798 = arith.index_cast %parallel_loop3A_781 : i32 to index
      %parallel_loop3A_799 = tpu.vector_load %arg9[%parallel_loop3A_798] {strides = array<i32>} : memref<33336xf32, #tpu.memory_space<vmem>>, vector<16xf32>,
      tpu.vector_store %arg9[%parallel_loop3A_798], %parallel_loop3A_797 {strides = array<i32>} : memref<33336xf32, #tpu.memory_space<vmem>>, vector<16xf32>,
    } {sc.loop_unroll_factor = 8 : i64, sc.parallel_access}
    %dma_start3A_585 = arith.constant 8192 : i32
    %dma_start3A_586 = tpu.memref_slice %arg9[%dma_start3A_585] : memref<33336xf32, #tpu.memory_space<vmem>> -> memref<8192xf32, #tpu.memory_space<vmem>>
    %dma_start3A_587 = tpu.memref_slice %arg6[%add3A_520, %mul3A_0] : memref<64x16384xf32, #tpu.memory_space<hbm>> -> memref<1x8192xf32, #tpu.memory_space<hbm>>
    %dma_start3A_588 = tpu.memref_squeeze %dma_start3A_587 : memref<1x8192xf32, #tpu.memory_space<hbm>> -> memref<8192xf32, #tpu.memory_space<hbm>>
    %dma_start3A_589 = tpu.memref_slice %arg6[%add3A_520, %mul3A_0] : memref<64x16384xf32, #tpu.memory_space<hbm>> -> memref<1x8192xf32, #tpu.memory_space<hbm>>
    %dma_start3A_590 = tpu.memref_squeeze %dma_start3A_589 : memref<1x8192xf32, #tpu.memory_space<hbm>> -> memref<8192xf32, #tpu.memory_space<hbm>>
    %dma_start3A_591 = arith.constant 8192 : i32
    %dma_start3A_592 = tpu.memref_slice %arg9[%dma_start3A_591] : memref<33336xf32, #tpu.memory_space<vmem>> -> memref<8192xf32, #tpu.memory_space<vmem>>
    tpu.enqueue_dma source(%dma_start3A_592 : memref<8192xf32, #tpu.memory_space<vmem>>) target(%dma_start3A_590 : memref<8192xf32, #tpu.memory_space<hbm>>) target_semaphore(%arg20 : memref<!tpu.dma_semaphore, #tpu.memory_space<semaphore_mem>>)
    %mul3A_593 = arith.constant 4 : i32
    %mul3A_594 = arith.muli %arg1, %mul3A_593 : i32
    %add3A_595 = arith.constant 2 : i32
    %add3A_596 = arith.addi %mul3A_594, %add3A_595 : i32
    %jit3A_597 = arith.constant 16 : i32
    %div3A_598 = arith.divsi %add3A_596, %jit3A_597 : i32
    %sign3A_599 = arith.constant 0 : i32
    %sign3A_600 = arith.cmpi sgt, %add3A_596, %sign3A_599 : i32
    %sign3A_601 = arith.extui %sign3A_600 : i1 to i32
    %sign3A_602 = arith.constant 0 : i32
    %sign3A_603 = arith.cmpi slt, %add3A_596, %sign3A_602 : i32
    %sign3A_604 = arith.extui %sign3A_603 : i1 to i32
    %sign3A_605 = arith.subi %sign3A_601, %sign3A_604 : i32
    %sign3A_606 = arith.constant 0 : i32
    %sign3A_607 = arith.cmpi sgt, %jit3A_597, %sign3A_606 : i32
    %sign3A_608 = arith.extui %sign3A_607 : i1 to i32
    %sign3A_609 = arith.constant 0 : i32
    %sign3A_610 = arith.cmpi slt, %jit3A_597, %sign3A_609 : i32
    %sign3A_611 = arith.extui %sign3A_610 : i1 to i32
    %sign3A_612 = arith.subi %sign3A_608, %sign3A_611 : i32
    %ne3A_613 = arith.cmpi ne, %sign3A_605, %sign3A_612 : i32
    %rem3A_614 = arith.remsi %add3A_596, %jit3A_597 : i32
    %ne3A_615 = arith.constant 0 : i32
    %ne3A_616 = arith.cmpi ne, %rem3A_614, %ne3A_615 : i32
    %and3A_617 = arith.andi %ne3A_613, %ne3A_616 : i1
    %sub3A_618 = arith.constant 1 : i32
    %sub3A_619 = arith.subi %div3A_598, %sub3A_618 : i32
    %select_n3A_620 = arith.select %and3A_617, %sub3A_619, %div3A_598 : i32
    %mul3A_621 = arith.constant 16 : i32
    %mul3A_622 = arith.muli %select_n3A_620, %mul3A_621 : i32
    %sub3A_623 = arith.subi %add3A_596, %mul3A_622 : i32
    %get3A_624 = arith.index_cast %mul3A_622 : i32 to index
    %get3A_625 = tpu.vector_load %arg14[%get3A_624] {strides = array<i32>} : memref<64xf32, #tpu.memory_space<vmem>>, vector<16xf32>,
    %broadcast_in_dim3A_626 = vector.broadcast %sub3A_623 : i32 to vector<16xi32>
    %lt3A_627 = arith.constant 0 : i32
    %lt3A_628 = vector.broadcast %lt3A_627 : i32 to vector<16xi32>
    %lt3A_629 = arith.cmpi slt, %broadcast_in_dim3A_626, %lt3A_628 : vector<16xi32>
    %add3A_630 = arith.constant 16 : i32
    %add3A_631 = vector.broadcast %add3A_630 : i32 to vector<16xi32>
    %add3A_632 = arith.addi %broadcast_in_dim3A_626, %add3A_631 : vector<16xi32>
    %select_n3A_633 = arith.select %lt3A_629, %add3A_632, %broadcast_in_dim3A_626 : vector<16xi1>, vector<16xi32>
    %broadcast_in_dim3A_634 = vector.shape_cast %select_n3A_633 : vector<16xi32> to vector<16x1xi32>
    %gather3A_635 = vector.shape_cast %broadcast_in_dim3A_634 : vector<16x1xi32> to vector<16xi32>
    %gather3A_636 = tpu.dynamic_gather %get3A_625[%gather3A_635] in [0] : vector<16xf32>, vector<16xi32> -> vector<16xf32>
    %get3A_637 = arith.index_cast %mul3A_622 : i32 to index
    %get3A_638 = tpu.vector_load %arg15[%get3A_637] {strides = array<i32>} : memref<64xf32, #tpu.memory_space<vmem>>, vector<16xf32>,
    %broadcast_in_dim3A_639 = vector.broadcast %sub3A_623 : i32 to vector<16xi32>
    %lt3A_640 = arith.constant 0 : i32
    %lt3A_641 = vector.broadcast %lt3A_640 : i32 to vector<16xi32>
    %lt3A_642 = arith.cmpi slt, %broadcast_in_dim3A_639, %lt3A_641 : vector<16xi32>
    %add3A_643 = arith.constant 16 : i32
    %add3A_644 = vector.broadcast %add3A_643 : i32 to vector<16xi32>
    %add3A_645 = arith.addi %broadcast_in_dim3A_639, %add3A_644 : vector<16xi32>
    %select_n3A_646 = arith.select %lt3A_642, %add3A_645, %broadcast_in_dim3A_639 : vector<16xi1>, vector<16xi32>
    %broadcast_in_dim3A_647 = vector.shape_cast %select_n3A_646 : vector<16xi32> to vector<16x1xi32>
    %gather3A_648 = vector.shape_cast %broadcast_in_dim3A_647 : vector<16x1xi32> to vector<16xi32>
    %gather3A_649 = tpu.dynamic_gather %get3A_638[%gather3A_648] in [0] : vector<16xf32>, vector<16xi32> -> vector<16xf32>
    %dma_wait3A_650 = arith.constant 16384 : i32
    %dma_wait3A_651 = tpu.memref_slice %arg9[%dma_wait3A_650] : memref<33336xf32, #tpu.memory_space<vmem>> -> memref<8192xf32, #tpu.memory_space<vmem>>
    %dma_wait3A_652 = tpu.memref_slice %arg6[%add3A_416, %mul3A_0] : memref<64x16384xf32, #tpu.memory_space<hbm>> -> memref<1x8192xf32, #tpu.memory_space<hbm>>
    %dma_wait3A_653 = tpu.memref_squeeze %dma_wait3A_652 : memref<1x8192xf32, #tpu.memory_space<hbm>> -> memref<8192xf32, #tpu.memory_space<hbm>>
    %dma_wait3A_654 = arith.constant 16384 : i32
    %dma_wait3A_655 = tpu.memref_slice %arg9[%dma_wait3A_654] : memref<33336xf32, #tpu.memory_space<vmem>> -> memref<8192xf32, #tpu.memory_space<vmem>>
    %dma_wait3A_656 = tpu.memref_slice %arg6[%add3A_416, %mul3A_0] : memref<64x16384xf32, #tpu.memory_space<hbm>> -> memref<1x8192xf32, #tpu.memory_space<hbm>>
    %dma_wait3A_657 = tpu.memref_squeeze %dma_wait3A_656 : memref<1x8192xf32, #tpu.memory_space<hbm>> -> memref<8192xf32, #tpu.memory_space<hbm>>
    tpu.wait_dma2 semaphore(%arg21 : memref<!tpu.dma_semaphore, #tpu.memory_space<semaphore_mem>>) src(%dma_wait3A_657 : memref<8192xf32, #tpu.memory_space<hbm>>) dst(%dma_wait3A_655 : memref<8192xf32, #tpu.memory_space<vmem>>)
    %parallel_loop3A_658 = arith.constant 0 : i32
    %parallel_loop3A_659 = arith.constant 512 : i32
    %parallel_loop3A_660 = arith.constant 1 : i32
    scf.for %parallel_loop3A_777 = %parallel_loop3A_658 to %parallel_loop3A_659 step %parallel_loop3A_660  : i32 {
      %parallel_loop3A_778 = arith.constant 16 : i32
      %parallel_loop3A_779 = arith.muli %parallel_loop3A_777, %parallel_loop3A_778 : i32
      %parallel_loop3A_780 = arith.constant 16384 : i32
      %parallel_loop3A_781 = arith.addi %parallel_loop3A_780, %parallel_loop3A_779 : i32
      %parallel_loop3A_782 = arith.constant 16 : i32
      %parallel_loop3A_783 = arith.muli %parallel_loop3A_777, %parallel_loop3A_782 : i32
      %parallel_loop3A_784 = arith.index_cast %parallel_loop3A_783 : i32 to index
      %parallel_loop3A_785 = tpu.vector_load %arg8[%parallel_loop3A_784] {strides = array<i32>} : memref<33336xf32, #tpu.memory_space<vmem>>, vector<16xf32>,
      %parallel_loop3A_786 = arith.constant 16 : i32
      %parallel_loop3A_787 = arith.muli %parallel_loop3A_777, %parallel_loop3A_786 : i32
      %parallel_loop3A_788 = arith.constant 8192 : i32
      %parallel_loop3A_789 = arith.addi %parallel_loop3A_788, %parallel_loop3A_787 : i32
      %parallel_loop3A_790 = arith.index_cast %parallel_loop3A_789 : i32 to index
      %parallel_loop3A_791 = tpu.vector_load %arg8[%parallel_loop3A_790] {strides = array<i32>} : memref<33336xf32, #tpu.memory_space<vmem>>, vector<16xf32>,
      %parallel_loop3A_792 = arith.index_cast %parallel_loop3A_781 : i32 to index
      %parallel_loop3A_793 = tpu.vector_load %arg9[%parallel_loop3A_792] {strides = array<i32>} : memref<33336xf32, #tpu.memory_space<vmem>>, vector<16xf32>,
      %parallel_loop3A_794 = arith.subf %parallel_loop3A_793, %parallel_loop3A_785 : vector<16xf32>
      %parallel_loop3A_795 = arith.mulf %parallel_loop3A_794, %parallel_loop3A_791 : vector<16xf32>
      %parallel_loop3A_796 = arith.mulf %parallel_loop3A_795, %gather3A_636 : vector<16xf32>
      %parallel_loop3A_797 = arith.addf %parallel_loop3A_796, %gather3A_649 : vector<16xf32>
      %parallel_loop3A_798 = arith.index_cast %parallel_loop3A_781 : i32 to index
      %parallel_loop3A_799 = tpu.vector_load %arg9[%parallel_loop3A_798] {strides = array<i32>} : memref<33336xf32, #tpu.memory_space<vmem>>, vector<16xf32>,
      tpu.vector_store %arg9[%parallel_loop3A_798], %parallel_loop3A_797 {strides = array<i32>} : memref<33336xf32, #tpu.memory_space<vmem>>, vector<16xf32>,
    } {sc.loop_unroll_factor = 8 : i64, sc.parallel_access}
    %dma_start3A_661 = arith.constant 16384 : i32
    %dma_start3A_662 = tpu.memref_slice %arg9[%dma_start3A_661] : memref<33336xf32, #tpu.memory_space<vmem>> -> memref<8192xf32, #tpu.memory_space<vmem>>
    %dma_start3A_663 = tpu.memref_slice %arg6[%add3A_596, %mul3A_0] : memref<64x16384xf32, #tpu.memory_space<hbm>> -> memref<1x8192xf32, #tpu.memory_space<hbm>>
    %dma_start3A_664 = tpu.memref_squeeze %dma_start3A_663 : memref<1x8192xf32, #tpu.memory_space<hbm>> -> memref<8192xf32, #tpu.memory_space<hbm>>
    %dma_start3A_665 = tpu.memref_slice %arg6[%add3A_596, %mul3A_0] : memref<64x16384xf32, #tpu.memory_space<hbm>> -> memref<1x8192xf32, #tpu.memory_space<hbm>>
    %dma_start3A_666 = tpu.memref_squeeze %dma_start3A_665 : memref<1x8192xf32, #tpu.memory_space<hbm>> -> memref<8192xf32, #tpu.memory_space<hbm>>
    %dma_start3A_667 = arith.constant 16384 : i32
    %dma_start3A_668 = tpu.memref_slice %arg9[%dma_start3A_667] : memref<33336xf32, #tpu.memory_space<vmem>> -> memref<8192xf32, #tpu.memory_space<vmem>>
    tpu.enqueue_dma source(%dma_start3A_668 : memref<8192xf32, #tpu.memory_space<vmem>>) target(%dma_start3A_666 : memref<8192xf32, #tpu.memory_space<hbm>>) target_semaphore(%arg20 : memref<!tpu.dma_semaphore, #tpu.memory_space<semaphore_mem>>)
    %mul3A_669 = arith.constant 4 : i32
    %mul3A_670 = arith.muli %arg1, %mul3A_669 : i32
    %add3A_671 = arith.constant 3 : i32
    %add3A_672 = arith.addi %mul3A_670, %add3A_671 : i32
    %jit3A_673 = arith.constant 16 : i32
    %div3A_674 = arith.divsi %add3A_672, %jit3A_673 : i32
    %sign3A_675 = arith.constant 0 : i32
    %sign3A_676 = arith.cmpi sgt, %add3A_672, %sign3A_675 : i32
    %sign3A_677 = arith.extui %sign3A_676 : i1 to i32
    %sign3A_678 = arith.constant 0 : i32
    %sign3A_679 = arith.cmpi slt, %add3A_672, %sign3A_678 : i32
    %sign3A_680 = arith.extui %sign3A_679 : i1 to i32
    %sign3A_681 = arith.subi %sign3A_677, %sign3A_680 : i32
    %sign3A_682 = arith.constant 0 : i32
    %sign3A_683 = arith.cmpi sgt, %jit3A_673, %sign3A_682 : i32
    %sign3A_684 = arith.extui %sign3A_683 : i1 to i32
    %sign3A_685 = arith.constant 0 : i32
    %sign3A_686 = arith.cmpi slt, %jit3A_673, %sign3A_685 : i32
    %sign3A_687 = arith.extui %sign3A_686 : i1 to i32
    %sign3A_688 = arith.subi %sign3A_684, %sign3A_687 : i32
    %ne3A_689 = arith.cmpi ne, %sign3A_681, %sign3A_688 : i32
    %rem3A_690 = arith.remsi %add3A_672, %jit3A_673 : i32
    %ne3A_691 = arith.constant 0 : i32
    %ne3A_692 = arith.cmpi ne, %rem3A_690, %ne3A_691 : i32
    %and3A_693 = arith.andi %ne3A_689, %ne3A_692 : i1
    %sub3A_694 = arith.constant 1 : i32
    %sub3A_695 = arith.subi %div3A_674, %sub3A_694 : i32
    %select_n3A_696 = arith.select %and3A_693, %sub3A_695, %div3A_674 : i32
    %mul3A_697 = arith.constant 16 : i32
    %mul3A_698 = arith.muli %select_n3A_696, %mul3A_697 : i32
    %sub3A_699 = arith.subi %add3A_672, %mul3A_698 : i32
    %get3A_700 = arith.index_cast %mul3A_698 : i32 to index
    %get3A_701 = tpu.vector_load %arg14[%get3A_700] {strides = array<i32>} : memref<64xf32, #tpu.memory_space<vmem>>, vector<16xf32>,
    %broadcast_in_dim3A_702 = vector.broadcast %sub3A_699 : i32 to vector<16xi32>
    %lt3A_703 = arith.constant 0 : i32
    %lt3A_704 = vector.broadcast %lt3A_703 : i32 to vector<16xi32>
    %lt3A_705 = arith.cmpi slt, %broadcast_in_dim3A_702, %lt3A_704 : vector<16xi32>
    %add3A_706 = arith.constant 16 : i32
    %add3A_707 = vector.broadcast %add3A_706 : i32 to vector<16xi32>
    %add3A_708 = arith.addi %broadcast_in_dim3A_702, %add3A_707 : vector<16xi32>
    %select_n3A_709 = arith.select %lt3A_705, %add3A_708, %broadcast_in_dim3A_702 : vector<16xi1>, vector<16xi32>
    %broadcast_in_dim3A_710 = vector.shape_cast %select_n3A_709 : vector<16xi32> to vector<16x1xi32>
    %gather3A_711 = vector.shape_cast %broadcast_in_dim3A_710 : vector<16x1xi32> to vector<16xi32>
    %gather3A_712 = tpu.dynamic_gather %get3A_701[%gather3A_711] in [0] : vector<16xf32>, vector<16xi32> -> vector<16xf32>
    %get3A_713 = arith.index_cast %mul3A_698 : i32 to index
    %get3A_714 = tpu.vector_load %arg15[%get3A_713] {strides = array<i32>} : memref<64xf32, #tpu.memory_space<vmem>>, vector<16xf32>,
    %broadcast_in_dim3A_715 = vector.broadcast %sub3A_699 : i32 to vector<16xi32>
    %lt3A_716 = arith.constant 0 : i32
    %lt3A_717 = vector.broadcast %lt3A_716 : i32 to vector<16xi32>
    %lt3A_718 = arith.cmpi slt, %broadcast_in_dim3A_715, %lt3A_717 : vector<16xi32>
    %add3A_719 = arith.constant 16 : i32
    %add3A_720 = vector.broadcast %add3A_719 : i32 to vector<16xi32>
    %add3A_721 = arith.addi %broadcast_in_dim3A_715, %add3A_720 : vector<16xi32>
    %select_n3A_722 = arith.select %lt3A_718, %add3A_721, %broadcast_in_dim3A_715 : vector<16xi1>, vector<16xi32>
    %broadcast_in_dim3A_723 = vector.shape_cast %select_n3A_722 : vector<16xi32> to vector<16x1xi32>
    %gather3A_724 = vector.shape_cast %broadcast_in_dim3A_723 : vector<16x1xi32> to vector<16xi32>
    %gather3A_725 = tpu.dynamic_gather %get3A_714[%gather3A_724] in [0] : vector<16xf32>, vector<16xi32> -> vector<16xf32>
    %dma_wait3A_726 = arith.constant 24576 : i32
    %dma_wait3A_727 = tpu.memref_slice %arg9[%dma_wait3A_726] : memref<33336xf32, #tpu.memory_space<vmem>> -> memref<8192xf32, #tpu.memory_space<vmem>>
    %dma_wait3A_728 = tpu.memref_slice %arg6[%add3A_426, %mul3A_0] : memref<64x16384xf32, #tpu.memory_space<hbm>> -> memref<1x8192xf32, #tpu.memory_space<hbm>>
    %dma_wait3A_729 = tpu.memref_squeeze %dma_wait3A_728 : memref<1x8192xf32, #tpu.memory_space<hbm>> -> memref<8192xf32, #tpu.memory_space<hbm>>
    %dma_wait3A_730 = arith.constant 24576 : i32
    %dma_wait3A_731 = tpu.memref_slice %arg9[%dma_wait3A_730] : memref<33336xf32, #tpu.memory_space<vmem>> -> memref<8192xf32, #tpu.memory_space<vmem>>
    %dma_wait3A_732 = tpu.memref_slice %arg6[%add3A_426, %mul3A_0] : memref<64x16384xf32, #tpu.memory_space<hbm>> -> memref<1x8192xf32, #tpu.memory_space<hbm>>
    %dma_wait3A_733 = tpu.memref_squeeze %dma_wait3A_732 : memref<1x8192xf32, #tpu.memory_space<hbm>> -> memref<8192xf32, #tpu.memory_space<hbm>>
    tpu.wait_dma2 semaphore(%arg21 : memref<!tpu.dma_semaphore, #tpu.memory_space<semaphore_mem>>) src(%dma_wait3A_733 : memref<8192xf32, #tpu.memory_space<hbm>>) dst(%dma_wait3A_731 : memref<8192xf32, #tpu.memory_space<vmem>>)
    %parallel_loop3A_734 = arith.constant 0 : i32
    %parallel_loop3A_735 = arith.constant 512 : i32
    %parallel_loop3A_736 = arith.constant 1 : i32
    scf.for %parallel_loop3A_777 = %parallel_loop3A_734 to %parallel_loop3A_735 step %parallel_loop3A_736  : i32 {
      %parallel_loop3A_778 = arith.constant 16 : i32
      %parallel_loop3A_779 = arith.muli %parallel_loop3A_777, %parallel_loop3A_778 : i32
      %parallel_loop3A_780 = arith.constant 24576 : i32
      %parallel_loop3A_781 = arith.addi %parallel_loop3A_780, %parallel_loop3A_779 : i32
      %parallel_loop3A_782 = arith.constant 16 : i32
      %parallel_loop3A_783 = arith.muli %parallel_loop3A_777, %parallel_loop3A_782 : i32
      %parallel_loop3A_784 = arith.index_cast %parallel_loop3A_783 : i32 to index
      %parallel_loop3A_785 = tpu.vector_load %arg8[%parallel_loop3A_784] {strides = array<i32>} : memref<33336xf32, #tpu.memory_space<vmem>>, vector<16xf32>,
      %parallel_loop3A_786 = arith.constant 16 : i32
      %parallel_loop3A_787 = arith.muli %parallel_loop3A_777, %parallel_loop3A_786 : i32
      %parallel_loop3A_788 = arith.constant 8192 : i32
      %parallel_loop3A_789 = arith.addi %parallel_loop3A_788, %parallel_loop3A_787 : i32
      %parallel_loop3A_790 = arith.index_cast %parallel_loop3A_789 : i32 to index
      %parallel_loop3A_791 = tpu.vector_load %arg8[%parallel_loop3A_790] {strides = array<i32>} : memref<33336xf32, #tpu.memory_space<vmem>>, vector<16xf32>,
      %parallel_loop3A_792 = arith.index_cast %parallel_loop3A_781 : i32 to index
      %parallel_loop3A_793 = tpu.vector_load %arg9[%parallel_loop3A_792] {strides = array<i32>} : memref<33336xf32, #tpu.memory_space<vmem>>, vector<16xf32>,
      %parallel_loop3A_794 = arith.subf %parallel_loop3A_793, %parallel_loop3A_785 : vector<16xf32>
      %parallel_loop3A_795 = arith.mulf %parallel_loop3A_794, %parallel_loop3A_791 : vector<16xf32>
      %parallel_loop3A_796 = arith.mulf %parallel_loop3A_795, %gather3A_712 : vector<16xf32>
      %parallel_loop3A_797 = arith.addf %parallel_loop3A_796, %gather3A_725 : vector<16xf32>
      %parallel_loop3A_798 = arith.index_cast %parallel_loop3A_781 : i32 to index
      %parallel_loop3A_799 = tpu.vector_load %arg9[%parallel_loop3A_798] {strides = array<i32>} : memref<33336xf32, #tpu.memory_space<vmem>>, vector<16xf32>,
      tpu.vector_store %arg9[%parallel_loop3A_798], %parallel_loop3A_797 {strides = array<i32>} : memref<33336xf32, #tpu.memory_space<vmem>>, vector<16xf32>,
    } {sc.loop_unroll_factor = 8 : i64, sc.parallel_access}
    %dma_start3A_737 = arith.constant 24576 : i32
    %dma_start3A_738 = tpu.memref_slice %arg9[%dma_start3A_737] : memref<33336xf32, #tpu.memory_space<vmem>> -> memref<8192xf32, #tpu.memory_space<vmem>>
    %dma_start3A_739 = tpu.memref_slice %arg6[%add3A_672, %mul3A_0] : memref<64x16384xf32, #tpu.memory_space<hbm>> -> memref<1x8192xf32, #tpu.memory_space<hbm>>
    %dma_start3A_740 = tpu.memref_squeeze %dma_start3A_739 : memref<1x8192xf32, #tpu.memory_space<hbm>> -> memref<8192xf32, #tpu.memory_space<hbm>>
    %dma_start3A_741 = tpu.memref_slice %arg6[%add3A_672, %mul3A_0] : memref<64x16384xf32, #tpu.memory_space<hbm>> -> memref<1x8192xf32, #tpu.memory_space<hbm>>
    %dma_start3A_742 = tpu.memref_squeeze %dma_start3A_741 : memref<1x8192xf32, #tpu.memory_space<hbm>> -> memref<8192xf32, #tpu.memory_space<hbm>>
    %dma_start3A_743 = arith.constant 24576 : i32
    %dma_start3A_744 = tpu.memref_slice %arg9[%dma_start3A_743] : memref<33336xf32, #tpu.memory_space<vmem>> -> memref<8192xf32, #tpu.memory_space<vmem>>
    tpu.enqueue_dma source(%dma_start3A_744 : memref<8192xf32, #tpu.memory_space<vmem>>) target(%dma_start3A_742 : memref<8192xf32, #tpu.memory_space<hbm>>) target_semaphore(%arg20 : memref<!tpu.dma_semaphore, #tpu.memory_space<semaphore_mem>>)
    %dma_wait3A_745 = arith.constant 0 : i32
    %dma_wait3A_746 = tpu.memref_slice %arg9[%dma_wait3A_745] : memref<33336xf32, #tpu.memory_space<vmem>> -> memref<8192xf32, #tpu.memory_space<vmem>>
    %dma_wait3A_747 = tpu.memref_slice %arg6[%add3A_456, %mul3A_0] : memref<64x16384xf32, #tpu.memory_space<hbm>> -> memref<1x8192xf32, #tpu.memory_space<hbm>>
    %dma_wait3A_748 = tpu.memref_squeeze %dma_wait3A_747 : memref<1x8192xf32, #tpu.memory_space<hbm>> -> memref<8192xf32, #tpu.memory_space<hbm>>
    %dma_wait3A_749 = tpu.memref_slice %arg6[%add3A_456, %mul3A_0] : memref<64x16384xf32, #tpu.memory_space<hbm>> -> memref<1x8192xf32, #tpu.memory_space<hbm>>
    %dma_wait3A_750 = tpu.memref_squeeze %dma_wait3A_749 : memref<1x8192xf32, #tpu.memory_space<hbm>> -> memref<8192xf32, #tpu.memory_space<hbm>>
    %dma_wait3A_751 = arith.constant 0 : i32
    %dma_wait3A_752 = tpu.memref_slice %arg9[%dma_wait3A_751] : memref<33336xf32, #tpu.memory_space<vmem>> -> memref<8192xf32, #tpu.memory_space<vmem>>
    tpu.wait_dma2 semaphore(%arg20 : memref<!tpu.dma_semaphore, #tpu.memory_space<semaphore_mem>>) src(%dma_wait3A_752 : memref<8192xf32, #tpu.memory_space<vmem>>) dst(%dma_wait3A_750 : memref<8192xf32, #tpu.memory_space<hbm>>)
    %dma_wait3A_753 = arith.constant 8192 : i32
    %dma_wait3A_754 = tpu.memref_slice %arg9[%dma_wait3A_753] : memref<33336xf32, #tpu.memory_space<vmem>> -> memref<8192xf32, #tpu.memory_space<vmem>>
    %dma_wait3A_755 = tpu.memref_slice %arg6[%add3A_520, %mul3A_0] : memref<64x16384xf32, #tpu.memory_space<hbm>> -> memref<1x8192xf32, #tpu.memory_space<hbm>>
    %dma_wait3A_756 = tpu.memref_squeeze %dma_wait3A_755 : memref<1x8192xf32, #tpu.memory_space<hbm>> -> memref<8192xf32, #tpu.memory_space<hbm>>
    %dma_wait3A_757 = tpu.memref_slice %arg6[%add3A_520, %mul3A_0] : memref<64x16384xf32, #tpu.memory_space<hbm>> -> memref<1x8192xf32, #tpu.memory_space<hbm>>
    %dma_wait3A_758 = tpu.memref_squeeze %dma_wait3A_757 : memref<1x8192xf32, #tpu.memory_space<hbm>> -> memref<8192xf32, #tpu.memory_space<hbm>>
    %dma_wait3A_759 = arith.constant 8192 : i32
    %dma_wait3A_760 = tpu.memref_slice %arg9[%dma_wait3A_759] : memref<33336xf32, #tpu.memory_space<vmem>> -> memref<8192xf32, #tpu.memory_space<vmem>>
    tpu.wait_dma2 semaphore(%arg20 : memref<!tpu.dma_semaphore, #tpu.memory_space<semaphore_mem>>) src(%dma_wait3A_760 : memref<8192xf32, #tpu.memory_space<vmem>>) dst(%dma_wait3A_758 : memref<8192xf32, #tpu.memory_space<hbm>>)
    %dma_wait3A_761 = arith.constant 16384 : i32
    %dma_wait3A_762 = tpu.memref_slice %arg9[%dma_wait3A_761] : memref<33336xf32, #tpu.memory_space<vmem>> -> memref<8192xf32, #tpu.memory_space<vmem>>
    %dma_wait3A_763 = tpu.memref_slice %arg6[%add3A_596, %mul3A_0] : memref<64x16384xf32, #tpu.memory_space<hbm>> -> memref<1x8192xf32, #tpu.memory_space<hbm>>
    %dma_wait3A_764 = tpu.memref_squeeze %dma_wait3A_763 : memref<1x8192xf32, #tpu.memory_space<hbm>> -> memref<8192xf32, #tpu.memory_space<hbm>>
    %dma_wait3A_765 = tpu.memref_slice %arg6[%add3A_596, %mul3A_0] : memref<64x16384xf32, #tpu.memory_space<hbm>> -> memref<1x8192xf32, #tpu.memory_space<hbm>>
    %dma_wait3A_766 = tpu.memref_squeeze %dma_wait3A_765 : memref<1x8192xf32, #tpu.memory_space<hbm>> -> memref<8192xf32, #tpu.memory_space<hbm>>
    %dma_wait3A_767 = arith.constant 16384 : i32
    %dma_wait3A_768 = tpu.memref_slice %arg9[%dma_wait3A_767] : memref<33336xf32, #tpu.memory_space<vmem>> -> memref<8192xf32, #tpu.memory_space<vmem>>
    tpu.wait_dma2 semaphore(%arg20 : memref<!tpu.dma_semaphore, #tpu.memory_space<semaphore_mem>>) src(%dma_wait3A_768 : memref<8192xf32, #tpu.memory_space<vmem>>) dst(%dma_wait3A_766 : memref<8192xf32, #tpu.memory_space<hbm>>)
    %dma_wait3A_769 = arith.constant 24576 : i32
    %dma_wait3A_770 = tpu.memref_slice %arg9[%dma_wait3A_769] : memref<33336xf32, #tpu.memory_space<vmem>> -> memref<8192xf32, #tpu.memory_space<vmem>>
    %dma_wait3A_771 = tpu.memref_slice %arg6[%add3A_672, %mul3A_0] : memref<64x16384xf32, #tpu.memory_space<hbm>> -> memref<1x8192xf32, #tpu.memory_space<hbm>>
    %dma_wait3A_772 = tpu.memref_squeeze %dma_wait3A_771 : memref<1x8192xf32, #tpu.memory_space<hbm>> -> memref<8192xf32, #tpu.memory_space<hbm>>
    %dma_wait3A_773 = tpu.memref_slice %arg6[%add3A_672, %mul3A_0] : memref<64x16384xf32, #tpu.memory_space<hbm>> -> memref<1x8192xf32, #tpu.memory_space<hbm>>
    %dma_wait3A_774 = tpu.memref_squeeze %dma_wait3A_773 : memref<1x8192xf32, #tpu.memory_space<hbm>> -> memref<8192xf32, #tpu.memory_space<hbm>>
    %dma_wait3A_775 = arith.constant 24576 : i32
    %dma_wait3A_776 = tpu.memref_slice %arg9[%dma_wait3A_775] : memref<33336xf32, #tpu.memory_space<vmem>> -> memref<8192xf32, #tpu.memory_space<vmem>>
    tpu.wait_dma2 semaphore(%arg20 : memref<!tpu.dma_semaphore, #tpu.memory_space<semaphore_mem>>) src(%dma_wait3A_776 : memref<8192xf32, #tpu.memory_space<vmem>>) dst(%dma_wait3A_774 : memref<8192xf32, #tpu.memory_space<hbm>>)
    return
  }
}

</mosaic_0001>

<sc_bundles>
// kernel: kernel.3.cloned.1.call-start
scs
__scs_entry_jumppad:
0x0: {  	(pc) =	sbr.rel $0x88, $3  }
0x1: {  	(tag) =	ssettag $0x0;
	lr =	simm.s32 $0x1  }
0x2: {  	[smem:$0x3F9D] =	sst lr;
	_ =	strace $0xD0000000  }
0x3: {  	_ = 	snop  }
0x4: {  	_ = 	snop  }
0x5: {  	_ = 	snop  }
0x6: {  	_ = 	snop  }
0x7: {  	_ = 	snop  }
__scs_overlays_trampoline_lowered:
0x8: {  	[smem:$0x3FAC] =	sst s0  }
0x9: {  	[smem:$0x3FAD] =	sst s1  }
0xa: {  	[smem:$0x3FAE] =	sst s2  }
0xb: {  	[smem:$0x3FAF] =	sst s3  }
0xc: {  	[smem:$0x3FB0] =	sst s4  }
0xd: {  	[smem:$0x3FB1] =	sst s5  }
0xe: {  	[smem:$0x3FB2] =	sst s6  }
0xf: {  	[smem:$0x3FB3] =	sst s7  }
0x10: {  	[smem:$0x3FB4] =	sst s8  }
0x11: {  	[smem:$0x3FB5] =	sst s9;
	s0 =	simm.s32 @!p0 $0x0  }
0x12: {  	s1 =	sld [smem:$0x3F9B];
	s0 =	simm.s32 @p0 $0x1  }
0x13: {  	[smem:$0x3FB6] =	sst s0;
	s0 =	simm.s32 @!p1 $0x0  }
0x14: {  	s2 =	sld [smem:$0x3F9A];
	s0 =	simm.s32 @p1 $0x1  }
0x15: {  	[smem:$0x3FB7] =	sst s0;
	s0 =	simm.s32 @!p2 $0x0  }
0x16: {  	s3 =	sld [smem:$0x3FDB];
	s0 =	simm.s32 @p2 $0x1  }
0x17: {  	s4 =	simm.s32 $0x1BF5;
	[smem:$0x3FB9] =	sst s0  }
0x18: {  	s0 =	sld [smem:$0x3F9C];
	_ =	swait.ge [sflag:s4], $0x0  }
0x19: {  	s7 =	sld [smem:$0x3F9D]  }
0x1a: {  	s8 =	sadd.s32 $0xFFFFE003, lr  }
0x1b: {  	s9 =	sadd.s32 $0xFFFFFEF7, lr;
	s5 =	simm.s32 $0xFFFFFFFF;
	p2 =	slt.u32 s8, $0xFFFFF086  }
0x1c: {  	p1 =	slt.u32 s9, $0xF7A;
	s5 =	simm.s32 @!p2 $0x0  }
0x1d: {  	s5 =	simm.s32 @p1 $0x1;
	p0 =	seq.s32 s7, s2  }
0x1e: {  	s7 =	smul.u32 @!p0 $0xF7A, s2;
	p2 =	seq.s32 @!p0 s5, $0x0  }
0x1f: {  	s9 =	smul.u32 $0xF7A, s1;
	s8 =	simm.s32 @!p0 $0x1BF5;
	p2 =	por !p2, p0  }
0x20: {  	[sflag:s8] =	ssyncset.s32 @!p0 $0xFFFFF086;
	s6 =	sadd.s32 @!p0 s3, s7;
	s7 =	simm.s32 @!p0 $0x108  }
0x21: {  	s3 =	sadd.s32 s3, s9;
	s6 =	sadd.s32 @!p0 $0x88, s6;
	s7 =	simm.s32 @p2 $0x1082  }
0x22: {  	[simem:s7], [sflag:s8] =	dma.local @!p0 [hbm:s6], $0xF7A  }
0x23: {  	s9 =	sor.u32 $0xD0000000, s2;
	s6 =	simm.s32 $0x108;
	_ =	swait.ge @!p0 [sflag:s8], $0x0  }
0x24: {  	s3 =	sadd.s32 $0x88, s3;
	s6 =	simm.s32 @!p1 $0x1082;
	[sflag:s4] =	ssyncset.s32 $0xFFFFF086  }
0x25: {  	[simem:s6], [sflag:s4] =	dma.local [hbm:s3], $0xF7A  }
0x26: {  	[smem:$0x3F9D] =	sst s1;
	(tag) =	ssettag s2;
	_ =	strace s9  }
0x27: {  	s1 =	sld [smem:$0x3FAD]  }
0x28: {  	s2 =	sld [smem:$0x3FAE]  }
0x29: {  	s4 =	sld [smem:$0x3FB0]  }
0x2a: {  	p0 =	seq.s32 s5, $0x0;
	s5 =	sld [smem:$0x3FB1]  }
0x2b: {  	s6 =	sld [smem:$0x3FB2]  }
0x2c: {  	s7 =	sld [smem:$0x3FB3]  }
0x2d: {  	s3 =	simm.s32 $0x108;
	s8 =	sld [smem:$0x3FB4]  }
0x2e: {  	s3 =	simm.s32 @!p0 $0x1082;
	s9 =	sld [smem:$0x3FB5]  }
0x2f: {  	lr =	sadd.s32 s0, s3;
	s0 =	sld [smem:$0x3FAC]  }
0x30: {  	s3 =	sld [smem:$0x3FAF]  }
0x31: {  	[smem:$0x3FB8] =	sst s10  }
0x32: {  	s10 =	sld [smem:$0x3FB6];
	_ =	sdelay $0x3  }
0x33: {  	p0 =	seq.s32 s10, $0x1;
	s10 =	sld [smem:$0x3FB8];
	_ =	sdelay $0x3  }
0x34: {  	[smem:$0x3FB8] =	sst s10  }
0x35: {  	s10 =	sld [smem:$0x3FB7];
	_ =	sdelay $0x3  }
0x36: {  	p1 =	seq.s32 s10, $0x1;
	s10 =	sld [smem:$0x3FB8];
	_ =	sdelay $0x3  }
0x37: {  	[smem:$0x3FB8] =	sst s10  }
0x38: {  	s10 =	sld [smem:$0x3FB9]  }
0x39: {  	_ = 	snop;
	(pc) =	sbr.ind lr, $3  }
0x3a: {  	_ = 	snop  }
0x3b: {  	_ = 	snop  }
0x3c: {  	p2 =	seq.s32 s10, $0x1;
	s10 =	sld [smem:$0x3FB8]  }
0x3d: {  	_ =	shalt  }
0x3e: {  	_ =	shalt  }
0x3f: {  	_ =	shalt  }
0x40: {  	_ =	shalt  }
0x41: {  	_ =	shalt  }
0x42: {  	_ =	shalt  }
0x43: {  	_ =	shalt  }
0x44: {  	_ =	shalt  }
0x45: {  	_ =	shalt  }
0x46: {  	_ =	shalt  }
0x47: {  	_ =	shalt  }
0x48: {  	_ =	shalt  }
0x49: {  	_ =	shalt  }
0x4a: {  	_ =	shalt  }
0x4b: {  	_ =	shalt  }
0x4c: {  	_ =	shalt  }
0x4d: {  	_ =	shalt  }
0x4e: {  	_ =	shalt  }
0x4f: {  	_ =	shalt  }
0x50: {  	_ =	shalt  }
0x51: {  	_ =	shalt  }
0x52: {  	_ =	shalt  }
0x53: {  	_ =	shalt  }
0x54: {  	_ =	shalt  }
0x55: {  	_ =	shalt  }
0x56: {  	_ =	shalt  }
0x57: {  	_ =	shalt  }
0x58: {  	_ =	shalt  }
0x59: {  	_ =	shalt  }
0x5a: {  	_ =	shalt  }
0x5b: {  	_ =	shalt  }
0x5c: {  	_ =	shalt  }
0x5d: {  	_ =	shalt  }
0x5e: {  	_ =	shalt  }
0x5f: {  	_ =	shalt  }
0x60: {  	_ =	shalt  }
0x61: {  	_ =	shalt  }
0x62: {  	_ =	shalt  }
0x63: {  	_ =	shalt  }
0x64: {  	_ =	shalt  }
0x65: {  	_ =	shalt  }
0x66: {  	_ =	shalt  }
0x67: {  	_ =	shalt  }
0x68: {  	_ =	shalt  }
0x69: {  	_ =	shalt  }
0x6a: {  	_ =	shalt  }
0x6b: {  	_ =	shalt  }
0x6c: {  	_ =	shalt  }
0x6d: {  	_ =	shalt  }
0x6e: {  	_ =	shalt  }
0x6f: {  	_ =	shalt  }
0x70: {  	_ =	shalt  }
0x71: {  	_ =	shalt  }
0x72: {  	_ =	shalt  }
0x73: {  	_ =	shalt  }
0x74: {  	_ =	shalt  }
0x75: {  	_ =	shalt  }
0x76: {  	_ =	shalt  }
0x77: {  	_ =	shalt  }
0x78: {  	_ =	shalt  }
0x79: {  	_ =	shalt  }
0x7a: {  	_ =	shalt  }
0x7b: {  	_ =	shalt  }
0x7c: {  	_ =	shalt  }
0x7d: {  	_ =	shalt  }
0x7e: {  	_ =	shalt  }
0x7f: {  	_ =	shalt  }
0x80: {  	_ =	shalt  }
0x81: {  	_ =	shalt  }
0x82: {  	_ =	shalt  }
0x83: {  	_ =	shalt  }
0x84: {  	_ =	shalt  }
0x85: {  	_ =	shalt  }
0x86: {  	_ =	shalt  }
0x87: {  	_ =	shalt  }
.Lfunc_end0:
.L_simem_size_0:
called_computation_lowered:
.L_overlay_start_0:
0x88: {  	s2 =	sld [smem:$0x3FD9]  }
0x89: {  	s3 =	sld [smem:$0x3FFE];
	_ =	sdelay $0x1  }
0x8a: {  	s1 =	srdreg.scid  }
0x8b: {  	s0 =	sand.u32 $0x1, s1  }
0x8c: {  	s17 =	sshll.u32 s0, $0xA;
	s2 =	sadd.s32 s3, s2  }
0x8d: {  	s2 =	sadd.s32 s2, s17  }
0x8e: {  	[smem:$0x3FC4] =	sst s2  }
0x8f: {  	_ = 	snop  }
0x90: {  	s2 =	sld [smem:$0x3FC9]  }
0x91: {  	s18 =	sld [smem:$0x3FC7]  }
0x92: {  	s4 =	sld [smem:$0x3FC6];
	(tm) =	ssettm $0x1  }
0x93: {  	s5 =	sld [smem:$0x3FFB];
	_ =	sdelay $0x3  }
0x94: {  	_ =	strace s5  }
0x95: {  	s5 =	sld [smem:$0x3FFC];
	_ =	sdelay $0x3  }
0x96: {  	_ =	strace s5  }
0x97: {  	s5 =	sld [smem:$0x3FFD];
	_ =	sdelay $0x3  }
0x98: {  	_ =	strace s5  }
0x99: {  	_ =	strace $0x8FFFFFFF  }
0x9a: {  	s19 =	sld [smem:$0x3FDB];
	_ =	sdelay $0x1  }
0x9b: {  	s6 =	simm.s32 $_scs_section_size  }
0x9c: {  	s7 =	simm.s32 $_size__tile_overlayer_lowered;
	s8 =	simm.s32 $_tile_overlayer_lowered  }
0x9d: {  	s22 =	simm.s32 $0x1BFF;
	s21 =	sshll.u32 s8, $0x1;
	s5 =	sadd.s32 s6, s19  }
0x9e: {  	s9 =	simm.s32 $0x0;
	s20 =	sshll.u32 s7, $0x1;
	s7 =	sadd.s32 s21, s5  }
0x9f: {  	[timem:s9], [sflag:s22] =	dma.local [hbm:s7], s20  }
0xa0: {  	_ =	swait.ge [sflag:s22], s20  }
0xa1: {  	s6 =	ssub.s32 $0x0, s20;
	[sflag:s22] =	ssyncset.done $0x0  }
0xa2: {  	[sflag:s22] =	ssyncadd.s32 s6;
	_ =	sdelay $0x1  }
0xa3: {  	s23 =	simm.s32 $0x1B8B  }
0xa4: {  	_ =	swait.ge [sflag:s23], $0x1  }
0xa5: {  	[sflag:s23] =	ssyncset.done $0x0  }
0xa6: {  	s25 =	simm.s32 $0x1B8E;
	s24 =	sld [smem:$0x3FFE];
	[sflag:s23] =	ssyncadd.s32 $0xFFFFFFFF  }
0xa7: {  	s26 =	simm.s32 $execute0_lowered;
	[smem:$0x3FD2] =	sst s25  }
0xa8: {  	s7 =	sshll.u32 s26, $0x1;
	_ =	strace $0x80000046;
	[dreg:$0x1] =	wrdreg $0xFFFFFFFF  }
0xa9: {  	s28 =	simm.s32 $_size_execute0_lowered;
	s5 =	sadd.s32 s5, s7;
	[dreg:$0x0] =	wrdreg $0x0  }
0xaa: {  	s7 =	sshll.u32 s28, $0x1;
	[dreg:$0x2] =	wrdreg s5  }
0xab: {  	[dreg:$0x3] =	wrdreg s7  }
0xac: {  	[dreg:$0x4] =	wrdreg $0xC0  }
0xad: {  	_ =	task [dreg:s9], $0x5FFFF  }
0xae: {  	[dreg:$0x1] =	wrdreg $0xFFFFFFFF  }
0xaf: {  	[dreg:$0x0] =	wrdreg $0x60  }
0xb0: {  	[dreg:$0x2] =	wrdreg s2  }
0xb1: {  	[dreg:$0x3] =	wrdreg s24  }
0xb2: {  	[dreg:$0x4] =	wrdreg s18  }
0xb3: {  	[dreg:$0x5] =	wrdreg s4  }
0xb4: {  	[dreg:$0x6] =	wrdreg $0x1A4F00  }
0xb5: {  	[dreg:$0x7] =	wrdreg $0x1E4F00  }
0xb6: {  	[dreg:$0x8] =	wrdreg $0x9  }
0xb7: {  	_ =	task.clear_ibuf [dreg:s9], $0x9FFFF;
	_ =	strace $0x90000046  }
0xb8: {  	s29 =	simm.s32 $0x9;
	_ =	strace $0x80000048  }
0xb9: {  	_ =	swait.ge [sflag:s29], $0x1  }
0xba: {  	[sflag:s29] =	ssyncadd.s32 $0xFFFFFFFF  }
0xbb: {  	_ =	strace $0x90000048  }
0xbc: {  	_ =	sfence  }
0xbd: {  	s30 =	sld [smem:$0x0];
	_ =	sdelay $0x2  }
0xbe: {  	s31 =	sshll.u32 s1, $0xD;
	s1 =	sshrl.u32 s1, $0x2  }
0xbf: {  	s3 =	sand.u32 $0x4000, s31;
	s1 =	sadd.s32 s1, s30  }
0xc0: {  	s0 =	sor.u32 s3, s0;
	s1 =	sshll.u32 s1, $0x11  }
0xc1: {  	s0 =	sor.u32 s1, s0  }
0xc2: {  	s0 =	sadd.s32 $0x8F2B, s0  }
0xc3: {  	[sflag:s0] =	ssyncadd.remote.s32 $0x1  }
0xc4: {  	_ =	sfence.sel $0xFFFF  }
0xc5: {  	[dreg:$0x0] =	wrdreg $0xFFFFFFFF;
	(pc) =	sbr.abs _section_cstart, $3  }
0xc6: {  	[dreg:$0x1] =	wrdreg $0xFFFFFFFF  }
0xc7: {  	_ =	task.clear_ibuf [dreg:s9], $0x2FFFF;
	_ =	strace $0x9FFFFFFF  }
0xc8: {  	(tm) =	ssettm $0x7FFFFFFF  }
0xc9: {  	_ =	shalt  }
tec
execute0_lowered:
.L_overlay_start_1:
0x0: {  	(tag) =	ssettag $0x1  }
0x1: {  	s2 =	rddreg [dreg:$0x0]  }
0x2: {  	s1 =	rddreg [dreg:$0x1]  }
0x3: {  	s0 =	rddreg [dreg:$0x4];
	s3 =	srdreg.scid  }
0x4: {  	s21 =	rddreg [dreg:$0x5];
	s19 =	stileid.u32;
	s4 =	sadd.s32 $0x400, s1  }
0x5: {  	s3 =	sand.u32 $0x1, s3;
	s6 =	sadd.s32 $0xC3A00, s1;
	s8 =	sshll.u32 s19, $0x2  }
0x6: {  	s7 =	smul.u32 $0x61A80, s19;
	s31 =	sshll.u32 s19, $0x10;
	s20 =	sshllo.u32 s19, $0x2  }
0x7: {  	s24 =	ssub.s32 $0x2, s3;
	s10 =	sshll.u32 s3, $0xD;
	s12 =	sor.u32 $0x1, s8  }
0x8: {  	s3 =	sshll.u32 s3, $0xA;
	s17 =	smul.u32 $0x186A0, s20;
	s5 =	sshrl.u32 s24, $0x1  }
0x9: {  	s25 =	sadd.s32 $0x8238, s7;
	s9 =	smul.u32 $0x186A0, s12;
	s2 =	sadd.s32 s2, s3  }
0xa: {  	s26 =	sshrl.u32 s7, $0x3;
	s3 =	sor.u32 $0x2, s8;
	s11 =	sor.u32 s10, s31  }
0xb: {  	s15 =	sshll.u32 s12, $0xE;
	s1 =	ssub.s32 s24, s5;
	[dreg:$0x7] =	wrdreg s2  }
0xc: {  	s28 =	sshrl.u32 s25, $0x3;
	s5 =	sadd.s32 s4, s26;
	s13 =	smul.u32 $0x186A0, s3  }
0xd: {  	s14 =	sshrl.u32 s11, $0x3;
	s23 =	sshll.u32 s3, $0xE;
	s24 =	sshll.u32 s20, $0xE  }
0xe: {  	s25 =	sor.u32 s10, s15;
	s2 =	sshrl.u32 s31, $0x2;
	s29 =	sadd.s32 s4, s28  }
0xf: {  	s30 =	sshrl.u32 s9, $0x3;
	s9 =	sadd.s32 $0x8238, s9;
	s14 =	sadd.s32 s6, s14  }
0x10: {  	s26 =	sshrl.u32 s25, $0x3;
	s25 =	smax.u32 s1, $0x1;
	s1 =	simm.s32 $0xA238  }
0x11: {  	[dreg:$0x8] =	wrdreg s29;
	s7 =	sadd.s32 s4, s30;
	s9 =	sshrl.u32 s9, $0x3  }
0x12: {  	s16 =	sshrl.u32 s13, $0x3;
	s13 =	sadd.s32 $0x8238, s13;
	s15 =	sadd.s32 s6, s26  }
0x13: {  	s29 =	sshll.u32 s19, $0x9;
	s19 =	sadd.s32 s2, s0;
	s26 =	sadd.s32 $0x208E, s5  }
0x14: {  	s2 =	simm.s32 $0x5;
	s9 =	sadd.s32 s4, s9;
	s13 =	sshrl.u32 s13, $0x3  }
0x15: {  	s30 =	sor.u32 $0x2000, s29;
	s31 =	sadd.s32 s29, s0;
	[dreg:$0x9] =	wrdreg s9  }
0x16: {  	s9 =	sadd.s32 s4, s16;
	s16 =	sshrl.u32 s17, $0x3;
	s17 =	sadd.s32 $0x8238, s17  }
0x17: {  	s18 =	sadd.s32 s4, s13;
	s0 =	sadd.s32 s30, s0;
	s13 =	sand.u32 $0xC, s8  }
0x18: {  	[dreg:$0xa] =	wrdreg s18;
	s22 =	sshrl.u32 s17, $0x3;
	s18 =	simm.s32 $0x0  }
0x19: {  	s11 =	sadd.s32 s4, s16;
	s4 =	sadd.s32 s4, s22;
	[smem:$0x7FF] =	sst s18  }
0x1a: {  	s16 =	sor.u32 s10, s23;
	v0 =	vmov s13;
	s13 =	simm.s32 $0x0;
	[dreg:$0xb] =	wrdreg s4  }
0x1b: {  	s28 =	sshrl.u32 s16, $0x3;
	_ =	strace $0x80000047;
	[dreg:$0xc] =	wrdreg s31  }
0x1c: {  	s4 =	sor.u32 s10, s24;
	s10 =	sadd.s32 s30, s21;
	[dreg:$0xd] =	wrdreg s0  }
0x1d: {  	s16 =	sadd.s32 s6, s28;
	s24 =	sand.u32 $0x30, s8;
	[dreg:$0xf] =	wrdreg s10  }
0x1e: {  	s28 =	sadd.s32 $0x208E, s7;
	s30 =	sadd.s32 $0x208E, s11;
	[dreg:$0x10] =	wrdreg s25  }
0x1f: {  	s8 =	simm.s32 $0x3;
	s4 =	sshrl.u32 s4, $0x3;
	[dreg:$0x11] =	wrdreg s26  }
0x20: {  	s22 =	ssub.s32 s12, s24;
	s23 =	ssub.s32 s3, s24;
	[dreg:$0x12] =	wrdreg s28  }
0x21: {  	v4 =	vlaneseq.u32;
	s20 =	ssub.s32 s20, s24;
	[dreg:$0x14] =	wrdreg s30;
	s31 =	sadd.s32 $0x2000, s19  }
0x22: {  	s12 =	sadd.s32 $0x2000, s21;
	s0 =	simm.s32 $0x2000;
	s3 =	simm.s32 $0x1;
	v1 =	vmov s22;
	v2 =	vmov s23;
	v3 =	vmov s20  }
0x23: {  	s17 =	sadd.s32 s6, s4;
	s6 =	sadd.s32 s29, s21;
	[dreg:$0x15] =	wrdreg s31;
	v1 =	vshrl.u32 v1, $0x1B;
	v2 =	vshrl.u32 v2, $0x1B;
	v3 =	vshrl.u32 v3, $0x1B  }
0x24: {  	s10 =	simm.s32 $0x4;
	s29 =	sadd.s32 $0x208E, s9;
	[dreg:$0xe] =	wrdreg s6;
	v1 =	vand.u32 $0x10, v1;
	v2 =	vand.u32 $0x10, v2;
	v3 =	vand.u32 $0x10, v3  }
0x25: {  	s4 =	simm.s32 $0x12470;
	[dreg:$0x13] =	wrdreg s29;
	s6 =	simm.s32 $0x2;
	v1 =	vadd.s32 s22, v1;
	v2 =	vadd.s32 s23, v2;
	v3 =	vadd.s32 s20, v3  }
.LBB2_1:
0x26: {  	s20 =	rddreg [dreg:$0x7]  }
0x27: {  	[tilespmem:s18], [sflag:$0x5] =	stream.linear.gather [hbm4b:s20+s18], $0x2000, $0x38;
	[tilespmem:$0x1E8F0] =	vst v63  }
0x28: {  	_ =	swait.ge [sflag:s2], $0x2000  }
0x29: {  	[sflag:s2] =	ssyncset.done $0x0  }
0x2a: {  	[sflag:s2] =	ssyncadd.s32 $0xFFFFE000  }
0x2b: {  	s21 =	simm.s32 $0x1A470;
	s31 =	rddreg [dreg:$0x2]  }
0x2c: {  	[tilespmem:s21], [sflag:$0x5] =	stream.linear.gather [hbm4b:s31+s18], $0x40, $0x38;
	[tilespmem:$0x1E8F0] =	vst v63  }
0x2d: {  	_ =	swait.ge [sflag:s2], $0x40  }
0x2e: {  	[sflag:s2] =	ssyncset.done $0x0  }
0x2f: {  	[sflag:s2] =	ssyncadd.s32 $0xFFFFFFC0  }
0x30: {  	s23 =	simm.s32 $0x1A4B0;
	s22 =	rddreg [dreg:$0x3]  }
0x31: {  	[tilespmem:s23], [sflag:$0x5] =	stream.linear.gather [hbm4b:s22+s18], $0x40, $0x38;
	[tilespmem:$0x1E8F0] =	vst v63  }
0x32: {  	_ =	swait.ge [sflag:s2], $0x40  }
0x33: {  	[sflag:s2] =	ssyncset.done $0x0  }
0x34: {  	[sflag:s2] =	ssyncadd.s32 $0xFFFFFFC0  }
0x35: {  	[tilespmem:s0], [sflag:$0x1] =	stream.linear.gather [hbm4b:s5+s18], $0x8238, $0x38;
	[tilespmem:$0x1E8F0] =	vst v63  }
0x36: {  	s25 =	rddreg [dreg:$0x8]  }
0x37: {  	[tilespmem:s1], [sflag:$0x2] =	stream.linear.gather [hbm4b:s25+s18], $0x8238, $0x38;
	[tilespmem:$0x1E8F0] =	vst v63  }
0x38: {  	_ =	swait.ge [sflag:s3], $0x8238  }
0x39: {  	[sflag:s3] =	ssyncset.done $0x0  }
0x3a: {  	s26 =	simm.s32 $0x40;
	[sflag:s3] =	ssyncadd.s32 $0xFFFF7DC8  }
0x3b: {  	v5 =	vld [tilespmem:s26+$0x30]  }
0x3c: {  	v6 =	vld [tilespmem:s26+$0xFFFFFFD0]  }
0x3d: {  	v8 =	vld [tilespmem:s26+$0xFFFFFFF0]  }
0x3e: {  	v9 =	vld [tilespmem:s26+$0x0];
	_ =	sdelay $0x1  }
0x3f: {  	v7 =	vld [tilespmem:s26+$0xFFFFFFE0];
	vm6 =	vlt.u32 v5, $0x8238  }
0x40: {  	v10 =	vld [tilespmem:s26+$0x10];
	vm3 =	vlt.u32 v6, $0x8238;
	v5 =	vmin.u32 v5, $0x8237  }
0x41: {  	v11 =	vld [tilespmem:s26+$0x20];
	v6 =	vmin.u32 v6, $0x8237;
	vm7 =	vlt.u32 v8, $0x8238  }
0x42: {  	s28 =	simm.s32 $0xC0;
	v12 =	vld [tilespmem:s26+$0xFFFFFFC0];
	v8 =	vmin.u32 v8, $0x8237;
	vm10 =	vlt.u32 v9, $0x8238  }
0x43: {  	v16 =	vld [tilespmem:s28+$0xFFFFFFF0];
	v9 =	vmin.u32 v9, $0x8237  }
0x44: {  	v18 =	vld [tilespmem:s28+$0x0]  }
0x45: {  	v5 =	vld.idx.msk [tilespmem:v5+s0+$0x0], vm6  }
0x46: {  	v13 =	vld.idx.msk [tilespmem:v6+s0+$0x0], vm3  }
0x47: {  	vm9 =	vlt.u32 v7, $0x8238;
	v14 =	vld.idx.msk [tilespmem:v8+s0+$0x0], vm7  }
0x48: {  	v7 =	vmin.u32 v7, $0x8237;
	v15 =	vld.idx.msk [tilespmem:v9+s0+$0x0], vm10  }
0x49: {  	vm0 =	vlt.u32 v12, $0x8238;
	v6 =	vld [tilespmem:s28+$0x30]  }
0x4a: {  	s29 =	simm.s32 $0x70;
	vm1 =	vlt.u32 v10, $0x8238;
	vm8 =	vmmov vm0;
	v8 =	vld [tilespmem:s28+$0xFFFFFFD0]  }
0x4b: {  	v17 =	vor.u32 s29, v4;
	s22 =	simm.s32 $0x10;
	v12 =	vmin.u32 v12, $0x8237;
	vm0 =	vmmov vm1;
	v9 =	vld [tilespmem:s28+$0xFFFFFFE0]  }
0x4c: {  	s30 =	simm.s32 $0x20;
	v19 =	vor.u32 s22, v4;
	v22 =	vld [tilespmem:s28+$0x20];
	v10 =	vmin.u32 v10, $0x8237;
	vm11 =	vlt.u32 v11, $0x8238  }
0x4d: {  	v21 =	vor.u32 s30, v4;
	s31 =	simm.s32 $0x30;
	v11 =	vmin.u32 v11, $0x8237;
	vm5 =	vlt.u32 v16, $0x8238;
	v7 =	vld.idx.msk [tilespmem:v7+s0+$0x0], vm9  }
0x4e: {  	v24 =	vor.u32 s31, v4;
	v20 =	vld [tilespmem:s28+$0x10];
	v31 =	vmin.u32 v16, $0x8237;
	vm1 =	vlt.u32 v6, $0x8238  }
0x4f: {  	v25 =	vor.u32 s18, v4;
	s23 =	simm.s32 $0x40;
	v27 =	vld [tilespmem:s28+$0xFFFFFFC0];
	vm2 =	vlt.u32 v8, $0x8238;
	v23 =	vmin.u32 v6, $0x8237  }
0x50: {  	v28 =	vor.u32 s23, v4;
	v30 =	vld.idx.msk [tilespmem:v12+s0+$0x0], vm8;
	v26 =	vmin.u32 v8, $0x8237;
	vm4 =	vlt.u32 v9, $0x8238;
	[tilespmem:v17+s4+$0x0] =	vst.idx.msk vm6, v5  }
0x51: {  	s25 =	simm.s32 $0x50;
	s26 =	simm.s32 $0x60;
	v32 =	vmin.u32 v18, $0x8237;
	v12 =	vld.idx.msk [tilespmem:v10+s0+$0x0], vm0;
	v29 =	vmin.u32 v9, $0x8237;
	vm6 =	vlt.u32 v18, $0x8238;
	[tilespmem:v19+s4+$0x0] =	vst.idx.msk vm3, v13  }
0x52: {  	v10 =	vmin.u32 v22, $0x8237;
	v6 =	vor.u32 s25, v4;
	v5 =	vor.u32 s26, v4;
	v9 =	vld.idx.msk [tilespmem:v11+s0+$0x0], vm11;
	[tilespmem:v21+s4+$0x0] =	vst.idx.msk vm9, v7  }
0x53: {  	s20 =	simm.s32 $0x80;
	s29 =	simm.s32 $0xF0;
	vm3 =	vmmov vm11;
	vm9 =	vlt.u32 v20, $0x8238;
	[tilespmem:v24+s4+$0x0] =	vst.idx.msk vm7, v14;
	vm7 =	vlt.u32 v22, $0x8238;
	v22 =	vld.idx.msk [tilespmem:v31+s0+$0x0], vm5  }
0x54: {  	s28 =	simm.s32 $0x90;
	v8 =	vmin.u32 v20, $0x8237;
	v7 =	vor.u32 s20, v4;
	v21 =	vor.u32 s29, v4;
	v13 =	vld.idx.msk [tilespmem:v23+s0+$0x0], vm1  }
0x55: {  	s30 =	simm.s32 $0xD0;
	s31 =	simm.s32 $0xE0;
	s23 =	simm.s32 $0xA0;
	vm11 =	vlt.u32 v27, $0x8238;
	[tilespmem:v28+s4+$0x0] =	vst.idx.msk vm10, v15;
	v11 =	vmin.u32 v27, $0x8237;
	v19 =	vor.u32 s28, v4;
	v14 =	vld.idx.msk [tilespmem:v26+s0+$0x0], vm2  }
0x56: {  	s25 =	simm.s32 $0xB0;
	s26 =	simm.s32 $0xC0;
	v20 =	vor.u32 s23, v4;
	v24 =	vor.u32 s30, v4;
	v15 =	vor.u32 s31, v4;
	v17 =	vld.idx.msk [tilespmem:v29+s0+$0x0], vm4  }
0x57: {  	s21 =	simm.s32 $0x8;
	s22 =	simm.s32 $0x140;
	v16 =	vor.u32 s25, v4;
	v18 =	vor.u32 s26, v4;
	[tilespmem:v25+s4+$0x0] =	vst.idx.msk vm8, v30;
	vm8 =	vmmov vm11;
	v23 =	vld.idx.msk [tilespmem:v32+s0+$0x0], vm6  }
.LBB2_2:
0x58: {  	v25 =	vld [tilespmem:s22+$0x30];
	s21 =	sadd.s32 $0x8, s21;
	[tilespmem:v6+s4+$0x0] =	vst.idx.msk vm0, v12;
	v6 =	vmov v24;
	vm0 =	vmmov vm9  }
0x59: {  	v12 =	vld [tilespmem:s22+$0xFFFFFFD0];
	p0 =	slt.u32 s21, $0x1F8;
	[tilespmem:v21+s4+$0x0] =	vst.idx.msk vm1, v13  }
0x5a: {  	v13 =	vld [tilespmem:s22+$0xFFFFFFE0];
	[tilespmem:v19+s4+$0x0] =	vst.idx.msk vm2, v14  }
0x5b: {  	v14 =	vld [tilespmem:s22+$0xFFFFFFF0];
	[tilespmem:v20+s4+$0x0] =	vst.idx.msk vm4, v17  }
0x5c: {  	v17 =	vld [tilespmem:s22+$0x0];
	[tilespmem:v16+s4+$0x0] =	vst.idx.msk vm5, v22  }
0x5d: {  	v16 =	vld [tilespmem:s22+$0x10];
	vm1 =	vlt.u32 v25, $0x8238;
	[tilespmem:v18+s4+$0x0] =	vst.idx.msk vm6, v23  }
0x5e: {  	v20 =	vmin.u32 v25, $0x8237;
	vm2 =	vlt.u32 v12, $0x8238;
	v18 =	vmin.u32 v12, $0x8237;
	v19 =	vld [tilespmem:s22+$0x20];
	[tilespmem:v5+s4+$0x0] =	vst.idx.msk vm3, v9;
	v5 =	vmovc v15  }
0x5f: {  	vm3 =	vmmov vm7;
	v15 =	vld [tilespmem:s22+$0xFFFFFFC0];
	vm4 =	vlt.u32 v13, $0x8238;
	v22 =	vmin.u32 v13, $0x8237  }
0x60: {  	vm5 =	vlt.u32 v14, $0x8238;
	v23 =	vmin.u32 v14, $0x8237;
	v25 =	vld.idx.msk [tilespmem:v11+s0+$0x0], vm8  }
0x61: {  	s20 =	sadd.s32 $0x80, s20;
	vm6 =	vlt.u32 v17, $0x8238;
	v26 =	vmin.u32 v17, $0x8237;
	v12 =	vld.idx.msk [tilespmem:v8+s0+$0x0], vm9  }
0x62: {  	s23 =	sadd.s32 $0x10, s20;
	vm9 =	vlt.u32 v16, $0x8238;
	v8 =	vmin.u32 v16, $0x8237;
	v9 =	vld.idx.msk [tilespmem:v10+s0+$0x0], vm7  }
.Ltmp0:
0x63: {  	v27 =	vor.u32 s20, v4;
	s25 =	sadd.s32 $0x20, s20;
	s26 =	sadd.s32 $0x70, s20;
	vm7 =	vlt.u32 v19, $0x8238;
	v10 =	vmin.u32 v19, $0x8237;
	v13 =	vld.idx.msk [tilespmem:v20+s0+$0x0], vm1;
	(pc) =	sbr.rel @p0 .LBB2_2-.Ltmp0, $4  }
0x64: {  	s28 =	sadd.s32 $0x30, s20;
	s29 =	sadd.s32 $0x40, s20;
	s30 =	sadd.s32 $0x50, s20;
	v21 =	vor.u32 s26, v4;
	vm10 =	vlt.u32 v15, $0x8238;
	v11 =	vmin.u32 v15, $0x8237;
	v14 =	vld.idx.msk [tilespmem:v18+s0+$0x0], vm2  }
0x65: {  	v16 =	vor.u32 s28, v4;
	v19 =	vor.u32 s23, v4;
	v20 =	vor.u32 s25, v4;
	s23 =	sadd.s32 $0x60, s20;
	v17 =	vld.idx.msk [tilespmem:v22+s0+$0x0], vm4  }
0x66: {  	v24 =	vor.u32 s30, v4;
	v18 =	vor.u32 s29, v4;
	v15 =	vor.u32 s23, v4;
	v22 =	vld.idx.msk [tilespmem:v23+s0+$0x0], vm5  }
0x67: {  	s22 =	sadd.s32 $0x80, s22;
	v23 =	vld.idx.msk [tilespmem:v26+s0+$0x0], vm6;
	[tilespmem:v7+s4+$0x0] =	vst.idx.msk vm8, v25;
	v7 =	vmov v27;
	vm8 =	vmmov vm10  }
0x68: {  	_ =	sdelay $0x2  }
0x69: {  	vm9 =	vmmov vm9;
	_ =	sdelay $0x1  }
0x6a: {  	[tilespmem:v6+s4+$0x0] =	vst.idx.msk vm0, v12  }
0x6b: {  	[tilespmem:v21+s4+$0x0] =	vst.idx.msk vm1, v13  }
0x6c: {  	v6 =	vld.idx.msk [tilespmem:v11+s0+$0x0], vm8;
	[tilespmem:v5+s4+$0x0] =	vst.idx.msk vm3, v9  }
0x6d: {  	v10 =	vld.idx.msk [tilespmem:v10+s0+$0x0], vm7;
	[tilespmem:v19+s4+$0x0] =	vst.idx.msk vm2, v14  }
0x6e: {  	[tilespmem:v20+s4+$0x0] =	vst.idx.msk vm4, v17;
	v8 =	vld.idx.msk [tilespmem:v8+s0+$0x0], vm9  }
0x6f: {  	[tilespmem:v16+s4+$0x0] =	vst.idx.msk vm5, v22  }
0x70: {  	[tilespmem:v18+s4+$0x0] =	vst.idx.msk vm6, v23  }
0x71: {  	[tilespmem:v7+s4+$0x0] =	vst.idx.msk vm8, v6  }
0x72: {  	[tilespmem:v15+s4+$0x0] =	vst.idx.msk vm7, v10  }
0x73: {  	[tilespmem:v24+s4+$0x0] =	vst.idx.msk vm9, v8  }
0x74: {  	s20 =	simm.s32 $0x0;
	s21 =	rddreg [dreg:$0x11]  }
0x75: {  	[tilespmem:s0], [sflag:$0x1] =	stream.linear.gather [hbm4b:s21+s20], $0x8230, $0x38;
	[tilespmem:$0x1E8F0] =	vst v63  }
0x76: {  	_ =	swait.ge [sflag:s6], $0x8238  }
0x77: {  	[sflag:s6] =	ssyncset.done $0x0  }
0x78: {  	s26 =	simm.s32 $0x40;
	[sflag:s6] =	ssyncadd.s32 $0xFFFF7DC8  }
0x79: {  	v5 =	vld [tilespmem:s26+$0x30]  }
0x7a: {  	v7 =	vld [tilespmem:s26+$0xFFFFFFE0];
	_ =	sdelay $0x1  }
0x7b: {  	v6 =	vld [tilespmem:s26+$0xFFFFFFD0]  }
0x7c: {  	v8 =	vld [tilespmem:s26+$0xFFFFFFF0]  }
0x7d: {  	s28 =	simm.s32 $0xC0;
	v12 =	vld [tilespmem:s26+$0xFFFFFFC0];
	v5 =	vadd.s32 $0xFFFF7DC8, v5  }
0x7e: {  	v17 =	vld [tilespmem:s28+$0xFFFFFFD0];
	v7 =	vadd.s32 $0xFFFF7DC8, v7;
	vm8 =	vlt.u32 v5, $0x8238  }
0x7f: {  	v20 =	vld [tilespmem:s28+$0xFFFFFFE0];
	v5 =	vmin.u32 v5, $0x8237;
	vm11 =	vlt.u32 v7, $0x8238  }
0x80: {  	s25 =	simm.s32 $0x20;
	v23 =	vld [tilespmem:s28+$0xFFFFFFF0];
	v6 =	vadd.s32 $0xFFFF7DC8, v6;
	v7 =	vmin.u32 v7, $0x8237  }
0x81: {  	vm0 =	vmmov vm7;
	s22 =	simm.s32 $0x70;
	v19 =	vor.u32 s25, v4;
	v9 =	vld [tilespmem:s26+$0x0];
	vm7 =	vlt.u32 v6, $0x8238  }
0x82: {  	s23 =	simm.s32 $0x10;
	s29 =	simm.s32 $0x30;
	v25 =	vor.u32 s20, v4;
	v16 =	vor.u32 s22, v4;
	v10 =	vld [tilespmem:s26+$0x10];
	v6 =	vmin.u32 v6, $0x8237  }
0x83: {  	v22 =	vor.u32 s29, v4;
	v18 =	vor.u32 s23, v4;
	v11 =	vld [tilespmem:s26+$0x20];
	v8 =	vadd.s32 $0xFFFF7DC8, v8  }
0x84: {  	v17 =	vadd.s32 $0xFFFF7DC8, v17;
	v20 =	vadd.s32 $0xFFFF7DC8, v20;
	vm10 =	vlt.u32 v8, $0x8238;
	v13 =	vld.idx.msk [tilespmem:v5+s1+$0x0], vm8  }
0x85: {  	v23 =	vadd.s32 $0xFFFF7DC8, v23;
	v8 =	vmin.u32 v8, $0x8237;
	v15 =	vld.idx.msk [tilespmem:v7+s1+$0x0], vm11;
	v7 =	vadd.s32 $0xFFFF7DC8, v12  }
0x86: {  	vm4 =	vlt.u32 v17, $0x8238;
	v5 =	vadd.s32 $0xFFFF7DC8, v9;
	v12 =	vld [tilespmem:s28+$0x30];
	vm2 =	vlt.u32 v7, $0x8238  }
0x87: {  	v9 =	vld.idx.msk [tilespmem:v6+s1+$0x0], vm7;
	v6 =	vadd.s32 $0xFFFF7DC8, v10;
	vm0 =	vlt.u32 v5, $0x8238;
	vm12 =	vmmov vm2  }
0x88: {  	v24 =	vld [tilespmem:s28+$0x0];
	vm1 =	vlt.u32 v6, $0x8238;
	v14 =	vmin.u32 v7, $0x8237;
	vm0 =	vmmov vm0  }
0x89: {  	v26 =	vld [tilespmem:s28+$0x10];
	v10 =	vmin.u32 v5, $0x8237;
	v5 =	vadd.s32 $0xFFFF7DC8, v11;
	vm2 =	vmmov vm1  }
0x8a: {  	v17 =	vmin.u32 v17, $0x8237;
	v11 =	vld.idx.msk [tilespmem:v8+s1+$0x0], vm10;
	v8 =	vmin.u32 v6, $0x8237;
	vm9 =	vlt.u32 v5, $0x8238  }
0x8b: {  	v28 =	vld [tilespmem:s28+$0xFFFFFFC0];
	vm5 =	vlt.u32 v20, $0x8238;
	v21 =	vmin.u32 v5, $0x8237;
	v12 =	vadd.s32 $0xFFFF7DC8, v12  }
0x8c: {  	v27 =	vld [tilespmem:s28+$0x20];
	v31 =	vmin.u32 v20, $0x8237;
	vm6 =	vlt.u32 v23, $0x8238;
	vm3 =	vlt.u32 v12, $0x8238  }
0x8d: {  	s30 =	simm.s32 $0x40;
	s31 =	simm.s32 $0x50;
	s26 =	simm.s32 $0x60;
	v20 =	vadd.s32 $0xFFFF7DC8, v24;
	v23 =	vmin.u32 v23, $0x8237;
	v29 =	vmin.u32 v12, $0x8237;
	v30 =	vld.idx.msk [tilespmem:v14+s1+$0x0], vm12  }
0x8e: {  	v6 =	vor.u32 s30, v4;
	v7 =	vor.u32 s31, v4;
	v5 =	vor.u32 s26, v4;
	s26 =	simm.s32 $0xC0;
	v12 =	vld.idx.msk [tilespmem:v10+s1+$0x0], vm0  }
0x8f: {  	s28 =	simm.s32 $0xF0;
	vm1 =	vmmov vm9;
	v24 =	vor.u32 s26, v4;
	[tilespmem:v16+s4+$0x0] =	vst.idx.msk vm8, v13;
	v13 =	vadd.s32 $0xFFFF7DC8, v26;
	v14 =	vld.idx.msk [tilespmem:v8+s1+$0x0], vm2  }
0x90: {  	[tilespmem:v18+s4+$0x0] =	vst.idx.msk vm7, v9;
	v16 =	vadd.s32 $0xFFFF7DC8, v28;
	v18 =	vor.u32 s28, v4;
	v9 =	vmin.u32 v13, $0x8237;
	v10 =	vld.idx.msk [tilespmem:v21+s1+$0x0], vm9  }
0x91: {  	s30 =	simm.s32 $0xA0;
	s31 =	simm.s32 $0xB0;
	[tilespmem:v19+s4+$0x0] =	vst.idx.msk vm11, v15;
	vm11 =	vlt.u32 v16, $0x8238;
	vm9 =	vlt.u32 v13, $0x8238;
	v13 =	vmin.u32 v16, $0x8237;
	v16 =	vld.idx.msk [tilespmem:v17+s1+$0x0], vm4  }
0x92: {  	s29 =	simm.s32 $0x90;
	vm8 =	vlt.u32 v20, $0x8238;
	v19 =	vor.u32 s30, v4;
	[tilespmem:v22+s4+$0x0] =	vst.idx.msk vm10, v11;
	v22 =	vor.u32 s31, v4;
	v15 =	vld.idx.msk [tilespmem:v29+s1+$0x0], vm3  }
0x93: {  	s22 =	simm.s32 $0x140;
	s28 =	simm.s32 $0xD0;
	v8 =	vmin.u32 v20, $0x8237;
	v21 =	vadd.s32 $0xFFFF7DC8, v27;
	v20 =	vor.u32 s29, v4;
	v17 =	vld.idx.msk [tilespmem:v31+s1+$0x0], vm5  }
0x94: {  	s23 =	simm.s32 $0xE0;
	s20 =	simm.s32 $0x8;
	s21 =	simm.s32 $0x80;
	vm7 =	vlt.u32 v21, $0x8238;
	v11 =	vmin.u32 v21, $0x8237;
	v21 =	vld.idx.msk [tilespmem:v23+s1+$0x0], vm6;
	v23 =	vor.u32 s28, v4;
	[tilespmem:v25+s4+$0x0] =	vst.idx.msk vm12, v30  }
.LBB2_4:
0x95: {  	v25 =	vld [tilespmem:s22+$0x30];
	s20 =	sadd.s32 $0x8, s20;
	v26 =	vor.u32 s21, v4;
	v27 =	vor.u32 s23, v4;
	[tilespmem:v6+s4+$0x0] =	vst.idx.msk vm0, v12;
	v6 =	vmovc v24;
	vm0 =	vmmov vm8  }
0x96: {  	vm10 =	vmmov vm11;
	v12 =	vld [tilespmem:s22+$0xFFFFFFD0];
	p0 =	slt.u32 s20, $0x1F8;
	[tilespmem:v7+s4+$0x0] =	vst.idx.msk vm2, v14;
	v7 =	vmov v23;
	vm2 =	vmmov vm9  }
0x97: {  	v14 =	vld [tilespmem:s22+$0xFFFFFFE0];
	[tilespmem:v18+s4+$0x0] =	vst.idx.msk vm3, v15  }
0x98: {  	v15 =	vld [tilespmem:s22+$0xFFFFFFF0];
	[tilespmem:v20+s4+$0x0] =	vst.idx.msk vm4, v16  }
0x99: {  	v16 =	vld [tilespmem:s22+$0x0];
	[tilespmem:v19+s4+$0x0] =	vst.idx.msk vm5, v17  }
0x9a: {  	v17 =	vld [tilespmem:s22+$0x10];
	v18 =	vadd.s32 $0xFFFF7DC8, v25;
	[tilespmem:v22+s4+$0x0] =	vst.idx.msk vm6, v21  }
0x9b: {  	v12 =	vadd.s32 $0xFFFF7DC8, v12;
	v19 =	vld [tilespmem:s22+$0x20];
	vm3 =	vlt.u32 v18, $0x8238;
	[tilespmem:v5+s4+$0x0] =	vst.idx.msk vm1, v10;
	v5 =	vmovc v27;
	vm1 =	vmmov vm7  }
0x9c: {  	v18 =	vmin.u32 v18, $0x8237;
	v20 =	vld [tilespmem:s22+$0xFFFFFFC0];
	vm4 =	vlt.u32 v12, $0x8238;
	v10 =	vadd.s32 $0xFFFF7DC8, v14  }
0x9d: {  	v21 =	vmin.u32 v12, $0x8237;
	vm5 =	vlt.u32 v10, $0x8238;
	v14 =	vadd.s32 $0xFFFF7DC8, v15;
	v22 =	vld.idx.msk [tilespmem:v13+s1+$0x0], vm11  }
0x9e: {  	v23 =	vmin.u32 v10, $0x8237;
	vm6 =	vlt.u32 v14, $0x8238;
	v10 =	vadd.s32 $0xFFFF7DC8, v16;
	v12 =	vld.idx.msk [tilespmem:v8+s1+$0x0], vm8  }
0x9f: {  	v24 =	vmin.u32 v14, $0x8237;
	vm8 =	vlt.u32 v10, $0x8238;
	v13 =	vadd.s32 $0xFFFF7DC8, v17;
	v14 =	vld.idx.msk [tilespmem:v9+s1+$0x0], vm9  }
.Ltmp1:
0xa0: {  	s21 =	sadd.s32 $0x80, s21;
	v8 =	vmin.u32 v10, $0x8237;
	vm9 =	vlt.u32 v13, $0x8238;
	v25 =	vadd.s32 $0xFFFF7DC8, v19;
	v10 =	vld.idx.msk [tilespmem:v11+s1+$0x0], vm7;
	(pc) =	sbr.rel @p0 .LBB2_4-.Ltmp1, $4  }
0xa1: {  	s23 =	sadd.s32 $0x10, s21;
	s25 =	sadd.s32 $0x20, s21;
	s26 =	sadd.s32 $0x70, s21;
	v9 =	vmin.u32 v13, $0x8237;
	v11 =	vadd.s32 $0xFFFF7DC8, v20;
	vm7 =	vlt.u32 v25, $0x8238;
	v15 =	vld.idx.msk [tilespmem:v18+s1+$0x0], vm3  }
0xa2: {  	s28 =	sadd.s32 $0x30, s21;
	s29 =	sadd.s32 $0x40, s21;
	s30 =	sadd.s32 $0x50, s21;
	v18 =	vor.u32 s26, v4;
	vm11 =	vlt.u32 v11, $0x8238;
	v13 =	vmin.u32 v11, $0x8237;
	v16 =	vld.idx.msk [tilespmem:v21+s1+$0x0], vm4  }
0xa3: {  	v19 =	vor.u32 s25, v4;
	v20 =	vor.u32 s23, v4;
	s23 =	sadd.s32 $0x60, s21;
	v11 =	vmin.u32 v25, $0x8237;
	v17 =	vld.idx.msk [tilespmem:v23+s1+$0x0], vm5;
	[tilespmem:v26+s4+$0x0] =	vst.idx.msk vm10, v22  }
0xa4: {  	s22 =	sadd.s32 $0x80, s22;
	v22 =	vor.u32 s28, v4;
	v23 =	vor.u32 s30, v4;
	v21 =	vld.idx.msk [tilespmem:v24+s1+$0x0], vm6;
	v24 =	vor.u32 s29, v4  }
0xa5: {  	_ =	sdelay $0x2  }
0xa6: {  	vm8 =	vmmov vm8  }
0xa7: {  	vm9 =	vmmov vm9  }
0xa8: {  	[tilespmem:v6+s4+$0x0] =	vst.idx.msk vm0, v12  }
0xa9: {  	[tilespmem:v7+s4+$0x0] =	vst.idx.msk vm2, v14  }
0xaa: {  	v6 =	vor.u32 s21, v4;
	v7 =	vld.idx.msk [tilespmem:v13+s1+$0x0], vm11;
	[tilespmem:v5+s4+$0x0] =	vst.idx.msk vm1, v10  }
0xab: {  	v12 =	vor.u32 s23, v4;
	v11 =	vld.idx.msk [tilespmem:v11+s1+$0x0], vm7;
	[tilespmem:v18+s4+$0x0] =	vst.idx.msk vm3, v15  }
0xac: {  	[tilespmem:v20+s4+$0x0] =	vst.idx.msk vm4, v16;
	v8 =	vld.idx.msk [tilespmem:v8+s1+$0x0], vm8  }
0xad: {  	[tilespmem:v19+s4+$0x0] =	vst.idx.msk vm5, v17;
	v9 =	vld.idx.msk [tilespmem:v9+s1+$0x0], vm9  }
0xae: {  	[tilespmem:v22+s4+$0x0] =	vst.idx.msk vm6, v21  }
0xaf: {  	[tilespmem:v6+s4+$0x0] =	vst.idx.msk vm11, v7  }
0xb0: {  	[tilespmem:v12+s4+$0x0] =	vst.idx.msk vm7, v11  }
0xb1: {  	[tilespmem:v24+s4+$0x0] =	vst.idx.msk vm8, v8  }
0xb2: {  	s20 =	simm.s32 $0x0;
	[tilespmem:v23+s4+$0x0] =	vst.idx.msk vm9, v9  }
0xb3: {  	[tilespmem:s1], [sflag:$0x2] =	stream.linear.gather [hbm4b:s7+s20], $0x8238, $0x38;
	[tilespmem:$0x1E8F0] =	vst v63  }
0xb4: {  	_ =	swait.ge [sflag:s3], $0x8230  }
0xb5: {  	[sflag:s3] =	ssyncset.done $0x0  }
0xb6: {  	s28 =	simm.s32 $0x40;
	[sflag:s3] =	ssyncadd.s32 $0xFFFF7DD0  }
0xb7: {  	v5 =	vld [tilespmem:s28+$0x30]  }
0xb8: {  	v7 =	vld [tilespmem:s28+$0xFFFFFFE0];
	_ =	sdelay $0x1  }
0xb9: {  	v6 =	vld [tilespmem:s28+$0xFFFFFFD0]  }
0xba: {  	v8 =	vld [tilespmem:s28+$0xFFFFFFF0]  }
0xbb: {  	s29 =	simm.s32 $0xC0;
	v12 =	vld [tilespmem:s28+$0xFFFFFFC0];
	v5 =	vadd.s32 $0xFFFEFB90, v5  }
0xbc: {  	v17 =	vld [tilespmem:s29+$0xFFFFFFD0];
	v7 =	vadd.s32 $0xFFFEFB90, v7;
	vm8 =	vlt.u32 v5, $0x8230  }
0xbd: {  	vm0 =	vmmov vm7;
	v20 =	vld [tilespmem:s29+$0xFFFFFFE0];
	v5 =	vmin.u32 v5, $0x822F;
	vm7 =	vlt.u32 v7, $0x8230  }
0xbe: {  	s30 =	simm.s32 $0x10;
	v23 =	vld [tilespmem:s29+$0xFFFFFFF0];
	v6 =	vadd.s32 $0xFFFEFB90, v6;
	v7 =	vmin.u32 v7, $0x822F  }
0xbf: {  	vm10 =	vmmov vm11;
	s22 =	simm.s32 $0x70;
	v18 =	vor.u32 s30, v4;
	v9 =	vld [tilespmem:s28+$0x0];
	vm9 =	vlt.u32 v6, $0x8230  }
0xc0: {  	s25 =	simm.s32 $0x20;
	s31 =	simm.s32 $0x30;
	v25 =	vor.u32 s20, v4;
	v16 =	vor.u32 s22, v4;
	v10 =	vld [tilespmem:s28+$0x10];
	v6 =	vmin.u32 v6, $0x822F  }
0xc1: {  	v19 =	vor.u32 s25, v4;
	v22 =	vor.u32 s31, v4;
	v11 =	vld [tilespmem:s28+$0x20];
	v8 =	vadd.s32 $0xFFFEFB90, v8  }
0xc2: {  	v17 =	vadd.s32 $0xFFFEFB90, v17;
	v20 =	vadd.s32 $0xFFFEFB90, v20;
	vm10 =	vlt.u32 v8, $0x8230;
	v13 =	vld.idx.msk [tilespmem:v5+s0+$0x0], vm8  }
0xc3: {  	v23 =	vadd.s32 $0xFFFEFB90, v23;
	v8 =	vmin.u32 v8, $0x822F;
	v15 =	vld.idx.msk [tilespmem:v7+s0+$0x0], vm7;
	v7 =	vadd.s32 $0xFFFEFB90, v12  }
0xc4: {  	vm4 =	vlt.u32 v17, $0x8230;
	v5 =	vadd.s32 $0xFFFEFB90, v9;
	v12 =	vld [tilespmem:s29+$0x30];
	vm2 =	vlt.u32 v7, $0x8230  }
0xc5: {  	v9 =	vld.idx.msk [tilespmem:v6+s0+$0x0], vm9;
	v6 =	vadd.s32 $0xFFFEFB90, v10;
	vm0 =	vlt.u32 v5, $0x8230;
	vm11 =	vmmov vm2  }
0xc6: {  	v24 =	vld [tilespmem:s29+$0x0];
	vm1 =	vlt.u32 v6, $0x8230;
	v14 =	vmin.u32 v7, $0x822F;
	vm0 =	vmmov vm0  }
0xc7: {  	v26 =	vld [tilespmem:s29+$0x10];
	v10 =	vmin.u32 v5, $0x822F;
	v5 =	vadd.s32 $0xFFFEFB90, v11;
	vm2 =	vmmov vm1  }
0xc8: {  	v17 =	vmin.u32 v17, $0x822F;
	v11 =	vld.idx.msk [tilespmem:v8+s0+$0x0], vm10;
	v8 =	vmin.u32 v6, $0x822F;
	vm12 =	vlt.u32 v5, $0x8230  }
0xc9: {  	v28 =	vld [tilespmem:s29+$0xFFFFFFC0];
	vm5 =	vlt.u32 v20, $0x8230;
	v21 =	vmin.u32 v5, $0x822F;
	v12 =	vadd.s32 $0xFFFEFB90, v12  }
0xca: {  	v27 =	vld [tilespmem:s29+$0x20];
	v31 =	vmin.u32 v20, $0x822F;
	vm6 =	vlt.u32 v23, $0x8230;
	vm3 =	vlt.u32 v12, $0x8230  }
0xcb: {  	s26 =	simm.s32 $0x50;
	s25 =	simm.s32 $0x40;
	s28 =	simm.s32 $0x60;
	v20 =	vadd.s32 $0xFFFEFB90, v24;
	v23 =	vmin.u32 v23, $0x822F;
	v29 =	vmin.u32 v12, $0x822F;
	v30 =	vld.idx.msk [tilespmem:v14+s0+$0x0], vm11  }
0xcc: {  	v6 =	vor.u32 s25, v4;
	v7 =	vor.u32 s26, v4;
	v5 =	vor.u32 s28, v4;
	s28 =	simm.s32 $0xC0;
	v12 =	vld.idx.msk [tilespmem:v10+s0+$0x0], vm0  }
0xcd: {  	s29 =	simm.s32 $0xF0;
	vm1 =	vmmov vm12;
	v24 =	vor.u32 s28, v4;
	[tilespmem:v16+s4+$0x0] =	vst.idx.msk vm8, v13;
	v13 =	vadd.s32 $0xFFFEFB90, v26;
	v14 =	vld.idx.msk [tilespmem:v8+s0+$0x0], vm2  }
0xce: {  	[tilespmem:v18+s4+$0x0] =	vst.idx.msk vm9, v9;
	v16 =	vadd.s32 $0xFFFEFB90, v28;
	v18 =	vor.u32 s29, v4;
	vm9 =	vlt.u32 v13, $0x8230;
	v10 =	vld.idx.msk [tilespmem:v21+s0+$0x0], vm12  }
0xcf: {  	s31 =	simm.s32 $0xA0;
	s26 =	simm.s32 $0xB0;
	[tilespmem:v19+s4+$0x0] =	vst.idx.msk vm7, v15;
	v9 =	vmin.u32 v13, $0x822F;
	v13 =	vmin.u32 v16, $0x822F;
	vm12 =	vlt.u32 v16, $0x8230;
	v16 =	vld.idx.msk [tilespmem:v17+s0+$0x0], vm4  }
0xd0: {  	s30 =	simm.s32 $0x90;
	vm8 =	vlt.u32 v20, $0x8230;
	v19 =	vor.u32 s31, v4;
	[tilespmem:v22+s4+$0x0] =	vst.idx.msk vm10, v11;
	v22 =	vor.u32 s26, v4;
	v15 =	vld.idx.msk [tilespmem:v29+s0+$0x0], vm3  }
0xd1: {  	s21 =	simm.s32 $0x8;
	s23 =	simm.s32 $0x140;
	s29 =	simm.s32 $0xD0;
	v8 =	vmin.u32 v20, $0x822F;
	v21 =	vadd.s32 $0xFFFEFB90, v27;
	v20 =	vor.u32 s30, v4;
	v17 =	vld.idx.msk [tilespmem:v31+s0+$0x0], vm5  }
0xd2: {  	s22 =	simm.s32 $0x80;
	s20 =	simm.s32 $0x0;
	s25 =	simm.s32 $0xE0;
	vm7 =	vlt.u32 v21, $0x8230;
	v11 =	vmin.u32 v21, $0x822F;
	v21 =	vld.idx.msk [tilespmem:v23+s0+$0x0], vm6;
	v23 =	vor.u32 s29, v4;
	[tilespmem:v25+s4+$0x0] =	vst.idx.msk vm11, v30  }
.LBB2_6:
0xd3: {  	v25 =	vld [tilespmem:s23+$0x30];
	s21 =	sadd.s32 $0x8, s21;
	v26 =	vor.u32 s22, v4;
	v27 =	vor.u32 s25, v4;
	[tilespmem:v6+s4+$0x0] =	vst.idx.msk vm0, v12;
	v6 =	vmovc v24;
	vm0 =	vmmov vm8  }
0xd4: {  	vm10 =	vmmov vm12;
	v12 =	vld [tilespmem:s23+$0xFFFFFFD0];
	p0 =	slt.u32 s21, $0x1F8;
	[tilespmem:v7+s4+$0x0] =	vst.idx.msk vm2, v14;
	v7 =	vmov v23;
	vm2 =	vmmov vm9  }
0xd5: {  	v14 =	vld [tilespmem:s23+$0xFFFFFFE0];
	[tilespmem:v18+s4+$0x0] =	vst.idx.msk vm3, v15  }
0xd6: {  	v15 =	vld [tilespmem:s23+$0xFFFFFFF0];
	[tilespmem:v20+s4+$0x0] =	vst.idx.msk vm4, v16  }
0xd7: {  	v16 =	vld [tilespmem:s23+$0x0];
	[tilespmem:v19+s4+$0x0] =	vst.idx.msk vm5, v17  }
0xd8: {  	v17 =	vld [tilespmem:s23+$0x10];
	v18 =	vadd.s32 $0xFFFEFB90, v25;
	[tilespmem:v22+s4+$0x0] =	vst.idx.msk vm6, v21  }
0xd9: {  	v12 =	vadd.s32 $0xFFFEFB90, v12;
	v19 =	vld [tilespmem:s23+$0x20];
	vm3 =	vlt.u32 v18, $0x8230;
	[tilespmem:v5+s4+$0x0] =	vst.idx.msk vm1, v10;
	v5 =	vmovc v27;
	vm1 =	vmmov vm7  }
0xda: {  	v18 =	vmin.u32 v18, $0x822F;
	v20 =	vld [tilespmem:s23+$0xFFFFFFC0];
	vm4 =	vlt.u32 v12, $0x8230;
	v10 =	vadd.s32 $0xFFFEFB90, v14  }
0xdb: {  	v21 =	vmin.u32 v12, $0x822F;
	vm5 =	vlt.u32 v10, $0x8230;
	v14 =	vadd.s32 $0xFFFEFB90, v15;
	v22 =	vld.idx.msk [tilespmem:v13+s0+$0x0], vm12  }
0xdc: {  	v23 =	vmin.u32 v10, $0x822F;
	vm6 =	vlt.u32 v14, $0x8230;
	v10 =	vadd.s32 $0xFFFEFB90, v16;
	v12 =	vld.idx.msk [tilespmem:v8+s0+$0x0], vm8  }
0xdd: {  	v24 =	vmin.u32 v14, $0x822F;
	vm8 =	vlt.u32 v10, $0x8230;
	v13 =	vadd.s32 $0xFFFEFB90, v17;
	v14 =	vld.idx.msk [tilespmem:v9+s0+$0x0], vm9  }
.Ltmp2:
0xde: {  	s22 =	sadd.s32 $0x80, s22;
	v8 =	vmin.u32 v10, $0x822F;
	vm9 =	vlt.u32 v13, $0x8230;
	v25 =	vadd.s32 $0xFFFEFB90, v19;
	v10 =	vld.idx.msk [tilespmem:v11+s0+$0x0], vm7;
	(pc) =	sbr.rel @p0 .LBB2_6-.Ltmp2, $4  }
0xdf: {  	s25 =	sadd.s32 $0x10, s22;
	s26 =	sadd.s32 $0x20, s22;
	s28 =	sadd.s32 $0x70, s22;
	v9 =	vmin.u32 v13, $0x822F;
	v11 =	vadd.s32 $0xFFFEFB90, v20;
	vm7 =	vlt.u32 v25, $0x8230;
	v15 =	vld.idx.msk [tilespmem:v18+s0+$0x0], vm3  }
0xe0: {  	s29 =	sadd.s32 $0x30, s22;
	s30 =	sadd.s32 $0x40, s22;
	s31 =	sadd.s32 $0x50, s22;
	v18 =	vor.u32 s28, v4;
	vm12 =	vlt.u32 v11, $0x8230;
	v13 =	vmin.u32 v11, $0x822F;
	v16 =	vld.idx.msk [tilespmem:v21+s0+$0x0], vm4  }
0xe1: {  	v19 =	vor.u32 s26, v4;
	v20 =	vor.u32 s25, v4;
	s25 =	sadd.s32 $0x60, s22;
	v11 =	vmin.u32 v25, $0x822F;
	v17 =	vld.idx.msk [tilespmem:v23+s0+$0x0], vm5;
	[tilespmem:v26+s4+$0x0] =	vst.idx.msk vm10, v22  }
0xe2: {  	s23 =	sadd.s32 $0x80, s23;
	v22 =	vor.u32 s29, v4;
	v23 =	vor.u32 s31, v4;
	v21 =	vld.idx.msk [tilespmem:v24+s0+$0x0], vm6;
	v24 =	vor.u32 s30, v4  }
0xe3: {  	_ =	sdelay $0x2  }
0xe4: {  	vm8 =	vmmov vm8  }
0xe5: {  	vm9 =	vmmov vm9  }
0xe6: {  	[tilespmem:v6+s4+$0x0] =	vst.idx.msk vm0, v12  }
0xe7: {  	[tilespmem:v7+s4+$0x0] =	vst.idx.msk vm2, v14  }
0xe8: {  	v6 =	vor.u32 s22, v4;
	v7 =	vld.idx.msk [tilespmem:v13+s0+$0x0], vm12;
	[tilespmem:v5+s4+$0x0] =	vst.idx.msk vm1, v10  }
0xe9: {  	v63 =	vor.u32 s25, v4;
	v11 =	vld.idx.msk [tilespmem:v11+s0+$0x0], vm7;
	[tilespmem:v18+s4+$0x0] =	vst.idx.msk vm3, v15  }
0xea: {  	[tilespmem:v20+s4+$0x0] =	vst.idx.msk vm4, v16;
	v8 =	vld.idx.msk [tilespmem:v8+s0+$0x0], vm8  }
0xeb: {  	[tilespmem:v19+s4+$0x0] =	vst.idx.msk vm5, v17;
	v9 =	vld.idx.msk [tilespmem:v9+s0+$0x0], vm9  }
0xec: {  	[tilespmem:v22+s4+$0x0] =	vst.idx.msk vm6, v21  }
0xed: {  	[tilespmem:v6+s4+$0x0] =	vst.idx.msk vm12, v7  }
0xee: {  	[tilespmem:v63+s4+$0x0] =	vst.idx.msk vm7, v11  }
0xef: {  	[tilespmem:v24+s4+$0x0] =	vst.idx.msk vm8, v8  }
0xf0: {  	s23 =	simm.s32 $0x124B0;
	[tilespmem:v23+s4+$0x0] =	vst.idx.msk vm9, v9  }
0xf1: {  	v6 =	vld [tilespmem:s23+$0xFFFFFFC0]  }
0xf2: {  	v5 =	vld [tilespmem:s23+$0x30]  }
0xf3: {  	v7 =	vld [tilespmem:s23+$0x20]  }
0xf4: {  	v8 =	vld [tilespmem:s23+$0x10]  }
0xf5: {  	s21 =	simm.s32 $0x144B0;
	v9 =	vld [tilespmem:s23+$0xFFFFFFF0]  }
0xf6: {  	v10 =	vld [tilespmem:s23+$0xFFFFFFE0];
	[tilespmem:s21+$0xFFFFFFC0] =	vst v6  }
0xf7: {  	v12 =	vld [tilespmem:s23+$0x0];
	[tilespmem:s21+$0x30] =	vst v5  }
0xf8: {  	[tilespmem:s21+$0x20] =	vst v7  }
0xf9: {  	[tilespmem:s21+$0x10] =	vst v8  }
0xfa: {  	[tilespmem:s21+$0xFFFFFFF0] =	vst v9  }
0xfb: {  	v11 =	vmul.f32 v5, v5;
	v5 =	vld [tilespmem:s23+$0xFFFFFFD0];
	[tilespmem:s21+$0xFFFFFFE0] =	vst v10  }
0xfc: {  	s22 =	simm.s32 $0x164B0;
	v7 =	vmul.f32 v7, v7;
	[tilespmem:s21+$0x0] =	vst v12  }
0xfd: {  	v6 =	vmul.f32 v6, v6;
	[tilespmem:s22+$0x30] =	vst v11  }
0xfe: {  	[tilespmem:s22+$0x20] =	vst v7;
	v11 =	vmul.f32 v8, v8  }
0xff: {  	vm10 =	vmmov vm12;
	[tilespmem:s22+$0xFFFFFFC0] =	vst v6;
	v8 =	vmul.f32 v9, v9;
	v9 =	vmul.f32 v12, v12  }
0x100: {  	vm15 =	vmmov vm7;
	s25 =	simm.s32 $0x12530;
	s26 =	simm.s32 $0x164B0;
	s23 =	simm.s32 $0x144B0;
	v7 =	vmul.f32 v10, v10;
	[tilespmem:s22+$0x10] =	vst v11;
	v6 =	vmul.f32 v5, v5  }
.LBB2_8:
0x101: {  	v10 =	vld [tilespmem:s25+$0xFFFFFFC0];
	s20 =	sadd.s32 $0x8, s20;
	[tilespmem:s22+$0xFFFFFFF0] =	vst v8;
	s21 =	sadd.s32 $0x80, s21;
	s26 =	sadd.s32 $0x80, s26  }
0x102: {  	v8 =	vld [tilespmem:s25+$0x30];
	p0 =	slt.u32 s20, $0x1F8;
	[tilespmem:s22+$0x0] =	vst v9  }
0x103: {  	v9 =	vld [tilespmem:s25+$0x20];
	[tilespmem:s23+$0xFFFFFFD0] =	vst v5;
	s23 =	smov.u32 s21  }
0x104: {  	v11 =	vld [tilespmem:s25+$0x10];
	[tilespmem:s22+$0xFFFFFFD0] =	vst v6  }
0x105: {  	v6 =	vld [tilespmem:s25+$0xFFFFFFF0];
	[tilespmem:s22+$0xFFFFFFE0] =	vst v7;
	s22 =	smov.u32 s26  }
0x106: {  	[tilespmem:s21+$0xFFFFFFC0] =	vst v10;
	v7 =	vmul.f32 v10, v10;
	v5 =	vld [tilespmem:s25+$0xFFFFFFD0]  }
0x107: {  	v10 =	vld [tilespmem:s25+$0xFFFFFFE0];
	[tilespmem:s21+$0x30] =	vst v8;
	v8 =	vmul.f32 v8, v8  }
0x108: {  	v12 =	vld [tilespmem:s25+$0x0];
	[tilespmem:s21+$0x20] =	vst v9;
	v13 =	vmul.f32 v9, v9  }
0x109: {  	[tilespmem:s21+$0x10] =	vst v11  }
0x10a: {  	[tilespmem:s26+$0x30] =	vst v8  }
0x10b: {  	v11 =	vmul.f32 v11, v11;
	v8 =	vmul.f32 v6, v6;
	[tilespmem:s21+$0xFFFFFFF0] =	vst v6  }
.Ltmp3:
0x10c: {  	v6 =	vmul.f32 v5, v5;
	[tilespmem:s21+$0xFFFFFFE0] =	vst v10;
	(pc) =	sbr.rel @p0 .LBB2_8-.Ltmp3, $4  }
0x10d: {  	v9 =	vmul.f32 v12, v12;
	[tilespmem:s26+$0x20] =	vst v13  }
0x10e: {  	[tilespmem:s26+$0xFFFFFFC0] =	vst v7  }
0x10f: {  	v7 =	vmul.f32 v10, v10;
	[tilespmem:s21+$0x0] =	vst v12  }
0x110: {  	s25 =	sadd.s32 $0x80, s25;
	[tilespmem:s26+$0x10] =	vst v11  }
0x111: {  	[tilespmem:s22+$0xFFFFFFF0] =	vst v8  }
0x112: {  	[tilespmem:s22+$0x0] =	vst v9  }
0x113: {  	[tilespmem:s23+$0xFFFFFFD0] =	vst v5  }
0x114: {  	[tilespmem:s22+$0xFFFFFFE0] =	vst v7  }
0x115: {  	s20 =	simm.s32 $0x0;
	[tilespmem:s22+$0xFFFFFFD0] =	vst v6  }
0x116: {  	[hbm4b:s14+s20] =	stream.linear.scatter [tilespmem:s4], [sflag:$0x3], $0x2000, $0x38;
	[tilespmem:$0x1E8F0] =	vst v63  }
0x117: {  	s21 =	rddreg [dreg:$0x9]  }
0x118: {  	[tilespmem:s0], [sflag:$0x1] =	stream.linear.gather [hbm4b:s21+s20], $0x8238, $0x38;
	[tilespmem:$0x1E8F0] =	vst v63  }
0x119: {  	_ =	swait.ge [sflag:s6], $0x8238  }
0x11a: {  	[sflag:s6] =	ssyncset.done $0x0  }
0x11b: {  	[sflag:s6] =	ssyncadd.s32 $0xFFFF7DC8  }
0x11c: {  	_ =	swait.ge [sflag:s8], $0x2000  }
0x11d: {  	[sflag:s8] =	ssyncset.done $0x0  }
0x11e: {  	s23 =	simm.s32 $0x40;
	[sflag:s8] =	ssyncadd.s32 $0xFFFFE000  }
0x11f: {  	v6 =	vld [tilespmem:s23+$0xFFFFFFD0]  }
0x120: {  	v8 =	vld [tilespmem:s23+$0xFFFFFFF0]  }
0x121: {  	v9 =	vld [tilespmem:s23+$0x0]  }
0x122: {  	v5 =	vld [tilespmem:s23+$0x30]  }
0x123: {  	v7 =	vld [tilespmem:s23+$0xFFFFFFE0]  }
0x124: {  	v10 =	vld [tilespmem:s23+$0x10];
	vm3 =	vlt.u32 v6, $0x8238  }
0x125: {  	v11 =	vld [tilespmem:s23+$0x20];
	v6 =	vmin.u32 v6, $0x8237;
	vm7 =	vlt.u32 v8, $0x8238  }
0x126: {  	s25 =	simm.s32 $0xC0;
	v12 =	vld [tilespmem:s23+$0xFFFFFFC0];
	v8 =	vmin.u32 v8, $0x8237;
	vm10 =	vlt.u32 v9, $0x8238  }
0x127: {  	v16 =	vld [tilespmem:s25+$0xFFFFFFF0];
	v9 =	vmin.u32 v9, $0x8237  }
0x128: {  	v18 =	vld [tilespmem:s25+$0x0]  }
0x129: {  	v20 =	vld [tilespmem:s25+$0x10]  }
0x12a: {  	vm6 =	vlt.u32 v5, $0x8238;
	v13 =	vld.idx.msk [tilespmem:v6+s1+$0x0], vm3  }
0x12b: {  	v5 =	vmin.u32 v5, $0x8237;
	v14 =	vld.idx.msk [tilespmem:v8+s1+$0x0], vm7  }
0x12c: {  	v15 =	vld.idx.msk [tilespmem:v9+s1+$0x0], vm10  }
0x12d: {  	vm9 =	vlt.u32 v7, $0x8238;
	vm0 =	vlt.u32 v12, $0x8238;
	v6 =	vld [tilespmem:s25+$0x30]  }
0x12e: {  	v7 =	vmin.u32 v7, $0x8237;
	vm1 =	vlt.u32 v10, $0x8238;
	vm8 =	vmmov vm0;
	v8 =	vld [tilespmem:s25+$0xFFFFFFD0]  }
0x12f: {  	s26 =	simm.s32 $0x70;
	v25 =	vor.u32 s20, v4;
	v12 =	vmin.u32 v12, $0x8237;
	vm0 =	vmmov vm1;
	v9 =	vld [tilespmem:s25+$0xFFFFFFE0]  }
0x130: {  	s28 =	simm.s32 $0x10;
	v17 =	vor.u32 s26, v4;
	v10 =	vmin.u32 v10, $0x8237;
	vm11 =	vlt.u32 v11, $0x8238;
	v5 =	vld.idx.msk [tilespmem:v5+s1+$0x0], vm6  }
0x131: {  	s30 =	simm.s32 $0x30;
	v19 =	vor.u32 s28, v4;
	v22 =	vld [tilespmem:s25+$0x20];
	v11 =	vmin.u32 v11, $0x8237;
	vm5 =	vlt.u32 v16, $0x8238  }
0x132: {  	s29 =	simm.s32 $0x20;
	v24 =	vor.u32 s30, v4;
	v27 =	vld [tilespmem:s25+$0xFFFFFFC0];
	v31 =	vmin.u32 v16, $0x8237;
	vm1 =	vlt.u32 v6, $0x8238  }
0x133: {  	s31 =	simm.s32 $0x40;
	v21 =	vor.u32 s29, v4;
	v7 =	vld.idx.msk [tilespmem:v7+s1+$0x0], vm9;
	vm2 =	vlt.u32 v8, $0x8238;
	v23 =	vmin.u32 v6, $0x8237  }
0x134: {  	v28 =	vor.u32 s31, v4;
	v30 =	vld.idx.msk [tilespmem:v12+s1+$0x0], vm8;
	v26 =	vmin.u32 v8, $0x8237;
	vm4 =	vlt.u32 v9, $0x8238  }
0x135: {  	s21 =	simm.s32 $0x50;
	v32 =	vmin.u32 v18, $0x8237;
	s25 =	simm.s32 $0xB0;
	v12 =	vld.idx.msk [tilespmem:v10+s1+$0x0], vm0;
	v29 =	vmin.u32 v9, $0x8237;
	[tilespmem:v17+s4+$0x0] =	vst.idx.msk vm6, v5;
	vm6 =	vlt.u32 v18, $0x8238  }
0x136: {  	s22 =	simm.s32 $0x60;
	v10 =	vmin.u32 v22, $0x8237;
	v16 =	vor.u32 s25, v4;
	v6 =	vor.u32 s21, v4;
	[tilespmem:v19+s4+$0x0] =	vst.idx.msk vm3, v13;
	v9 =	vld.idx.msk [tilespmem:v11+s1+$0x0], vm11  }
0x137: {  	s28 =	simm.s32 $0xF0;
	v5 =	vor.u32 s22, v4;
	vm3 =	vmmov vm11;
	[tilespmem:v24+s4+$0x0] =	vst.idx.msk vm7, v14;
	vm7 =	vlt.u32 v22, $0x8238;
	v22 =	vld.idx.msk [tilespmem:v31+s1+$0x0], vm5  }
0x138: {  	s20 =	simm.s32 $0x80;
	s23 =	simm.s32 $0x90;
	[tilespmem:v21+s4+$0x0] =	vst.idx.msk vm9, v7;
	vm9 =	vlt.u32 v20, $0x8238;
	v8 =	vmin.u32 v20, $0x8237;
	v21 =	vor.u32 s28, v4;
	v13 =	vld.idx.msk [tilespmem:v23+s1+$0x0], vm1  }
0x139: {  	s29 =	simm.s32 $0xA0;
	s26 =	simm.s32 $0xC0;
	v7 =	vor.u32 s20, v4;
	vm11 =	vlt.u32 v27, $0x8238;
	v19 =	vor.u32 s23, v4;
	v14 =	vld.idx.msk [tilespmem:v26+s1+$0x0], vm2  }
0x13a: {  	s30 =	simm.s32 $0xD0;
	s31 =	simm.s32 $0xE0;
	[tilespmem:v28+s4+$0x0] =	vst.idx.msk vm10, v15;
	v11 =	vmin.u32 v27, $0x8237;
	v20 =	vor.u32 s29, v4;
	v18 =	vor.u32 s26, v4;
	v17 =	vld.idx.msk [tilespmem:v29+s1+$0x0], vm4  }
0x13b: {  	s21 =	simm.s32 $0x8;
	v24 =	vor.u32 s30, v4;
	v15 =	vor.u32 s31, v4;
	s22 =	simm.s32 $0x140;
	[tilespmem:v25+s4+$0x0] =	vst.idx.msk vm8, v30;
	vm8 =	vmmov vm11;
	v23 =	vld.idx.msk [tilespmem:v32+s1+$0x0], vm6  }
.LBB2_10:
0x13c: {  	v25 =	vld [tilespmem:s22+$0x30];
	s21 =	sadd.s32 $0x8, s21;
	[tilespmem:v6+s4+$0x0] =	vst.idx.msk vm0, v12;
	v6 =	vmov v24;
	vm0 =	vmmov vm9  }
0x13d: {  	v12 =	vld [tilespmem:s22+$0xFFFFFFD0];
	p0 =	slt.u32 s21, $0x1F8;
	[tilespmem:v21+s4+$0x0] =	vst.idx.msk vm1, v13  }
0x13e: {  	v13 =	vld [tilespmem:s22+$0xFFFFFFE0];
	[tilespmem:v19+s4+$0x0] =	vst.idx.msk vm2, v14  }
0x13f: {  	v14 =	vld [tilespmem:s22+$0xFFFFFFF0];
	[tilespmem:v20+s4+$0x0] =	vst.idx.msk vm4, v17  }
0x140: {  	v17 =	vld [tilespmem:s22+$0x0];
	[tilespmem:v16+s4+$0x0] =	vst.idx.msk vm5, v22  }
0x141: {  	v16 =	vld [tilespmem:s22+$0x10];
	vm1 =	vlt.u32 v25, $0x8238;
	[tilespmem:v18+s4+$0x0] =	vst.idx.msk vm6, v23  }
0x142: {  	v20 =	vmin.u32 v25, $0x8237;
	vm2 =	vlt.u32 v12, $0x8238;
	v18 =	vmin.u32 v12, $0x8237;
	v19 =	vld [tilespmem:s22+$0x20];
	[tilespmem:v5+s4+$0x0] =	vst.idx.msk vm3, v9;
	v5 =	vmovc v15  }
0x143: {  	vm3 =	vmmov vm7;
	v15 =	vld [tilespmem:s22+$0xFFFFFFC0];
	vm4 =	vlt.u32 v13, $0x8238;
	v22 =	vmin.u32 v13, $0x8237  }
0x144: {  	vm5 =	vlt.u32 v14, $0x8238;
	v23 =	vmin.u32 v14, $0x8237;
	v25 =	vld.idx.msk [tilespmem:v11+s1+$0x0], vm8  }
0x145: {  	s20 =	sadd.s32 $0x80, s20;
	vm6 =	vlt.u32 v17, $0x8238;
	v26 =	vmin.u32 v17, $0x8237;
	v12 =	vld.idx.msk [tilespmem:v8+s1+$0x0], vm9  }
0x146: {  	s23 =	sadd.s32 $0x10, s20;
	vm9 =	vlt.u32 v16, $0x8238;
	v8 =	vmin.u32 v16, $0x8237;
	v9 =	vld.idx.msk [tilespmem:v10+s1+$0x0], vm7  }
.Ltmp4:
0x147: {  	v27 =	vor.u32 s20, v4;
	s25 =	sadd.s32 $0x20, s20;
	s26 =	sadd.s32 $0x70, s20;
	vm7 =	vlt.u32 v19, $0x8238;
	v10 =	vmin.u32 v19, $0x8237;
	v13 =	vld.idx.msk [tilespmem:v20+s1+$0x0], vm1;
	(pc) =	sbr.rel @p0 .LBB2_10-.Ltmp4, $4  }
0x148: {  	s28 =	sadd.s32 $0x30, s20;
	s29 =	sadd.s32 $0x40, s20;
	s30 =	sadd.s32 $0x50, s20;
	v21 =	vor.u32 s26, v4;
	vm10 =	vlt.u32 v15, $0x8238;
	v11 =	vmin.u32 v15, $0x8237;
	v14 =	vld.idx.msk [tilespmem:v18+s1+$0x0], vm2  }
0x149: {  	v16 =	vor.u32 s28, v4;
	v19 =	vor.u32 s23, v4;
	v20 =	vor.u32 s25, v4;
	s23 =	sadd.s32 $0x60, s20;
	v17 =	vld.idx.msk [tilespmem:v22+s1+$0x0], vm4  }
0x14a: {  	v24 =	vor.u32 s30, v4;
	v18 =	vor.u32 s29, v4;
	v15 =	vor.u32 s23, v4;
	v22 =	vld.idx.msk [tilespmem:v23+s1+$0x0], vm5  }
0x14b: {  	s22 =	sadd.s32 $0x80, s22;
	v23 =	vld.idx.msk [tilespmem:v26+s1+$0x0], vm6;
	[tilespmem:v7+s4+$0x0] =	vst.idx.msk vm8, v25;
	v7 =	vmov v27;
	vm8 =	vmmov vm10  }
0x14c: {  	_ =	sdelay $0x2  }
0x14d: {  	vm9 =	vmmov vm9;
	_ =	sdelay $0x1  }
0x14e: {  	[tilespmem:v6+s4+$0x0] =	vst.idx.msk vm0, v12  }
0x14f: {  	[tilespmem:v21+s4+$0x0] =	vst.idx.msk vm1, v13  }
0x150: {  	v6 =	vld.idx.msk [tilespmem:v11+s1+$0x0], vm8;
	[tilespmem:v5+s4+$0x0] =	vst.idx.msk vm3, v9  }
0x151: {  	v10 =	vld.idx.msk [tilespmem:v10+s1+$0x0], vm7;
	[tilespmem:v19+s4+$0x0] =	vst.idx.msk vm2, v14  }
0x152: {  	[tilespmem:v20+s4+$0x0] =	vst.idx.msk vm4, v17;
	v8 =	vld.idx.msk [tilespmem:v8+s1+$0x0], vm9  }
0x153: {  	[tilespmem:v16+s4+$0x0] =	vst.idx.msk vm5, v22  }
0x154: {  	[tilespmem:v18+s4+$0x0] =	vst.idx.msk vm6, v23  }
0x155: {  	[tilespmem:v7+s4+$0x0] =	vst.idx.msk vm8, v6  }
0x156: {  	[tilespmem:v15+s4+$0x0] =	vst.idx.msk vm7, v10  }
0x157: {  	[tilespmem:v24+s4+$0x0] =	vst.idx.msk vm9, v8  }
0x158: {  	s20 =	simm.s32 $0x0;
	s21 =	rddreg [dreg:$0x12]  }
0x159: {  	[tilespmem:s1], [sflag:$0x2] =	stream.linear.gather [hbm4b:s21+s20], $0x8230, $0x38;
	[tilespmem:$0x1E8F0] =	vst v63  }
0x15a: {  	_ =	swait.ge [sflag:s3], $0x8238  }
0x15b: {  	[sflag:s3] =	ssyncset.done $0x0  }
0x15c: {  	s26 =	simm.s32 $0x40;
	[sflag:s3] =	ssyncadd.s32 $0xFFFF7DC8  }
0x15d: {  	v5 =	vld [tilespmem:s26+$0x30]  }
0x15e: {  	v7 =	vld [tilespmem:s26+$0xFFFFFFE0];
	_ =	sdelay $0x1  }
0x15f: {  	v6 =	vld [tilespmem:s26+$0xFFFFFFD0]  }
0x160: {  	v8 =	vld [tilespmem:s26+$0xFFFFFFF0]  }
0x161: {  	s28 =	simm.s32 $0xC0;
	v12 =	vld [tilespmem:s26+$0xFFFFFFC0];
	v5 =	vadd.s32 $0xFFFF7DC8, v5  }
0x162: {  	v17 =	vld [tilespmem:s28+$0xFFFFFFD0];
	v7 =	vadd.s32 $0xFFFF7DC8, v7;
	vm8 =	vlt.u32 v5, $0x8238  }
0x163: {  	v20 =	vld [tilespmem:s28+$0xFFFFFFE0];
	v5 =	vmin.u32 v5, $0x8237;
	vm11 =	vlt.u32 v7, $0x8238  }
0x164: {  	s25 =	simm.s32 $0x20;
	v23 =	vld [tilespmem:s28+$0xFFFFFFF0];
	v6 =	vadd.s32 $0xFFFF7DC8, v6;
	v7 =	vmin.u32 v7, $0x8237  }
0x165: {  	vm0 =	vmmov vm7;
	s22 =	simm.s32 $0x70;
	v19 =	vor.u32 s25, v4;
	v9 =	vld [tilespmem:s26+$0x0];
	vm7 =	vlt.u32 v6, $0x8238  }
0x166: {  	s23 =	simm.s32 $0x10;
	s29 =	simm.s32 $0x30;
	v25 =	vor.u32 s20, v4;
	v16 =	vor.u32 s22, v4;
	v10 =	vld [tilespmem:s26+$0x10];
	v6 =	vmin.u32 v6, $0x8237  }
0x167: {  	v22 =	vor.u32 s29, v4;
	v18 =	vor.u32 s23, v4;
	v11 =	vld [tilespmem:s26+$0x20];
	v8 =	vadd.s32 $0xFFFF7DC8, v8  }
0x168: {  	v17 =	vadd.s32 $0xFFFF7DC8, v17;
	v20 =	vadd.s32 $0xFFFF7DC8, v20;
	vm10 =	vlt.u32 v8, $0x8238;
	v13 =	vld.idx.msk [tilespmem:v5+s0+$0x0], vm8  }
0x169: {  	v23 =	vadd.s32 $0xFFFF7DC8, v23;
	v8 =	vmin.u32 v8, $0x8237;
	v15 =	vld.idx.msk [tilespmem:v7+s0+$0x0], vm11;
	v7 =	vadd.s32 $0xFFFF7DC8, v12  }
0x16a: {  	vm4 =	vlt.u32 v17, $0x8238;
	v5 =	vadd.s32 $0xFFFF7DC8, v9;
	v12 =	vld [tilespmem:s28+$0x30];
	vm2 =	vlt.u32 v7, $0x8238  }
0x16b: {  	v9 =	vld.idx.msk [tilespmem:v6+s0+$0x0], vm7;
	v6 =	vadd.s32 $0xFFFF7DC8, v10;
	vm0 =	vlt.u32 v5, $0x8238;
	vm12 =	vmmov vm2  }
0x16c: {  	v24 =	vld [tilespmem:s28+$0x0];
	vm1 =	vlt.u32 v6, $0x8238;
	v14 =	vmin.u32 v7, $0x8237;
	vm0 =	vmmov vm0  }
0x16d: {  	v26 =	vld [tilespmem:s28+$0x10];
	v10 =	vmin.u32 v5, $0x8237;
	v5 =	vadd.s32 $0xFFFF7DC8, v11;
	vm2 =	vmmov vm1  }
0x16e: {  	v17 =	vmin.u32 v17, $0x8237;
	v11 =	vld.idx.msk [tilespmem:v8+s0+$0x0], vm10;
	v8 =	vmin.u32 v6, $0x8237;
	vm9 =	vlt.u32 v5, $0x8238  }
0x16f: {  	v28 =	vld [tilespmem:s28+$0xFFFFFFC0];
	vm5 =	vlt.u32 v20, $0x8238;
	v21 =	vmin.u32 v5, $0x8237;
	v12 =	vadd.s32 $0xFFFF7DC8, v12  }
0x170: {  	v27 =	vld [tilespmem:s28+$0x20];
	v31 =	vmin.u32 v20, $0x8237;
	vm6 =	vlt.u32 v23, $0x8238;
	vm3 =	vlt.u32 v12, $0x8238  }
0x171: {  	s30 =	simm.s32 $0x40;
	s31 =	simm.s32 $0x50;
	s26 =	simm.s32 $0x60;
	v20 =	vadd.s32 $0xFFFF7DC8, v24;
	v23 =	vmin.u32 v23, $0x8237;
	v29 =	vmin.u32 v12, $0x8237;
	v30 =	vld.idx.msk [tilespmem:v14+s0+$0x0], vm12  }
0x172: {  	v6 =	vor.u32 s30, v4;
	v7 =	vor.u32 s31, v4;
	v5 =	vor.u32 s26, v4;
	s26 =	simm.s32 $0xC0;
	v12 =	vld.idx.msk [tilespmem:v10+s0+$0x0], vm0  }
0x173: {  	s28 =	simm.s32 $0xF0;
	vm1 =	vmmov vm9;
	v24 =	vor.u32 s26, v4;
	[tilespmem:v16+s4+$0x0] =	vst.idx.msk vm8, v13;
	v13 =	vadd.s32 $0xFFFF7DC8, v26;
	v14 =	vld.idx.msk [tilespmem:v8+s0+$0x0], vm2  }
0x174: {  	[tilespmem:v18+s4+$0x0] =	vst.idx.msk vm7, v9;
	v16 =	vadd.s32 $0xFFFF7DC8, v28;
	v18 =	vor.u32 s28, v4;
	v9 =	vmin.u32 v13, $0x8237;
	v10 =	vld.idx.msk [tilespmem:v21+s0+$0x0], vm9  }
0x175: {  	s30 =	simm.s32 $0xA0;
	s31 =	simm.s32 $0xB0;
	[tilespmem:v19+s4+$0x0] =	vst.idx.msk vm11, v15;
	vm11 =	vlt.u32 v16, $0x8238;
	vm9 =	vlt.u32 v13, $0x8238;
	v13 =	vmin.u32 v16, $0x8237;
	v16 =	vld.idx.msk [tilespmem:v17+s0+$0x0], vm4  }
0x176: {  	s29 =	simm.s32 $0x90;
	vm8 =	vlt.u32 v20, $0x8238;
	v19 =	vor.u32 s30, v4;
	[tilespmem:v22+s4+$0x0] =	vst.idx.msk vm10, v11;
	v22 =	vor.u32 s31, v4;
	v15 =	vld.idx.msk [tilespmem:v29+s0+$0x0], vm3  }
0x177: {  	s22 =	simm.s32 $0x140;
	s28 =	simm.s32 $0xD0;
	v8 =	vmin.u32 v20, $0x8237;
	v21 =	vadd.s32 $0xFFFF7DC8, v27;
	v20 =	vor.u32 s29, v4;
	v17 =	vld.idx.msk [tilespmem:v31+s0+$0x0], vm5  }
0x178: {  	s23 =	simm.s32 $0xE0;
	s20 =	simm.s32 $0x8;
	s21 =	simm.s32 $0x80;
	vm7 =	vlt.u32 v21, $0x8238;
	v11 =	vmin.u32 v21, $0x8237;
	v21 =	vld.idx.msk [tilespmem:v23+s0+$0x0], vm6;
	v23 =	vor.u32 s28, v4;
	[tilespmem:v25+s4+$0x0] =	vst.idx.msk vm12, v30  }
.LBB2_12:
0x179: {  	v25 =	vld [tilespmem:s22+$0x30];
	s20 =	sadd.s32 $0x8, s20;
	v26 =	vor.u32 s21, v4;
	v27 =	vor.u32 s23, v4;
	[tilespmem:v6+s4+$0x0] =	vst.idx.msk vm0, v12;
	v6 =	vmovc v24;
	vm0 =	vmmov vm8  }
0x17a: {  	vm10 =	vmmov vm11;
	v12 =	vld [tilespmem:s22+$0xFFFFFFD0];
	p0 =	slt.u32 s20, $0x1F8;
	[tilespmem:v7+s4+$0x0] =	vst.idx.msk vm2, v14;
	v7 =	vmov v23;
	vm2 =	vmmov vm9  }
0x17b: {  	v14 =	vld [tilespmem:s22+$0xFFFFFFE0];
	[tilespmem:v18+s4+$0x0] =	vst.idx.msk vm3, v15  }
0x17c: {  	v15 =	vld [tilespmem:s22+$0xFFFFFFF0];
	[tilespmem:v20+s4+$0x0] =	vst.idx.msk vm4, v16  }
0x17d: {  	v16 =	vld [tilespmem:s22+$0x0];
	[tilespmem:v19+s4+$0x0] =	vst.idx.msk vm5, v17  }
0x17e: {  	v17 =	vld [tilespmem:s22+$0x10];
	v18 =	vadd.s32 $0xFFFF7DC8, v25;
	[tilespmem:v22+s4+$0x0] =	vst.idx.msk vm6, v21  }
0x17f: {  	v12 =	vadd.s32 $0xFFFF7DC8, v12;
	v19 =	vld [tilespmem:s22+$0x20];
	vm3 =	vlt.u32 v18, $0x8238;
	[tilespmem:v5+s4+$0x0] =	vst.idx.msk vm1, v10;
	v5 =	vmovc v27;
	vm1 =	vmmov vm7  }
0x180: {  	v18 =	vmin.u32 v18, $0x8237;
	v20 =	vld [tilespmem:s22+$0xFFFFFFC0];
	vm4 =	vlt.u32 v12, $0x8238;
	v10 =	vadd.s32 $0xFFFF7DC8, v14  }
0x181: {  	v21 =	vmin.u32 v12, $0x8237;
	vm5 =	vlt.u32 v10, $0x8238;
	v14 =	vadd.s32 $0xFFFF7DC8, v15;
	v22 =	vld.idx.msk [tilespmem:v13+s0+$0x0], vm11  }
0x182: {  	v23 =	vmin.u32 v10, $0x8237;
	vm6 =	vlt.u32 v14, $0x8238;
	v10 =	vadd.s32 $0xFFFF7DC8, v16;
	v12 =	vld.idx.msk [tilespmem:v8+s0+$0x0], vm8  }
0x183: {  	v24 =	vmin.u32 v14, $0x8237;
	vm8 =	vlt.u32 v10, $0x8238;
	v13 =	vadd.s32 $0xFFFF7DC8, v17;
	v14 =	vld.idx.msk [tilespmem:v9+s0+$0x0], vm9  }
.Ltmp5:
0x184: {  	s21 =	sadd.s32 $0x80, s21;
	v8 =	vmin.u32 v10, $0x8237;
	vm9 =	vlt.u32 v13, $0x8238;
	v25 =	vadd.s32 $0xFFFF7DC8, v19;
	v10 =	vld.idx.msk [tilespmem:v11+s0+$0x0], vm7;
	(pc) =	sbr.rel @p0 .LBB2_12-.Ltmp5, $4  }
0x185: {  	s23 =	sadd.s32 $0x10, s21;
	s25 =	sadd.s32 $0x20, s21;
	s26 =	sadd.s32 $0x70, s21;
	v9 =	vmin.u32 v13, $0x8237;
	v11 =	vadd.s32 $0xFFFF7DC8, v20;
	vm7 =	vlt.u32 v25, $0x8238;
	v15 =	vld.idx.msk [tilespmem:v18+s0+$0x0], vm3  }
0x186: {  	s28 =	sadd.s32 $0x30, s21;
	s29 =	sadd.s32 $0x40, s21;
	s30 =	sadd.s32 $0x50, s21;
	v18 =	vor.u32 s26, v4;
	vm11 =	vlt.u32 v11, $0x8238;
	v13 =	vmin.u32 v11, $0x8237;
	v16 =	vld.idx.msk [tilespmem:v21+s0+$0x0], vm4  }
0x187: {  	v19 =	vor.u32 s25, v4;
	v20 =	vor.u32 s23, v4;
	s23 =	sadd.s32 $0x60, s21;
	v11 =	vmin.u32 v25, $0x8237;
	v17 =	vld.idx.msk [tilespmem:v23+s0+$0x0], vm5;
	[tilespmem:v26+s4+$0x0] =	vst.idx.msk vm10, v22  }
0x188: {  	s22 =	sadd.s32 $0x80, s22;
	v22 =	vor.u32 s28, v4;
	v23 =	vor.u32 s30, v4;
	v21 =	vld.idx.msk [tilespmem:v24+s0+$0x0], vm6;
	v24 =	vor.u32 s29, v4  }
0x189: {  	_ =	sdelay $0x2  }
0x18a: {  	vm8 =	vmmov vm8  }
0x18b: {  	vm9 =	vmmov vm9  }
0x18c: {  	[tilespmem:v6+s4+$0x0] =	vst.idx.msk vm0, v12  }
0x18d: {  	[tilespmem:v7+s4+$0x0] =	vst.idx.msk vm2, v14  }
0x18e: {  	v6 =	vor.u32 s21, v4;
	v7 =	vld.idx.msk [tilespmem:v13+s0+$0x0], vm11;
	[tilespmem:v5+s4+$0x0] =	vst.idx.msk vm1, v10  }
0x18f: {  	v12 =	vor.u32 s23, v4;
	v11 =	vld.idx.msk [tilespmem:v11+s0+$0x0], vm7;
	[tilespmem:v18+s4+$0x0] =	vst.idx.msk vm3, v15  }
0x190: {  	[tilespmem:v20+s4+$0x0] =	vst.idx.msk vm4, v16;
	v8 =	vld.idx.msk [tilespmem:v8+s0+$0x0], vm8  }
0x191: {  	[tilespmem:v19+s4+$0x0] =	vst.idx.msk vm5, v17;
	v9 =	vld.idx.msk [tilespmem:v9+s0+$0x0], vm9  }
0x192: {  	[tilespmem:v22+s4+$0x0] =	vst.idx.msk vm6, v21  }
0x193: {  	[tilespmem:v6+s4+$0x0] =	vst.idx.msk vm11, v7  }
0x194: {  	[tilespmem:v12+s4+$0x0] =	vst.idx.msk vm7, v11  }
0x195: {  	[tilespmem:v24+s4+$0x0] =	vst.idx.msk vm8, v8  }
0x196: {  	s20 =	simm.s32 $0x0;
	[tilespmem:v23+s4+$0x0] =	vst.idx.msk vm9, v9  }
0x197: {  	[tilespmem:s0], [sflag:$0x1] =	stream.linear.gather [hbm4b:s9+s20], $0x8238, $0x38;
	[tilespmem:$0x1E8F0] =	vst v63  }
0x198: {  	_ =	swait.ge [sflag:s6], $0x8230  }
0x199: {  	[sflag:s6] =	ssyncset.done $0x0  }
0x19a: {  	s26 =	simm.s32 $0x40;
	[sflag:s6] =	ssyncadd.s32 $0xFFFF7DD0  }
0x19b: {  	v5 =	vld [tilespmem:s26+$0x30]  }
0x19c: {  	v7 =	vld [tilespmem:s26+$0xFFFFFFE0];
	_ =	sdelay $0x1  }
0x19d: {  	v6 =	vld [tilespmem:s26+$0xFFFFFFD0]  }
0x19e: {  	v8 =	vld [tilespmem:s26+$0xFFFFFFF0]  }
0x19f: {  	s21 =	simm.s32 $0xC0;
	v12 =	vld [tilespmem:s26+$0xFFFFFFC0];
	v5 =	vadd.s32 $0xFFFEFB90, v5  }
0x1a0: {  	v17 =	vld [tilespmem:s21+$0xFFFFFFD0];
	v7 =	vadd.s32 $0xFFFEFB90, v7;
	vm8 =	vlt.u32 v5, $0x8230  }
0x1a1: {  	vm10 =	vmmov vm11;
	v20 =	vld [tilespmem:s21+$0xFFFFFFE0];
	v5 =	vmin.u32 v5, $0x822F;
	vm11 =	vlt.u32 v7, $0x8230  }
0x1a2: {  	s28 =	simm.s32 $0x10;
	v23 =	vld [tilespmem:s21+$0xFFFFFFF0];
	v6 =	vadd.s32 $0xFFFEFB90, v6;
	v7 =	vmin.u32 v7, $0x822F  }
0x1a3: {  	vm0 =	vmmov vm7;
	s22 =	simm.s32 $0x70;
	v18 =	vor.u32 s28, v4;
	v9 =	vld [tilespmem:s26+$0x0];
	vm7 =	vlt.u32 v6, $0x8230  }
0x1a4: {  	s25 =	simm.s32 $0x20;
	s29 =	simm.s32 $0x30;
	v25 =	vor.u32 s20, v4;
	v16 =	vor.u32 s22, v4;
	v10 =	vld [tilespmem:s26+$0x10];
	v6 =	vmin.u32 v6, $0x822F  }
0x1a5: {  	v19 =	vor.u32 s25, v4;
	v22 =	vor.u32 s29, v4;
	v11 =	vld [tilespmem:s26+$0x20];
	v8 =	vadd.s32 $0xFFFEFB90, v8  }
0x1a6: {  	v17 =	vadd.s32 $0xFFFEFB90, v17;
	v20 =	vadd.s32 $0xFFFEFB90, v20;
	vm10 =	vlt.u32 v8, $0x8230;
	v13 =	vld.idx.msk [tilespmem:v5+s1+$0x0], vm8  }
0x1a7: {  	v23 =	vadd.s32 $0xFFFEFB90, v23;
	v8 =	vmin.u32 v8, $0x822F;
	v15 =	vld.idx.msk [tilespmem:v7+s1+$0x0], vm11;
	v7 =	vadd.s32 $0xFFFEFB90, v12  }
0x1a8: {  	vm4 =	vlt.u32 v17, $0x8230;
	v5 =	vadd.s32 $0xFFFEFB90, v9;
	v12 =	vld [tilespmem:s21+$0x30];
	vm2 =	vlt.u32 v7, $0x8230  }
0x1a9: {  	v9 =	vld.idx.msk [tilespmem:v6+s1+$0x0], vm7;
	v6 =	vadd.s32 $0xFFFEFB90, v10;
	vm0 =	vlt.u32 v5, $0x8230;
	vm12 =	vmmov vm2  }
0x1aa: {  	v24 =	vld [tilespmem:s21+$0x0];
	vm1 =	vlt.u32 v6, $0x8230;
	v14 =	vmin.u32 v7, $0x822F;
	vm0 =	vmmov vm0  }
0x1ab: {  	v26 =	vld [tilespmem:s21+$0x10];
	v10 =	vmin.u32 v5, $0x822F;
	v5 =	vadd.s32 $0xFFFEFB90, v11;
	vm2 =	vmmov vm1  }
0x1ac: {  	v17 =	vmin.u32 v17, $0x822F;
	v11 =	vld.idx.msk [tilespmem:v8+s1+$0x0], vm10;
	v8 =	vmin.u32 v6, $0x822F;
	vm9 =	vlt.u32 v5, $0x8230  }
0x1ad: {  	v28 =	vld [tilespmem:s21+$0xFFFFFFC0];
	vm5 =	vlt.u32 v20, $0x8230;
	v21 =	vmin.u32 v5, $0x822F;
	v12 =	vadd.s32 $0xFFFEFB90, v12  }
0x1ae: {  	v27 =	vld [tilespmem:s21+$0x20];
	v31 =	vmin.u32 v20, $0x822F;
	vm6 =	vlt.u32 v23, $0x8230;
	vm3 =	vlt.u32 v12, $0x8230  }
0x1af: {  	s30 =	simm.s32 $0x40;
	s31 =	simm.s32 $0x50;
	s26 =	simm.s32 $0x60;
	v20 =	vadd.s32 $0xFFFEFB90, v24;
	v23 =	vmin.u32 v23, $0x822F;
	v29 =	vmin.u32 v12, $0x822F;
	v30 =	vld.idx.msk [tilespmem:v14+s1+$0x0], vm12  }
0x1b0: {  	v6 =	vor.u32 s30, v4;
	v7 =	vor.u32 s31, v4;
	v5 =	vor.u32 s26, v4;
	s26 =	simm.s32 $0xC0;
	v12 =	vld.idx.msk [tilespmem:v10+s1+$0x0], vm0  }
0x1b1: {  	s28 =	simm.s32 $0xF0;
	vm1 =	vmmov vm9;
	v24 =	vor.u32 s26, v4;
	[tilespmem:v16+s4+$0x0] =	vst.idx.msk vm8, v13;
	v13 =	vadd.s32 $0xFFFEFB90, v26;
	v14 =	vld.idx.msk [tilespmem:v8+s1+$0x0], vm2  }
0x1b2: {  	[tilespmem:v18+s4+$0x0] =	vst.idx.msk vm7, v9;
	v16 =	vadd.s32 $0xFFFEFB90, v28;
	v18 =	vor.u32 s28, v4;
	v9 =	vmin.u32 v13, $0x822F;
	v10 =	vld.idx.msk [tilespmem:v21+s1+$0x0], vm9  }
0x1b3: {  	s30 =	simm.s32 $0xA0;
	s31 =	simm.s32 $0xB0;
	[tilespmem:v19+s4+$0x0] =	vst.idx.msk vm11, v15;
	vm11 =	vlt.u32 v16, $0x8230;
	vm9 =	vlt.u32 v13, $0x8230;
	v13 =	vmin.u32 v16, $0x822F;
	v16 =	vld.idx.msk [tilespmem:v17+s1+$0x0], vm4  }
0x1b4: {  	s29 =	simm.s32 $0x90;
	vm8 =	vlt.u32 v20, $0x8230;
	v19 =	vor.u32 s30, v4;
	[tilespmem:v22+s4+$0x0] =	vst.idx.msk vm10, v11;
	v22 =	vor.u32 s31, v4;
	v15 =	vld.idx.msk [tilespmem:v29+s1+$0x0], vm3  }
0x1b5: {  	s23 =	simm.s32 $0xE0;
	s28 =	simm.s32 $0xD0;
	v8 =	vmin.u32 v20, $0x822F;
	v21 =	vadd.s32 $0xFFFEFB90, v27;
	v20 =	vor.u32 s29, v4;
	v17 =	vld.idx.msk [tilespmem:v31+s1+$0x0], vm5  }
0x1b6: {  	s22 =	simm.s32 $0x140;
	s20 =	simm.s32 $0x8;
	s21 =	simm.s32 $0x80;
	vm7 =	vlt.u32 v21, $0x8230;
	v11 =	vmin.u32 v21, $0x822F;
	v21 =	vld.idx.msk [tilespmem:v23+s1+$0x0], vm6;
	v23 =	vor.u32 s28, v4;
	[tilespmem:v25+s4+$0x0] =	vst.idx.msk vm12, v30  }
.LBB2_14:
0x1b7: {  	v25 =	vld [tilespmem:s22+$0x30];
	s20 =	sadd.s32 $0x8, s20;
	v26 =	vor.u32 s21, v4;
	v27 =	vor.u32 s23, v4;
	[tilespmem:v6+s4+$0x0] =	vst.idx.msk vm0, v12;
	v6 =	vmovc v24;
	vm0 =	vmmov vm8  }
0x1b8: {  	vm10 =	vmmov vm11;
	v12 =	vld [tilespmem:s22+$0xFFFFFFD0];
	p0 =	slt.u32 s20, $0x1F8;
	[tilespmem:v7+s4+$0x0] =	vst.idx.msk vm2, v14;
	v7 =	vmov v23;
	vm2 =	vmmov vm9  }
0x1b9: {  	v14 =	vld [tilespmem:s22+$0xFFFFFFE0];
	[tilespmem:v18+s4+$0x0] =	vst.idx.msk vm3, v15  }
0x1ba: {  	v15 =	vld [tilespmem:s22+$0xFFFFFFF0];
	[tilespmem:v20+s4+$0x0] =	vst.idx.msk vm4, v16  }
0x1bb: {  	v16 =	vld [tilespmem:s22+$0x0];
	[tilespmem:v19+s4+$0x0] =	vst.idx.msk vm5, v17  }
0x1bc: {  	v17 =	vld [tilespmem:s22+$0x10];
	v18 =	vadd.s32 $0xFFFEFB90, v25;
	[tilespmem:v22+s4+$0x0] =	vst.idx.msk vm6, v21  }
0x1bd: {  	v12 =	vadd.s32 $0xFFFEFB90, v12;
	v19 =	vld [tilespmem:s22+$0x20];
	vm3 =	vlt.u32 v18, $0x8230;
	[tilespmem:v5+s4+$0x0] =	vst.idx.msk vm1, v10;
	v5 =	vmovc v27;
	vm1 =	vmmov vm7  }
0x1be: {  	v18 =	vmin.u32 v18, $0x822F;
	v20 =	vld [tilespmem:s22+$0xFFFFFFC0];
	vm4 =	vlt.u32 v12, $0x8230;
	v10 =	vadd.s32 $0xFFFEFB90, v14  }
0x1bf: {  	v21 =	vmin.u32 v12, $0x822F;
	vm5 =	vlt.u32 v10, $0x8230;
	v14 =	vadd.s32 $0xFFFEFB90, v15;
	v22 =	vld.idx.msk [tilespmem:v13+s1+$0x0], vm11  }
0x1c0: {  	v23 =	vmin.u32 v10, $0x822F;
	vm6 =	vlt.u32 v14, $0x8230;
	v10 =	vadd.s32 $0xFFFEFB90, v16;
	v12 =	vld.idx.msk [tilespmem:v8+s1+$0x0], vm8  }
0x1c1: {  	v24 =	vmin.u32 v14, $0x822F;
	vm8 =	vlt.u32 v10, $0x8230;
	v13 =	vadd.s32 $0xFFFEFB90, v17;
	v14 =	vld.idx.msk [tilespmem:v9+s1+$0x0], vm9  }
.Ltmp6:
0x1c2: {  	s21 =	sadd.s32 $0x80, s21;
	v8 =	vmin.u32 v10, $0x822F;
	vm9 =	vlt.u32 v13, $0x8230;
	v25 =	vadd.s32 $0xFFFEFB90, v19;
	v10 =	vld.idx.msk [tilespmem:v11+s1+$0x0], vm7;
	(pc) =	sbr.rel @p0 .LBB2_14-.Ltmp6, $4  }
0x1c3: {  	s23 =	sadd.s32 $0x10, s21;
	s25 =	sadd.s32 $0x20, s21;
	s26 =	sadd.s32 $0x70, s21;
	v9 =	vmin.u32 v13, $0x822F;
	v11 =	vadd.s32 $0xFFFEFB90, v20;
	vm7 =	vlt.u32 v25, $0x8230;
	v15 =	vld.idx.msk [tilespmem:v18+s1+$0x0], vm3  }
0x1c4: {  	s28 =	sadd.s32 $0x30, s21;
	s29 =	sadd.s32 $0x40, s21;
	s30 =	sadd.s32 $0x50, s21;
	v18 =	vor.u32 s26, v4;
	vm11 =	vlt.u32 v11, $0x8230;
	v13 =	vmin.u32 v11, $0x822F;
	v16 =	vld.idx.msk [tilespmem:v21+s1+$0x0], vm4  }
0x1c5: {  	v19 =	vor.u32 s25, v4;
	v20 =	vor.u32 s23, v4;
	s23 =	sadd.s32 $0x60, s21;
	v11 =	vmin.u32 v25, $0x822F;
	v17 =	vld.idx.msk [tilespmem:v23+s1+$0x0], vm5;
	[tilespmem:v26+s4+$0x0] =	vst.idx.msk vm10, v22  }
0x1c6: {  	s22 =	sadd.s32 $0x80, s22;
	v22 =	vor.u32 s28, v4;
	v23 =	vor.u32 s30, v4;
	v21 =	vld.idx.msk [tilespmem:v24+s1+$0x0], vm6;
	v24 =	vor.u32 s29, v4  }
0x1c7: {  	_ =	sdelay $0x2  }
0x1c8: {  	vm8 =	vmmov vm8  }
0x1c9: {  	vm9 =	vmmov vm9  }
0x1ca: {  	[tilespmem:v6+s4+$0x0] =	vst.idx.msk vm0, v12  }
0x1cb: {  	[tilespmem:v7+s4+$0x0] =	vst.idx.msk vm2, v14  }
0x1cc: {  	v6 =	vor.u32 s21, v4;
	v7 =	vld.idx.msk [tilespmem:v13+s1+$0x0], vm11;
	[tilespmem:v5+s4+$0x0] =	vst.idx.msk vm1, v10  }
0x1cd: {  	v12 =	vor.u32 s23, v4;
	v11 =	vld.idx.msk [tilespmem:v11+s1+$0x0], vm7;
	[tilespmem:v18+s4+$0x0] =	vst.idx.msk vm3, v15  }
0x1ce: {  	[tilespmem:v20+s4+$0x0] =	vst.idx.msk vm4, v16;
	v8 =	vld.idx.msk [tilespmem:v8+s1+$0x0], vm8  }
0x1cf: {  	[tilespmem:v19+s4+$0x0] =	vst.idx.msk vm5, v17;
	v9 =	vld.idx.msk [tilespmem:v9+s1+$0x0], vm9  }
0x1d0: {  	[tilespmem:v22+s4+$0x0] =	vst.idx.msk vm6, v21  }
0x1d1: {  	[tilespmem:v6+s4+$0x0] =	vst.idx.msk vm11, v7  }
0x1d2: {  	[tilespmem:v12+s4+$0x0] =	vst.idx.msk vm7, v11  }
0x1d3: {  	[tilespmem:v24+s4+$0x0] =	vst.idx.msk vm8, v8  }
0x1d4: {  	s30 =	simm.s32 $0x124B0;
	[tilespmem:v23+s4+$0x0] =	vst.idx.msk vm9, v9  }
0x1d5: {  	s31 =	simm.s32 $0x144B0;
	v5 =	vld [tilespmem:s30+$0x30]  }
0x1d6: {  	v6 =	vld [tilespmem:s31+$0x30]  }
0x1d7: {  	v7 =	vld [tilespmem:s31+$0xFFFFFFC0]  }
0x1d8: {  	v8 =	vld [tilespmem:s30+$0xFFFFFFD0]  }
0x1d9: {  	v9 =	vld [tilespmem:s31+$0xFFFFFFD0]  }
0x1da: {  	v10 =	vld [tilespmem:s30+$0xFFFFFFE0]  }
0x1db: {  	v11 =	vld [tilespmem:s31+$0xFFFFFFE0]  }
0x1dc: {  	v12 =	vld [tilespmem:s30+$0xFFFFFFF0]  }
0x1dd: {  	v13 =	vld [tilespmem:s31+$0xFFFFFFF0]  }
0x1de: {  	v14 =	vld [tilespmem:s30+$0x0]  }
0x1df: {  	v15 =	vld [tilespmem:s31+$0x0]  }
0x1e0: {  	v16 =	vld [tilespmem:s30+$0x10]  }
0x1e1: {  	v17 =	vld [tilespmem:s31+$0x10]  }
0x1e2: {  	s25 =	simm.s32 $0x12530;
	v18 =	vld [tilespmem:s30+$0x20]  }
0x1e3: {  	s21 =	simm.s32 $0x14530;
	v21 =	vld [tilespmem:s25+$0x30]  }
0x1e4: {  	v22 =	vld [tilespmem:s21+$0x30]  }
0x1e5: {  	v23 =	vld [tilespmem:s21+$0xFFFFFFC0]  }
0x1e6: {  	v24 =	vld [tilespmem:s25+$0xFFFFFFD0]  }
0x1e7: {  	v25 =	vld [tilespmem:s21+$0xFFFFFFD0]  }
0x1e8: {  	v26 =	vld [tilespmem:s21+$0xFFFFFFE0];
	v6 =	vadd.f32 v6, v5  }
0x1e9: {  	v27 =	vld [tilespmem:s25+$0xFFFFFFF0]  }
0x1ea: {  	s20 =	simm.s32 $0x164B0;
	[tilespmem:s31+$0x30] =	vst v6;
	v6 =	vadd.f32 v9, v8;
	v9 =	vld [tilespmem:s31+$0x20]  }
0x1eb: {  	v11 =	vadd.f32 v11, v10;
	v19 =	vld [tilespmem:s20+$0x30]  }
0x1ec: {  	[tilespmem:s31+$0xFFFFFFD0] =	vst v6;
	v6 =	vadd.f32 v13, v12;
	v13 =	vld [tilespmem:s30+$0xFFFFFFC0]  }
0x1ed: {  	[tilespmem:s31+$0xFFFFFFE0] =	vst v11;
	v11 =	vadd.f32 v15, v14;
	v15 =	vld [tilespmem:s20+$0xFFFFFFD0]  }
0x1ee: {  	[tilespmem:s31+$0xFFFFFFF0] =	vst v6;
	v6 =	vadd.f32 v17, v16;
	v17 =	vld [tilespmem:s20+$0xFFFFFFE0]  }
0x1ef: {  	v5 =	vmul.f32 v5, v5;
	[tilespmem:s31+$0x0] =	vst v11;
	v11 =	vld [tilespmem:s20+$0xFFFFFFF0]  }
0x1f0: {  	v9 =	vadd.f32 v9, v18;
	[tilespmem:s31+$0x10] =	vst v6;
	v6 =	vld [tilespmem:s20+$0x0]  }
0x1f1: {  	v5 =	vadd.f32 v19, v5;
	v19 =	vld [tilespmem:s25+$0xFFFFFFE0]  }
0x1f2: {  	v22 =	vadd.f32 v22, v21;
	v8 =	vmul.f32 v8, v8;
	v20 =	vld [tilespmem:s20+$0x10];
	[tilespmem:s31+$0x20] =	vst v9  }
0x1f3: {  	v10 =	vmul.f32 v10, v10;
	v9 =	vld [tilespmem:s20+$0x20];
	[tilespmem:s20+$0x30] =	vst v5;
	v5 =	vadd.f32 v7, v13  }
0x1f4: {  	[tilespmem:s21+$0x30] =	vst v22;
	v7 =	vmul.f32 v12, v12;
	v8 =	vadd.f32 v15, v8;
	v12 =	vld [tilespmem:s21+$0xFFFFFFF0]  }
0x1f5: {  	s22 =	simm.s32 $0x16530;
	v14 =	vmul.f32 v14, v14;
	v15 =	vmul.f32 v16, v16;
	v16 =	vld [tilespmem:s25+$0x20];
	[tilespmem:s31+$0xFFFFFFC0] =	vst v5;
	v5 =	vadd.f32 v17, v10  }
0x1f6: {  	v10 =	vld [tilespmem:s22+$0x30];
	[tilespmem:s20+$0xFFFFFFD0] =	vst v8;
	v7 =	vadd.f32 v11, v7  }
0x1f7: {  	v8 =	vld [tilespmem:s25+$0x0];
	v11 =	vmul.f32 v18, v18;
	[tilespmem:s20+$0xFFFFFFE0] =	vst v5;
	v5 =	vadd.f32 v6, v14  }
0x1f8: {  	v6 =	vld [tilespmem:s21+$0x0];
	[tilespmem:s20+$0xFFFFFFF0] =	vst v7;
	v7 =	vadd.f32 v20, v15  }
0x1f9: {  	v15 =	vld [tilespmem:s25+$0x10];
	[tilespmem:s20+$0x0] =	vst v5;
	v5 =	vadd.f32 v9, v11  }
0x1fa: {  	v9 =	vld [tilespmem:s21+$0x10];
	[tilespmem:s20+$0x10] =	vst v7;
	v7 =	vadd.f32 v25, v24  }
0x1fb: {  	v14 =	vld [tilespmem:s21+$0x20];
	v11 =	vmul.f32 v21, v21;
	[tilespmem:s20+$0x20] =	vst v5;
	v5 =	vadd.f32 v26, v19  }
0x1fc: {  	v17 =	vld [tilespmem:s25+$0xFFFFFFC0];
	[tilespmem:s21+$0xFFFFFFD0] =	vst v7;
	v7 =	vadd.f32 v12, v27  }
0x1fd: {  	v18 =	vld [tilespmem:s20+$0xFFFFFFC0];
	[tilespmem:s21+$0xFFFFFFE0] =	vst v5;
	v5 =	vadd.f32 v10, v11  }
0x1fe: {  	v6 =	vadd.f32 v6, v8;
	v61 =	vld [tilespmem:s22+$0xFFFFFFD0];
	[tilespmem:s21+$0xFFFFFFF0] =	vst v7  }
0x1ff: {  	vm10 =	vmmov vm11;
	v62 =	vmul.f32 v13, v13;
	v13 =	vld [tilespmem:s22+$0xFFFFFFE0];
	[tilespmem:s22+$0x30] =	vst v5;
	v5 =	vadd.f32 v9, v15  }
0x200: {  	vm15 =	vmmov vm7;
	v7 =	vmul.f32 v19, v19;
	v19 =	vadd.f32 v14, v16;
	[tilespmem:s21+$0x0] =	vst v6;
	v11 =	vld [tilespmem:s22+$0xFFFFFFF0]  }
0x201: {  	v63 =	vmul.f32 v24, v24;
	v23 =	vadd.f32 v23, v17;
	v8 =	vmul.f32 v8, v8;
	v14 =	vld [tilespmem:s22+$0x0];
	[tilespmem:s21+$0x10] =	vst v5  }
0x202: {  	v10 =	vmul.f32 v16, v16;
	[tilespmem:s21+$0x20] =	vst v19;
	v5 =	vmul.f32 v17, v17;
	v17 =	vadd.f32 v18, v62;
	v12 =	vld [tilespmem:s22+$0x10]  }
0x203: {  	s23 =	simm.s32 $0x8;
	s25 =	simm.s32 $0x125B0;
	[tilespmem:s21+$0xFFFFFFC0] =	vst v23;
	v6 =	vmul.f32 v27, v27;
	v9 =	vmul.f32 v15, v15;
	v15 =	vld [tilespmem:s22+$0x20];
	v16 =	vadd.f32 v61, v63  }
.LBB2_16:
0x204: {  	v18 =	vld [tilespmem:s25+$0x30];
	v7 =	vadd.f32 v13, v7;
	s21 =	sadd.s32 $0x80, s21;
	[tilespmem:s20+$0xFFFFFFC0] =	vst v17;
	s20 =	smov.u32 s22  }
0x205: {  	s23 =	sadd.s32 $0x8, s23;
	v13 =	vld [tilespmem:s21+$0x30];
	[tilespmem:s22+$0xFFFFFFD0] =	vst v16;
	v6 =	vadd.f32 v11, v6  }
0x206: {  	p0 =	slt.u32 s23, $0x1F8;
	v16 =	vld [tilespmem:s21+$0xFFFFFFC0];
	[tilespmem:s22+$0xFFFFFFE0] =	vst v7;
	v7 =	vadd.f32 v14, v8  }
0x207: {  	v8 =	vld [tilespmem:s25+$0xFFFFFFD0];
	[tilespmem:s22+$0xFFFFFFF0] =	vst v6;
	v6 =	vadd.f32 v12, v9  }
0x208: {  	v9 =	vld [tilespmem:s21+$0xFFFFFFD0];
	[tilespmem:s22+$0x0] =	vst v7;
	v7 =	vadd.f32 v15, v10  }
0x209: {  	v10 =	vld [tilespmem:s25+$0xFFFFFFE0];
	[tilespmem:s22+$0x10] =	vst v6  }
0x20a: {  	v6 =	vld [tilespmem:s21+$0xFFFFFFE0];
	v11 =	vadd.f32 v13, v18;
	[tilespmem:s22+$0x20] =	vst v7  }
0x20b: {  	v12 =	vld [tilespmem:s25+$0xFFFFFFF0]  }
0x20c: {  	s22 =	sadd.s32 $0x80, s22;
	v15 =	vmul.f32 v8, v8;
	v13 =	vld [tilespmem:s21+$0xFFFFFFF0];
	[tilespmem:s21+$0x30] =	vst v11  }
0x20d: {  	v8 =	vadd.f32 v9, v8;
	v9 =	vld [tilespmem:s22+$0x30]  }
0x20e: {  	v7 =	vmul.f32 v10, v10;
	v11 =	vld [tilespmem:s25+$0x0]  }
0x20f: {  	[tilespmem:s21+$0xFFFFFFD0] =	vst v8;
	v8 =	vadd.f32 v6, v10;
	v10 =	vld [tilespmem:s21+$0x0]  }
0x210: {  	v17 =	vmul.f32 v18, v18;
	v6 =	vmul.f32 v12, v12;
	v14 =	vld [tilespmem:s25+$0x10]  }
0x211: {  	[tilespmem:s21+$0xFFFFFFE0] =	vst v8;
	v8 =	vadd.f32 v13, v12;
	v12 =	vld [tilespmem:s21+$0x10]  }
0x212: {  	v18 =	vld [tilespmem:s25+$0x20];
	v9 =	vadd.f32 v9, v17  }
0x213: {  	[tilespmem:s21+$0xFFFFFFF0] =	vst v8;
	v8 =	vmul.f32 v11, v11;
	v17 =	vld [tilespmem:s21+$0x20]  }
0x214: {  	v19 =	vld [tilespmem:s25+$0xFFFFFFC0];
	v10 =	vadd.f32 v10, v11;
	[tilespmem:s22+$0x30] =	vst v9  }
0x215: {  	v9 =	vmul.f32 v14, v14;
	v20 =	vld [tilespmem:s20+$0xFFFFFFC0]  }
0x216: {  	v21 =	vld [tilespmem:s22+$0xFFFFFFD0];
	[tilespmem:s21+$0x0] =	vst v10;
	v12 =	vadd.f32 v12, v14  }
.Ltmp7:
0x217: {  	v13 =	vld [tilespmem:s22+$0xFFFFFFE0];
	v10 =	vmul.f32 v18, v18;
	(pc) =	sbr.rel @p0 .LBB2_16-.Ltmp7, $4  }
0x218: {  	v11 =	vld [tilespmem:s22+$0xFFFFFFF0];
	[tilespmem:s21+$0x10] =	vst v12;
	v17 =	vadd.f32 v17, v18  }
0x219: {  	v16 =	vadd.f32 v16, v19;
	v18 =	vmul.f32 v19, v19;
	v14 =	vld [tilespmem:s22+$0x0]  }
0x21a: {  	v12 =	vld [tilespmem:s22+$0x10];
	[tilespmem:s21+$0x20] =	vst v17;
	v17 =	vadd.f32 v20, v5  }
0x21b: {  	s25 =	sadd.s32 $0x80, s25;
	[tilespmem:s21+$0xFFFFFFC0] =	vst v16;
	v16 =	vadd.f32 v21, v15;
	v15 =	vld [tilespmem:s22+$0x20];
	v5 =	vmov v18  }
0x21c: {  	v7 =	vadd.f32 v13, v7;
	[tilespmem:s20+$0xFFFFFFC0] =	vst v17;
	v13 =	vld [tilespmem:s22+$0xFFFFFFC0]  }
0x21d: {  	[tilespmem:s22+$0xFFFFFFD0] =	vst v16;
	v6 =	vadd.f32 v11, v6  }
0x21e: {  	[tilespmem:s22+$0xFFFFFFE0] =	vst v7;
	v7 =	vadd.f32 v14, v8  }
0x21f: {  	[tilespmem:s22+$0xFFFFFFF0] =	vst v6;
	v6 =	vadd.f32 v12, v9  }
0x220: {  	[tilespmem:s22+$0x0] =	vst v7;
	v7 =	vadd.f32 v15, v10  }
0x221: {  	[tilespmem:s22+$0x10] =	vst v6;
	v5 =	vadd.f32 v13, v5  }
0x222: {  	[tilespmem:s22+$0x20] =	vst v7  }
0x223: {  	s23 =	simm.s32 $0x0;
	[tilespmem:s22+$0xFFFFFFC0] =	vst v5  }
0x224: {  	[hbm4b:s15+s23] =	stream.linear.scatter [tilespmem:s4], [sflag:$0x3], $0x2000, $0x38;
	[tilespmem:$0x1E8F0] =	vst v63  }
0x225: {  	s21 =	rddreg [dreg:$0xa]  }
0x226: {  	[tilespmem:s1], [sflag:$0x2] =	stream.linear.gather [hbm4b:s21+s23], $0x8238, $0x38;
	[tilespmem:$0x1E8F0] =	vst v63  }
0x227: {  	_ =	swait.ge [sflag:s3], $0x8238  }
0x228: {  	[sflag:s3] =	ssyncset.done $0x0  }
0x229: {  	[sflag:s3] =	ssyncadd.s32 $0xFFFF7DC8  }
0x22a: {  	_ =	swait.ge [sflag:s8], $0x2000  }
0x22b: {  	[sflag:s8] =	ssyncset.done $0x0  }
0x22c: {  	s25 =	simm.s32 $0x40;
	[sflag:s8] =	ssyncadd.s32 $0xFFFFE000  }
0x22d: {  	v5 =	vld [tilespmem:s25+$0x30]  }
0x22e: {  	v6 =	vld [tilespmem:s25+$0xFFFFFFD0]  }
0x22f: {  	v8 =	vld [tilespmem:s25+$0xFFFFFFF0]  }
0x230: {  	v9 =	vld [tilespmem:s25+$0x0];
	_ =	sdelay $0x1  }
0x231: {  	v7 =	vld [tilespmem:s25+$0xFFFFFFE0];
	vm6 =	vlt.u32 v5, $0x8238  }
0x232: {  	v10 =	vld [tilespmem:s25+$0x10];
	vm3 =	vlt.u32 v6, $0x8238;
	v5 =	vmin.u32 v5, $0x8237  }
0x233: {  	v11 =	vld [tilespmem:s25+$0x20];
	v6 =	vmin.u32 v6, $0x8237;
	vm7 =	vlt.u32 v8, $0x8238  }
0x234: {  	s26 =	simm.s32 $0xC0;
	v12 =	vld [tilespmem:s25+$0xFFFFFFC0];
	v8 =	vmin.u32 v8, $0x8237;
	vm10 =	vlt.u32 v9, $0x8238  }
0x235: {  	v16 =	vld [tilespmem:s26+$0xFFFFFFF0];
	v9 =	vmin.u32 v9, $0x8237  }
0x236: {  	v18 =	vld [tilespmem:s26+$0x0]  }
0x237: {  	v5 =	vld.idx.msk [tilespmem:v5+s0+$0x0], vm6  }
0x238: {  	v13 =	vld.idx.msk [tilespmem:v6+s0+$0x0], vm3  }
0x239: {  	vm9 =	vlt.u32 v7, $0x8238;
	v14 =	vld.idx.msk [tilespmem:v8+s0+$0x0], vm7  }
0x23a: {  	v7 =	vmin.u32 v7, $0x8237;
	v15 =	vld.idx.msk [tilespmem:v9+s0+$0x0], vm10  }
0x23b: {  	vm0 =	vlt.u32 v12, $0x8238;
	v6 =	vld [tilespmem:s26+$0x30]  }
0x23c: {  	s28 =	simm.s32 $0x70;
	vm1 =	vlt.u32 v10, $0x8238;
	vm8 =	vmmov vm0;
	v8 =	vld [tilespmem:s26+$0xFFFFFFD0]  }
0x23d: {  	s29 =	simm.s32 $0x10;
	v17 =	vor.u32 s28, v4;
	v12 =	vmin.u32 v12, $0x8237;
	vm0 =	vmmov vm1;
	v9 =	vld [tilespmem:s26+$0xFFFFFFE0]  }
0x23e: {  	s30 =	simm.s32 $0x20;
	v19 =	vor.u32 s29, v4;
	v22 =	vld [tilespmem:s26+$0x20];
	v10 =	vmin.u32 v10, $0x8237;
	vm11 =	vlt.u32 v11, $0x8238  }
0x23f: {  	s31 =	simm.s32 $0x30;
	v21 =	vor.u32 s30, v4;
	v11 =	vmin.u32 v11, $0x8237;
	vm5 =	vlt.u32 v16, $0x8238;
	v7 =	vld.idx.msk [tilespmem:v7+s0+$0x0], vm9  }
0x240: {  	v24 =	vor.u32 s31, v4;
	v20 =	vld [tilespmem:s26+$0x10];
	v31 =	vmin.u32 v16, $0x8237;
	vm1 =	vlt.u32 v6, $0x8238  }
0x241: {  	v25 =	vor.u32 s23, v4;
	s23 =	simm.s32 $0x40;
	v27 =	vld [tilespmem:s26+$0xFFFFFFC0];
	vm2 =	vlt.u32 v8, $0x8238;
	v23 =	vmin.u32 v6, $0x8237  }
0x242: {  	v28 =	vor.u32 s23, v4;
	v30 =	vld.idx.msk [tilespmem:v12+s0+$0x0], vm8;
	v26 =	vmin.u32 v8, $0x8237;
	vm4 =	vlt.u32 v9, $0x8238;
	[tilespmem:v17+s4+$0x0] =	vst.idx.msk vm6, v5  }
0x243: {  	s25 =	simm.s32 $0x50;
	v32 =	vmin.u32 v18, $0x8237;
	s26 =	simm.s32 $0x60;
	v12 =	vld.idx.msk [tilespmem:v10+s0+$0x0], vm0;
	v29 =	vmin.u32 v9, $0x8237;
	vm6 =	vlt.u32 v18, $0x8238;
	[tilespmem:v19+s4+$0x0] =	vst.idx.msk vm3, v13  }
0x244: {  	v10 =	vmin.u32 v22, $0x8237;
	v6 =	vor.u32 s25, v4;
	v5 =	vor.u32 s26, v4;
	v9 =	vld.idx.msk [tilespmem:v11+s0+$0x0], vm11;
	[tilespmem:v21+s4+$0x0] =	vst.idx.msk vm9, v7  }
0x245: {  	s20 =	simm.s32 $0x80;
	s29 =	simm.s32 $0xF0;
	vm3 =	vmmov vm11;
	vm9 =	vlt.u32 v20, $0x8238;
	[tilespmem:v24+s4+$0x0] =	vst.idx.msk vm7, v14;
	vm7 =	vlt.u32 v22, $0x8238;
	v22 =	vld.idx.msk [tilespmem:v31+s0+$0x0], vm5  }
0x246: {  	s28 =	simm.s32 $0x90;
	v8 =	vmin.u32 v20, $0x8237;
	v7 =	vor.u32 s20, v4;
	v21 =	vor.u32 s29, v4;
	v13 =	vld.idx.msk [tilespmem:v23+s0+$0x0], vm1  }
0x247: {  	s30 =	simm.s32 $0xD0;
	s31 =	simm.s32 $0xE0;
	s23 =	simm.s32 $0xA0;
	vm11 =	vlt.u32 v27, $0x8238;
	[tilespmem:v28+s4+$0x0] =	vst.idx.msk vm10, v15;
	v11 =	vmin.u32 v27, $0x8237;
	v19 =	vor.u32 s28, v4;
	v14 =	vld.idx.msk [tilespmem:v26+s0+$0x0], vm2  }
0x248: {  	s25 =	simm.s32 $0xB0;
	s26 =	simm.s32 $0xC0;
	v20 =	vor.u32 s23, v4;
	v24 =	vor.u32 s30, v4;
	v15 =	vor.u32 s31, v4;
	v17 =	vld.idx.msk [tilespmem:v29+s0+$0x0], vm4  }
0x249: {  	s22 =	simm.s32 $0x140;
	s21 =	simm.s32 $0x8;
	v16 =	vor.u32 s25, v4;
	v18 =	vor.u32 s26, v4;
	[tilespmem:v25+s4+$0x0] =	vst.idx.msk vm8, v30;
	vm8 =	vmmov vm11;
	v23 =	vld.idx.msk [tilespmem:v32+s0+$0x0], vm6  }
.LBB2_18:
0x24a: {  	v25 =	vld [tilespmem:s22+$0x30];
	s21 =	sadd.s32 $0x8, s21;
	[tilespmem:v6+s4+$0x0] =	vst.idx.msk vm0, v12;
	v6 =	vmov v24;
	vm0 =	vmmov vm9  }
0x24b: {  	v12 =	vld [tilespmem:s22+$0xFFFFFFD0];
	p0 =	slt.u32 s21, $0x1F8;
	[tilespmem:v21+s4+$0x0] =	vst.idx.msk vm1, v13  }
0x24c: {  	v13 =	vld [tilespmem:s22+$0xFFFFFFE0];
	[tilespmem:v19+s4+$0x0] =	vst.idx.msk vm2, v14  }
0x24d: {  	v14 =	vld [tilespmem:s22+$0xFFFFFFF0];
	[tilespmem:v20+s4+$0x0] =	vst.idx.msk vm4, v17  }
0x24e: {  	v17 =	vld [tilespmem:s22+$0x0];
	[tilespmem:v16+s4+$0x0] =	vst.idx.msk vm5, v22  }
0x24f: {  	v16 =	vld [tilespmem:s22+$0x10];
	vm1 =	vlt.u32 v25, $0x8238;
	[tilespmem:v18+s4+$0x0] =	vst.idx.msk vm6, v23  }
0x250: {  	v20 =	vmin.u32 v25, $0x8237;
	vm2 =	vlt.u32 v12, $0x8238;
	v18 =	vmin.u32 v12, $0x8237;
	v19 =	vld [tilespmem:s22+$0x20];
	[tilespmem:v5+s4+$0x0] =	vst.idx.msk vm3, v9;
	v5 =	vmovc v15  }
0x251: {  	vm3 =	vmmov vm7;
	v15 =	vld [tilespmem:s22+$0xFFFFFFC0];
	vm4 =	vlt.u32 v13, $0x8238;
	v22 =	vmin.u32 v13, $0x8237  }
0x252: {  	vm5 =	vlt.u32 v14, $0x8238;
	v23 =	vmin.u32 v14, $0x8237;
	v25 =	vld.idx.msk [tilespmem:v11+s0+$0x0], vm8  }
0x253: {  	s20 =	sadd.s32 $0x80, s20;
	vm6 =	vlt.u32 v17, $0x8238;
	v26 =	vmin.u32 v17, $0x8237;
	v12 =	vld.idx.msk [tilespmem:v8+s0+$0x0], vm9  }
0x254: {  	s23 =	sadd.s32 $0x10, s20;
	vm9 =	vlt.u32 v16, $0x8238;
	v8 =	vmin.u32 v16, $0x8237;
	v9 =	vld.idx.msk [tilespmem:v10+s0+$0x0], vm7  }
.Ltmp8:
0x255: {  	v27 =	vor.u32 s20, v4;
	s25 =	sadd.s32 $0x20, s20;
	s26 =	sadd.s32 $0x70, s20;
	vm7 =	vlt.u32 v19, $0x8238;
	v10 =	vmin.u32 v19, $0x8237;
	v13 =	vld.idx.msk [tilespmem:v20+s0+$0x0], vm1;
	(pc) =	sbr.rel @p0 .LBB2_18-.Ltmp8, $4  }
0x256: {  	s28 =	sadd.s32 $0x30, s20;
	s29 =	sadd.s32 $0x40, s20;
	s30 =	sadd.s32 $0x50, s20;
	v21 =	vor.u32 s26, v4;
	vm10 =	vlt.u32 v15, $0x8238;
	v11 =	vmin.u32 v15, $0x8237;
	v14 =	vld.idx.msk [tilespmem:v18+s0+$0x0], vm2  }
0x257: {  	v16 =	vor.u32 s28, v4;
	v19 =	vor.u32 s23, v4;
	v20 =	vor.u32 s25, v4;
	s23 =	sadd.s32 $0x60, s20;
	v17 =	vld.idx.msk [tilespmem:v22+s0+$0x0], vm4  }
0x258: {  	v24 =	vor.u32 s30, v4;
	v18 =	vor.u32 s29, v4;
	v15 =	vor.u32 s23, v4;
	v22 =	vld.idx.msk [tilespmem:v23+s0+$0x0], vm5  }
0x259: {  	s22 =	sadd.s32 $0x80, s22;
	v23 =	vld.idx.msk [tilespmem:v26+s0+$0x0], vm6;
	[tilespmem:v7+s4+$0x0] =	vst.idx.msk vm8, v25;
	v7 =	vmov v27;
	vm8 =	vmmov vm10  }
0x25a: {  	_ =	sdelay $0x2  }
0x25b: {  	vm9 =	vmmov vm9;
	_ =	sdelay $0x1  }
0x25c: {  	[tilespmem:v6+s4+$0x0] =	vst.idx.msk vm0, v12  }
0x25d: {  	[tilespmem:v21+s4+$0x0] =	vst.idx.msk vm1, v13  }
0x25e: {  	v6 =	vld.idx.msk [tilespmem:v11+s0+$0x0], vm8;
	[tilespmem:v5+s4+$0x0] =	vst.idx.msk vm3, v9  }
0x25f: {  	v10 =	vld.idx.msk [tilespmem:v10+s0+$0x0], vm7;
	[tilespmem:v19+s4+$0x0] =	vst.idx.msk vm2, v14  }
0x260: {  	[tilespmem:v20+s4+$0x0] =	vst.idx.msk vm4, v17;
	v8 =	vld.idx.msk [tilespmem:v8+s0+$0x0], vm9  }
0x261: {  	[tilespmem:v16+s4+$0x0] =	vst.idx.msk vm5, v22  }
0x262: {  	[tilespmem:v18+s4+$0x0] =	vst.idx.msk vm6, v23  }
0x263: {  	[tilespmem:v7+s4+$0x0] =	vst.idx.msk vm8, v6  }
0x264: {  	[tilespmem:v15+s4+$0x0] =	vst.idx.msk vm7, v10  }
0x265: {  	[tilespmem:v24+s4+$0x0] =	vst.idx.msk vm9, v8  }
0x266: {  	s20 =	simm.s32 $0x0;
	s21 =	rddreg [dreg:$0x13]  }
0x267: {  	[tilespmem:s0], [sflag:$0x1] =	stream.linear.gather [hbm4b:s21+s20], $0x8230, $0x38;
	[tilespmem:$0x1E8F0] =	vst v63  }
0x268: {  	_ =	swait.ge [sflag:s6], $0x8238  }
0x269: {  	[sflag:s6] =	ssyncset.done $0x0  }
0x26a: {  	s26 =	simm.s32 $0x40;
	[sflag:s6] =	ssyncadd.s32 $0xFFFF7DC8  }
0x26b: {  	v5 =	vld [tilespmem:s26+$0x30]  }
0x26c: {  	v7 =	vld [tilespmem:s26+$0xFFFFFFE0];
	_ =	sdelay $0x1  }
0x26d: {  	v6 =	vld [tilespmem:s26+$0xFFFFFFD0]  }
0x26e: {  	v8 =	vld [tilespmem:s26+$0xFFFFFFF0]  }
0x26f: {  	s28 =	simm.s32 $0xC0;
	v12 =	vld [tilespmem:s26+$0xFFFFFFC0];
	v5 =	vadd.s32 $0xFFFF7DC8, v5  }
0x270: {  	v17 =	vld [tilespmem:s28+$0xFFFFFFD0];
	v7 =	vadd.s32 $0xFFFF7DC8, v7;
	vm8 =	vlt.u32 v5, $0x8238  }
0x271: {  	v20 =	vld [tilespmem:s28+$0xFFFFFFE0];
	v5 =	vmin.u32 v5, $0x8237;
	vm11 =	vlt.u32 v7, $0x8238  }
0x272: {  	s25 =	simm.s32 $0x20;
	v23 =	vld [tilespmem:s28+$0xFFFFFFF0];
	v6 =	vadd.s32 $0xFFFF7DC8, v6;
	v7 =	vmin.u32 v7, $0x8237  }
0x273: {  	vm0 =	vmmov vm7;
	s22 =	simm.s32 $0x70;
	v19 =	vor.u32 s25, v4;
	v9 =	vld [tilespmem:s26+$0x0];
	vm7 =	vlt.u32 v6, $0x8238  }
0x274: {  	s23 =	simm.s32 $0x10;
	s29 =	simm.s32 $0x30;
	v25 =	vor.u32 s20, v4;
	v16 =	vor.u32 s22, v4;
	v10 =	vld [tilespmem:s26+$0x10];
	v6 =	vmin.u32 v6, $0x8237  }
0x275: {  	v22 =	vor.u32 s29, v4;
	v18 =	vor.u32 s23, v4;
	v11 =	vld [tilespmem:s26+$0x20];
	v8 =	vadd.s32 $0xFFFF7DC8, v8  }
0x276: {  	v17 =	vadd.s32 $0xFFFF7DC8, v17;
	v20 =	vadd.s32 $0xFFFF7DC8, v20;
	vm10 =	vlt.u32 v8, $0x8238;
	v13 =	vld.idx.msk [tilespmem:v5+s1+$0x0], vm8  }
0x277: {  	v23 =	vadd.s32 $0xFFFF7DC8, v23;
	v8 =	vmin.u32 v8, $0x8237;
	v15 =	vld.idx.msk [tilespmem:v7+s1+$0x0], vm11;
	v7 =	vadd.s32 $0xFFFF7DC8, v12  }
0x278: {  	vm4 =	vlt.u32 v17, $0x8238;
	v5 =	vadd.s32 $0xFFFF7DC8, v9;
	v12 =	vld [tilespmem:s28+$0x30];
	vm2 =	vlt.u32 v7, $0x8238  }
0x279: {  	v9 =	vld.idx.msk [tilespmem:v6+s1+$0x0], vm7;
	v6 =	vadd.s32 $0xFFFF7DC8, v10;
	vm0 =	vlt.u32 v5, $0x8238;
	vm12 =	vmmov vm2  }
0x27a: {  	v24 =	vld [tilespmem:s28+$0x0];
	vm1 =	vlt.u32 v6, $0x8238;
	v14 =	vmin.u32 v7, $0x8237;
	vm0 =	vmmov vm0  }
0x27b: {  	v26 =	vld [tilespmem:s28+$0x10];
	v10 =	vmin.u32 v5, $0x8237;
	v5 =	vadd.s32 $0xFFFF7DC8, v11;
	vm2 =	vmmov vm1  }
0x27c: {  	v17 =	vmin.u32 v17, $0x8237;
	v11 =	vld.idx.msk [tilespmem:v8+s1+$0x0], vm10;
	v8 =	vmin.u32 v6, $0x8237;
	vm9 =	vlt.u32 v5, $0x8238  }
0x27d: {  	v28 =	vld [tilespmem:s28+$0xFFFFFFC0];
	vm5 =	vlt.u32 v20, $0x8238;
	v21 =	vmin.u32 v5, $0x8237;
	v12 =	vadd.s32 $0xFFFF7DC8, v12  }
0x27e: {  	v27 =	vld [tilespmem:s28+$0x20];
	v31 =	vmin.u32 v20, $0x8237;
	vm6 =	vlt.u32 v23, $0x8238;
	vm3 =	vlt.u32 v12, $0x8238  }
0x27f: {  	s30 =	simm.s32 $0x40;
	s31 =	simm.s32 $0x50;
	s26 =	simm.s32 $0x60;
	v20 =	vadd.s32 $0xFFFF7DC8, v24;
	v23 =	vmin.u32 v23, $0x8237;
	v29 =	vmin.u32 v12, $0x8237;
	v30 =	vld.idx.msk [tilespmem:v14+s1+$0x0], vm12  }
0x280: {  	v6 =	vor.u32 s30, v4;
	v7 =	vor.u32 s31, v4;
	v5 =	vor.u32 s26, v4;
	s26 =	simm.s32 $0xC0;
	v12 =	vld.idx.msk [tilespmem:v10+s1+$0x0], vm0  }
0x281: {  	s28 =	simm.s32 $0xF0;
	vm1 =	vmmov vm9;
	v24 =	vor.u32 s26, v4;
	[tilespmem:v16+s4+$0x0] =	vst.idx.msk vm8, v13;
	v13 =	vadd.s32 $0xFFFF7DC8, v26;
	v14 =	vld.idx.msk [tilespmem:v8+s1+$0x0], vm2  }
0x282: {  	[tilespmem:v18+s4+$0x0] =	vst.idx.msk vm7, v9;
	v16 =	vadd.s32 $0xFFFF7DC8, v28;
	v18 =	vor.u32 s28, v4;
	v9 =	vmin.u32 v13, $0x8237;
	v10 =	vld.idx.msk [tilespmem:v21+s1+$0x0], vm9  }
0x283: {  	s30 =	simm.s32 $0xA0;
	s31 =	simm.s32 $0xB0;
	[tilespmem:v19+s4+$0x0] =	vst.idx.msk vm11, v15;
	vm11 =	vlt.u32 v16, $0x8238;
	vm9 =	vlt.u32 v13, $0x8238;
	v13 =	vmin.u32 v16, $0x8237;
	v16 =	vld.idx.msk [tilespmem:v17+s1+$0x0], vm4  }
0x284: {  	s29 =	simm.s32 $0x90;
	vm8 =	vlt.u32 v20, $0x8238;
	v19 =	vor.u32 s30, v4;
	[tilespmem:v22+s4+$0x0] =	vst.idx.msk vm10, v11;
	v22 =	vor.u32 s31, v4;
	v15 =	vld.idx.msk [tilespmem:v29+s1+$0x0], vm3  }
0x285: {  	s22 =	simm.s32 $0x140;
	s28 =	simm.s32 $0xD0;
	v8 =	vmin.u32 v20, $0x8237;
	v21 =	vadd.s32 $0xFFFF7DC8, v27;
	v20 =	vor.u32 s29, v4;
	v17 =	vld.idx.msk [tilespmem:v31+s1+$0x0], vm5  }
0x286: {  	s23 =	simm.s32 $0xE0;
	s20 =	simm.s32 $0x8;
	s21 =	simm.s32 $0x80;
	vm7 =	vlt.u32 v21, $0x8238;
	v11 =	vmin.u32 v21, $0x8237;
	v21 =	vld.idx.msk [tilespmem:v23+s1+$0x0], vm6;
	v23 =	vor.u32 s28, v4;
	[tilespmem:v25+s4+$0x0] =	vst.idx.msk vm12, v30  }
.LBB2_20:
0x287: {  	v25 =	vld [tilespmem:s22+$0x30];
	s20 =	sadd.s32 $0x8, s20;
	v26 =	vor.u32 s21, v4;
	v27 =	vor.u32 s23, v4;
	[tilespmem:v6+s4+$0x0] =	vst.idx.msk vm0, v12;
	v6 =	vmovc v24;
	vm0 =	vmmov vm8  }
0x288: {  	vm10 =	vmmov vm11;
	v12 =	vld [tilespmem:s22+$0xFFFFFFD0];
	p0 =	slt.u32 s20, $0x1F8;
	[tilespmem:v7+s4+$0x0] =	vst.idx.msk vm2, v14;
	v7 =	vmov v23;
	vm2 =	vmmov vm9  }
0x289: {  	v14 =	vld [tilespmem:s22+$0xFFFFFFE0];
	[tilespmem:v18+s4+$0x0] =	vst.idx.msk vm3, v15  }
0x28a: {  	v15 =	vld [tilespmem:s22+$0xFFFFFFF0];
	[tilespmem:v20+s4+$0x0] =	vst.idx.msk vm4, v16  }
0x28b: {  	v16 =	vld [tilespmem:s22+$0x0];
	[tilespmem:v19+s4+$0x0] =	vst.idx.msk vm5, v17  }
0x28c: {  	v17 =	vld [tilespmem:s22+$0x10];
	v18 =	vadd.s32 $0xFFFF7DC8, v25;
	[tilespmem:v22+s4+$0x0] =	vst.idx.msk vm6, v21  }
0x28d: {  	v12 =	vadd.s32 $0xFFFF7DC8, v12;
	v19 =	vld [tilespmem:s22+$0x20];
	vm3 =	vlt.u32 v18, $0x8238;
	[tilespmem:v5+s4+$0x0] =	vst.idx.msk vm1, v10;
	v5 =	vmovc v27;
	vm1 =	vmmov vm7  }
0x28e: {  	v18 =	vmin.u32 v18, $0x8237;
	v20 =	vld [tilespmem:s22+$0xFFFFFFC0];
	vm4 =	vlt.u32 v12, $0x8238;
	v10 =	vadd.s32 $0xFFFF7DC8, v14  }
0x28f: {  	v21 =	vmin.u32 v12, $0x8237;
	vm5 =	vlt.u32 v10, $0x8238;
	v14 =	vadd.s32 $0xFFFF7DC8, v15;
	v22 =	vld.idx.msk [tilespmem:v13+s1+$0x0], vm11  }
0x290: {  	v23 =	vmin.u32 v10, $0x8237;
	vm6 =	vlt.u32 v14, $0x8238;
	v10 =	vadd.s32 $0xFFFF7DC8, v16;
	v12 =	vld.idx.msk [tilespmem:v8+s1+$0x0], vm8  }
0x291: {  	v24 =	vmin.u32 v14, $0x8237;
	vm8 =	vlt.u32 v10, $0x8238;
	v13 =	vadd.s32 $0xFFFF7DC8, v17;
	v14 =	vld.idx.msk [tilespmem:v9+s1+$0x0], vm9  }
.Ltmp9:
0x292: {  	s21 =	sadd.s32 $0x80, s21;
	v8 =	vmin.u32 v10, $0x8237;
	vm9 =	vlt.u32 v13, $0x8238;
	v25 =	vadd.s32 $0xFFFF7DC8, v19;
	v10 =	vld.idx.msk [tilespmem:v11+s1+$0x0], vm7;
	(pc) =	sbr.rel @p0 .LBB2_20-.Ltmp9, $4  }
0x293: {  	s23 =	sadd.s32 $0x10, s21;
	s25 =	sadd.s32 $0x20, s21;
	s26 =	sadd.s32 $0x70, s21;
	v9 =	vmin.u32 v13, $0x8237;
	v11 =	vadd.s32 $0xFFFF7DC8, v20;
	vm7 =	vlt.u32 v25, $0x8238;
	v15 =	vld.idx.msk [tilespmem:v18+s1+$0x0], vm3  }
0x294: {  	s28 =	sadd.s32 $0x30, s21;
	s29 =	sadd.s32 $0x40, s21;
	s30 =	sadd.s32 $0x50, s21;
	v18 =	vor.u32 s26, v4;
	vm11 =	vlt.u32 v11, $0x8238;
	v13 =	vmin.u32 v11, $0x8237;
	v16 =	vld.idx.msk [tilespmem:v21+s1+$0x0], vm4  }
0x295: {  	v19 =	vor.u32 s25, v4;
	v20 =	vor.u32 s23, v4;
	s23 =	sadd.s32 $0x60, s21;
	v11 =	vmin.u32 v25, $0x8237;
	v17 =	vld.idx.msk [tilespmem:v23+s1+$0x0], vm5;
	[tilespmem:v26+s4+$0x0] =	vst.idx.msk vm10, v22  }
0x296: {  	s22 =	sadd.s32 $0x80, s22;
	v22 =	vor.u32 s28, v4;
	v23 =	vor.u32 s30, v4;
	v21 =	vld.idx.msk [tilespmem:v24+s1+$0x0], vm6;
	v24 =	vor.u32 s29, v4  }
0x297: {  	_ =	sdelay $0x2  }
0x298: {  	vm8 =	vmmov vm8  }
0x299: {  	vm9 =	vmmov vm9  }
0x29a: {  	[tilespmem:v6+s4+$0x0] =	vst.idx.msk vm0, v12  }
0x29b: {  	[tilespmem:v7+s4+$0x0] =	vst.idx.msk vm2, v14  }
0x29c: {  	v6 =	vor.u32 s21, v4;
	v7 =	vld.idx.msk [tilespmem:v13+s1+$0x0], vm11;
	[tilespmem:v5+s4+$0x0] =	vst.idx.msk vm1, v10  }
0x29d: {  	v12 =	vor.u32 s23, v4;
	v11 =	vld.idx.msk [tilespmem:v11+s1+$0x0], vm7;
	[tilespmem:v18+s4+$0x0] =	vst.idx.msk vm3, v15  }
0x29e: {  	[tilespmem:v20+s4+$0x0] =	vst.idx.msk vm4, v16;
	v8 =	vld.idx.msk [tilespmem:v8+s1+$0x0], vm8  }
0x29f: {  	[tilespmem:v19+s4+$0x0] =	vst.idx.msk vm5, v17;
	v9 =	vld.idx.msk [tilespmem:v9+s1+$0x0], vm9  }
0x2a0: {  	[tilespmem:v22+s4+$0x0] =	vst.idx.msk vm6, v21  }
0x2a1: {  	[tilespmem:v6+s4+$0x0] =	vst.idx.msk vm11, v7  }
0x2a2: {  	[tilespmem:v12+s4+$0x0] =	vst.idx.msk vm7, v11  }
0x2a3: {  	[tilespmem:v24+s4+$0x0] =	vst.idx.msk vm8, v8  }
0x2a4: {  	s20 =	simm.s32 $0x0;
	[tilespmem:v23+s4+$0x0] =	vst.idx.msk vm9, v9  }
0x2a5: {  	[tilespmem:s1], [sflag:$0x2] =	stream.linear.gather [hbm4b:s11+s20], $0x8238, $0x38;
	[tilespmem:$0x1E8F0] =	vst v63  }
0x2a6: {  	_ =	swait.ge [sflag:s3], $0x8230  }
0x2a7: {  	[sflag:s3] =	ssyncset.done $0x0  }
0x2a8: {  	s26 =	simm.s32 $0x40;
	[sflag:s3] =	ssyncadd.s32 $0xFFFF7DD0  }
0x2a9: {  	v5 =	vld [tilespmem:s26+$0x30]  }
0x2aa: {  	v7 =	vld [tilespmem:s26+$0xFFFFFFE0];
	_ =	sdelay $0x1  }
0x2ab: {  	v6 =	vld [tilespmem:s26+$0xFFFFFFD0]  }
0x2ac: {  	v8 =	vld [tilespmem:s26+$0xFFFFFFF0]  }
0x2ad: {  	s21 =	simm.s32 $0xC0;
	v12 =	vld [tilespmem:s26+$0xFFFFFFC0];
	v5 =	vadd.s32 $0xFFFEFB90, v5  }
0x2ae: {  	v17 =	vld [tilespmem:s21+$0xFFFFFFD0];
	v7 =	vadd.s32 $0xFFFEFB90, v7;
	vm8 =	vlt.u32 v5, $0x8230  }
0x2af: {  	vm10 =	vmmov vm11;
	v20 =	vld [tilespmem:s21+$0xFFFFFFE0];
	v5 =	vmin.u32 v5, $0x822F;
	vm11 =	vlt.u32 v7, $0x8230  }
0x2b0: {  	s28 =	simm.s32 $0x10;
	v23 =	vld [tilespmem:s21+$0xFFFFFFF0];
	v6 =	vadd.s32 $0xFFFEFB90, v6;
	v7 =	vmin.u32 v7, $0x822F  }
0x2b1: {  	vm0 =	vmmov vm7;
	s22 =	simm.s32 $0x70;
	v18 =	vor.u32 s28, v4;
	v9 =	vld [tilespmem:s26+$0x0];
	vm7 =	vlt.u32 v6, $0x8230  }
0x2b2: {  	s25 =	simm.s32 $0x20;
	s29 =	simm.s32 $0x30;
	v25 =	vor.u32 s20, v4;
	v16 =	vor.u32 s22, v4;
	v10 =	vld [tilespmem:s26+$0x10];
	v6 =	vmin.u32 v6, $0x822F  }
0x2b3: {  	v19 =	vor.u32 s25, v4;
	v22 =	vor.u32 s29, v4;
	v11 =	vld [tilespmem:s26+$0x20];
	v8 =	vadd.s32 $0xFFFEFB90, v8  }
0x2b4: {  	v17 =	vadd.s32 $0xFFFEFB90, v17;
	v20 =	vadd.s32 $0xFFFEFB90, v20;
	vm10 =	vlt.u32 v8, $0x8230;
	v13 =	vld.idx.msk [tilespmem:v5+s0+$0x0], vm8  }
0x2b5: {  	v23 =	vadd.s32 $0xFFFEFB90, v23;
	v8 =	vmin.u32 v8, $0x822F;
	v15 =	vld.idx.msk [tilespmem:v7+s0+$0x0], vm11;
	v7 =	vadd.s32 $0xFFFEFB90, v12  }
0x2b6: {  	vm4 =	vlt.u32 v17, $0x8230;
	v5 =	vadd.s32 $0xFFFEFB90, v9;
	v12 =	vld [tilespmem:s21+$0x30];
	vm2 =	vlt.u32 v7, $0x8230  }
0x2b7: {  	v9 =	vld.idx.msk [tilespmem:v6+s0+$0x0], vm7;
	v6 =	vadd.s32 $0xFFFEFB90, v10;
	vm0 =	vlt.u32 v5, $0x8230;
	vm12 =	vmmov vm2  }
0x2b8: {  	v24 =	vld [tilespmem:s21+$0x0];
	vm1 =	vlt.u32 v6, $0x8230;
	v14 =	vmin.u32 v7, $0x822F;
	vm0 =	vmmov vm0  }
0x2b9: {  	v26 =	vld [tilespmem:s21+$0x10];
	v10 =	vmin.u32 v5, $0x822F;
	v5 =	vadd.s32 $0xFFFEFB90, v11;
	vm2 =	vmmov vm1  }
0x2ba: {  	v17 =	vmin.u32 v17, $0x822F;
	v11 =	vld.idx.msk [tilespmem:v8+s0+$0x0], vm10;
	v8 =	vmin.u32 v6, $0x822F;
	vm9 =	vlt.u32 v5, $0x8230  }
0x2bb: {  	v28 =	vld [tilespmem:s21+$0xFFFFFFC0];
	vm5 =	vlt.u32 v20, $0x8230;
	v21 =	vmin.u32 v5, $0x822F;
	v12 =	vadd.s32 $0xFFFEFB90, v12  }
0x2bc: {  	v27 =	vld [tilespmem:s21+$0x20];
	v31 =	vmin.u32 v20, $0x822F;
	vm6 =	vlt.u32 v23, $0x8230;
	vm3 =	vlt.u32 v12, $0x8230  }
0x2bd: {  	s30 =	simm.s32 $0x40;
	s31 =	simm.s32 $0x50;
	s26 =	simm.s32 $0x60;
	v20 =	vadd.s32 $0xFFFEFB90, v24;
	v23 =	vmin.u32 v23, $0x822F;
	v29 =	vmin.u32 v12, $0x822F;
	v30 =	vld.idx.msk [tilespmem:v14+s0+$0x0], vm12  }
0x2be: {  	v6 =	vor.u32 s30, v4;
	v7 =	vor.u32 s31, v4;
	v5 =	vor.u32 s26, v4;
	s26 =	simm.s32 $0xC0;
	v12 =	vld.idx.msk [tilespmem:v10+s0+$0x0], vm0  }
0x2bf: {  	s28 =	simm.s32 $0xF0;
	vm1 =	vmmov vm9;
	v24 =	vor.u32 s26, v4;
	[tilespmem:v16+s4+$0x0] =	vst.idx.msk vm8, v13;
	v13 =	vadd.s32 $0xFFFEFB90, v26;
	v14 =	vld.idx.msk [tilespmem:v8+s0+$0x0], vm2  }
0x2c0: {  	[tilespmem:v18+s4+$0x0] =	vst.idx.msk vm7, v9;
	v16 =	vadd.s32 $0xFFFEFB90, v28;
	v18 =	vor.u32 s28, v4;
	v9 =	vmin.u32 v13, $0x822F;
	v10 =	vld.idx.msk [tilespmem:v21+s0+$0x0], vm9  }
0x2c1: {  	s30 =	simm.s32 $0xA0;
	s31 =	simm.s32 $0xB0;
	[tilespmem:v19+s4+$0x0] =	vst.idx.msk vm11, v15;
	vm11 =	vlt.u32 v16, $0x8230;
	vm9 =	vlt.u32 v13, $0x8230;
	v13 =	vmin.u32 v16, $0x822F;
	v16 =	vld.idx.msk [tilespmem:v17+s0+$0x0], vm4  }
0x2c2: {  	s29 =	simm.s32 $0x90;
	vm8 =	vlt.u32 v20, $0x8230;
	v19 =	vor.u32 s30, v4;
	[tilespmem:v22+s4+$0x0] =	vst.idx.msk vm10, v11;
	v22 =	vor.u32 s31, v4;
	v15 =	vld.idx.msk [tilespmem:v29+s0+$0x0], vm3  }
0x2c3: {  	s23 =	simm.s32 $0xE0;
	s28 =	simm.s32 $0xD0;
	v8 =	vmin.u32 v20, $0x822F;
	v21 =	vadd.s32 $0xFFFEFB90, v27;
	v20 =	vor.u32 s29, v4;
	v17 =	vld.idx.msk [tilespmem:v31+s0+$0x0], vm5  }
0x2c4: {  	s22 =	simm.s32 $0x140;
	s20 =	simm.s32 $0x8;
	s21 =	simm.s32 $0x80;
	vm7 =	vlt.u32 v21, $0x8230;
	v11 =	vmin.u32 v21, $0x822F;
	v21 =	vld.idx.msk [tilespmem:v23+s0+$0x0], vm6;
	v23 =	vor.u32 s28, v4;
	[tilespmem:v25+s4+$0x0] =	vst.idx.msk vm12, v30  }
.LBB2_22:
0x2c5: {  	v25 =	vld [tilespmem:s22+$0x30];
	s20 =	sadd.s32 $0x8, s20;
	v26 =	vor.u32 s21, v4;
	v27 =	vor.u32 s23, v4;
	[tilespmem:v6+s4+$0x0] =	vst.idx.msk vm0, v12;
	v6 =	vmovc v24;
	vm0 =	vmmov vm8  }
0x2c6: {  	vm10 =	vmmov vm11;
	v12 =	vld [tilespmem:s22+$0xFFFFFFD0];
	p0 =	slt.u32 s20, $0x1F8;
	[tilespmem:v7+s4+$0x0] =	vst.idx.msk vm2, v14;
	v7 =	vmov v23;
	vm2 =	vmmov vm9  }
0x2c7: {  	v14 =	vld [tilespmem:s22+$0xFFFFFFE0];
	[tilespmem:v18+s4+$0x0] =	vst.idx.msk vm3, v15  }
0x2c8: {  	v15 =	vld [tilespmem:s22+$0xFFFFFFF0];
	[tilespmem:v20+s4+$0x0] =	vst.idx.msk vm4, v16  }
0x2c9: {  	v16 =	vld [tilespmem:s22+$0x0];
	[tilespmem:v19+s4+$0x0] =	vst.idx.msk vm5, v17  }
0x2ca: {  	v17 =	vld [tilespmem:s22+$0x10];
	v18 =	vadd.s32 $0xFFFEFB90, v25;
	[tilespmem:v22+s4+$0x0] =	vst.idx.msk vm6, v21  }
0x2cb: {  	v12 =	vadd.s32 $0xFFFEFB90, v12;
	v19 =	vld [tilespmem:s22+$0x20];
	vm3 =	vlt.u32 v18, $0x8230;
	[tilespmem:v5+s4+$0x0] =	vst.idx.msk vm1, v10;
	v5 =	vmovc v27;
	vm1 =	vmmov vm7  }
0x2cc: {  	v18 =	vmin.u32 v18, $0x822F;
	v20 =	vld [tilespmem:s22+$0xFFFFFFC0];
	vm4 =	vlt.u32 v12, $0x8230;
	v10 =	vadd.s32 $0xFFFEFB90, v14  }
0x2cd: {  	v21 =	vmin.u32 v12, $0x822F;
	vm5 =	vlt.u32 v10, $0x8230;
	v14 =	vadd.s32 $0xFFFEFB90, v15;
	v22 =	vld.idx.msk [tilespmem:v13+s0+$0x0], vm11  }
0x2ce: {  	v23 =	vmin.u32 v10, $0x822F;
	vm6 =	vlt.u32 v14, $0x8230;
	v10 =	vadd.s32 $0xFFFEFB90, v16;
	v12 =	vld.idx.msk [tilespmem:v8+s0+$0x0], vm8  }
0x2cf: {  	v24 =	vmin.u32 v14, $0x822F;
	vm8 =	vlt.u32 v10, $0x8230;
	v13 =	vadd.s32 $0xFFFEFB90, v17;
	v14 =	vld.idx.msk [tilespmem:v9+s0+$0x0], vm9  }
.Ltmp10:
0x2d0: {  	s21 =	sadd.s32 $0x80, s21;
	v8 =	vmin.u32 v10, $0x822F;
	vm9 =	vlt.u32 v13, $0x8230;
	v25 =	vadd.s32 $0xFFFEFB90, v19;
	v10 =	vld.idx.msk [tilespmem:v11+s0+$0x0], vm7;
	(pc) =	sbr.rel @p0 .LBB2_22-.Ltmp10, $4  }
0x2d1: {  	s23 =	sadd.s32 $0x10, s21;
	s25 =	sadd.s32 $0x20, s21;
	s26 =	sadd.s32 $0x70, s21;
	v9 =	vmin.u32 v13, $0x822F;
	v11 =	vadd.s32 $0xFFFEFB90, v20;
	vm7 =	vlt.u32 v25, $0x8230;
	v15 =	vld.idx.msk [tilespmem:v18+s0+$0x0], vm3  }
0x2d2: {  	s28 =	sadd.s32 $0x30, s21;
	s29 =	sadd.s32 $0x40, s21;
	s30 =	sadd.s32 $0x50, s21;
	v18 =	vor.u32 s26, v4;
	vm11 =	vlt.u32 v11, $0x8230;
	v13 =	vmin.u32 v11, $0x822F;
	v16 =	vld.idx.msk [tilespmem:v21+s0+$0x0], vm4  }
0x2d3: {  	v19 =	vor.u32 s25, v4;
	v20 =	vor.u32 s23, v4;
	s23 =	sadd.s32 $0x60, s21;
	v11 =	vmin.u32 v25, $0x822F;
	v17 =	vld.idx.msk [tilespmem:v23+s0+$0x0], vm5;
	[tilespmem:v26+s4+$0x0] =	vst.idx.msk vm10, v22  }
0x2d4: {  	s22 =	sadd.s32 $0x80, s22;
	v22 =	vor.u32 s28, v4;
	v23 =	vor.u32 s30, v4;
	v21 =	vld.idx.msk [tilespmem:v24+s0+$0x0], vm6;
	v24 =	vor.u32 s29, v4  }
0x2d5: {  	_ =	sdelay $0x2  }
0x2d6: {  	vm8 =	vmmov vm8  }
0x2d7: {  	vm9 =	vmmov vm9  }
0x2d8: {  	[tilespmem:v6+s4+$0x0] =	vst.idx.msk vm0, v12  }
0x2d9: {  	[tilespmem:v7+s4+$0x0] =	vst.idx.msk vm2, v14  }
0x2da: {  	v6 =	vor.u32 s21, v4;
	v7 =	vld.idx.msk [tilespmem:v13+s0+$0x0], vm11;
	[tilespmem:v5+s4+$0x0] =	vst.idx.msk vm1, v10  }
0x2db: {  	v12 =	vor.u32 s23, v4;
	v11 =	vld.idx.msk [tilespmem:v11+s0+$0x0], vm7;
	[tilespmem:v18+s4+$0x0] =	vst.idx.msk vm3, v15  }
0x2dc: {  	[tilespmem:v20+s4+$0x0] =	vst.idx.msk vm4, v16;
	v8 =	vld.idx.msk [tilespmem:v8+s0+$0x0], vm8  }
0x2dd: {  	[tilespmem:v19+s4+$0x0] =	vst.idx.msk vm5, v17;
	v9 =	vld.idx.msk [tilespmem:v9+s0+$0x0], vm9  }
0x2de: {  	[tilespmem:v22+s4+$0x0] =	vst.idx.msk vm6, v21  }
0x2df: {  	[tilespmem:v6+s4+$0x0] =	vst.idx.msk vm11, v7  }
0x2e0: {  	[tilespmem:v12+s4+$0x0] =	vst.idx.msk vm7, v11  }
0x2e1: {  	[tilespmem:v24+s4+$0x0] =	vst.idx.msk vm8, v8  }
0x2e2: {  	s30 =	simm.s32 $0x124B0;
	[tilespmem:v23+s4+$0x0] =	vst.idx.msk vm9, v9  }
0x2e3: {  	s31 =	simm.s32 $0x144B0;
	v5 =	vld [tilespmem:s30+$0x30]  }
0x2e4: {  	v6 =	vld [tilespmem:s31+$0x30]  }
0x2e5: {  	v7 =	vld [tilespmem:s31+$0xFFFFFFC0]  }
0x2e6: {  	v8 =	vld [tilespmem:s30+$0xFFFFFFD0]  }
0x2e7: {  	v9 =	vld [tilespmem:s31+$0xFFFFFFD0]  }
0x2e8: {  	v10 =	vld [tilespmem:s30+$0xFFFFFFE0]  }
0x2e9: {  	v11 =	vld [tilespmem:s31+$0xFFFFFFE0]  }
0x2ea: {  	v12 =	vld [tilespmem:s30+$0xFFFFFFF0]  }
0x2eb: {  	v13 =	vld [tilespmem:s31+$0xFFFFFFF0]  }
0x2ec: {  	v14 =	vld [tilespmem:s30+$0x0]  }
0x2ed: {  	v15 =	vld [tilespmem:s31+$0x0]  }
0x2ee: {  	v16 =	vld [tilespmem:s30+$0x10]  }
0x2ef: {  	v17 =	vld [tilespmem:s31+$0x10]  }
0x2f0: {  	s25 =	simm.s32 $0x12530;
	v18 =	vld [tilespmem:s30+$0x20]  }
0x2f1: {  	s21 =	simm.s32 $0x14530;
	v21 =	vld [tilespmem:s25+$0x30]  }
0x2f2: {  	v22 =	vld [tilespmem:s21+$0x30]  }
0x2f3: {  	v23 =	vld [tilespmem:s21+$0xFFFFFFC0]  }
0x2f4: {  	v24 =	vld [tilespmem:s25+$0xFFFFFFD0]  }
0x2f5: {  	v25 =	vld [tilespmem:s21+$0xFFFFFFD0]  }
0x2f6: {  	v26 =	vld [tilespmem:s21+$0xFFFFFFE0];
	v6 =	vadd.f32 v6, v5  }
0x2f7: {  	v27 =	vld [tilespmem:s25+$0xFFFFFFF0]  }
0x2f8: {  	s20 =	simm.s32 $0x164B0;
	[tilespmem:s31+$0x30] =	vst v6;
	v6 =	vadd.f32 v9, v8;
	v9 =	vld [tilespmem:s31+$0x20]  }
0x2f9: {  	v11 =	vadd.f32 v11, v10;
	v19 =	vld [tilespmem:s20+$0x30]  }
0x2fa: {  	[tilespmem:s31+$0xFFFFFFD0] =	vst v6;
	v6 =	vadd.f32 v13, v12;
	v13 =	vld [tilespmem:s30+$0xFFFFFFC0]  }
0x2fb: {  	[tilespmem:s31+$0xFFFFFFE0] =	vst v11;
	v11 =	vadd.f32 v15, v14;
	v15 =	vld [tilespmem:s20+$0xFFFFFFD0]  }
0x2fc: {  	[tilespmem:s31+$0xFFFFFFF0] =	vst v6;
	v6 =	vadd.f32 v17, v16;
	v17 =	vld [tilespmem:s20+$0xFFFFFFE0]  }
0x2fd: {  	v5 =	vmul.f32 v5, v5;
	[tilespmem:s31+$0x0] =	vst v11;
	v11 =	vld [tilespmem:s20+$0xFFFFFFF0]  }
0x2fe: {  	v9 =	vadd.f32 v9, v18;
	[tilespmem:s31+$0x10] =	vst v6;
	v6 =	vld [tilespmem:s20+$0x0]  }
0x2ff: {  	v5 =	vadd.f32 v19, v5;
	v19 =	vld [tilespmem:s25+$0xFFFFFFE0]  }
0x300: {  	v22 =	vadd.f32 v22, v21;
	v8 =	vmul.f32 v8, v8;
	v20 =	vld [tilespmem:s20+$0x10];
	[tilespmem:s31+$0x20] =	vst v9  }
0x301: {  	v10 =	vmul.f32 v10, v10;
	v9 =	vld [tilespmem:s20+$0x20];
	[tilespmem:s20+$0x30] =	vst v5;
	v5 =	vadd.f32 v7, v13  }
0x302: {  	[tilespmem:s21+$0x30] =	vst v22;
	v7 =	vmul.f32 v12, v12;
	v8 =	vadd.f32 v15, v8;
	v12 =	vld [tilespmem:s21+$0xFFFFFFF0]  }
0x303: {  	s22 =	simm.s32 $0x16530;
	v14 =	vmul.f32 v14, v14;
	v15 =	vmul.f32 v16, v16;
	v16 =	vld [tilespmem:s25+$0x20];
	[tilespmem:s31+$0xFFFFFFC0] =	vst v5;
	v5 =	vadd.f32 v17, v10  }
0x304: {  	v10 =	vld [tilespmem:s22+$0x30];
	[tilespmem:s20+$0xFFFFFFD0] =	vst v8;
	v7 =	vadd.f32 v11, v7  }
0x305: {  	v8 =	vld [tilespmem:s25+$0x0];
	v11 =	vmul.f32 v18, v18;
	[tilespmem:s20+$0xFFFFFFE0] =	vst v5;
	v5 =	vadd.f32 v6, v14  }
0x306: {  	v6 =	vld [tilespmem:s21+$0x0];
	[tilespmem:s20+$0xFFFFFFF0] =	vst v7;
	v7 =	vadd.f32 v20, v15  }
0x307: {  	v15 =	vld [tilespmem:s25+$0x10];
	[tilespmem:s20+$0x0] =	vst v5;
	v5 =	vadd.f32 v9, v11  }
0x308: {  	v9 =	vld [tilespmem:s21+$0x10];
	[tilespmem:s20+$0x10] =	vst v7;
	v7 =	vadd.f32 v25, v24  }
0x309: {  	v14 =	vld [tilespmem:s21+$0x20];
	v11 =	vmul.f32 v21, v21;
	[tilespmem:s20+$0x20] =	vst v5;
	v5 =	vadd.f32 v26, v19  }
0x30a: {  	v17 =	vld [tilespmem:s25+$0xFFFFFFC0];
	[tilespmem:s21+$0xFFFFFFD0] =	vst v7;
	v7 =	vadd.f32 v12, v27  }
0x30b: {  	v18 =	vld [tilespmem:s20+$0xFFFFFFC0];
	[tilespmem:s21+$0xFFFFFFE0] =	vst v5;
	v5 =	vadd.f32 v10, v11  }
0x30c: {  	v6 =	vadd.f32 v6, v8;
	v61 =	vld [tilespmem:s22+$0xFFFFFFD0];
	[tilespmem:s21+$0xFFFFFFF0] =	vst v7  }
0x30d: {  	vm10 =	vmmov vm11;
	v62 =	vmul.f32 v13, v13;
	v13 =	vld [tilespmem:s22+$0xFFFFFFE0];
	[tilespmem:s22+$0x30] =	vst v5;
	v5 =	vadd.f32 v9, v15  }
0x30e: {  	vm15 =	vmmov vm7;
	v7 =	vmul.f32 v19, v19;
	v19 =	vadd.f32 v14, v16;
	[tilespmem:s21+$0x0] =	vst v6;
	v11 =	vld [tilespmem:s22+$0xFFFFFFF0]  }
0x30f: {  	v63 =	vmul.f32 v24, v24;
	v23 =	vadd.f32 v23, v17;
	v8 =	vmul.f32 v8, v8;
	v14 =	vld [tilespmem:s22+$0x0];
	[tilespmem:s21+$0x10] =	vst v5  }
0x310: {  	v10 =	vmul.f32 v16, v16;
	[tilespmem:s21+$0x20] =	vst v19;
	v5 =	vmul.f32 v17, v17;
	v17 =	vadd.f32 v18, v62;
	v12 =	vld [tilespmem:s22+$0x10]  }
0x311: {  	s23 =	simm.s32 $0x8;
	s25 =	simm.s32 $0x125B0;
	[tilespmem:s21+$0xFFFFFFC0] =	vst v23;
	v6 =	vmul.f32 v27, v27;
	v9 =	vmul.f32 v15, v15;
	v15 =	vld [tilespmem:s22+$0x20];
	v16 =	vadd.f32 v61, v63  }
.LBB2_24:
0x312: {  	v18 =	vld [tilespmem:s25+$0x30];
	v7 =	vadd.f32 v13, v7;
	s21 =	sadd.s32 $0x80, s21;
	[tilespmem:s20+$0xFFFFFFC0] =	vst v17;
	s20 =	smov.u32 s22  }
0x313: {  	s23 =	sadd.s32 $0x8, s23;
	v13 =	vld [tilespmem:s21+$0x30];
	[tilespmem:s22+$0xFFFFFFD0] =	vst v16;
	v6 =	vadd.f32 v11, v6  }
0x314: {  	p0 =	slt.u32 s23, $0x1F8;
	v16 =	vld [tilespmem:s21+$0xFFFFFFC0];
	[tilespmem:s22+$0xFFFFFFE0] =	vst v7;
	v7 =	vadd.f32 v14, v8  }
0x315: {  	v8 =	vld [tilespmem:s25+$0xFFFFFFD0];
	[tilespmem:s22+$0xFFFFFFF0] =	vst v6;
	v6 =	vadd.f32 v12, v9  }
0x316: {  	v9 =	vld [tilespmem:s21+$0xFFFFFFD0];
	[tilespmem:s22+$0x0] =	vst v7;
	v7 =	vadd.f32 v15, v10  }
0x317: {  	v10 =	vld [tilespmem:s25+$0xFFFFFFE0];
	[tilespmem:s22+$0x10] =	vst v6  }
0x318: {  	v6 =	vld [tilespmem:s21+$0xFFFFFFE0];
	v11 =	vadd.f32 v13, v18;
	[tilespmem:s22+$0x20] =	vst v7  }
0x319: {  	v12 =	vld [tilespmem:s25+$0xFFFFFFF0]  }
0x31a: {  	s22 =	sadd.s32 $0x80, s22;
	v15 =	vmul.f32 v8, v8;
	v13 =	vld [tilespmem:s21+$0xFFFFFFF0];
	[tilespmem:s21+$0x30] =	vst v11  }
0x31b: {  	v8 =	vadd.f32 v9, v8;
	v9 =	vld [tilespmem:s22+$0x30]  }
0x31c: {  	v7 =	vmul.f32 v10, v10;
	v11 =	vld [tilespmem:s25+$0x0]  }
0x31d: {  	[tilespmem:s21+$0xFFFFFFD0] =	vst v8;
	v8 =	vadd.f32 v6, v10;
	v10 =	vld [tilespmem:s21+$0x0]  }
0x31e: {  	v17 =	vmul.f32 v18, v18;
	v6 =	vmul.f32 v12, v12;
	v14 =	vld [tilespmem:s25+$0x10]  }
0x31f: {  	[tilespmem:s21+$0xFFFFFFE0] =	vst v8;
	v8 =	vadd.f32 v13, v12;
	v12 =	vld [tilespmem:s21+$0x10]  }
0x320: {  	v18 =	vld [tilespmem:s25+$0x20];
	v9 =	vadd.f32 v9, v17  }
0x321: {  	[tilespmem:s21+$0xFFFFFFF0] =	vst v8;
	v8 =	vmul.f32 v11, v11;
	v17 =	vld [tilespmem:s21+$0x20]  }
0x322: {  	v19 =	vld [tilespmem:s25+$0xFFFFFFC0];
	v10 =	vadd.f32 v10, v11;
	[tilespmem:s22+$0x30] =	vst v9  }
0x323: {  	v9 =	vmul.f32 v14, v14;
	v20 =	vld [tilespmem:s20+$0xFFFFFFC0]  }
0x324: {  	v21 =	vld [tilespmem:s22+$0xFFFFFFD0];
	[tilespmem:s21+$0x0] =	vst v10;
	v12 =	vadd.f32 v12, v14  }
.Ltmp11:
0x325: {  	v13 =	vld [tilespmem:s22+$0xFFFFFFE0];
	v10 =	vmul.f32 v18, v18;
	(pc) =	sbr.rel @p0 .LBB2_24-.Ltmp11, $4  }
0x326: {  	v11 =	vld [tilespmem:s22+$0xFFFFFFF0];
	[tilespmem:s21+$0x10] =	vst v12;
	v17 =	vadd.f32 v17, v18  }
0x327: {  	v16 =	vadd.f32 v16, v19;
	v18 =	vmul.f32 v19, v19;
	v14 =	vld [tilespmem:s22+$0x0]  }
0x328: {  	v12 =	vld [tilespmem:s22+$0x10];
	[tilespmem:s21+$0x20] =	vst v17;
	v17 =	vadd.f32 v20, v5  }
0x329: {  	s25 =	sadd.s32 $0x80, s25;
	[tilespmem:s21+$0xFFFFFFC0] =	vst v16;
	v16 =	vadd.f32 v21, v15;
	v15 =	vld [tilespmem:s22+$0x20];
	v5 =	vmov v18  }
0x32a: {  	v7 =	vadd.f32 v13, v7;
	[tilespmem:s20+$0xFFFFFFC0] =	vst v17;
	v13 =	vld [tilespmem:s22+$0xFFFFFFC0]  }
0x32b: {  	[tilespmem:s22+$0xFFFFFFD0] =	vst v16;
	v6 =	vadd.f32 v11, v6  }
0x32c: {  	[tilespmem:s22+$0xFFFFFFE0] =	vst v7;
	v7 =	vadd.f32 v14, v8  }
0x32d: {  	[tilespmem:s22+$0xFFFFFFF0] =	vst v6;
	v6 =	vadd.f32 v12, v9  }
0x32e: {  	[tilespmem:s22+$0x0] =	vst v7;
	v7 =	vadd.f32 v15, v10  }
0x32f: {  	[tilespmem:s22+$0x10] =	vst v6;
	v5 =	vadd.f32 v13, v5  }
0x330: {  	[tilespmem:s22+$0x20] =	vst v7  }
0x331: {  	s23 =	simm.s32 $0x0;
	[tilespmem:s22+$0xFFFFFFC0] =	vst v5  }
0x332: {  	[hbm4b:s16+s23] =	stream.linear.scatter [tilespmem:s4], [sflag:$0x3], $0x2000, $0x38;
	[tilespmem:$0x1E8F0] =	vst v63  }
0x333: {  	s21 =	rddreg [dreg:$0xb]  }
0x334: {  	[tilespmem:s0], [sflag:$0x1] =	stream.linear.gather [hbm4b:s21+s23], $0x8238, $0x38;
	[tilespmem:$0x1E8F0] =	vst v63  }
0x335: {  	_ =	swait.ge [sflag:s6], $0x8238  }
0x336: {  	[sflag:s6] =	ssyncset.done $0x0  }
0x337: {  	[sflag:s6] =	ssyncadd.s32 $0xFFFF7DC8  }
0x338: {  	_ =	swait.ge [sflag:s8], $0x2000  }
0x339: {  	[sflag:s8] =	ssyncset.done $0x0  }
0x33a: {  	s25 =	simm.s32 $0x40;
	[sflag:s8] =	ssyncadd.s32 $0xFFFFE000  }
0x33b: {  	v5 =	vld [tilespmem:s25+$0x30]  }
0x33c: {  	v6 =	vld [tilespmem:s25+$0xFFFFFFD0]  }
0x33d: {  	v8 =	vld [tilespmem:s25+$0xFFFFFFF0]  }
0x33e: {  	v9 =	vld [tilespmem:s25+$0x0];
	_ =	sdelay $0x1  }
0x33f: {  	v7 =	vld [tilespmem:s25+$0xFFFFFFE0];
	vm6 =	vlt.u32 v5, $0x8238  }
0x340: {  	v10 =	vld [tilespmem:s25+$0x10];
	vm3 =	vlt.u32 v6, $0x8238;
	v5 =	vmin.u32 v5, $0x8237  }
0x341: {  	v11 =	vld [tilespmem:s25+$0x20];
	v6 =	vmin.u32 v6, $0x8237;
	vm7 =	vlt.u32 v8, $0x8238  }
0x342: {  	s26 =	simm.s32 $0xC0;
	v12 =	vld [tilespmem:s25+$0xFFFFFFC0];
	v8 =	vmin.u32 v8, $0x8237;
	vm10 =	vlt.u32 v9, $0x8238  }
0x343: {  	v16 =	vld [tilespmem:s26+$0xFFFFFFF0];
	v9 =	vmin.u32 v9, $0x8237  }
0x344: {  	v18 =	vld [tilespmem:s26+$0x0]  }
0x345: {  	v5 =	vld.idx.msk [tilespmem:v5+s1+$0x0], vm6  }
0x346: {  	v13 =	vld.idx.msk [tilespmem:v6+s1+$0x0], vm3  }
0x347: {  	vm9 =	vlt.u32 v7, $0x8238;
	v14 =	vld.idx.msk [tilespmem:v8+s1+$0x0], vm7  }
0x348: {  	v7 =	vmin.u32 v7, $0x8237;
	v15 =	vld.idx.msk [tilespmem:v9+s1+$0x0], vm10  }
0x349: {  	vm0 =	vlt.u32 v12, $0x8238;
	v6 =	vld [tilespmem:s26+$0x30]  }
0x34a: {  	s28 =	simm.s32 $0x70;
	vm1 =	vlt.u32 v10, $0x8238;
	vm8 =	vmmov vm0;
	v8 =	vld [tilespmem:s26+$0xFFFFFFD0]  }
0x34b: {  	s29 =	simm.s32 $0x10;
	v17 =	vor.u32 s28, v4;
	v12 =	vmin.u32 v12, $0x8237;
	vm0 =	vmmov vm1;
	v9 =	vld [tilespmem:s26+$0xFFFFFFE0]  }
0x34c: {  	s30 =	simm.s32 $0x20;
	v19 =	vor.u32 s29, v4;
	v22 =	vld [tilespmem:s26+$0x20];
	v10 =	vmin.u32 v10, $0x8237;
	vm11 =	vlt.u32 v11, $0x8238  }
0x34d: {  	s31 =	simm.s32 $0x30;
	v21 =	vor.u32 s30, v4;
	v11 =	vmin.u32 v11, $0x8237;
	vm5 =	vlt.u32 v16, $0x8238;
	v7 =	vld.idx.msk [tilespmem:v7+s1+$0x0], vm9  }
0x34e: {  	v24 =	vor.u32 s31, v4;
	v20 =	vld [tilespmem:s26+$0x10];
	v31 =	vmin.u32 v16, $0x8237;
	vm1 =	vlt.u32 v6, $0x8238  }
0x34f: {  	v25 =	vor.u32 s23, v4;
	s23 =	simm.s32 $0x40;
	v27 =	vld [tilespmem:s26+$0xFFFFFFC0];
	vm2 =	vlt.u32 v8, $0x8238;
	v23 =	vmin.u32 v6, $0x8237  }
0x350: {  	v28 =	vor.u32 s23, v4;
	v30 =	vld.idx.msk [tilespmem:v12+s1+$0x0], vm8;
	v26 =	vmin.u32 v8, $0x8237;
	vm4 =	vlt.u32 v9, $0x8238;
	[tilespmem:v17+s4+$0x0] =	vst.idx.msk vm6, v5  }
0x351: {  	s25 =	simm.s32 $0x50;
	v32 =	vmin.u32 v18, $0x8237;
	s26 =	simm.s32 $0x60;
	v12 =	vld.idx.msk [tilespmem:v10+s1+$0x0], vm0;
	v29 =	vmin.u32 v9, $0x8237;
	vm6 =	vlt.u32 v18, $0x8238;
	[tilespmem:v19+s4+$0x0] =	vst.idx.msk vm3, v13  }
0x352: {  	v10 =	vmin.u32 v22, $0x8237;
	v6 =	vor.u32 s25, v4;
	v5 =	vor.u32 s26, v4;
	v9 =	vld.idx.msk [tilespmem:v11+s1+$0x0], vm11;
	[tilespmem:v21+s4+$0x0] =	vst.idx.msk vm9, v7  }
0x353: {  	s20 =	simm.s32 $0x80;
	s29 =	simm.s32 $0xF0;
	vm3 =	vmmov vm11;
	vm9 =	vlt.u32 v20, $0x8238;
	[tilespmem:v24+s4+$0x0] =	vst.idx.msk vm7, v14;
	vm7 =	vlt.u32 v22, $0x8238;
	v22 =	vld.idx.msk [tilespmem:v31+s1+$0x0], vm5  }
0x354: {  	s28 =	simm.s32 $0x90;
	v8 =	vmin.u32 v20, $0x8237;
	v7 =	vor.u32 s20, v4;
	v21 =	vor.u32 s29, v4;
	v13 =	vld.idx.msk [tilespmem:v23+s1+$0x0], vm1  }
0x355: {  	s30 =	simm.s32 $0xD0;
	s31 =	simm.s32 $0xE0;
	s23 =	simm.s32 $0xA0;
	vm11 =	vlt.u32 v27, $0x8238;
	[tilespmem:v28+s4+$0x0] =	vst.idx.msk vm10, v15;
	v11 =	vmin.u32 v27, $0x8237;
	v19 =	vor.u32 s28, v4;
	v14 =	vld.idx.msk [tilespmem:v26+s1+$0x0], vm2  }
0x356: {  	s25 =	simm.s32 $0xB0;
	s26 =	simm.s32 $0xC0;
	v20 =	vor.u32 s23, v4;
	v24 =	vor.u32 s30, v4;
	v15 =	vor.u32 s31, v4;
	v17 =	vld.idx.msk [tilespmem:v29+s1+$0x0], vm4  }
0x357: {  	s22 =	simm.s32 $0x140;
	s21 =	simm.s32 $0x8;
	v16 =	vor.u32 s25, v4;
	v18 =	vor.u32 s26, v4;
	[tilespmem:v25+s4+$0x0] =	vst.idx.msk vm8, v30;
	vm8 =	vmmov vm11;
	v23 =	vld.idx.msk [tilespmem:v32+s1+$0x0], vm6  }
.LBB2_26:
0x358: {  	v25 =	vld [tilespmem:s22+$0x30];
	s21 =	sadd.s32 $0x8, s21;
	[tilespmem:v6+s4+$0x0] =	vst.idx.msk vm0, v12;
	v6 =	vmov v24;
	vm0 =	vmmov vm9  }
0x359: {  	v12 =	vld [tilespmem:s22+$0xFFFFFFD0];
	p0 =	slt.u32 s21, $0x1F8;
	[tilespmem:v21+s4+$0x0] =	vst.idx.msk vm1, v13  }
0x35a: {  	v13 =	vld [tilespmem:s22+$0xFFFFFFE0];
	[tilespmem:v19+s4+$0x0] =	vst.idx.msk vm2, v14  }
0x35b: {  	v14 =	vld [tilespmem:s22+$0xFFFFFFF0];
	[tilespmem:v20+s4+$0x0] =	vst.idx.msk vm4, v17  }
0x35c: {  	v17 =	vld [tilespmem:s22+$0x0];
	[tilespmem:v16+s4+$0x0] =	vst.idx.msk vm5, v22  }
0x35d: {  	v16 =	vld [tilespmem:s22+$0x10];
	vm1 =	vlt.u32 v25, $0x8238;
	[tilespmem:v18+s4+$0x0] =	vst.idx.msk vm6, v23  }
0x35e: {  	v20 =	vmin.u32 v25, $0x8237;
	vm2 =	vlt.u32 v12, $0x8238;
	v18 =	vmin.u32 v12, $0x8237;
	v19 =	vld [tilespmem:s22+$0x20];
	[tilespmem:v5+s4+$0x0] =	vst.idx.msk vm3, v9;
	v5 =	vmovc v15  }
0x35f: {  	vm3 =	vmmov vm7;
	v15 =	vld [tilespmem:s22+$0xFFFFFFC0];
	vm4 =	vlt.u32 v13, $0x8238;
	v22 =	vmin.u32 v13, $0x8237  }
0x360: {  	vm5 =	vlt.u32 v14, $0x8238;
	v23 =	vmin.u32 v14, $0x8237;
	v25 =	vld.idx.msk [tilespmem:v11+s1+$0x0], vm8  }
0x361: {  	s20 =	sadd.s32 $0x80, s20;
	vm6 =	vlt.u32 v17, $0x8238;
	v26 =	vmin.u32 v17, $0x8237;
	v12 =	vld.idx.msk [tilespmem:v8+s1+$0x0], vm9  }
0x362: {  	s23 =	sadd.s32 $0x10, s20;
	vm9 =	vlt.u32 v16, $0x8238;
	v8 =	vmin.u32 v16, $0x8237;
	v9 =	vld.idx.msk [tilespmem:v10+s1+$0x0], vm7  }
.Ltmp12:
0x363: {  	v27 =	vor.u32 s20, v4;
	s25 =	sadd.s32 $0x20, s20;
	s26 =	sadd.s32 $0x70, s20;
	vm7 =	vlt.u32 v19, $0x8238;
	v10 =	vmin.u32 v19, $0x8237;
	v13 =	vld.idx.msk [tilespmem:v20+s1+$0x0], vm1;
	(pc) =	sbr.rel @p0 .LBB2_26-.Ltmp12, $4  }
0x364: {  	s28 =	sadd.s32 $0x30, s20;
	s29 =	sadd.s32 $0x40, s20;
	s30 =	sadd.s32 $0x50, s20;
	v21 =	vor.u32 s26, v4;
	vm10 =	vlt.u32 v15, $0x8238;
	v11 =	vmin.u32 v15, $0x8237;
	v14 =	vld.idx.msk [tilespmem:v18+s1+$0x0], vm2  }
0x365: {  	v16 =	vor.u32 s28, v4;
	v19 =	vor.u32 s23, v4;
	v20 =	vor.u32 s25, v4;
	s23 =	sadd.s32 $0x60, s20;
	v17 =	vld.idx.msk [tilespmem:v22+s1+$0x0], vm4  }
0x366: {  	v24 =	vor.u32 s30, v4;
	v18 =	vor.u32 s29, v4;
	v15 =	vor.u32 s23, v4;
	v22 =	vld.idx.msk [tilespmem:v23+s1+$0x0], vm5  }
0x367: {  	s22 =	sadd.s32 $0x80, s22;
	v23 =	vld.idx.msk [tilespmem:v26+s1+$0x0], vm6;
	[tilespmem:v7+s4+$0x0] =	vst.idx.msk vm8, v25;
	v7 =	vmov v27;
	vm8 =	vmmov vm10  }
0x368: {  	_ =	sdelay $0x2  }
0x369: {  	vm9 =	vmmov vm9;
	_ =	sdelay $0x1  }
0x36a: {  	[tilespmem:v6+s4+$0x0] =	vst.idx.msk vm0, v12  }
0x36b: {  	[tilespmem:v21+s4+$0x0] =	vst.idx.msk vm1, v13  }
0x36c: {  	v6 =	vld.idx.msk [tilespmem:v11+s1+$0x0], vm8;
	[tilespmem:v5+s4+$0x0] =	vst.idx.msk vm3, v9  }
0x36d: {  	v10 =	vld.idx.msk [tilespmem:v10+s1+$0x0], vm7;
	[tilespmem:v19+s4+$0x0] =	vst.idx.msk vm2, v14  }
0x36e: {  	[tilespmem:v20+s4+$0x0] =	vst.idx.msk vm4, v17;
	v8 =	vld.idx.msk [tilespmem:v8+s1+$0x0], vm9  }
0x36f: {  	[tilespmem:v16+s4+$0x0] =	vst.idx.msk vm5, v22  }
0x370: {  	[tilespmem:v18+s4+$0x0] =	vst.idx.msk vm6, v23  }
0x371: {  	[tilespmem:v7+s4+$0x0] =	vst.idx.msk vm8, v6  }
0x372: {  	[tilespmem:v15+s4+$0x0] =	vst.idx.msk vm7, v10  }
0x373: {  	[tilespmem:v24+s4+$0x0] =	vst.idx.msk vm9, v8  }
0x374: {  	s20 =	simm.s32 $0x0;
	s21 =	rddreg [dreg:$0x14]  }
0x375: {  	[tilespmem:s1], [sflag:$0x2] =	stream.linear.gather [hbm4b:s21+s20], $0x8230, $0x38;
	[tilespmem:$0x1E8F0] =	vst v63  }
0x376: {  	_ =	swait.ge [sflag:s3], $0x8238  }
0x377: {  	[sflag:s3] =	ssyncset.done $0x0  }
0x378: {  	s26 =	simm.s32 $0x40;
	[sflag:s3] =	ssyncadd.s32 $0xFFFF7DC8  }
0x379: {  	v5 =	vld [tilespmem:s26+$0x30]  }
0x37a: {  	v7 =	vld [tilespmem:s26+$0xFFFFFFE0];
	_ =	sdelay $0x1  }
0x37b: {  	v6 =	vld [tilespmem:s26+$0xFFFFFFD0]  }
0x37c: {  	v8 =	vld [tilespmem:s26+$0xFFFFFFF0]  }
0x37d: {  	s28 =	simm.s32 $0xC0;
	v12 =	vld [tilespmem:s26+$0xFFFFFFC0];
	v5 =	vadd.s32 $0xFFFF7DC8, v5  }
0x37e: {  	v17 =	vld [tilespmem:s28+$0xFFFFFFD0];
	v7 =	vadd.s32 $0xFFFF7DC8, v7;
	vm8 =	vlt.u32 v5, $0x8238  }
0x37f: {  	v20 =	vld [tilespmem:s28+$0xFFFFFFE0];
	v5 =	vmin.u32 v5, $0x8237;
	vm11 =	vlt.u32 v7, $0x8238  }
0x380: {  	s25 =	simm.s32 $0x20;
	v23 =	vld [tilespmem:s28+$0xFFFFFFF0];
	v6 =	vadd.s32 $0xFFFF7DC8, v6;
	v7 =	vmin.u32 v7, $0x8237  }
0x381: {  	vm0 =	vmmov vm7;
	s22 =	simm.s32 $0x70;
	v19 =	vor.u32 s25, v4;
	v9 =	vld [tilespmem:s26+$0x0];
	vm7 =	vlt.u32 v6, $0x8238  }
0x382: {  	s23 =	simm.s32 $0x10;
	s29 =	simm.s32 $0x30;
	v25 =	vor.u32 s20, v4;
	v16 =	vor.u32 s22, v4;
	v10 =	vld [tilespmem:s26+$0x10];
	v6 =	vmin.u32 v6, $0x8237  }
0x383: {  	v22 =	vor.u32 s29, v4;
	v18 =	vor.u32 s23, v4;
	v11 =	vld [tilespmem:s26+$0x20];
	v8 =	vadd.s32 $0xFFFF7DC8, v8  }
0x384: {  	v17 =	vadd.s32 $0xFFFF7DC8, v17;
	v20 =	vadd.s32 $0xFFFF7DC8, v20;
	vm10 =	vlt.u32 v8, $0x8238;
	v13 =	vld.idx.msk [tilespmem:v5+s0+$0x0], vm8  }
0x385: {  	v23 =	vadd.s32 $0xFFFF7DC8, v23;
	v8 =	vmin.u32 v8, $0x8237;
	v15 =	vld.idx.msk [tilespmem:v7+s0+$0x0], vm11;
	v7 =	vadd.s32 $0xFFFF7DC8, v12  }
0x386: {  	vm4 =	vlt.u32 v17, $0x8238;
	v5 =	vadd.s32 $0xFFFF7DC8, v9;
	v12 =	vld [tilespmem:s28+$0x30];
	vm2 =	vlt.u32 v7, $0x8238  }
0x387: {  	v9 =	vld.idx.msk [tilespmem:v6+s0+$0x0], vm7;
	v6 =	vadd.s32 $0xFFFF7DC8, v10;
	vm0 =	vlt.u32 v5, $0x8238;
	vm12 =	vmmov vm2  }
0x388: {  	v24 =	vld [tilespmem:s28+$0x0];
	vm1 =	vlt.u32 v6, $0x8238;
	v14 =	vmin.u32 v7, $0x8237;
	vm0 =	vmmov vm0  }
0x389: {  	v26 =	vld [tilespmem:s28+$0x10];
	v10 =	vmin.u32 v5, $0x8237;
	v5 =	vadd.s32 $0xFFFF7DC8, v11;
	vm2 =	vmmov vm1  }
0x38a: {  	v17 =	vmin.u32 v17, $0x8237;
	v11 =	vld.idx.msk [tilespmem:v8+s0+$0x0], vm10;
	v8 =	vmin.u32 v6, $0x8237;
	vm9 =	vlt.u32 v5, $0x8238  }
0x38b: {  	v28 =	vld [tilespmem:s28+$0xFFFFFFC0];
	vm5 =	vlt.u32 v20, $0x8238;
	v21 =	vmin.u32 v5, $0x8237;
	v12 =	vadd.s32 $0xFFFF7DC8, v12  }
0x38c: {  	v27 =	vld [tilespmem:s28+$0x20];
	v31 =	vmin.u32 v20, $0x8237;
	vm6 =	vlt.u32 v23, $0x8238;
	vm3 =	vlt.u32 v12, $0x8238  }
0x38d: {  	s30 =	simm.s32 $0x40;
	s31 =	simm.s32 $0x50;
	s26 =	simm.s32 $0x60;
	v20 =	vadd.s32 $0xFFFF7DC8, v24;
	v23 =	vmin.u32 v23, $0x8237;
	v29 =	vmin.u32 v12, $0x8237;
	v30 =	vld.idx.msk [tilespmem:v14+s0+$0x0], vm12  }
0x38e: {  	v6 =	vor.u32 s30, v4;
	v7 =	vor.u32 s31, v4;
	v5 =	vor.u32 s26, v4;
	s26 =	simm.s32 $0xC0;
	v12 =	vld.idx.msk [tilespmem:v10+s0+$0x0], vm0  }
0x38f: {  	s28 =	simm.s32 $0xF0;
	vm1 =	vmmov vm9;
	v24 =	vor.u32 s26, v4;
	[tilespmem:v16+s4+$0x0] =	vst.idx.msk vm8, v13;
	v13 =	vadd.s32 $0xFFFF7DC8, v26;
	v14 =	vld.idx.msk [tilespmem:v8+s0+$0x0], vm2  }
0x390: {  	[tilespmem:v18+s4+$0x0] =	vst.idx.msk vm7, v9;
	v16 =	vadd.s32 $0xFFFF7DC8, v28;
	v18 =	vor.u32 s28, v4;
	v9 =	vmin.u32 v13, $0x8237;
	v10 =	vld.idx.msk [tilespmem:v21+s0+$0x0], vm9  }
0x391: {  	s30 =	simm.s32 $0xA0;
	s31 =	simm.s32 $0xB0;
	[tilespmem:v19+s4+$0x0] =	vst.idx.msk vm11, v15;
	vm11 =	vlt.u32 v16, $0x8238;
	vm9 =	vlt.u32 v13, $0x8238;
	v13 =	vmin.u32 v16, $0x8237;
	v16 =	vld.idx.msk [tilespmem:v17+s0+$0x0], vm4  }
0x392: {  	s29 =	simm.s32 $0x90;
	vm8 =	vlt.u32 v20, $0x8238;
	v19 =	vor.u32 s30, v4;
	[tilespmem:v22+s4+$0x0] =	vst.idx.msk vm10, v11;
	v22 =	vor.u32 s31, v4;
	v15 =	vld.idx.msk [tilespmem:v29+s0+$0x0], vm3  }
0x393: {  	s22 =	simm.s32 $0x140;
	s28 =	simm.s32 $0xD0;
	v8 =	vmin.u32 v20, $0x8237;
	v21 =	vadd.s32 $0xFFFF7DC8, v27;
	v20 =	vor.u32 s29, v4;
	v17 =	vld.idx.msk [tilespmem:v31+s0+$0x0], vm5  }
0x394: {  	s23 =	simm.s32 $0xE0;
	s20 =	simm.s32 $0x8;
	s21 =	simm.s32 $0x80;
	vm7 =	vlt.u32 v21, $0x8238;
	v11 =	vmin.u32 v21, $0x8237;
	v21 =	vld.idx.msk [tilespmem:v23+s0+$0x0], vm6;
	v23 =	vor.u32 s28, v4;
	[tilespmem:v25+s4+$0x0] =	vst.idx.msk vm12, v30  }
.LBB2_28:
0x395: {  	v25 =	vld [tilespmem:s22+$0x30];
	s20 =	sadd.s32 $0x8, s20;
	v26 =	vor.u32 s21, v4;
	v27 =	vor.u32 s23, v4;
	[tilespmem:v6+s4+$0x0] =	vst.idx.msk vm0, v12;
	v6 =	vmovc v24;
	vm0 =	vmmov vm8  }
0x396: {  	vm10 =	vmmov vm11;
	v12 =	vld [tilespmem:s22+$0xFFFFFFD0];
	p0 =	slt.u32 s20, $0x1F8;
	[tilespmem:v7+s4+$0x0] =	vst.idx.msk vm2, v14;
	v7 =	vmov v23;
	vm2 =	vmmov vm9  }
0x397: {  	v14 =	vld [tilespmem:s22+$0xFFFFFFE0];
	[tilespmem:v18+s4+$0x0] =	vst.idx.msk vm3, v15  }
0x398: {  	v15 =	vld [tilespmem:s22+$0xFFFFFFF0];
	[tilespmem:v20+s4+$0x0] =	vst.idx.msk vm4, v16  }
0x399: {  	v16 =	vld [tilespmem:s22+$0x0];
	[tilespmem:v19+s4+$0x0] =	vst.idx.msk vm5, v17  }
0x39a: {  	v17 =	vld [tilespmem:s22+$0x10];
	v18 =	vadd.s32 $0xFFFF7DC8, v25;
	[tilespmem:v22+s4+$0x0] =	vst.idx.msk vm6, v21  }
0x39b: {  	v12 =	vadd.s32 $0xFFFF7DC8, v12;
	v19 =	vld [tilespmem:s22+$0x20];
	vm3 =	vlt.u32 v18, $0x8238;
	[tilespmem:v5+s4+$0x0] =	vst.idx.msk vm1, v10;
	v5 =	vmovc v27;
	vm1 =	vmmov vm7  }
0x39c: {  	v18 =	vmin.u32 v18, $0x8237;
	v20 =	vld [tilespmem:s22+$0xFFFFFFC0];
	vm4 =	vlt.u32 v12, $0x8238;
	v10 =	vadd.s32 $0xFFFF7DC8, v14  }
0x39d: {  	v21 =	vmin.u32 v12, $0x8237;
	vm5 =	vlt.u32 v10, $0x8238;
	v14 =	vadd.s32 $0xFFFF7DC8, v15;
	v22 =	vld.idx.msk [tilespmem:v13+s0+$0x0], vm11  }
0x39e: {  	v23 =	vmin.u32 v10, $0x8237;
	vm6 =	vlt.u32 v14, $0x8238;
	v10 =	vadd.s32 $0xFFFF7DC8, v16;
	v12 =	vld.idx.msk [tilespmem:v8+s0+$0x0], vm8  }
0x39f: {  	v24 =	vmin.u32 v14, $0x8237;
	vm8 =	vlt.u32 v10, $0x8238;
	v13 =	vadd.s32 $0xFFFF7DC8, v17;
	v14 =	vld.idx.msk [tilespmem:v9+s0+$0x0], vm9  }
.Ltmp13:
0x3a0: {  	s21 =	sadd.s32 $0x80, s21;
	v8 =	vmin.u32 v10, $0x8237;
	vm9 =	vlt.u32 v13, $0x8238;
	v25 =	vadd.s32 $0xFFFF7DC8, v19;
	v10 =	vld.idx.msk [tilespmem:v11+s0+$0x0], vm7;
	(pc) =	sbr.rel @p0 .LBB2_28-.Ltmp13, $4  }
0x3a1: {  	s23 =	sadd.s32 $0x10, s21;
	s25 =	sadd.s32 $0x20, s21;
	s26 =	sadd.s32 $0x70, s21;
	v9 =	vmin.u32 v13, $0x8237;
	v11 =	vadd.s32 $0xFFFF7DC8, v20;
	vm7 =	vlt.u32 v25, $0x8238;
	v15 =	vld.idx.msk [tilespmem:v18+s0+$0x0], vm3  }
0x3a2: {  	s28 =	sadd.s32 $0x30, s21;
	s29 =	sadd.s32 $0x40, s21;
	s30 =	sadd.s32 $0x50, s21;
	v18 =	vor.u32 s26, v4;
	vm11 =	vlt.u32 v11, $0x8238;
	v13 =	vmin.u32 v11, $0x8237;
	v16 =	vld.idx.msk [tilespmem:v21+s0+$0x0], vm4  }
0x3a3: {  	v19 =	vor.u32 s25, v4;
	v20 =	vor.u32 s23, v4;
	s23 =	sadd.s32 $0x60, s21;
	v11 =	vmin.u32 v25, $0x8237;
	v17 =	vld.idx.msk [tilespmem:v23+s0+$0x0], vm5;
	[tilespmem:v26+s4+$0x0] =	vst.idx.msk vm10, v22  }
0x3a4: {  	s22 =	sadd.s32 $0x80, s22;
	v22 =	vor.u32 s28, v4;
	v23 =	vor.u32 s30, v4;
	v21 =	vld.idx.msk [tilespmem:v24+s0+$0x0], vm6;
	v24 =	vor.u32 s29, v4  }
0x3a5: {  	_ =	sdelay $0x2  }
0x3a6: {  	vm8 =	vmmov vm8  }
0x3a7: {  	vm9 =	vmmov vm9  }
0x3a8: {  	[tilespmem:v6+s4+$0x0] =	vst.idx.msk vm0, v12  }
0x3a9: {  	[tilespmem:v7+s4+$0x0] =	vst.idx.msk vm2, v14  }
0x3aa: {  	v6 =	vor.u32 s21, v4;
	v7 =	vld.idx.msk [tilespmem:v13+s0+$0x0], vm11;
	[tilespmem:v5+s4+$0x0] =	vst.idx.msk vm1, v10  }
0x3ab: {  	v12 =	vor.u32 s23, v4;
	v11 =	vld.idx.msk [tilespmem:v11+s0+$0x0], vm7;
	[tilespmem:v18+s4+$0x0] =	vst.idx.msk vm3, v15  }
0x3ac: {  	[tilespmem:v20+s4+$0x0] =	vst.idx.msk vm4, v16;
	v8 =	vld.idx.msk [tilespmem:v8+s0+$0x0], vm8  }
0x3ad: {  	[tilespmem:v19+s4+$0x0] =	vst.idx.msk vm5, v17;
	v9 =	vld.idx.msk [tilespmem:v9+s0+$0x0], vm9  }
0x3ae: {  	[tilespmem:v22+s4+$0x0] =	vst.idx.msk vm6, v21  }
0x3af: {  	[tilespmem:v6+s4+$0x0] =	vst.idx.msk vm11, v7  }
0x3b0: {  	[tilespmem:v12+s4+$0x0] =	vst.idx.msk vm7, v11  }
0x3b1: {  	[tilespmem:v24+s4+$0x0] =	vst.idx.msk vm8, v8  }
0x3b2: {  	[tilespmem:v23+s4+$0x0] =	vst.idx.msk vm9, v9  }
0x3b3: {  	_ =	swait.ge [sflag:s6], $0x8230  }
0x3b4: {  	[sflag:s6] =	ssyncset.done $0x0  }
0x3b5: {  	s20 =	simm.s32 $0x40;
	[sflag:s6] =	ssyncadd.s32 $0xFFFF7DD0  }
0x3b6: {  	v5 =	vld [tilespmem:s20+$0x30]  }
0x3b7: {  	v6 =	vld [tilespmem:s20+$0xFFFFFFD0]  }
0x3b8: {  	v7 =	vld [tilespmem:s20+$0xFFFFFFE0]  }
0x3b9: {  	v8 =	vld [tilespmem:s20+$0xFFFFFFF0]  }
0x3ba: {  	v9 =	vld [tilespmem:s20+$0x0]  }
0x3bb: {  	v10 =	vld [tilespmem:s20+$0x10]  }
0x3bc: {  	v11 =	vld [tilespmem:s20+$0x20]  }
0x3bd: {  	v12 =	vld [tilespmem:s20+$0xFFFFFFC0];
	s20 =	simm.s32 $0xC0;
	v5 =	vadd.s32 $0xFFFEFB90, v5  }
0x3be: {  	v17 =	vld [tilespmem:s20+$0xFFFFFFD0];
	v7 =	vadd.s32 $0xFFFEFB90, v7;
	vm8 =	vlt.u32 v5, $0x8230  }
0x3bf: {  	vm10 =	vmmov vm11;
	v20 =	vld [tilespmem:s20+$0xFFFFFFE0];
	v5 =	vmin.u32 v5, $0x822F;
	vm11 =	vlt.u32 v7, $0x8230  }
0x3c0: {  	s22 =	simm.s32 $0x10;
	v23 =	vld [tilespmem:s20+$0xFFFFFFF0];
	v6 =	vadd.s32 $0xFFFEFB90, v6;
	v7 =	vmin.u32 v7, $0x822F  }
0x3c1: {  	vm0 =	vmmov vm7;
	s26 =	simm.s32 $0x70;
	s28 =	simm.s32 $0x20;
	v18 =	vor.u32 s22, v4;
	vm7 =	vlt.u32 v6, $0x8230  }
0x3c2: {  	s29 =	simm.s32 $0x30;
	v16 =	vor.u32 s26, v4;
	s26 =	simm.s32 $0x0;
	v19 =	vor.u32 s28, v4;
	v6 =	vmin.u32 v6, $0x822F  }
0x3c3: {  	v25 =	vor.u32 s26, v4;
	v22 =	vor.u32 s29, v4;
	v8 =	vadd.s32 $0xFFFEFB90, v8  }
0x3c4: {  	vm10 =	vlt.u32 v8, $0x8230;
	v8 =	vmin.u32 v8, $0x822F;
	v17 =	vadd.s32 $0xFFFEFB90, v17;
	v13 =	vld.idx.msk [tilespmem:v5+s1+$0x0], vm8  }
0x3c5: {  	v20 =	vadd.s32 $0xFFFEFB90, v20;
	v23 =	vadd.s32 $0xFFFEFB90, v23;
	v15 =	vld.idx.msk [tilespmem:v7+s1+$0x0], vm11;
	v7 =	vadd.s32 $0xFFFEFB90, v12  }
0x3c6: {  	vm4 =	vlt.u32 v17, $0x8230;
	v5 =	vadd.s32 $0xFFFEFB90, v9;
	v12 =	vld [tilespmem:s20+$0x30];
	vm2 =	vlt.u32 v7, $0x8230  }
0x3c7: {  	v9 =	vld.idx.msk [tilespmem:v6+s1+$0x0], vm7;
	v6 =	vadd.s32 $0xFFFEFB90, v10;
	vm0 =	vlt.u32 v5, $0x8230;
	vm12 =	vmmov vm2  }
0x3c8: {  	v24 =	vld [tilespmem:s20+$0x0];
	vm1 =	vlt.u32 v6, $0x8230;
	v14 =	vmin.u32 v7, $0x822F;
	vm0 =	vmmov vm0  }
0x3c9: {  	v26 =	vld [tilespmem:s20+$0x10];
	v10 =	vmin.u32 v5, $0x822F;
	v5 =	vadd.s32 $0xFFFEFB90, v11;
	vm2 =	vmmov vm1  }
0x3ca: {  	v17 =	vmin.u32 v17, $0x822F;
	v11 =	vld.idx.msk [tilespmem:v8+s1+$0x0], vm10;
	v8 =	vmin.u32 v6, $0x822F;
	vm9 =	vlt.u32 v5, $0x8230  }
0x3cb: {  	v28 =	vld [tilespmem:s20+$0xFFFFFFC0];
	vm5 =	vlt.u32 v20, $0x8230;
	v21 =	vmin.u32 v5, $0x822F;
	v12 =	vadd.s32 $0xFFFEFB90, v12  }
0x3cc: {  	v27 =	vld [tilespmem:s20+$0x20];
	v31 =	vmin.u32 v20, $0x822F;
	vm6 =	vlt.u32 v23, $0x8230;
	vm3 =	vlt.u32 v12, $0x8230  }
0x3cd: {  	s30 =	simm.s32 $0x40;
	s31 =	simm.s32 $0x50;
	s26 =	simm.s32 $0xC0;
	v20 =	vadd.s32 $0xFFFEFB90, v24;
	v23 =	vmin.u32 v23, $0x822F;
	v29 =	vmin.u32 v12, $0x822F;
	v30 =	vld.idx.msk [tilespmem:v14+s1+$0x0], vm12  }
0x3ce: {  	s25 =	simm.s32 $0x60;
	v24 =	vor.u32 s26, v4;
	v6 =	vor.u32 s30, v4;
	v7 =	vor.u32 s31, v4;
	v12 =	vld.idx.msk [tilespmem:v10+s1+$0x0], vm0  }
0x3cf: {  	s28 =	simm.s32 $0xF0;
	v5 =	vor.u32 s25, v4;
	vm1 =	vmmov vm9;
	[tilespmem:v16+s4+$0x0] =	vst.idx.msk vm8, v13;
	v13 =	vadd.s32 $0xFFFEFB90, v26;
	v14 =	vld.idx.msk [tilespmem:v8+s1+$0x0], vm2  }
0x3d0: {  	[tilespmem:v18+s4+$0x0] =	vst.idx.msk vm7, v9;
	v16 =	vadd.s32 $0xFFFEFB90, v28;
	v18 =	vor.u32 s28, v4;
	v9 =	vmin.u32 v13, $0x822F;
	v10 =	vld.idx.msk [tilespmem:v21+s1+$0x0], vm9  }
0x3d1: {  	s30 =	simm.s32 $0xA0;
	s31 =	simm.s32 $0xB0;
	[tilespmem:v19+s4+$0x0] =	vst.idx.msk vm11, v15;
	vm11 =	vlt.u32 v16, $0x8230;
	vm9 =	vlt.u32 v13, $0x8230;
	v13 =	vmin.u32 v16, $0x822F;
	v16 =	vld.idx.msk [tilespmem:v17+s1+$0x0], vm4  }
0x3d2: {  	s29 =	simm.s32 $0x90;
	vm8 =	vlt.u32 v20, $0x8230;
	v19 =	vor.u32 s30, v4;
	[tilespmem:v22+s4+$0x0] =	vst.idx.msk vm10, v11;
	v22 =	vor.u32 s31, v4;
	v15 =	vld.idx.msk [tilespmem:v29+s1+$0x0], vm3  }
0x3d3: {  	s21 =	simm.s32 $0x80;
	s28 =	simm.s32 $0xD0;
	v8 =	vmin.u32 v20, $0x822F;
	v21 =	vadd.s32 $0xFFFEFB90, v27;
	v20 =	vor.u32 s29, v4;
	v17 =	vld.idx.msk [tilespmem:v31+s1+$0x0], vm5  }
0x3d4: {  	s23 =	simm.s32 $0xE0;
	s22 =	simm.s32 $0x140;
	s20 =	simm.s32 $0x8;
	vm7 =	vlt.u32 v21, $0x8230;
	v11 =	vmin.u32 v21, $0x822F;
	v21 =	vld.idx.msk [tilespmem:v23+s1+$0x0], vm6;
	v23 =	vor.u32 s28, v4;
	[tilespmem:v25+s4+$0x0] =	vst.idx.msk vm12, v30  }
.LBB2_30:
0x3d5: {  	v25 =	vld [tilespmem:s22+$0x30];
	s20 =	sadd.s32 $0x8, s20;
	v26 =	vor.u32 s21, v4;
	v27 =	vor.u32 s23, v4;
	[tilespmem:v6+s4+$0x0] =	vst.idx.msk vm0, v12;
	v6 =	vmovc v24;
	vm0 =	vmmov vm8  }
0x3d6: {  	vm10 =	vmmov vm11;
	v12 =	vld [tilespmem:s22+$0xFFFFFFD0];
	p0 =	slt.u32 s20, $0x1F8;
	[tilespmem:v7+s4+$0x0] =	vst.idx.msk vm2, v14;
	v7 =	vmov v23;
	vm2 =	vmmov vm9  }
0x3d7: {  	v14 =	vld [tilespmem:s22+$0xFFFFFFE0];
	[tilespmem:v18+s4+$0x0] =	vst.idx.msk vm3, v15  }
0x3d8: {  	v15 =	vld [tilespmem:s22+$0xFFFFFFF0];
	[tilespmem:v20+s4+$0x0] =	vst.idx.msk vm4, v16  }
0x3d9: {  	v16 =	vld [tilespmem:s22+$0x0];
	[tilespmem:v19+s4+$0x0] =	vst.idx.msk vm5, v17  }
0x3da: {  	v17 =	vld [tilespmem:s22+$0x10];
	v18 =	vadd.s32 $0xFFFEFB90, v25;
	[tilespmem:v22+s4+$0x0] =	vst.idx.msk vm6, v21  }
0x3db: {  	v12 =	vadd.s32 $0xFFFEFB90, v12;
	v19 =	vld [tilespmem:s22+$0x20];
	vm3 =	vlt.u32 v18, $0x8230;
	[tilespmem:v5+s4+$0x0] =	vst.idx.msk vm1, v10;
	v5 =	vmovc v27;
	vm1 =	vmmov vm7  }
0x3dc: {  	v18 =	vmin.u32 v18, $0x822F;
	v20 =	vld [tilespmem:s22+$0xFFFFFFC0];
	vm4 =	vlt.u32 v12, $0x8230;
	v10 =	vadd.s32 $0xFFFEFB90, v14  }
0x3dd: {  	v21 =	vmin.u32 v12, $0x822F;
	vm5 =	vlt.u32 v10, $0x8230;
	v14 =	vadd.s32 $0xFFFEFB90, v15;
	v22 =	vld.idx.msk [tilespmem:v13+s1+$0x0], vm11  }
0x3de: {  	v23 =	vmin.u32 v10, $0x822F;
	vm6 =	vlt.u32 v14, $0x8230;
	v10 =	vadd.s32 $0xFFFEFB90, v16;
	v12 =	vld.idx.msk [tilespmem:v8+s1+$0x0], vm8  }
0x3df: {  	v24 =	vmin.u32 v14, $0x822F;
	vm8 =	vlt.u32 v10, $0x8230;
	v13 =	vadd.s32 $0xFFFEFB90, v17;
	v14 =	vld.idx.msk [tilespmem:v9+s1+$0x0], vm9  }
.Ltmp14:
0x3e0: {  	s21 =	sadd.s32 $0x80, s21;
	v8 =	vmin.u32 v10, $0x822F;
	vm9 =	vlt.u32 v13, $0x8230;
	v25 =	vadd.s32 $0xFFFEFB90, v19;
	v10 =	vld.idx.msk [tilespmem:v11+s1+$0x0], vm7;
	(pc) =	sbr.rel @p0 .LBB2_30-.Ltmp14, $4  }
0x3e1: {  	s23 =	sadd.s32 $0x10, s21;
	s25 =	sadd.s32 $0x20, s21;
	s26 =	sadd.s32 $0x70, s21;
	v9 =	vmin.u32 v13, $0x822F;
	v11 =	vadd.s32 $0xFFFEFB90, v20;
	vm7 =	vlt.u32 v25, $0x8230;
	v15 =	vld.idx.msk [tilespmem:v18+s1+$0x0], vm3  }
0x3e2: {  	s28 =	sadd.s32 $0x30, s21;
	s29 =	sadd.s32 $0x40, s21;
	s30 =	sadd.s32 $0x50, s21;
	v18 =	vor.u32 s26, v4;
	vm11 =	vlt.u32 v11, $0x8230;
	v13 =	vmin.u32 v11, $0x822F;
	v16 =	vld.idx.msk [tilespmem:v21+s1+$0x0], vm4  }
0x3e3: {  	v19 =	vor.u32 s25, v4;
	v20 =	vor.u32 s23, v4;
	s23 =	sadd.s32 $0x60, s21;
	v11 =	vmin.u32 v25, $0x822F;
	v17 =	vld.idx.msk [tilespmem:v23+s1+$0x0], vm5;
	[tilespmem:v26+s4+$0x0] =	vst.idx.msk vm10, v22  }
0x3e4: {  	s22 =	sadd.s32 $0x80, s22;
	v22 =	vor.u32 s28, v4;
	v23 =	vor.u32 s30, v4;
	v21 =	vld.idx.msk [tilespmem:v24+s1+$0x0], vm6;
	v24 =	vor.u32 s29, v4  }
0x3e5: {  	_ =	sdelay $0x2  }
0x3e6: {  	vm8 =	vmmov vm8  }
0x3e7: {  	vm9 =	vmmov vm9  }
0x3e8: {  	[tilespmem:v6+s4+$0x0] =	vst.idx.msk vm0, v12  }
0x3e9: {  	[tilespmem:v7+s4+$0x0] =	vst.idx.msk vm2, v14  }
0x3ea: {  	v6 =	vor.u32 s21, v4;
	v7 =	vld.idx.msk [tilespmem:v13+s1+$0x0], vm11;
	[tilespmem:v5+s4+$0x0] =	vst.idx.msk vm1, v10  }
0x3eb: {  	v12 =	vor.u32 s23, v4;
	v11 =	vld.idx.msk [tilespmem:v11+s1+$0x0], vm7;
	[tilespmem:v18+s4+$0x0] =	vst.idx.msk vm3, v15  }
0x3ec: {  	[tilespmem:v20+s4+$0x0] =	vst.idx.msk vm4, v16;
	v8 =	vld.idx.msk [tilespmem:v8+s1+$0x0], vm8  }
0x3ed: {  	[tilespmem:v19+s4+$0x0] =	vst.idx.msk vm5, v17;
	v9 =	vld.idx.msk [tilespmem:v9+s1+$0x0], vm9  }
0x3ee: {  	[tilespmem:v22+s4+$0x0] =	vst.idx.msk vm6, v21  }
0x3ef: {  	[tilespmem:v6+s4+$0x0] =	vst.idx.msk vm11, v7  }
0x3f0: {  	[tilespmem:v12+s4+$0x0] =	vst.idx.msk vm7, v11  }
0x3f1: {  	[tilespmem:v24+s4+$0x0] =	vst.idx.msk vm8, v8  }
0x3f2: {  	s30 =	simm.s32 $0x124B0;
	[tilespmem:v23+s4+$0x0] =	vst.idx.msk vm9, v9  }
0x3f3: {  	s31 =	simm.s32 $0x144B0;
	v5 =	vld [tilespmem:s30+$0x30]  }
0x3f4: {  	v6 =	vld [tilespmem:s31+$0x30]  }
0x3f5: {  	v7 =	vld [tilespmem:s31+$0xFFFFFFC0]  }
0x3f6: {  	v8 =	vld [tilespmem:s30+$0xFFFFFFD0]  }
0x3f7: {  	v9 =	vld [tilespmem:s31+$0xFFFFFFD0]  }
0x3f8: {  	v10 =	vld [tilespmem:s30+$0xFFFFFFE0]  }
0x3f9: {  	v11 =	vld [tilespmem:s31+$0xFFFFFFE0]  }
0x3fa: {  	v12 =	vld [tilespmem:s30+$0xFFFFFFF0]  }
0x3fb: {  	v13 =	vld [tilespmem:s31+$0xFFFFFFF0]  }
0x3fc: {  	v14 =	vld [tilespmem:s30+$0x0]  }
0x3fd: {  	v15 =	vld [tilespmem:s31+$0x0]  }
0x3fe: {  	v16 =	vld [tilespmem:s30+$0x10]  }
0x3ff: {  	v17 =	vld [tilespmem:s31+$0x10]  }
0x400: {  	s25 =	simm.s32 $0x12530;
	v18 =	vld [tilespmem:s30+$0x20]  }
0x401: {  	s21 =	simm.s32 $0x14530;
	v21 =	vld [tilespmem:s25+$0x30]  }
0x402: {  	v22 =	vld [tilespmem:s21+$0x30]  }
0x403: {  	v23 =	vld [tilespmem:s21+$0xFFFFFFC0]  }
0x404: {  	v24 =	vld [tilespmem:s25+$0xFFFFFFD0]  }
0x405: {  	v25 =	vld [tilespmem:s21+$0xFFFFFFD0]  }
0x406: {  	v26 =	vld [tilespmem:s21+$0xFFFFFFE0];
	v6 =	vadd.f32 v6, v5  }
0x407: {  	v27 =	vld [tilespmem:s25+$0xFFFFFFF0]  }
0x408: {  	s20 =	simm.s32 $0x164B0;
	[tilespmem:s31+$0x30] =	vst v6;
	v6 =	vadd.f32 v9, v8;
	v9 =	vld [tilespmem:s31+$0x20]  }
0x409: {  	v11 =	vadd.f32 v11, v10;
	v19 =	vld [tilespmem:s20+$0x30]  }
0x40a: {  	[tilespmem:s31+$0xFFFFFFD0] =	vst v6;
	v6 =	vadd.f32 v13, v12;
	v13 =	vld [tilespmem:s30+$0xFFFFFFC0]  }
0x40b: {  	[tilespmem:s31+$0xFFFFFFE0] =	vst v11;
	v11 =	vadd.f32 v15, v14;
	v15 =	vld [tilespmem:s20+$0xFFFFFFD0]  }
0x40c: {  	[tilespmem:s31+$0xFFFFFFF0] =	vst v6;
	v6 =	vadd.f32 v17, v16;
	v17 =	vld [tilespmem:s20+$0xFFFFFFE0]  }
0x40d: {  	v5 =	vmul.f32 v5, v5;
	[tilespmem:s31+$0x0] =	vst v11;
	v11 =	vld [tilespmem:s20+$0xFFFFFFF0]  }
0x40e: {  	v9 =	vadd.f32 v9, v18;
	[tilespmem:s31+$0x10] =	vst v6;
	v6 =	vld [tilespmem:s20+$0x0]  }
0x40f: {  	v5 =	vadd.f32 v19, v5;
	v19 =	vld [tilespmem:s25+$0xFFFFFFE0]  }
0x410: {  	v22 =	vadd.f32 v22, v21;
	v8 =	vmul.f32 v8, v8;
	v20 =	vld [tilespmem:s20+$0x10];
	[tilespmem:s31+$0x20] =	vst v9  }
0x411: {  	v10 =	vmul.f32 v10, v10;
	v9 =	vld [tilespmem:s20+$0x20];
	[tilespmem:s20+$0x30] =	vst v5;
	v5 =	vadd.f32 v7, v13  }
0x412: {  	[tilespmem:s21+$0x30] =	vst v22;
	v7 =	vmul.f32 v12, v12;
	v8 =	vadd.f32 v15, v8;
	v12 =	vld [tilespmem:s21+$0xFFFFFFF0]  }
0x413: {  	s22 =	simm.s32 $0x16530;
	v14 =	vmul.f32 v14, v14;
	v15 =	vmul.f32 v16, v16;
	v16 =	vld [tilespmem:s25+$0x20];
	[tilespmem:s31+$0xFFFFFFC0] =	vst v5;
	v5 =	vadd.f32 v17, v10  }
0x414: {  	v10 =	vld [tilespmem:s22+$0x30];
	[tilespmem:s20+$0xFFFFFFD0] =	vst v8;
	v7 =	vadd.f32 v11, v7  }
0x415: {  	v8 =	vld [tilespmem:s25+$0x0];
	v11 =	vmul.f32 v18, v18;
	[tilespmem:s20+$0xFFFFFFE0] =	vst v5;
	v5 =	vadd.f32 v6, v14  }
0x416: {  	v6 =	vld [tilespmem:s21+$0x0];
	[tilespmem:s20+$0xFFFFFFF0] =	vst v7;
	v7 =	vadd.f32 v20, v15  }
0x417: {  	v15 =	vld [tilespmem:s25+$0x10];
	[tilespmem:s20+$0x0] =	vst v5;
	v5 =	vadd.f32 v9, v11  }
0x418: {  	v9 =	vld [tilespmem:s21+$0x10];
	[tilespmem:s20+$0x10] =	vst v7;
	v7 =	vadd.f32 v25, v24  }
0x419: {  	v14 =	vld [tilespmem:s21+$0x20];
	v11 =	vmul.f32 v21, v21;
	[tilespmem:s20+$0x20] =	vst v5;
	v5 =	vadd.f32 v26, v19  }
0x41a: {  	v17 =	vld [tilespmem:s25+$0xFFFFFFC0];
	[tilespmem:s21+$0xFFFFFFD0] =	vst v7;
	v7 =	vadd.f32 v12, v27  }
0x41b: {  	v18 =	vld [tilespmem:s20+$0xFFFFFFC0];
	[tilespmem:s21+$0xFFFFFFE0] =	vst v5;
	v5 =	vadd.f32 v10, v11  }
0x41c: {  	v6 =	vadd.f32 v6, v8;
	v61 =	vld [tilespmem:s22+$0xFFFFFFD0];
	[tilespmem:s21+$0xFFFFFFF0] =	vst v7  }
0x41d: {  	vm10 =	vmmov vm11;
	v62 =	vmul.f32 v13, v13;
	v13 =	vld [tilespmem:s22+$0xFFFFFFE0];
	[tilespmem:s22+$0x30] =	vst v5;
	v5 =	vadd.f32 v9, v15  }
0x41e: {  	vm15 =	vmmov vm7;
	v7 =	vmul.f32 v19, v19;
	v19 =	vadd.f32 v14, v16;
	[tilespmem:s21+$0x0] =	vst v6;
	v11 =	vld [tilespmem:s22+$0xFFFFFFF0]  }
0x41f: {  	v63 =	vmul.f32 v24, v24;
	v23 =	vadd.f32 v23, v17;
	v8 =	vmul.f32 v8, v8;
	v14 =	vld [tilespmem:s22+$0x0];
	[tilespmem:s21+$0x10] =	vst v5  }
0x420: {  	v10 =	vmul.f32 v16, v16;
	[tilespmem:s21+$0x20] =	vst v19;
	v5 =	vmul.f32 v17, v17;
	v17 =	vadd.f32 v18, v62;
	v12 =	vld [tilespmem:s22+$0x10]  }
0x421: {  	s23 =	simm.s32 $0x8;
	s25 =	simm.s32 $0x125B0;
	[tilespmem:s21+$0xFFFFFFC0] =	vst v23;
	v6 =	vmul.f32 v27, v27;
	v9 =	vmul.f32 v15, v15;
	v15 =	vld [tilespmem:s22+$0x20];
	v16 =	vadd.f32 v61, v63  }
.LBB2_32:
0x422: {  	v18 =	vld [tilespmem:s25+$0x30];
	v7 =	vadd.f32 v13, v7;
	s21 =	sadd.s32 $0x80, s21;
	[tilespmem:s20+$0xFFFFFFC0] =	vst v17;
	s20 =	smov.u32 s22  }
0x423: {  	s23 =	sadd.s32 $0x8, s23;
	v13 =	vld [tilespmem:s21+$0x30];
	[tilespmem:s22+$0xFFFFFFD0] =	vst v16;
	v6 =	vadd.f32 v11, v6  }
0x424: {  	p0 =	slt.u32 s23, $0x1F8;
	v16 =	vld [tilespmem:s21+$0xFFFFFFC0];
	[tilespmem:s22+$0xFFFFFFE0] =	vst v7;
	v7 =	vadd.f32 v14, v8  }
0x425: {  	v8 =	vld [tilespmem:s25+$0xFFFFFFD0];
	[tilespmem:s22+$0xFFFFFFF0] =	vst v6;
	v6 =	vadd.f32 v12, v9  }
0x426: {  	v9 =	vld [tilespmem:s21+$0xFFFFFFD0];
	[tilespmem:s22+$0x0] =	vst v7;
	v7 =	vadd.f32 v15, v10  }
0x427: {  	v10 =	vld [tilespmem:s25+$0xFFFFFFE0];
	[tilespmem:s22+$0x10] =	vst v6  }
0x428: {  	v6 =	vld [tilespmem:s21+$0xFFFFFFE0];
	v11 =	vadd.f32 v13, v18;
	[tilespmem:s22+$0x20] =	vst v7  }
0x429: {  	v12 =	vld [tilespmem:s25+$0xFFFFFFF0]  }
0x42a: {  	s22 =	sadd.s32 $0x80, s22;
	v15 =	vmul.f32 v8, v8;
	v13 =	vld [tilespmem:s21+$0xFFFFFFF0];
	[tilespmem:s21+$0x30] =	vst v11  }
0x42b: {  	v8 =	vadd.f32 v9, v8;
	v9 =	vld [tilespmem:s22+$0x30]  }
0x42c: {  	v7 =	vmul.f32 v10, v10;
	v11 =	vld [tilespmem:s25+$0x0]  }
0x42d: {  	[tilespmem:s21+$0xFFFFFFD0] =	vst v8;
	v8 =	vadd.f32 v6, v10;
	v10 =	vld [tilespmem:s21+$0x0]  }
0x42e: {  	v17 =	vmul.f32 v18, v18;
	v6 =	vmul.f32 v12, v12;
	v14 =	vld [tilespmem:s25+$0x10]  }
0x42f: {  	[tilespmem:s21+$0xFFFFFFE0] =	vst v8;
	v8 =	vadd.f32 v13, v12;
	v12 =	vld [tilespmem:s21+$0x10]  }
0x430: {  	v18 =	vld [tilespmem:s25+$0x20];
	v9 =	vadd.f32 v9, v17  }
0x431: {  	[tilespmem:s21+$0xFFFFFFF0] =	vst v8;
	v8 =	vmul.f32 v11, v11;
	v17 =	vld [tilespmem:s21+$0x20]  }
0x432: {  	v19 =	vld [tilespmem:s25+$0xFFFFFFC0];
	v10 =	vadd.f32 v10, v11;
	[tilespmem:s22+$0x30] =	vst v9  }
0x433: {  	v9 =	vmul.f32 v14, v14;
	v20 =	vld [tilespmem:s20+$0xFFFFFFC0]  }
0x434: {  	v21 =	vld [tilespmem:s22+$0xFFFFFFD0];
	[tilespmem:s21+$0x0] =	vst v10;
	v12 =	vadd.f32 v12, v14  }
.Ltmp15:
0x435: {  	v13 =	vld [tilespmem:s22+$0xFFFFFFE0];
	v10 =	vmul.f32 v18, v18;
	(pc) =	sbr.rel @p0 .LBB2_32-.Ltmp15, $4  }
0x436: {  	v11 =	vld [tilespmem:s22+$0xFFFFFFF0];
	[tilespmem:s21+$0x10] =	vst v12;
	v17 =	vadd.f32 v17, v18  }
0x437: {  	v16 =	vadd.f32 v16, v19;
	v18 =	vmul.f32 v19, v19;
	v14 =	vld [tilespmem:s22+$0x0]  }
0x438: {  	v12 =	vld [tilespmem:s22+$0x10];
	[tilespmem:s21+$0x20] =	vst v17;
	v17 =	vadd.f32 v20, v5  }
0x439: {  	s25 =	sadd.s32 $0x80, s25;
	[tilespmem:s21+$0xFFFFFFC0] =	vst v16;
	v16 =	vadd.f32 v21, v15;
	v15 =	vld [tilespmem:s22+$0x20];
	v5 =	vmov v18  }
0x43a: {  	v7 =	vadd.f32 v13, v7;
	[tilespmem:s20+$0xFFFFFFC0] =	vst v17;
	v13 =	vld [tilespmem:s22+$0xFFFFFFC0]  }
0x43b: {  	[tilespmem:s22+$0xFFFFFFD0] =	vst v16;
	v6 =	vadd.f32 v11, v6  }
0x43c: {  	[tilespmem:s22+$0xFFFFFFE0] =	vst v7;
	v7 =	vadd.f32 v14, v8  }
0x43d: {  	[tilespmem:s22+$0xFFFFFFF0] =	vst v6;
	v6 =	vadd.f32 v12, v9  }
0x43e: {  	[tilespmem:s22+$0x0] =	vst v7;
	v7 =	vadd.f32 v15, v10  }
0x43f: {  	[tilespmem:s22+$0x10] =	vst v6;
	v5 =	vadd.f32 v13, v5  }
0x440: {  	[tilespmem:s22+$0x20] =	vst v7  }
0x441: {  	[tilespmem:s22+$0xFFFFFFC0] =	vst v5  }
0x442: {  	[hbm4b:s17+s18] =	stream.linear.scatter [tilespmem:s4], [sflag:$0x3], $0x2000, $0x38;
	[tilespmem:$0x1E8F0] =	vst v63  }
0x443: {  	_ =	swait.ge [sflag:s8], $0x2000  }
0x444: {  	[sflag:s8] =	ssyncset.done $0x0  }
0x445: {  	[sflag:s8] =	ssyncadd.s32 $0xFFFFE000  }
0x446: {  	[tilespmem:s1], [sflag:$0x4] =	stream.linear.gather [hbm4b:s14+s18], $0x2000, $0x38;
	[tilespmem:$0x1E8F0] =	vst v63  }
0x447: {  	s25 =	simm.s32 $0xC238  }
0x448: {  	[tilespmem:s25], [sflag:$0x4] =	stream.linear.gather [hbm4b:s15+s18], $0x2000, $0x38;
	[tilespmem:$0x1E8F0] =	vst v63  }
0x449: {  	s26 =	simm.s32 $0xE238  }
0x44a: {  	[tilespmem:s26], [sflag:$0x4] =	stream.linear.gather [hbm4b:s16+s18], $0x2000, $0x38;
	[tilespmem:$0x1E8F0] =	vst v63  }
0x44b: {  	s28 =	simm.s32 $0x10238  }
0x44c: {  	[tilespmem:s28], [sflag:$0x4] =	stream.linear.gather [hbm4b:s17+s18], $0x2000, $0x38;
	[tilespmem:$0x1E8F0] =	vst v63  }
0x44d: {  	s23 =	simm.s32 $0x14470  }
0x44e: {  	[spmem:s19] =	stream.linear.scatter [tilespmem:s23], [sflag:$0x5], $0x2000, $0x38;
	[tilespmem:$0x1E8F0] =	vst v63  }
0x44f: {  	_ =	swait.ge [sflag:s2], $0x2000  }
0x450: {  	[sflag:s2] =	ssyncset.done $0x0  }
0x451: {  	s21 =	simm.s32 $0x16470;
	s31 =	rddreg [dreg:$0x15];
	[sflag:s2] =	ssyncadd.s32 $0xFFFFE000  }
0x452: {  	[spmem:s31] =	stream.linear.scatter [tilespmem:s21], [sflag:$0x5], $0x2000, $0x38;
	[tilespmem:$0x1E8F0] =	vst v63  }
0x453: {  	_ =	swait.ge [sflag:s2], $0x2000  }
0x454: {  	[sflag:s2] =	ssyncset.done $0x0  }
0x455: {  	[sflag:s2] =	ssyncadd.s32 $0xFFFFE000  }
0x456: {  	s29 =	simm.s32 $0x4000;
	[bflag:$0x0] =	sbarrier.arrive $0xFFFF  }
0x457: {  	s30 =	simm.s32 $0x18470;
	s23 =	simm.s32 $0x200;
	s22 =	rddreg [dreg:$0xc]  }
0x458: {  	[tilespmem:s30], [sflag:$0x5] =	stream.strided.gather [spmem:s22], $0x2000, s29, s23, $0x38;
	[tilespmem:$0x1E8F0] =	vst v63  }
0x459: {  	_ =	swait.ge [sflag:s2], $0x2000  }
0x45a: {  	[sflag:s2] =	ssyncset.done $0x0  }
0x45b: {  	s31 =	simm.s32 $0x19470;
	[sflag:s2] =	ssyncadd.s32 $0xFFFFE000  }
0x45c: {  	v5 =	vld [tilespmem:s31+$0xFFFFF030]  }
0x45d: {  	v6 =	vld [tilespmem:s31+$0xFFFFF230]  }
0x45e: {  	v7 =	vld [tilespmem:s31+$0xFFFFF200]  }
0x45f: {  	v8 =	vld [tilespmem:s31+$0xFFFFF430]  }
0x460: {  	v9 =	vld [tilespmem:s31+$0xFFFFF010]  }
0x461: {  	v10 =	vld [tilespmem:s31+$0xFFFFF630]  }
0x462: {  	v11 =	vld [tilespmem:s31+$0xFFFFF210]  }
0x463: {  	v12 =	vld [tilespmem:s31+$0xFFFFF830]  }
0x464: {  	v13 =	vld [tilespmem:s31+$0xFFFFF020]  }
0x465: {  	v14 =	vld [tilespmem:s31+$0xFFFFFA30]  }
0x466: {  	v15 =	vld [tilespmem:s31+$0xFFFFF220]  }
0x467: {  	v54 =	vld [tilespmem:s31+$0xFFFFFC30]  }
0x468: {  	v55 =	vld [tilespmem:s31+$0xFFFFF000]  }
0x469: {  	v18 =	vld [tilespmem:s31+$0xFFFFFE30]  }
0x46a: {  	v19 =	vld [tilespmem:s31+$0xFFFFF400]  }
0x46b: {  	v20 =	vld [tilespmem:s31+$0x30]  }
0x46c: {  	v21 =	vld [tilespmem:s31+$0xFFFFF410]  }
0x46d: {  	v22 =	vld [tilespmem:s31+$0x230]  }
0x46e: {  	v23 =	vld [tilespmem:s31+$0xFFFFF420]  }
0x46f: {  	v24 =	vld [tilespmem:s31+$0x430]  }
0x470: {  	v25 =	vld [tilespmem:s31+$0xFFFFF600]  }
0x471: {  	v26 =	vld [tilespmem:s31+$0x630]  }
0x472: {  	v27 =	vld [tilespmem:s31+$0xFFFFF610]  }
0x473: {  	v28 =	vld [tilespmem:s31+$0x830]  }
0x474: {  	v29 =	vld [tilespmem:s31+$0xFFFFF620]  }
0x475: {  	v30 =	vld [tilespmem:s31+$0xA30]  }
0x476: {  	v31 =	vld [tilespmem:s31+$0xFFFFF800]  }
0x477: {  	v32 =	vld [tilespmem:s31+$0xC30]  }
0x478: {  	v33 =	vld [tilespmem:s31+$0xFFFFF810]  }
0x479: {  	v34 =	vld [tilespmem:s31+$0xE30]  }
0x47a: {  	v35 =	vld [tilespmem:s31+$0xFFFFFA00]  }
0x47b: {  	v36 =	vld [tilespmem:s31+$0xFFFFFA20];
	v5 =	vadd.f32 v6, v5  }
0x47c: {  	v37 =	vld [tilespmem:s31+$0xFFFFFC10]  }
0x47d: {  	v56 =	vld [tilespmem:s31+$0xFFFFFE00];
	v5 =	vadd.f32 v8, v5  }
0x47e: {  	v57 =	vld [tilespmem:s31+$0x10]  }
0x47f: {  	v58 =	vld [tilespmem:s31+$0x20];
	v5 =	vadd.f32 v10, v5  }
0x480: {  	v59 =	vld [tilespmem:s31+$0x200]  }
0x481: {  	v60 =	vld [tilespmem:s31+$0x210];
	v7 =	vadd.f32 v7, v55;
	v5 =	vadd.f32 v12, v5  }
0x482: {  	v61 =	vld [tilespmem:s31+$0x420];
	v9 =	vadd.f32 v11, v9;
	v13 =	vadd.f32 v15, v13  }
0x483: {  	v6 =	vld [tilespmem:s31+$0xFFFFF820];
	v7 =	vadd.f32 v19, v7;
	v5 =	vadd.f32 v14, v5  }
0x484: {  	v62 =	vld [tilespmem:s31+$0x810];
	v9 =	vadd.f32 v21, v9;
	v13 =	vadd.f32 v23, v13  }
0x485: {  	v8 =	vld [tilespmem:s31+$0xFFFFFA10];
	v7 =	vadd.f32 v25, v7;
	v5 =	vadd.f32 v54, v5  }
0x486: {  	v10 =	vld [tilespmem:s31+$0xFFFFFC00];
	v9 =	vadd.f32 v27, v9;
	v13 =	vadd.f32 v29, v13  }
0x487: {  	v12 =	vld [tilespmem:s31+$0xFFFFFC20];
	v7 =	vadd.f32 v31, v7;
	v5 =	vadd.f32 v18, v5  }
0x488: {  	v11 =	vld [tilespmem:s31+$0xFFFFFE10];
	v9 =	vadd.f32 v33, v9;
	v6 =	vadd.f32 v6, v13  }
0x489: {  	v14 =	vld [tilespmem:s31+$0xFFFFFE20];
	v7 =	vadd.f32 v35, v7;
	v5 =	vadd.f32 v20, v5  }
0x48a: {  	v15 =	vld [tilespmem:s31+$0x0];
	v8 =	vadd.f32 v8, v9;
	v6 =	vadd.f32 v36, v6  }
0x48b: {  	v63 =	vld [tilespmem:s31+$0x820];
	v7 =	vadd.f32 v10, v7;
	v5 =	vadd.f32 v22, v5  }
0x48c: {  	v13 =	vld [tilespmem:s31+$0x220];
	v8 =	vadd.f32 v37, v8;
	v6 =	vadd.f32 v12, v6  }
0x48d: {  	v9 =	vld [tilespmem:s31+$0x400];
	v7 =	vadd.f32 v56, v7;
	v5 =	vadd.f32 v24, v5  }
0x48e: {  	v10 =	vld [tilespmem:s31+$0x410];
	v8 =	vadd.f32 v11, v8;
	v6 =	vadd.f32 v14, v6  }
0x48f: {  	v12 =	vld [tilespmem:s31+$0x600];
	v7 =	vadd.f32 v15, v7;
	v5 =	vadd.f32 v26, v5  }
0x490: {  	v11 =	vld [tilespmem:s31+$0x610];
	v8 =	vadd.f32 v57, v8;
	v6 =	vadd.f32 v58, v6  }
0x491: {  	v14 =	vld [tilespmem:s31+$0x620];
	v7 =	vadd.f32 v59, v7;
	v5 =	vadd.f32 v28, v5  }
0x492: {  	v15 =	vld [tilespmem:s31+$0x800];
	v8 =	vadd.f32 v60, v8;
	v6 =	vadd.f32 v13, v6  }
0x493: {  	v7 =	vadd.f32 v9, v7;
	v9 =	vld [tilespmem:s31+$0xA00];
	v5 =	vadd.f32 v30, v5  }
0x494: {  	v8 =	vadd.f32 v10, v8;
	v10 =	vld [tilespmem:s31+$0xA10];
	v6 =	vadd.f32 v61, v6  }
0x495: {  	v7 =	vadd.f32 v12, v7;
	v12 =	vld [tilespmem:s31+$0xA20];
	v5 =	vadd.f32 v32, v5  }
0x496: {  	v8 =	vadd.f32 v11, v8;
	v11 =	vld [tilespmem:s31+$0xC00];
	v14 =	vadd.f32 v14, v6  }
0x497: {  	v7 =	vadd.f32 v15, v7;
	v13 =	vadd.f32 v34, v5;
	v5 =	vld [tilespmem:s31+$0xC10]  }
0x498: {  	v6 =	vld [tilespmem:s31+$0xC20];
	v8 =	vadd.f32 v62, v8  }
0x499: {  	v14 =	vadd.f32 v63, v14;
	v9 =	vadd.f32 v9, v7;
	v7 =	vld [tilespmem:s31+$0xE00];
	v13 =	vmul.f32 $1.562500000e-02, v13  }
0x49a: {  	s20 =	simm.s32 $0x12490;
	v10 =	vadd.f32 v10, v8;
	v8 =	vld [tilespmem:s31+$0xE10]  }
0x49b: {  	s21 =	simm.s32 $0x0;
	s22 =	simm.s32 $0x194B0;
	v12 =	vadd.f32 v12, v14;
	v11 =	vadd.f32 v11, v9;
	v9 =	vld [tilespmem:s31+$0xE20];
	[tilespmem:s20+$0x10] =	vst v13  }
.LBB2_34:
0x49c: {  	v13 =	vld [tilespmem:s22+$0xFFFFF030];
	v5 =	vadd.f32 v5, v10  }
0x49d: {  	s21 =	sadd.s32 $0x4, s21;
	v10 =	vld [tilespmem:s22+$0xFFFFF230];
	v6 =	vadd.f32 v6, v12  }
0x49e: {  	p0 =	slt.u32 s21, $0x1C;
	v12 =	vld [tilespmem:s22+$0xFFFFF200];
	v7 =	vadd.f32 v7, v11  }
0x49f: {  	v11 =	vld [tilespmem:s22+$0xFFFFF430];
	v5 =	vadd.f32 v8, v5  }
0x4a0: {  	v8 =	vld [tilespmem:s22+$0xFFFFF010];
	v7 =	vmul.f32 $1.562500000e-02, v7;
	v6 =	vadd.f32 v9, v6  }
0x4a1: {  	v9 =	vld [tilespmem:s22+$0xFFFFF630];
	v5 =	vmul.f32 $1.562500000e-02, v5  }
0x4a2: {  	v14 =	vld [tilespmem:s22+$0xFFFFF210];
	v10 =	vadd.f32 v10, v13;
	[tilespmem:s20+$0xFFFFFFE0] =	vst v7;
	v6 =	vmul.f32 $1.562500000e-02, v6  }
0x4a3: {  	v7 =	vld [tilespmem:s22+$0xFFFFF830];
	[tilespmem:s20+$0xFFFFFFF0] =	vst v5  }
0x4a4: {  	v5 =	vld [tilespmem:s22+$0xFFFFF020];
	v10 =	vadd.f32 v11, v10;
	[tilespmem:s20+$0x0] =	vst v6  }
0x4a5: {  	v6 =	vld [tilespmem:s22+$0xFFFFFA30]  }
0x4a6: {  	v11 =	vld [tilespmem:s22+$0xFFFFF220];
	v9 =	vadd.f32 v9, v10  }
0x4a7: {  	v8 =	vadd.f32 v14, v8;
	v10 =	vld [tilespmem:s22+$0xFFFFFC30]  }
0x4a8: {  	v13 =	vld [tilespmem:s22+$0xFFFFF000];
	v7 =	vadd.f32 v7, v9  }
0x4a9: {  	v9 =	vld [tilespmem:s22+$0xFFFFFE30]  }
0x4aa: {  	v14 =	vld [tilespmem:s22+$0xFFFFF400];
	v6 =	vadd.f32 v6, v7  }
0x4ab: {  	v5 =	vadd.f32 v11, v5;
	v7 =	vld [tilespmem:s22+$0x30]  }
0x4ac: {  	v11 =	vld [tilespmem:s22+$0xFFFFF410];
	v6 =	vadd.f32 v10, v6  }
0x4ad: {  	v10 =	vadd.f32 v12, v13;
	v12 =	vld [tilespmem:s22+$0x230]  }
0x4ae: {  	v13 =	vld [tilespmem:s22+$0xFFFFF420];
	v6 =	vadd.f32 v9, v6  }
0x4af: {  	v9 =	vadd.f32 v14, v10;
	v10 =	vld [tilespmem:s22+$0x430]  }
0x4b0: {  	v14 =	vld [tilespmem:s22+$0xFFFFF600];
	v6 =	vadd.f32 v7, v6  }
0x4b1: {  	v7 =	vadd.f32 v11, v8;
	v8 =	vld [tilespmem:s22+$0x630]  }
0x4b2: {  	v11 =	vld [tilespmem:s22+$0xFFFFF610];
	v6 =	vadd.f32 v12, v6  }
0x4b3: {  	v5 =	vadd.f32 v13, v5;
	v12 =	vld [tilespmem:s22+$0x830]  }
0x4b4: {  	v13 =	vld [tilespmem:s22+$0xFFFFF620];
	v6 =	vadd.f32 v10, v6  }
0x4b5: {  	v9 =	vadd.f32 v14, v9;
	v10 =	vld [tilespmem:s22+$0xA30]  }
0x4b6: {  	v14 =	vld [tilespmem:s22+$0xFFFFF800];
	v6 =	vadd.f32 v8, v6  }
0x4b7: {  	v7 =	vadd.f32 v11, v7;
	v8 =	vld [tilespmem:s22+$0xC30]  }
0x4b8: {  	v11 =	vld [tilespmem:s22+$0xFFFFF810];
	v6 =	vadd.f32 v12, v6  }
0x4b9: {  	v5 =	vadd.f32 v13, v5;
	v12 =	vld [tilespmem:s22+$0xE30]  }
0x4ba: {  	v13 =	vld [tilespmem:s22+$0xFFFFF820];
	v6 =	vadd.f32 v10, v6  }
0x4bb: {  	v9 =	vadd.f32 v14, v9;
	v10 =	vld [tilespmem:s22+$0xFFFFFA00]  }
0x4bc: {  	v14 =	vld [tilespmem:s22+$0xFFFFFA10];
	v6 =	vadd.f32 v8, v6  }
0x4bd: {  	v7 =	vadd.f32 v11, v7;
	v8 =	vld [tilespmem:s22+$0xFFFFFA20]  }
0x4be: {  	v11 =	vld [tilespmem:s22+$0xFFFFFC00];
	v6 =	vadd.f32 v12, v6  }
0x4bf: {  	v12 =	vld [tilespmem:s22+$0xFFFFFC10];
	v5 =	vadd.f32 v13, v5  }
0x4c0: {  	v9 =	vadd.f32 v10, v9;
	v10 =	vld [tilespmem:s22+$0xFFFFFC20];
	v6 =	vmul.f32 $1.562500000e-02, v6  }
0x4c1: {  	s20 =	sadd.s32 $0x40, s20;
	v13 =	vld [tilespmem:s22+$0xFFFFFE00];
	v7 =	vadd.f32 v14, v7  }
0x4c2: {  	v14 =	vld [tilespmem:s22+$0xFFFFFE10];
	v5 =	vadd.f32 v8, v5;
	[tilespmem:s20+$0x10] =	vst v6  }
0x4c3: {  	v6 =	vadd.f32 v11, v9;
	v8 =	vld [tilespmem:s22+$0xFFFFFE20]  }
0x4c4: {  	v9 =	vld [tilespmem:s22+$0x0];
	v7 =	vadd.f32 v12, v7  }
0x4c5: {  	v11 =	vld [tilespmem:s22+$0x10];
	v5 =	vadd.f32 v10, v5  }
0x4c6: {  	v6 =	vadd.f32 v13, v6;
	v10 =	vld [tilespmem:s22+$0x20]  }
0x4c7: {  	v12 =	vld [tilespmem:s22+$0x200];
	v7 =	vadd.f32 v14, v7  }
0x4c8: {  	v13 =	vld [tilespmem:s22+$0x210];
	v5 =	vadd.f32 v8, v5  }
0x4c9: {  	v6 =	vadd.f32 v9, v6;
	v8 =	vld [tilespmem:s22+$0x220]  }
0x4ca: {  	v9 =	vld [tilespmem:s22+$0x400];
	v7 =	vadd.f32 v11, v7  }
0x4cb: {  	v11 =	vld [tilespmem:s22+$0x410];
	v5 =	vadd.f32 v10, v5  }
0x4cc: {  	v6 =	vadd.f32 v12, v6;
	v10 =	vld [tilespmem:s22+$0x420]  }
0x4cd: {  	v12 =	vld [tilespmem:s22+$0x600];
	v7 =	vadd.f32 v13, v7  }
0x4ce: {  	v13 =	vld [tilespmem:s22+$0x610];
	v5 =	vadd.f32 v8, v5  }
0x4cf: {  	v6 =	vadd.f32 v9, v6;
	v8 =	vld [tilespmem:s22+$0x620]  }
0x4d0: {  	v9 =	vld [tilespmem:s22+$0x800];
	v7 =	vadd.f32 v11, v7  }
0x4d1: {  	v11 =	vld [tilespmem:s22+$0x810];
	v5 =	vadd.f32 v10, v5  }
0x4d2: {  	v6 =	vadd.f32 v12, v6;
	v10 =	vld [tilespmem:s22+$0x820]  }
0x4d3: {  	v12 =	vld [tilespmem:s22+$0xA00];
	v7 =	vadd.f32 v13, v7  }
0x4d4: {  	v13 =	vld [tilespmem:s22+$0xA10];
	v8 =	vadd.f32 v8, v5  }
0x4d5: {  	v6 =	vadd.f32 v9, v6;
	v9 =	vld [tilespmem:s22+$0xA20]  }
0x4d6: {  	v14 =	vld [tilespmem:s22+$0xC00];
	v11 =	vadd.f32 v11, v7  }
.Ltmp16:
0x4d7: {  	v5 =	vld [tilespmem:s22+$0xC10];
	v15 =	vadd.f32 v10, v8;
	(pc) =	sbr.rel @p0 .LBB2_34-.Ltmp16, $4  }
0x4d8: {  	v16 =	vadd.f32 v12, v6;
	v6 =	vld [tilespmem:s22+$0xC20]  }
0x4d9: {  	v7 =	vld [tilespmem:s22+$0xE00];
	v10 =	vadd.f32 v13, v11  }
0x4da: {  	v8 =	vld [tilespmem:s22+$0xE10];
	v12 =	vadd.f32 v9, v15  }
0x4db: {  	v11 =	vadd.f32 v14, v16;
	v9 =	vld [tilespmem:s22+$0xE20];
	s22 =	sadd.s32 $0x40, s22  }
0x4dc: {  	_ = 	snop  }
0x4dd: {  	v5 =	vadd.f32 v5, v10  }
0x4de: {  	v6 =	vadd.f32 v6, v12;
	v7 =	vadd.f32 v7, v11  }
0x4df: {  	v5 =	vadd.f32 v8, v5  }
0x4e0: {  	v7 =	vmul.f32 $1.562500000e-02, v7;
	v6 =	vadd.f32 v9, v6  }
0x4e1: {  	v5 =	vmul.f32 $1.562500000e-02, v5  }
0x4e2: {  	[tilespmem:s20+$0xFFFFFFE0] =	vst v7;
	v6 =	vmul.f32 $1.562500000e-02, v6  }
0x4e3: {  	[tilespmem:s20+$0xFFFFFFF0] =	vst v5  }
0x4e4: {  	[tilespmem:s20+$0x0] =	vst v6  }
0x4e5: {  	s20 =	rddreg [dreg:$0xd]  }
0x4e6: {  	[tilespmem:s30], [sflag:$0x5] =	stream.strided.gather [spmem:s20], $0x2000, s29, s23, $0x38;
	[tilespmem:$0x1E8F0] =	vst v63  }
0x4e7: {  	_ =	swait.ge [sflag:s2], $0x2000  }
0x4e8: {  	[sflag:s2] =	ssyncset.done $0x0  }
0x4e9: {  	s21 =	simm.s32 $0x19470;
	[sflag:s2] =	ssyncadd.s32 $0xFFFFE000  }
0x4ea: {  	v5 =	vld [tilespmem:s21+$0xFFFFF030]  }
0x4eb: {  	v6 =	vld [tilespmem:s21+$0xFFFFF230]  }
0x4ec: {  	v7 =	vld [tilespmem:s21+$0xFFFFF200]  }
0x4ed: {  	v8 =	vld [tilespmem:s21+$0xFFFFF430]  }
0x4ee: {  	v9 =	vld [tilespmem:s21+$0xFFFFF010]  }
0x4ef: {  	v10 =	vld [tilespmem:s21+$0xFFFFF630]  }
0x4f0: {  	v11 =	vld [tilespmem:s21+$0xFFFFF210]  }
0x4f1: {  	v12 =	vld [tilespmem:s21+$0xFFFFF830]  }
0x4f2: {  	v13 =	vld [tilespmem:s21+$0xFFFFF020]  }
0x4f3: {  	v14 =	vld [tilespmem:s21+$0xFFFFFA30]  }
0x4f4: {  	v15 =	vld [tilespmem:s21+$0xFFFFF220]  }
0x4f5: {  	v16 =	vld [tilespmem:s21+$0xFFFFFC30]  }
0x4f6: {  	v17 =	vld [tilespmem:s21+$0xFFFFF000]  }
0x4f7: {  	v18 =	vld [tilespmem:s21+$0xFFFFF400];
	v5 =	vadd.f32 v6, v5  }
0x4f8: {  	v19 =	vld [tilespmem:s21+$0xFFFFF410]  }
0x4f9: {  	v20 =	vld [tilespmem:s21+$0xFFFFF420];
	v5 =	vadd.f32 v8, v5  }
0x4fa: {  	v21 =	vld [tilespmem:s21+$0xFFFFF600]  }
0x4fb: {  	v22 =	vld [tilespmem:s21+$0xFFFFF610];
	v5 =	vadd.f32 v10, v5  }
0x4fc: {  	v50 =	vld [tilespmem:s21+$0x830]  }
0x4fd: {  	v23 =	vld [tilespmem:s21+$0xFFFFF620];
	v5 =	vadd.f32 v12, v5  }
0x4fe: {  	v6 =	vld [tilespmem:s21+$0xFFFFFE30]  }
0x4ff: {  	v24 =	vld [tilespmem:s21+$0xFFFFF800];
	v5 =	vadd.f32 v14, v5  }
0x500: {  	v8 =	vld [tilespmem:s21+$0x30]  }
0x501: {  	v25 =	vld [tilespmem:s21+$0xFFFFF810];
	v5 =	vadd.f32 v16, v5  }
0x502: {  	v10 =	vld [tilespmem:s21+$0x230]  }
0x503: {  	v26 =	vld [tilespmem:s21+$0xFFFFF820];
	v5 =	vadd.f32 v6, v5  }
0x504: {  	v12 =	vld [tilespmem:s21+$0x430]  }
0x505: {  	v27 =	vld [tilespmem:s21+$0xFFFFFA00];
	v5 =	vadd.f32 v8, v5  }
0x506: {  	v14 =	vld [tilespmem:s21+$0x630]  }
0x507: {  	v28 =	vld [tilespmem:s21+$0xFFFFFA20];
	v5 =	vadd.f32 v10, v5  }
0x508: {  	v51 =	vld [tilespmem:s21+$0xFFFFFC00]  }
0x509: {  	v29 =	vld [tilespmem:s21+$0xFFFFFC10];
	v5 =	vadd.f32 v12, v5  }
0x50a: {  	v6 =	vld [tilespmem:s21+$0xA30]  }
0x50b: {  	v30 =	vld [tilespmem:s21+$0xFFFFFE00];
	v5 =	vadd.f32 v14, v5  }
0x50c: {  	v8 =	vld [tilespmem:s21+$0xC30]  }
0x50d: {  	v52 =	vld [tilespmem:s21+$0x20];
	v5 =	vadd.f32 v50, v5  }
0x50e: {  	v10 =	vld [tilespmem:s21+$0xE30]  }
0x50f: {  	s20 =	simm.s32 $0x12670;
	v53 =	vld [tilespmem:s21+$0x200];
	v5 =	vadd.f32 v6, v5  }
0x510: {  	v12 =	vld [tilespmem:s20+$0xFFFFFE30]  }
0x511: {  	v54 =	vld [tilespmem:s21+$0x220];
	v7 =	vadd.f32 v7, v17;
	v5 =	vadd.f32 v8, v5  }
0x512: {  	v55 =	vld [tilespmem:s21+$0x400];
	v9 =	vadd.f32 v11, v9;
	v11 =	vadd.f32 v15, v13  }
0x513: {  	v57 =	vld [tilespmem:s21+$0x420];
	v7 =	vadd.f32 v18, v7;
	v5 =	vadd.f32 v10, v5  }
0x514: {  	v58 =	vld [tilespmem:s21+$0x600];
	v9 =	vadd.f32 v19, v9;
	v11 =	vadd.f32 v20, v11  }
0x515: {  	v7 =	vadd.f32 v21, v7;
	v14 =	vld [tilespmem:s21+$0xFFFFFA10];
	v12 =	vmul.f32 v12, v12;
	v5 =	vmul.f32 $1.562500000e-02, v5  }
0x516: {  	v60 =	vld [tilespmem:s21+$0x610];
	v9 =	vadd.f32 v22, v9;
	v11 =	vadd.f32 v23, v11  }
0x517: {  	v7 =	vadd.f32 v24, v7;
	v6 =	vld [tilespmem:s21+$0xFFFFFC20];
	v5 =	vsub.f32 v5, v12  }
0x518: {  	v13 =	vld [tilespmem:s21+$0xFFFFFE20];
	v9 =	vadd.f32 v25, v9;
	v11 =	vadd.f32 v26, v11  }
0x519: {  	v7 =	vadd.f32 v27, v7;
	v8 =	vld [tilespmem:s21+$0xFFFFFE10];
	v5 =	vadd.f32 $9.999999740e-06, v5  }
0x51a: {  	v11 =	vadd.f32 v28, v11;
	v9 =	vadd.f32 v14, v9;
	v10 =	vld [tilespmem:s21+$0x0]  }
0x51b: {  	v15 =	vld [tilespmem:s21+$0x10];
	v7 =	vadd.f32 v51, v7;
	v56 =	vshra.s32 v5, $0x1;
	v5 =	vmul.f32 $5.000000000e-01, v5  }
0x51c: {  	v61 =	vld [tilespmem:s21+$0x820];
	v9 =	vadd.f32 v29, v9;
	v6 =	vadd.f32 v6, v11;
	v11 =	vsub.s32 $0x5F3759DF, v56  }
0x51d: {  	v7 =	vadd.f32 v30, v7;
	v12 =	vld [tilespmem:s21+$0x210];
	v59 =	vmul.f32 v11, v5  }
0x51e: {  	v62 =	vld [tilespmem:s21+$0xC00];
	v8 =	vadd.f32 v8, v9;
	v6 =	vadd.f32 v13, v6  }
0x51f: {  	v14 =	vld [tilespmem:s21+$0x410];
	v7 =	vadd.f32 v10, v7;
	v10 =	vmul.f32 v11, v59  }
0x520: {  	v9 =	vld [tilespmem:s21+$0x620];
	v8 =	vadd.f32 v15, v8;
	v6 =	vadd.f32 v52, v6  }
0x521: {  	v13 =	vld [tilespmem:s21+$0x800];
	v7 =	vadd.f32 v53, v7;
	v10 =	vsub.f32 $1.500000000e+00, v10  }
0x522: {  	v15 =	vld [tilespmem:s21+$0x810];
	v6 =	vadd.f32 v54, v6;
	v8 =	vadd.f32 v12, v8  }
0x523: {  	v12 =	vld [tilespmem:s21+$0xA00];
	v7 =	vadd.f32 v55, v7;
	v10 =	vmul.f32 v11, v10  }
0x524: {  	v6 =	vadd.f32 v57, v6;
	v8 =	vadd.f32 v14, v8;
	v14 =	vld [tilespmem:s21+$0xA20]  }
0x525: {  	v7 =	vadd.f32 v58, v7;
	v11 =	vld [tilespmem:s21+$0xA10];
	v5 =	vmul.f32 v10, v5  }
0x526: {  	v6 =	vadd.f32 v9, v6;
	v9 =	vld [tilespmem:s21+$0xC10];
	v8 =	vadd.f32 v60, v8  }
0x527: {  	v7 =	vadd.f32 v13, v7;
	v13 =	vld [tilespmem:s21+$0xC20];
	v5 =	vmul.f32 v5, v10  }
0x528: {  	v6 =	vadd.f32 v61, v6;
	v8 =	vadd.f32 v15, v8;
	v15 =	vld [tilespmem:s21+$0xE00]  }
0x529: {  	v12 =	vadd.f32 v12, v7;
	v7 =	vld [tilespmem:s21+$0xE10];
	v63 =	vsub.f32 $1.500000000e+00, v5  }
0x52a: {  	v11 =	vadd.f32 v11, v8;
	v5 =	vld [tilespmem:s21+$0xE20]  }
0x52b: {  	v14 =	vadd.f32 v14, v6;
	v12 =	vadd.f32 v62, v12;
	v8 =	vld [tilespmem:s20+$0xFFFFFE00];
	v17 =	vmul.f32 v63, v10  }
0x52c: {  	v6 =	vld [tilespmem:s20+$0xFFFFFE10];
	v10 =	vadd.f32 v9, v11  }
0x52d: {  	s22 =	simm.s32 $0x0;
	s23 =	simm.s32 $0x194B0;
	v12 =	vadd.f32 v15, v12;
	s21 =	simm.s32 $0x12670;
	v11 =	vadd.f32 v13, v14;
	v9 =	vld [tilespmem:s20+$0xFFFFFE20];
	[tilespmem:s20+$0x30] =	vst v17  }
.LBB2_36:
0x52e: {  	v13 =	vld [tilespmem:s23+$0xFFFFF030];
	v7 =	vadd.f32 v7, v10  }
0x52f: {  	s22 =	sadd.s32 $0x4, s22;
	v10 =	vld [tilespmem:s23+$0xFFFFF230];
	v12 =	vmul.f32 $1.562500000e-02, v12;
	v5 =	vadd.f32 v5, v11  }
0x530: {  	p0 =	slt.u32 s22, $0x1C;
	v11 =	vld [tilespmem:s23+$0xFFFFF200];
	v8 =	vmul.f32 v8, v8;
	v7 =	vmul.f32 $1.562500000e-02, v7  }
0x531: {  	v14 =	vld [tilespmem:s23+$0xFFFFF430];
	v6 =	vmul.f32 v6, v6;
	v5 =	vmul.f32 $1.562500000e-02, v5  }
0x532: {  	v15 =	vld [tilespmem:s23+$0xFFFFF010];
	v8 =	vsub.f32 v12, v8;
	v9 =	vmul.f32 v9, v9  }
0x533: {  	v12 =	vld [tilespmem:s23+$0xFFFFF630];
	v6 =	vsub.f32 v7, v6  }
0x534: {  	v7 =	vld [tilespmem:s23+$0xFFFFF210];
	v10 =	vadd.f32 v10, v13;
	v5 =	vsub.f32 v5, v9  }
0x535: {  	v8 =	vadd.f32 $9.999999740e-06, v8;
	v9 =	vld [tilespmem:s23+$0xFFFFF830];
	v6 =	vadd.f32 $9.999999740e-06, v6  }
0x536: {  	v13 =	vld [tilespmem:s23+$0xFFFFF020];
	v10 =	vadd.f32 v14, v10;
	v5 =	vadd.f32 $9.999999740e-06, v5  }
0x537: {  	v16 =	vshra.s32 v8, $0x1;
	v8 =	vmul.f32 $5.000000000e-01, v8;
	v14 =	vld [tilespmem:s23+$0xFFFFFA30];
	v17 =	vshra.s32 v6, $0x1  }
0x538: {  	v6 =	vmul.f32 $5.000000000e-01, v6;
	v18 =	vld [tilespmem:s23+$0xFFFFF220];
	v10 =	vadd.f32 v12, v10;
	v12 =	vshra.s32 v5, $0x1  }
0x539: {  	v16 =	vsub.s32 $0x5F3759DF, v16;
	v5 =	vmul.f32 $5.000000000e-01, v5;
	v7 =	vadd.f32 v7, v15;
	v15 =	vld [tilespmem:s23+$0xFFFFFC30]  }
0x53a: {  	v12 =	vsub.s32 $0x5F3759DF, v12;
	v19 =	vld [tilespmem:s23+$0xFFFFF000];
	v9 =	vadd.f32 v9, v10;
	v10 =	vsub.s32 $0x5F3759DF, v17  }
0x53b: {  	v20 =	vmul.f32 v16, v8;
	v17 =	vld [tilespmem:s23+$0xFFFFFE30];
	v21 =	vmul.f32 v10, v6  }
0x53c: {  	v22 =	vld [tilespmem:s23+$0xFFFFF400];
	v9 =	vadd.f32 v14, v9;
	v14 =	vmul.f32 v12, v5  }
0x53d: {  	v20 =	vmul.f32 v16, v20;
	v13 =	vadd.f32 v18, v13;
	v18 =	vld [tilespmem:s23+$0x30];
	v21 =	vmul.f32 v10, v21  }
0x53e: {  	v23 =	vld [tilespmem:s23+$0xFFFFF410];
	v9 =	vadd.f32 v15, v9;
	v14 =	vmul.f32 v12, v14  }
0x53f: {  	v11 =	vadd.f32 v11, v19;
	v15 =	vld [tilespmem:s23+$0x230];
	v19 =	vsub.f32 $1.500000000e+00, v20  }
0x540: {  	v20 =	vld [tilespmem:s23+$0xFFFFF420];
	v9 =	vadd.f32 v17, v9;
	v17 =	vsub.f32 $1.500000000e+00, v21  }
0x541: {  	v14 =	vsub.f32 $1.500000000e+00, v14;
	v11 =	vadd.f32 v22, v11;
	v21 =	vld [tilespmem:s23+$0x430];
	v16 =	vmul.f32 v16, v19  }
0x542: {  	v19 =	vld [tilespmem:s23+$0xFFFFF600];
	v9 =	vadd.f32 v18, v9;
	v10 =	vmul.f32 v10, v17  }
0x543: {  	v12 =	vmul.f32 v12, v14;
	v7 =	vadd.f32 v23, v7;
	v17 =	vld [tilespmem:s23+$0x630];
	v8 =	vmul.f32 v16, v8  }
0x544: {  	v14 =	vld [tilespmem:s23+$0xFFFFF610];
	v9 =	vadd.f32 v15, v9;
	v6 =	vmul.f32 v10, v6  }
0x545: {  	v5 =	vmul.f32 v12, v5;
	v13 =	vadd.f32 v20, v13;
	v15 =	vld [tilespmem:s23+$0x830];
	v8 =	vmul.f32 v8, v16  }
0x546: {  	v18 =	vld [tilespmem:s23+$0xFFFFF620];
	v9 =	vadd.f32 v21, v9;
	v6 =	vmul.f32 v6, v10  }
0x547: {  	v5 =	vmul.f32 v5, v12;
	v11 =	vadd.f32 v19, v11;
	v19 =	vld [tilespmem:s23+$0xA30];
	v8 =	vsub.f32 $1.500000000e+00, v8  }
0x548: {  	v20 =	vld [tilespmem:s23+$0xFFFFF800];
	v9 =	vadd.f32 v17, v9;
	v6 =	vsub.f32 $1.500000000e+00, v6  }
0x549: {  	v5 =	vsub.f32 $1.500000000e+00, v5;
	v7 =	vadd.f32 v14, v7;
	v14 =	vld [tilespmem:s23+$0xC30];
	v8 =	vmul.f32 v8, v16  }
0x54a: {  	v16 =	vld [tilespmem:s23+$0xFFFFF810];
	v9 =	vadd.f32 v15, v9;
	v6 =	vmul.f32 v6, v10  }
0x54b: {  	v5 =	vmul.f32 v5, v12;
	v10 =	vadd.f32 v18, v13;
	v13 =	vld [tilespmem:s23+$0xE30];
	[tilespmem:s20+$0x0] =	vst v8  }
0x54c: {  	s20 =	sadd.s32 $0x40, s20;
	v8 =	vld [tilespmem:s23+$0xFFFFF820];
	v9 =	vadd.f32 v19, v9;
	[tilespmem:s21+$0x10] =	vst v6  }
0x54d: {  	v6 =	vadd.f32 v20, v11;
	v11 =	vld [tilespmem:s20+$0xFFFFFE30];
	[tilespmem:s21+$0x20] =	vst v5;
	s21 =	smov.u32 s20  }
0x54e: {  	v5 =	vld [tilespmem:s23+$0xFFFFFA00];
	v9 =	vadd.f32 v14, v9  }
0x54f: {  	v7 =	vadd.f32 v16, v7;
	v12 =	vld [tilespmem:s23+$0xFFFFFA10]  }
0x550: {  	v14 =	vld [tilespmem:s23+$0xFFFFFA20];
	v9 =	vadd.f32 v13, v9  }
0x551: {  	v13 =	vld [tilespmem:s23+$0xFFFFFC00];
	v8 =	vadd.f32 v8, v10  }
0x552: {  	v10 =	vld [tilespmem:s23+$0xFFFFFC10];
	v9 =	vmul.f32 $1.562500000e-02, v9;
	v11 =	vmul.f32 v11, v11  }
0x553: {  	v5 =	vadd.f32 v5, v6;
	v6 =	vld [tilespmem:s23+$0xFFFFFC20]  }
0x554: {  	v15 =	vld [tilespmem:s23+$0xFFFFFE00];
	v7 =	vadd.f32 v12, v7;
	v9 =	vsub.f32 v9, v11  }
0x555: {  	v11 =	vld [tilespmem:s23+$0xFFFFFE10];
	v8 =	vadd.f32 v14, v8  }
0x556: {  	v5 =	vadd.f32 v13, v5;
	v12 =	vld [tilespmem:s23+$0xFFFFFE20];
	v9 =	vadd.f32 $9.999999740e-06, v9  }
0x557: {  	v13 =	vld [tilespmem:s23+$0x0];
	v7 =	vadd.f32 v10, v7  }
0x558: {  	v10 =	vld [tilespmem:s23+$0x10];
	v6 =	vadd.f32 v6, v8;
	v8 =	vshra.s32 v9, $0x1;
	v9 =	vmul.f32 $5.000000000e-01, v9  }
0x559: {  	v5 =	vadd.f32 v15, v5;
	v14 =	vld [tilespmem:s23+$0x20];
	v8 =	vsub.s32 $0x5F3759DF, v8  }
0x55a: {  	v15 =	vld [tilespmem:s23+$0x200];
	v7 =	vadd.f32 v11, v7;
	v11 =	vmul.f32 v8, v9  }
0x55b: {  	v16 =	vld [tilespmem:s23+$0x210];
	v6 =	vadd.f32 v12, v6  }
0x55c: {  	v5 =	vadd.f32 v13, v5;
	v12 =	vld [tilespmem:s23+$0x220];
	v11 =	vmul.f32 v8, v11  }
0x55d: {  	v13 =	vld [tilespmem:s23+$0x400];
	v7 =	vadd.f32 v10, v7  }
0x55e: {  	v10 =	vld [tilespmem:s23+$0x410];
	v6 =	vadd.f32 v14, v6;
	v11 =	vsub.f32 $1.500000000e+00, v11  }
0x55f: {  	v5 =	vadd.f32 v15, v5;
	v14 =	vld [tilespmem:s23+$0x420]  }
0x560: {  	v15 =	vld [tilespmem:s23+$0x600];
	v7 =	vadd.f32 v16, v7;
	v8 =	vmul.f32 v8, v11  }
0x561: {  	v11 =	vld [tilespmem:s23+$0x610];
	v6 =	vadd.f32 v12, v6  }
0x562: {  	v5 =	vadd.f32 v13, v5;
	v12 =	vld [tilespmem:s23+$0x620];
	v9 =	vmul.f32 v8, v9  }
0x563: {  	v13 =	vld [tilespmem:s23+$0x800];
	v7 =	vadd.f32 v10, v7  }
0x564: {  	v10 =	vld [tilespmem:s23+$0x810];
	v6 =	vadd.f32 v14, v6;
	v9 =	vmul.f32 v9, v8  }
0x565: {  	v5 =	vadd.f32 v15, v5;
	v14 =	vld [tilespmem:s23+$0x820]  }
0x566: {  	v15 =	vld [tilespmem:s23+$0xA00];
	v7 =	vadd.f32 v11, v7;
	v9 =	vsub.f32 $1.500000000e+00, v9  }
0x567: {  	v11 =	vld [tilespmem:s23+$0xA10];
	v6 =	vadd.f32 v12, v6  }
0x568: {  	v5 =	vadd.f32 v13, v5;
	v12 =	vld [tilespmem:s23+$0xA20];
	v8 =	vmul.f32 v9, v8  }
0x569: {  	v9 =	vld [tilespmem:s23+$0xC00];
	v7 =	vadd.f32 v10, v7  }
0x56a: {  	v10 =	vld [tilespmem:s23+$0xC10];
	v6 =	vadd.f32 v14, v6;
	[tilespmem:s20+$0x30] =	vst v8  }
0x56b: {  	v5 =	vadd.f32 v15, v5;
	v13 =	vld [tilespmem:s23+$0xC20]  }
0x56c: {  	v14 =	vld [tilespmem:s23+$0xE00];
	v11 =	vadd.f32 v11, v7  }
.Ltmp17:
0x56d: {  	v7 =	vld [tilespmem:s23+$0xE10];
	v12 =	vadd.f32 v12, v6;
	(pc) =	sbr.rel @p0 .LBB2_36-.Ltmp17, $4  }
0x56e: {  	v9 =	vadd.f32 v9, v5;
	v5 =	vld [tilespmem:s23+$0xE20]  }
0x56f: {  	v8 =	vld [tilespmem:s20+$0xFFFFFE00];
	v10 =	vadd.f32 v10, v11  }
0x570: {  	v6 =	vld [tilespmem:s20+$0xFFFFFE10];
	v11 =	vadd.f32 v13, v12  }
0x571: {  	s23 =	sadd.s32 $0x40, s23;
	v12 =	vadd.f32 v14, v9;
	v9 =	vld [tilespmem:s20+$0xFFFFFE20]  }
0x572: {  	_ = 	snop  }
0x573: {  	v7 =	vadd.f32 v7, v10  }
0x574: {  	v10 =	vmul.f32 $1.562500000e-02, v12;
	v5 =	vadd.f32 v5, v11;
	v8 =	vmul.f32 v8, v8  }
0x575: {  	v7 =	vmul.f32 $1.562500000e-02, v7;
	v6 =	vmul.f32 v6, v6  }
0x576: {  	v5 =	vmul.f32 $1.562500000e-02, v5;
	v9 =	vmul.f32 v9, v9  }
0x577: {  	v8 =	vsub.f32 v10, v8;
	v6 =	vsub.f32 v7, v6  }
0x578: {  	v5 =	vsub.f32 v5, v9  }
0x579: {  	v7 =	vadd.f32 $9.999999740e-06, v8;
	v6 =	vadd.f32 $9.999999740e-06, v6  }
0x57a: {  	v5 =	vadd.f32 $9.999999740e-06, v5  }
0x57b: {  	v8 =	vshra.s32 v7, $0x1;
	v7 =	vmul.f32 $5.000000000e-01, v7;
	v9 =	vshra.s32 v6, $0x1  }
0x57c: {  	v6 =	vmul.f32 $5.000000000e-01, v6;
	v8 =	vsub.s32 $0x5F3759DF, v8;
	v10 =	vshra.s32 v5, $0x1  }
0x57d: {  	v5 =	vmul.f32 $5.000000000e-01, v5;
	v9 =	vsub.s32 $0x5F3759DF, v9;
	v11 =	vmul.f32 v8, v7  }
0x57e: {  	v10 =	vsub.s32 $0x5F3759DF, v10;
	v12 =	vmul.f32 v9, v6  }
0x57f: {  	v13 =	vmul.f32 v10, v5;
	v11 =	vmul.f32 v8, v11  }
0x580: {  	v12 =	vmul.f32 v9, v12  }
0x581: {  	v13 =	vmul.f32 v10, v13;
	v11 =	vsub.f32 $1.500000000e+00, v11  }
0x582: {  	v12 =	vsub.f32 $1.500000000e+00, v12  }
0x583: {  	v8 =	vmul.f32 v8, v11;
	v11 =	vsub.f32 $1.500000000e+00, v13  }
0x584: {  	v9 =	vmul.f32 v9, v12  }
0x585: {  	v7 =	vmul.f32 v8, v7;
	v10 =	vmul.f32 v10, v11  }
0x586: {  	v6 =	vmul.f32 v9, v6  }
0x587: {  	v7 =	vmul.f32 v7, v8;
	v5 =	vmul.f32 v10, v5  }
0x588: {  	v6 =	vmul.f32 v6, v9  }
0x589: {  	v7 =	vsub.f32 $1.500000000e+00, v7;
	v5 =	vmul.f32 v5, v10  }
0x58a: {  	v6 =	vsub.f32 $1.500000000e+00, v6  }
0x58b: {  	v7 =	vmul.f32 v7, v8;
	v5 =	vsub.f32 $1.500000000e+00, v5  }
0x58c: {  	v6 =	vmul.f32 v6, v9  }
0x58d: {  	[tilespmem:s20+$0x0] =	vst v7;
	v5 =	vmul.f32 v5, v10  }
0x58e: {  	[tilespmem:s21+$0x10] =	vst v6  }
0x58f: {  	[tilespmem:s21+$0x20] =	vst v5  }
0x590: {  	s20 =	rddreg [dreg:$0xe]  }
0x591: {  	[spmem:s20] =	stream.linear.scatter [tilespmem:s4], [sflag:$0x5], $0x200, $0x38;
	[tilespmem:$0x1E8F0] =	vst v63  }
0x592: {  	_ =	swait.ge [sflag:s2], $0x200  }
0x593: {  	[sflag:s2] =	ssyncset.done $0x0  }
0x594: {  	s29 =	simm.s32 $0x12670;
	s23 =	rddreg [dreg:$0xf];
	[sflag:s2] =	ssyncadd.s32 $0xFFFFFE00  }
0x595: {  	[spmem:s23] =	stream.linear.scatter [tilespmem:s29], [sflag:$0x5], $0x200, $0x38;
	[tilespmem:$0x1E8F0] =	vst v63  }
0x596: {  	_ =	swait.ge [sflag:s2], $0x200  }
0x597: {  	[sflag:s2] =	ssyncset.done $0x0  }
0x598: {  	[sflag:s2] =	ssyncadd.s32 $0xFFFFFE00  }
0x599: {  	[bflag:$0x0] =	sbarrier.arrive $0xFFFF  }
0x59a: {  	s30 =	rddreg [dreg:$0x5]  }
0x59b: {  	[tilespmem:s0], [sflag:$0x5] =	stream.linear.gather [spmem:s30], $0x2000, $0x38;
	[tilespmem:$0x1E8F0] =	vst v63  }
0x59c: {  	_ =	swait.ge [sflag:s2], $0x2000  }
0x59d: {  	[sflag:s2] =	ssyncset.done $0x0  }
0x59e: {  	s31 =	simm.s32 $0x4000;
	[sflag:s2] =	ssyncadd.s32 $0xFFFFE000  }
0x59f: {  	[tilespmem:s31], [sflag:$0x5] =	stream.linear.gather [spmem:s12], $0x2000, $0x38;
	[tilespmem:$0x1E8F0] =	vst v63  }
0x5a0: {  	_ =	swait.ge [sflag:s2], $0x2000  }
0x5a1: {  	[sflag:s2] =	ssyncset.done $0x0  }
0x5a2: {  	[sflag:s2] =	ssyncadd.s32 $0xFFFFE000  }
0x5a3: {  	v5 =	vld [tilespmem:s24+$0x1A470]  }
0x5a4: {  	v7 =	vld [tilespmem:s24+$0x1A4B0];
	_ =	swait.ge [sflag:s10], $0x2000  }
0x5a5: {  	[sflag:s10] =	ssyncset.done $0x0  }
0x5a6: {  	[sflag:s10] =	ssyncadd.s32 $0xFFFFE000  }
0x5a7: {  	s20 =	simm.s32 $0xA278;
	v6 =	vld [tilespmem:s31+$0xFFFFE070]  }
0x5a8: {  	v8 =	vld [tilespmem:s20+$0x30]  }
0x5a9: {  	v9 =	vld [tilespmem:s20+$0xFFFFFFC0]  }
0x5aa: {  	v10 =	vld [tilespmem:s31+$0x70]  }
0x5ab: {  	v11 =	vld [tilespmem:s31+$0xFFFFE010]  }
0x5ac: {  	v12 =	vld [tilespmem:s20+$0xFFFFFFD0]  }
0x5ad: {  	v13 =	vld [tilespmem:s31+$0xFFFFE020]  }
0x5ae: {  	v14 =	vld [tilespmem:s20+$0xFFFFFFE0]  }
0x5af: {  	v15 =	vld [tilespmem:s31+$0xFFFFE030]  }
0x5b0: {  	v17 =	vld [tilespmem:s20+$0xFFFFFFF0]  }
0x5b1: {  	v18 =	vld [tilespmem:s31+$0xFFFFE040]  }
0x5b2: {  	v19 =	vld [tilespmem:s20+$0x0]  }
0x5b3: {  	v20 =	vld [tilespmem:s31+$0xFFFFE050]  }
0x5b4: {  	v21 =	vld [tilespmem:s20+$0x10]  }
0x5b5: {  	v22 =	vld [tilespmem:s31+$0xFFFFE060]  }
0x5b6: {  	v23 =	vld [tilespmem:s20+$0x20];
	v8 =	vsub.f32 v8, v6  }
0x5b7: {  	v24 =	vld [tilespmem:s31+$0xFFFFE000]  }
0x5b8: {  	v26 =	vld [tilespmem:s31+$0x10];
	v6 =	vperm.xlane v5, v0;
	v8 =	vmul.f32 v8, v10  }
0x5b9: {  	v25 =	vld [tilespmem:s31+$0x0]  }
0x5ba: {  	v16 =	vld [tilespmem:s31+$0x20];
	v5 =	vperm.xlane v7, v0;
	v27 =	vsub.f32 v12, v11;
	v10 =	vmul.f32 v8, v6  }
0x5bb: {  	v7 =	vsub.f32 v17, v15;
	v8 =	vsub.f32 v14, v13;
	v14 =	vld [tilespmem:s31+$0x30]  }
0x5bc: {  	v15 =	vld [tilespmem:s31+$0x40];
	v13 =	vsub.f32 v9, v24;
	v10 =	vadd.f32 v10, v5  }
0x5bd: {  	v11 =	vsub.f32 v19, v18;
	v12 =	vld [tilespmem:s31+$0x50];
	v17 =	vmul.f32 v27, v26  }
0x5be: {  	s22 =	simm.s32 $0x0;
	s21 =	simm.s32 $0xA278;
	s23 =	simm.s32 $0x4080;
	v9 =	vsub.f32 v21, v20;
	v18 =	vmul.f32 v13, v25;
	v13 =	vld [tilespmem:s31+$0x60];
	[tilespmem:s20+$0x30] =	vst v10;
	v10 =	vsub.f32 v23, v22  }
.LBB2_38:
0x5bf: {  	v19 =	vld [tilespmem:s23+$0xFFFFE070];
	v8 =	vmul.f32 v8, v16;
	s20 =	sadd.s32 $0x80, s20  }
0x5c0: {  	s22 =	sadd.s32 $0x8, s22;
	v16 =	vld [tilespmem:s20+$0x30];
	v18 =	vmul.f32 v18, v6;
	v7 =	vmul.f32 v7, v14  }
0x5c1: {  	p0 =	slt.u32 s22, $0x1F8;
	v14 =	vmul.f32 v17, v6;
	v20 =	vld [tilespmem:s20+$0xFFFFFFC0];
	v11 =	vmul.f32 v11, v15  }
0x5c2: {  	v8 =	vmul.f32 v8, v6;
	v15 =	vld [tilespmem:s23+$0x70];
	v17 =	vadd.f32 v18, v5;
	v9 =	vmul.f32 v9, v12  }
0x5c3: {  	v14 =	vadd.f32 v14, v5;
	v7 =	vmul.f32 v7, v6;
	v12 =	vld [tilespmem:s23+$0xFFFFE010];
	v10 =	vmul.f32 v10, v13  }
0x5c4: {  	v8 =	vadd.f32 v8, v5;
	v11 =	vmul.f32 v11, v6;
	v13 =	vld [tilespmem:s20+$0xFFFFFFD0];
	[tilespmem:s21+$0xFFFFFFC0] =	vst v17;
	v9 =	vmul.f32 v9, v6  }
0x5c5: {  	v7 =	vadd.f32 v7, v5;
	v17 =	vld [tilespmem:s23+$0xFFFFE020];
	v16 =	vsub.f32 v16, v19;
	[tilespmem:s21+$0xFFFFFFD0] =	vst v14;
	v10 =	vmul.f32 v10, v6  }
0x5c6: {  	v14 =	vld [tilespmem:s20+$0xFFFFFFE0];
	[tilespmem:s21+$0xFFFFFFE0] =	vst v8;
	v8 =	vadd.f32 v11, v5;
	v9 =	vadd.f32 v9, v5  }
0x5c7: {  	v11 =	vld [tilespmem:s23+$0xFFFFE030];
	v15 =	vmul.f32 v16, v15;
	[tilespmem:s21+$0xFFFFFFF0] =	vst v7;
	v7 =	vadd.f32 v10, v5  }
0x5c8: {  	v10 =	vld [tilespmem:s20+$0xFFFFFFF0];
	[tilespmem:s21+$0x0] =	vst v8  }
0x5c9: {  	v13 =	vsub.f32 v13, v12;
	v12 =	vld [tilespmem:s23+$0xFFFFE040];
	v15 =	vmul.f32 v15, v6;
	[tilespmem:s21+$0x10] =	vst v9  }
0x5ca: {  	v9 =	vld [tilespmem:s20+$0x0];
	[tilespmem:s21+$0x20] =	vst v7;
	s21 =	smov.u32 s20  }
0x5cb: {  	v8 =	vsub.f32 v14, v17;
	v14 =	vld [tilespmem:s23+$0xFFFFE050];
	v15 =	vadd.f32 v15, v5  }
0x5cc: {  	v16 =	vld [tilespmem:s20+$0x10]  }
0x5cd: {  	v7 =	vsub.f32 v10, v11;
	v10 =	vld [tilespmem:s23+$0xFFFFE060];
	[tilespmem:s20+$0x30] =	vst v15  }
0x5ce: {  	v15 =	vld [tilespmem:s20+$0x20]  }
0x5cf: {  	v17 =	vld [tilespmem:s23+$0xFFFFE000];
	v11 =	vsub.f32 v9, v12  }
0x5d0: {  	v18 =	vld [tilespmem:s23+$0x0]  }
0x5d1: {  	v19 =	vld [tilespmem:s23+$0x10];
	v9 =	vsub.f32 v16, v14  }
.Ltmp18:
0x5d2: {  	v16 =	vld [tilespmem:s23+$0x20];
	(pc) =	sbr.rel @p0 .LBB2_38-.Ltmp18, $4  }
0x5d3: {  	v14 =	vld [tilespmem:s23+$0x30];
	v10 =	vsub.f32 v15, v10  }
0x5d4: {  	v17 =	vsub.f32 v20, v17;
	v15 =	vld [tilespmem:s23+$0x40]  }
0x5d5: {  	v12 =	vld [tilespmem:s23+$0x50]  }
0x5d6: {  	v18 =	vmul.f32 v17, v18;
	v17 =	vmul.f32 v13, v19;
	v13 =	vld [tilespmem:s23+$0x60];
	s23 =	sadd.s32 $0x80, s23  }
0x5d7: {  	_ = 	snop  }
0x5d8: {  	v8 =	vmul.f32 v8, v16;
	v16 =	vmul.f32 v18, v6  }
0x5d9: {  	v7 =	vmul.f32 v7, v14;
	v14 =	vmul.f32 v17, v6  }
0x5da: {  	v11 =	vmul.f32 v11, v15;
	v8 =	vmul.f32 v8, v6;
	v15 =	vadd.f32 v16, v5  }
0x5db: {  	v9 =	vmul.f32 v9, v12;
	v12 =	vadd.f32 v14, v5;
	v7 =	vmul.f32 v7, v6  }
0x5dc: {  	v10 =	vmul.f32 v10, v13;
	v8 =	vadd.f32 v8, v5;
	v11 =	vmul.f32 v11, v6;
	[tilespmem:s21+$0xFFFFFFC0] =	vst v15  }
0x5dd: {  	v9 =	vmul.f32 v9, v6;
	[tilespmem:s21+$0xFFFFFFD0] =	vst v12;
	v7 =	vadd.f32 v7, v5  }
0x5de: {  	v6 =	vmul.f32 v10, v6;
	[tilespmem:s21+$0xFFFFFFE0] =	vst v8;
	v8 =	vadd.f32 v11, v5  }
0x5df: {  	v9 =	vadd.f32 v9, v5;
	[tilespmem:s21+$0xFFFFFFF0] =	vst v7  }
0x5e0: {  	v5 =	vadd.f32 v6, v5;
	[tilespmem:s21+$0x0] =	vst v8  }
0x5e1: {  	[tilespmem:s21+$0x10] =	vst v9  }
0x5e2: {  	[tilespmem:s21+$0x20] =	vst v5  }
0x5e3: {  	[hbm4b:s14+s18] =	stream.linear.scatter [tilespmem:s1], [sflag:$0x3], $0x2000, $0x38;
	[tilespmem:$0x1E8F0] =	vst v63  }
0x5e4: {  	v5 =	vld [tilespmem:s24+$0x1A470]  }
0x5e5: {  	v7 =	vld [tilespmem:s24+$0x1A4B0];
	_ =	swait.ge [sflag:s10], $0x2000  }
0x5e6: {  	[sflag:s10] =	ssyncset.done $0x0  }
0x5e7: {  	s31 =	simm.s32 $0x4000;
	[sflag:s10] =	ssyncadd.s32 $0xFFFFE000  }
0x5e8: {  	s20 =	simm.s32 $0xC2A8;
	v6 =	vld [tilespmem:s31+$0xFFFFE070]  }
0x5e9: {  	v8 =	vld [tilespmem:s20+$0x0]  }
0x5ea: {  	v9 =	vld [tilespmem:s20+$0xFFFFFF90]  }
0x5eb: {  	v10 =	vld [tilespmem:s31+$0x70]  }
0x5ec: {  	v11 =	vld [tilespmem:s31+$0xFFFFE010]  }
0x5ed: {  	v12 =	vld [tilespmem:s20+$0xFFFFFFA0]  }
0x5ee: {  	v13 =	vld [tilespmem:s31+$0xFFFFE020]  }
0x5ef: {  	v14 =	vld [tilespmem:s20+$0xFFFFFFB0]  }
0x5f0: {  	v15 =	vld [tilespmem:s31+$0xFFFFE030]  }
0x5f1: {  	v17 =	vld [tilespmem:s20+$0xFFFFFFC0]  }
0x5f2: {  	v18 =	vld [tilespmem:s31+$0xFFFFE040]  }
0x5f3: {  	v19 =	vld [tilespmem:s20+$0xFFFFFFD0]  }
0x5f4: {  	v20 =	vld [tilespmem:s31+$0xFFFFE050]  }
0x5f5: {  	v21 =	vld [tilespmem:s20+$0xFFFFFFE0]  }
0x5f6: {  	v22 =	vld [tilespmem:s31+$0xFFFFE060]  }
0x5f7: {  	v23 =	vld [tilespmem:s20+$0xFFFFFFF0];
	v8 =	vsub.f32 v8, v6  }
0x5f8: {  	v24 =	vld [tilespmem:s31+$0xFFFFE000]  }
0x5f9: {  	v26 =	vld [tilespmem:s31+$0x10];
	v6 =	vperm.xlane v5, v1;
	v8 =	vmul.f32 v8, v10  }
0x5fa: {  	v25 =	vld [tilespmem:s31+$0x0]  }
0x5fb: {  	v16 =	vld [tilespmem:s31+$0x20];
	v5 =	vperm.xlane v7, v1;
	v27 =	vsub.f32 v12, v11;
	v10 =	vmul.f32 v8, v6  }
0x5fc: {  	v7 =	vsub.f32 v17, v15;
	v8 =	vsub.f32 v14, v13;
	v14 =	vld [tilespmem:s31+$0x30]  }
0x5fd: {  	v15 =	vld [tilespmem:s31+$0x40];
	v13 =	vsub.f32 v9, v24;
	v10 =	vadd.f32 v10, v5  }
0x5fe: {  	v11 =	vsub.f32 v19, v18;
	v12 =	vld [tilespmem:s31+$0x50];
	v17 =	vmul.f32 v27, v26  }
0x5ff: {  	s22 =	simm.s32 $0x0;
	s23 =	simm.s32 $0x4080;
	s21 =	simm.s32 $0xC2A8;
	v9 =	vsub.f32 v21, v20;
	v18 =	vmul.f32 v13, v25;
	v13 =	vld [tilespmem:s31+$0x60];
	[tilespmem:s20+$0x0] =	vst v10;
	v10 =	vsub.f32 v23, v22  }
.LBB2_40:
0x600: {  	v19 =	vld [tilespmem:s23+$0xFFFFE070];
	v8 =	vmul.f32 v8, v16;
	s20 =	sadd.s32 $0x80, s20  }
0x601: {  	s22 =	sadd.s32 $0x8, s22;
	v16 =	vld [tilespmem:s20+$0x0];
	v18 =	vmul.f32 v18, v6;
	v7 =	vmul.f32 v7, v14  }
0x602: {  	p0 =	slt.u32 s22, $0x1F8;
	v14 =	vmul.f32 v17, v6;
	v20 =	vld [tilespmem:s20+$0xFFFFFF90];
	v11 =	vmul.f32 v11, v15  }
0x603: {  	v8 =	vmul.f32 v8, v6;
	v15 =	vld [tilespmem:s23+$0x70];
	v17 =	vadd.f32 v18, v5;
	v9 =	vmul.f32 v9, v12  }
0x604: {  	v14 =	vadd.f32 v14, v5;
	v7 =	vmul.f32 v7, v6;
	v12 =	vld [tilespmem:s23+$0xFFFFE010];
	v10 =	vmul.f32 v10, v13  }
0x605: {  	v8 =	vadd.f32 v8, v5;
	v11 =	vmul.f32 v11, v6;
	v13 =	vld [tilespmem:s20+$0xFFFFFFA0];
	[tilespmem:s21+$0xFFFFFF90] =	vst v17;
	v9 =	vmul.f32 v9, v6  }
0x606: {  	v7 =	vadd.f32 v7, v5;
	v17 =	vld [tilespmem:s23+$0xFFFFE020];
	v16 =	vsub.f32 v16, v19;
	[tilespmem:s21+$0xFFFFFFA0] =	vst v14;
	v10 =	vmul.f32 v10, v6  }
0x607: {  	v14 =	vld [tilespmem:s20+$0xFFFFFFB0];
	[tilespmem:s21+$0xFFFFFFB0] =	vst v8;
	v8 =	vadd.f32 v11, v5;
	v9 =	vadd.f32 v9, v5  }
0x608: {  	v11 =	vld [tilespmem:s23+$0xFFFFE030];
	v15 =	vmul.f32 v16, v15;
	[tilespmem:s21+$0xFFFFFFC0] =	vst v7;
	v7 =	vadd.f32 v10, v5  }
0x609: {  	v10 =	vld [tilespmem:s20+$0xFFFFFFC0];
	[tilespmem:s21+$0xFFFFFFD0] =	vst v8  }
0x60a: {  	v13 =	vsub.f32 v13, v12;
	v12 =	vld [tilespmem:s23+$0xFFFFE040];
	v15 =	vmul.f32 v15, v6;
	[tilespmem:s21+$0xFFFFFFE0] =	vst v9  }
0x60b: {  	v9 =	vld [tilespmem:s20+$0xFFFFFFD0];
	[tilespmem:s21+$0xFFFFFFF0] =	vst v7;
	s21 =	smov.u32 s20  }
0x60c: {  	v8 =	vsub.f32 v14, v17;
	v14 =	vld [tilespmem:s23+$0xFFFFE050];
	v15 =	vadd.f32 v15, v5  }
0x60d: {  	v16 =	vld [tilespmem:s20+$0xFFFFFFE0]  }
0x60e: {  	v7 =	vsub.f32 v10, v11;
	v10 =	vld [tilespmem:s23+$0xFFFFE060];
	[tilespmem:s20+$0x0] =	vst v15  }
0x60f: {  	v15 =	vld [tilespmem:s20+$0xFFFFFFF0]  }
0x610: {  	v17 =	vld [tilespmem:s23+$0xFFFFE000];
	v11 =	vsub.f32 v9, v12  }
0x611: {  	v18 =	vld [tilespmem:s23+$0x0]  }
0x612: {  	v19 =	vld [tilespmem:s23+$0x10];
	v9 =	vsub.f32 v16, v14  }
.Ltmp19:
0x613: {  	v16 =	vld [tilespmem:s23+$0x20];
	(pc) =	sbr.rel @p0 .LBB2_40-.Ltmp19, $4  }
0x614: {  	v14 =	vld [tilespmem:s23+$0x30];
	v10 =	vsub.f32 v15, v10  }
0x615: {  	v17 =	vsub.f32 v20, v17;
	v15 =	vld [tilespmem:s23+$0x40]  }
0x616: {  	v12 =	vld [tilespmem:s23+$0x50]  }
0x617: {  	v18 =	vmul.f32 v17, v18;
	v17 =	vmul.f32 v13, v19;
	v13 =	vld [tilespmem:s23+$0x60];
	s23 =	sadd.s32 $0x80, s23  }
0x618: {  	_ = 	snop  }
0x619: {  	v8 =	vmul.f32 v8, v16;
	v16 =	vmul.f32 v18, v6  }
0x61a: {  	v7 =	vmul.f32 v7, v14;
	v14 =	vmul.f32 v17, v6  }
0x61b: {  	v11 =	vmul.f32 v11, v15;
	v8 =	vmul.f32 v8, v6;
	v15 =	vadd.f32 v16, v5  }
0x61c: {  	v9 =	vmul.f32 v9, v12;
	v12 =	vadd.f32 v14, v5;
	v7 =	vmul.f32 v7, v6  }
0x61d: {  	v10 =	vmul.f32 v10, v13;
	v8 =	vadd.f32 v8, v5;
	v11 =	vmul.f32 v11, v6;
	[tilespmem:s21+$0xFFFFFF90] =	vst v15  }
0x61e: {  	v9 =	vmul.f32 v9, v6;
	[tilespmem:s21+$0xFFFFFFA0] =	vst v12;
	v7 =	vadd.f32 v7, v5  }
0x61f: {  	v6 =	vmul.f32 v10, v6;
	[tilespmem:s21+$0xFFFFFFB0] =	vst v8;
	v8 =	vadd.f32 v11, v5  }
0x620: {  	v9 =	vadd.f32 v9, v5;
	[tilespmem:s21+$0xFFFFFFC0] =	vst v7  }
0x621: {  	v5 =	vadd.f32 v6, v5;
	[tilespmem:s21+$0xFFFFFFD0] =	vst v8  }
0x622: {  	[tilespmem:s21+$0xFFFFFFE0] =	vst v9  }
0x623: {  	s20 =	simm.s32 $0x0;
	[tilespmem:s21+$0xFFFFFFF0] =	vst v5  }
0x624: {  	[hbm4b:s15+s20] =	stream.linear.scatter [tilespmem:s25], [sflag:$0x3], $0x2000, $0x38;
	[tilespmem:$0x1E8F0] =	vst v63  }
0x625: {  	v5 =	vld [tilespmem:s24+$0x1A470]  }
0x626: {  	v6 =	vld [tilespmem:s24+$0x1A4B0];
	_ =	swait.ge [sflag:s10], $0x2000  }
0x627: {  	[sflag:s10] =	ssyncset.done $0x0  }
0x628: {  	s20 =	simm.s32 $0x0;
	[sflag:s10] =	ssyncadd.s32 $0xFFFFE000  }
0x629: {  	v7 =	vld [tilespmem:s20+$0x2070]  }
0x62a: {  	v8 =	vld [tilespmem:s20+$0xE2A8]  }
0x62b: {  	v9 =	vld [tilespmem:s20+$0x2000]  }
0x62c: {  	v10 =	vld [tilespmem:s20+$0x4070]  }
0x62d: {  	v11 =	vld [tilespmem:s20+$0xE238]  }
0x62e: {  	v12 =	vld [tilespmem:s20+$0x2010]  }
0x62f: {  	v13 =	vld [tilespmem:s20+$0xE248]  }
0x630: {  	v14 =	vld [tilespmem:s20+$0x2020]  }
0x631: {  	v15 =	vld [tilespmem:s20+$0xE258]  }
0x632: {  	v18 =	vld [tilespmem:s20+$0x2030]  }
0x633: {  	v19 =	vld [tilespmem:s20+$0xE268]  }
0x634: {  	v20 =	vld [tilespmem:s20+$0x2040]  }
0x635: {  	v21 =	vld [tilespmem:s20+$0xE278]  }
0x636: {  	v22 =	vld [tilespmem:s20+$0x2050]  }
0x637: {  	v23 =	vld [tilespmem:s20+$0xE288];
	v7 =	vsub.f32 v8, v7  }
0x638: {  	v24 =	vld [tilespmem:s20+$0x2060]  }
0x639: {  	v25 =	vld [tilespmem:s20+$0xE298];
	v5 =	vperm.xlane v5, v2;
	v7 =	vmul.f32 v7, v10  }
0x63a: {  	v26 =	vld [tilespmem:s20+$0x4000]  }
0x63b: {  	v17 =	vld [tilespmem:s20+$0x4010];
	v6 =	vperm.xlane v6, v2;
	v7 =	vmul.f32 v7, v5  }
0x63c: {  	v16 =	vld [tilespmem:s20+$0x4020];
	v27 =	vsub.f32 v11, v9;
	v8 =	vsub.f32 v13, v12  }
0x63d: {  	v9 =	vsub.f32 v15, v14;
	v15 =	vld [tilespmem:s20+$0x4030];
	v7 =	vadd.f32 v7, v6  }
0x63e: {  	v12 =	vsub.f32 v19, v18;
	v13 =	vld [tilespmem:s20+$0x4040];
	v11 =	vsub.f32 v23, v22  }
0x63f: {  	s22 =	simm.s32 $0x200;
	s21 =	simm.s32 $0x0;
	v14 =	vld [tilespmem:s20+$0x4050];
	v10 =	vsub.f32 v21, v20;
	v18 =	vmul.f32 v27, v26;
	[tilespmem:s20+$0xE2A8] =	vst v7;
	v7 =	vsub.f32 v25, v24  }
.LBB2_42:
0x640: {  	s23 =	sshra.s32 s22, $0x2;
	v8 =	vmul.f32 v8, v17;
	v17 =	vld [tilespmem:s20+$0x4060]  }
0x641: {  	s21 =	sadd.s32 $0x8, s21;
	v19 =	vld [tilespmem:s23+$0x2070];
	v18 =	vmul.f32 v18, v5;
	v9 =	vmul.f32 v9, v16  }
0x642: {  	p0 =	slt.u32 s21, $0x1F8;
	v16 =	vld [tilespmem:s23+$0xE2A8];
	v8 =	vmul.f32 v8, v5;
	v12 =	vmul.f32 v12, v15  }
0x643: {  	v15 =	vld [tilespmem:s23+$0x2000];
	v18 =	vadd.f32 v18, v6;
	v9 =	vmul.f32 v9, v5;
	v10 =	vmul.f32 v10, v13  }
0x644: {  	v13 =	vld [tilespmem:s23+$0x4070];
	v8 =	vadd.f32 v8, v6;
	v12 =	vmul.f32 v12, v5;
	v11 =	vmul.f32 v11, v14  }
0x645: {  	v14 =	vld [tilespmem:s23+$0xE238];
	[tilespmem:s20+$0xE238] =	vst v18;
	v9 =	vadd.f32 v9, v6;
	v10 =	vmul.f32 v10, v5;
	v7 =	vmul.f32 v7, v17  }
0x646: {  	v17 =	vld [tilespmem:s23+$0x2010];
	[tilespmem:s20+$0xE248] =	vst v8;
	v8 =	vadd.f32 v12, v6;
	v11 =	vmul.f32 v11, v5  }
0x647: {  	v12 =	vld [tilespmem:s23+$0xE248];
	v16 =	vsub.f32 v16, v19;
	[tilespmem:s20+$0xE258] =	vst v9;
	v9 =	vadd.f32 v10, v6;
	v7 =	vmul.f32 v7, v5  }
0x648: {  	v10 =	vld [tilespmem:s23+$0x2020];
	[tilespmem:s20+$0xE268] =	vst v8;
	v8 =	vadd.f32 v11, v6  }
0x649: {  	v11 =	vld [tilespmem:s23+$0xE258];
	v13 =	vmul.f32 v16, v13;
	[tilespmem:s20+$0xE278] =	vst v9;
	v7 =	vadd.f32 v7, v6  }
0x64a: {  	v14 =	vsub.f32 v14, v15;
	v15 =	vld [tilespmem:s23+$0x2030];
	[tilespmem:s20+$0xE288] =	vst v8  }
0x64b: {  	v16 =	vld [tilespmem:s23+$0xE268];
	v9 =	vmul.f32 v13, v5;
	[tilespmem:s20+$0xE298] =	vst v7;
	s20 =	smov.u32 s23  }
0x64c: {  	v8 =	vsub.f32 v12, v17;
	v7 =	vld [tilespmem:s20+$0x2040]  }
0x64d: {  	v13 =	vld [tilespmem:s20+$0xE278];
	v12 =	vadd.f32 v9, v6  }
0x64e: {  	v9 =	vsub.f32 v11, v10;
	v11 =	vld [tilespmem:s20+$0x2050]  }
0x64f: {  	v18 =	vld [tilespmem:s20+$0xE288];
	[tilespmem:s20+$0xE2A8] =	vst v12  }
0x650: {  	v12 =	vsub.f32 v16, v15;
	v19 =	vld [tilespmem:s20+$0x2060]  }
0x651: {  	v20 =	vld [tilespmem:s20+$0xE298]  }
0x652: {  	v21 =	vld [tilespmem:s20+$0x4000];
	v10 =	vsub.f32 v13, v7  }
.Ltmp20:
0x653: {  	v17 =	vld [tilespmem:s20+$0x4010];
	(pc) =	sbr.rel @p0 .LBB2_42-.Ltmp20, $4  }
0x654: {  	v16 =	vld [tilespmem:s20+$0x4020];
	v11 =	vsub.f32 v18, v11  }
0x655: {  	v15 =	vld [tilespmem:s20+$0x4030]  }
0x656: {  	v13 =	vld [tilespmem:s20+$0x4040];
	v7 =	vsub.f32 v20, v19  }
0x657: {  	s22 =	sadd.s32 $0x200, s22;
	v18 =	vmul.f32 v14, v21;
	v14 =	vld [tilespmem:s20+$0x4050]  }
0x658: {  	v8 =	vmul.f32 v8, v17;
	v17 =	vld [tilespmem:s20+$0x4060]  }
0x659: {  	v18 =	vmul.f32 v18, v5;
	v9 =	vmul.f32 v9, v16  }
0x65a: {  	v8 =	vmul.f32 v8, v5;
	v12 =	vmul.f32 v12, v15  }
0x65b: {  	v15 =	vadd.f32 v18, v6;
	v9 =	vmul.f32 v9, v5;
	v10 =	vmul.f32 v10, v13  }
0x65c: {  	v8 =	vadd.f32 v8, v6;
	v12 =	vmul.f32 v12, v5;
	v11 =	vmul.f32 v11, v14  }
0x65d: {  	[tilespmem:s20+$0xE238] =	vst v15;
	v9 =	vadd.f32 v9, v6;
	v10 =	vmul.f32 v10, v5;
	v7 =	vmul.f32 v7, v17  }
0x65e: {  	[tilespmem:s20+$0xE248] =	vst v8;
	v8 =	vadd.f32 v12, v6;
	v11 =	vmul.f32 v11, v5  }
0x65f: {  	[tilespmem:s20+$0xE258] =	vst v9;
	v9 =	vadd.f32 v10, v6;
	v5 =	vmul.f32 v7, v5  }
0x660: {  	[tilespmem:s20+$0xE268] =	vst v8;
	v7 =	vadd.f32 v11, v6  }
0x661: {  	[tilespmem:s20+$0xE278] =	vst v9;
	v5 =	vadd.f32 v5, v6  }
0x662: {  	[tilespmem:s20+$0xE288] =	vst v7  }
0x663: {  	s31 =	simm.s32 $0x0;
	[tilespmem:s20+$0xE298] =	vst v5  }
0x664: {  	[hbm4b:s16+s31] =	stream.linear.scatter [tilespmem:s26], [sflag:$0x3], $0x2000, $0x38;
	[tilespmem:$0x1E8F0] =	vst v63  }
0x665: {  	v5 =	vld [tilespmem:s24+$0x1A470]  }
0x666: {  	v6 =	vld [tilespmem:s24+$0x1A4B0];
	_ =	swait.ge [sflag:s10], $0x2000  }
0x667: {  	[sflag:s10] =	ssyncset.done $0x0  }
0x668: {  	s20 =	simm.s32 $0x0;
	[sflag:s10] =	ssyncadd.s32 $0xFFFFE000  }
0x669: {  	v7 =	vld [tilespmem:s20+$0x2070]  }
0x66a: {  	v8 =	vld [tilespmem:s20+$0x102A8]  }
0x66b: {  	v9 =	vld [tilespmem:s20+$0x2000]  }
0x66c: {  	v10 =	vld [tilespmem:s20+$0x4070]  }
0x66d: {  	v11 =	vld [tilespmem:s20+$0x10238]  }
0x66e: {  	v12 =	vld [tilespmem:s20+$0x2010]  }
0x66f: {  	v13 =	vld [tilespmem:s20+$0x10248]  }
0x670: {  	v14 =	vld [tilespmem:s20+$0x2020]  }
0x671: {  	v15 =	vld [tilespmem:s20+$0x10258]  }
0x672: {  	v18 =	vld [tilespmem:s20+$0x2030]  }
0x673: {  	v19 =	vld [tilespmem:s20+$0x10268]  }
0x674: {  	v20 =	vld [tilespmem:s20+$0x2040]  }
0x675: {  	v21 =	vld [tilespmem:s20+$0x10278]  }
0x676: {  	v22 =	vld [tilespmem:s20+$0x2050]  }
0x677: {  	v23 =	vld [tilespmem:s20+$0x10288];
	v7 =	vsub.f32 v8, v7  }
0x678: {  	v24 =	vld [tilespmem:s20+$0x2060]  }
0x679: {  	v25 =	vld [tilespmem:s20+$0x10298];
	v5 =	vperm.xlane v5, v3;
	v7 =	vmul.f32 v7, v10  }
0x67a: {  	v26 =	vld [tilespmem:s20+$0x4000]  }
0x67b: {  	v17 =	vld [tilespmem:s20+$0x4010];
	v6 =	vperm.xlane v6, v3;
	v7 =	vmul.f32 v7, v5  }
0x67c: {  	v16 =	vld [tilespmem:s20+$0x4020];
	v27 =	vsub.f32 v11, v9;
	v8 =	vsub.f32 v13, v12  }
0x67d: {  	v9 =	vsub.f32 v15, v14;
	v15 =	vld [tilespmem:s20+$0x4030];
	v7 =	vadd.f32 v7, v6  }
0x67e: {  	v12 =	vsub.f32 v19, v18;
	v13 =	vld [tilespmem:s20+$0x4040];
	v11 =	vsub.f32 v23, v22  }
0x67f: {  	s21 =	simm.s32 $0x0;
	s22 =	simm.s32 $0x200;
	v14 =	vld [tilespmem:s20+$0x4050];
	v10 =	vsub.f32 v21, v20;
	v18 =	vmul.f32 v27, v26;
	[tilespmem:s20+$0x102A8] =	vst v7;
	v7 =	vsub.f32 v25, v24  }
.LBB2_44:
0x680: {  	s23 =	sshra.s32 s22, $0x2;
	v8 =	vmul.f32 v8, v17;
	v17 =	vld [tilespmem:s20+$0x4060]  }
0x681: {  	s21 =	sadd.s32 $0x8, s21;
	v19 =	vld [tilespmem:s23+$0x2070];
	v18 =	vmul.f32 v18, v5;
	v9 =	vmul.f32 v9, v16  }
0x682: {  	p0 =	slt.u32 s21, $0x1F8;
	v16 =	vld [tilespmem:s23+$0x102A8];
	v8 =	vmul.f32 v8, v5;
	v12 =	vmul.f32 v12, v15  }
0x683: {  	v15 =	vld [tilespmem:s23+$0x2000];
	v18 =	vadd.f32 v18, v6;
	v9 =	vmul.f32 v9, v5;
	v10 =	vmul.f32 v10, v13  }
0x684: {  	v13 =	vld [tilespmem:s23+$0x4070];
	v8 =	vadd.f32 v8, v6;
	v12 =	vmul.f32 v12, v5;
	v11 =	vmul.f32 v11, v14  }
0x685: {  	v14 =	vld [tilespmem:s23+$0x10238];
	[tilespmem:s20+$0x10238] =	vst v18;
	v9 =	vadd.f32 v9, v6;
	v10 =	vmul.f32 v10, v5;
	v7 =	vmul.f32 v7, v17  }
0x686: {  	v17 =	vld [tilespmem:s23+$0x2010];
	[tilespmem:s20+$0x10248] =	vst v8;
	v8 =	vadd.f32 v12, v6;
	v11 =	vmul.f32 v11, v5  }
0x687: {  	v12 =	vld [tilespmem:s23+$0x10248];
	v16 =	vsub.f32 v16, v19;
	[tilespmem:s20+$0x10258] =	vst v9;
	v9 =	vadd.f32 v10, v6;
	v7 =	vmul.f32 v7, v5  }
0x688: {  	v10 =	vld [tilespmem:s23+$0x2020];
	[tilespmem:s20+$0x10268] =	vst v8;
	v8 =	vadd.f32 v11, v6  }
0x689: {  	v11 =	vld [tilespmem:s23+$0x10258];
	v13 =	vmul.f32 v16, v13;
	[tilespmem:s20+$0x10278] =	vst v9;
	v7 =	vadd.f32 v7, v6  }
0x68a: {  	v14 =	vsub.f32 v14, v15;
	v15 =	vld [tilespmem:s23+$0x2030];
	[tilespmem:s20+$0x10288] =	vst v8  }
0x68b: {  	v16 =	vld [tilespmem:s23+$0x10268];
	v9 =	vmul.f32 v13, v5;
	[tilespmem:s20+$0x10298] =	vst v7;
	s20 =	smov.u32 s23  }
0x68c: {  	v8 =	vsub.f32 v12, v17;
	v7 =	vld [tilespmem:s20+$0x2040]  }
0x68d: {  	v13 =	vld [tilespmem:s20+$0x10278];
	v12 =	vadd.f32 v9, v6  }
0x68e: {  	v9 =	vsub.f32 v11, v10;
	v11 =	vld [tilespmem:s20+$0x2050]  }
0x68f: {  	v18 =	vld [tilespmem:s20+$0x10288];
	[tilespmem:s20+$0x102A8] =	vst v12  }
0x690: {  	v12 =	vsub.f32 v16, v15;
	v19 =	vld [tilespmem:s20+$0x2060]  }
0x691: {  	v20 =	vld [tilespmem:s20+$0x10298]  }
0x692: {  	v21 =	vld [tilespmem:s20+$0x4000];
	v10 =	vsub.f32 v13, v7  }
.Ltmp21:
0x693: {  	v17 =	vld [tilespmem:s20+$0x4010];
	(pc) =	sbr.rel @p0 .LBB2_44-.Ltmp21, $4  }
0x694: {  	v16 =	vld [tilespmem:s20+$0x4020];
	v11 =	vsub.f32 v18, v11  }
0x695: {  	v15 =	vld [tilespmem:s20+$0x4030]  }
0x696: {  	v13 =	vld [tilespmem:s20+$0x4040];
	v7 =	vsub.f32 v20, v19  }
0x697: {  	s22 =	sadd.s32 $0x200, s22;
	v18 =	vmul.f32 v14, v21;
	v14 =	vld [tilespmem:s20+$0x4050]  }
0x698: {  	v8 =	vmul.f32 v8, v17;
	v60 =	vld [tilespmem:s20+$0x4060]  }
0x699: {  	v18 =	vmul.f32 v18, v5;
	v9 =	vmul.f32 v9, v16  }
0x69a: {  	v8 =	vmul.f32 v8, v5;
	v12 =	vmul.f32 v12, v15  }
0x69b: {  	v61 =	vadd.f32 v18, v6;
	v9 =	vmul.f32 v9, v5;
	v10 =	vmul.f32 v10, v13  }
0x69c: {  	v8 =	vadd.f32 v8, v6;
	v12 =	vmul.f32 v12, v5;
	v11 =	vmul.f32 v11, v14  }
0x69d: {  	[tilespmem:s20+$0x10238] =	vst v61;
	v9 =	vadd.f32 v9, v6;
	v10 =	vmul.f32 v10, v5;
	v7 =	vmul.f32 v7, v60  }
0x69e: {  	[tilespmem:s20+$0x10248] =	vst v8;
	v62 =	vadd.f32 v12, v6;
	v11 =	vmul.f32 v11, v5  }
0x69f: {  	[tilespmem:s20+$0x10258] =	vst v9;
	v63 =	vadd.f32 v10, v6;
	v5 =	vmul.f32 v7, v5  }
0x6a0: {  	[tilespmem:s20+$0x10268] =	vst v62;
	v7 =	vadd.f32 v11, v6  }
0x6a1: {  	[tilespmem:s20+$0x10278] =	vst v63;
	v5 =	vadd.f32 v5, v6  }
0x6a2: {  	[tilespmem:s20+$0x10288] =	vst v7  }
0x6a3: {  	[tilespmem:s20+$0x10298] =	vst v5  }
0x6a4: {  	[hbm4b:s17+s18] =	stream.linear.scatter [tilespmem:s28], [sflag:$0x3], $0x2000, $0x38;
	[tilespmem:$0x1E8F0] =	vst v63  }
0x6a5: {  	_ =	swait.ge [sflag:s8], $0x2000  }
0x6a6: {  	[sflag:s8] =	ssyncset.done $0x0  }
0x6a7: {  	[sflag:s8] =	ssyncadd.s32 $0xFFFFE000  }
0x6a8: {  	_ =	swait.ge [sflag:s8], $0x2000  }
0x6a9: {  	[sflag:s8] =	ssyncset.done $0x0  }
0x6aa: {  	[sflag:s8] =	ssyncadd.s32 $0xFFFFE000  }
0x6ab: {  	_ =	swait.ge [sflag:s8], $0x2000  }
0x6ac: {  	[sflag:s8] =	ssyncset.done $0x0  }
0x6ad: {  	[sflag:s8] =	ssyncadd.s32 $0xFFFFE000  }
0x6ae: {  	_ =	swait.ge [sflag:s8], $0x2000  }
0x6af: {  	s13 =	sadd.s32 $0x1, s13;
	s31 =	rddreg [dreg:$0x10]  }
0x6b0: {  	p0 =	sne.s32 s13, s31  }
.Ltmp22:
0x6b1: {  	_ = 	snop;
	(pc) =	sbr.rel @p0 .LBB2_1-.Ltmp22, $3  }
0x6b2: {  	_ =	sdelay $0x1  }
0x6b3: {  	[sflag:s8] =	ssyncset.done $0x0  }
0x6b4: {  	[sflag:s8] =	ssyncadd.s32 $0xFFFFE000  }
0x6b5: {  	_ =	sfence.sel $0x180000  }
0x6b6: {  	[bflag:$0x0] =	sbarrier.arrive $0xFFFF  }
0x6b7: {  	_ =	strace $0x90000047  }
0x6b8: {  	s0 =	stileid.u32;
	[bflag:$0x2] =	sbarrier.arrive $0xFFFF  }
0x6b9: {  	p0 =	sne.s32 s0, $0x0;
	s0 =	rddreg [dreg:$0x6]  }
0x6ba: {  	s0 =	sadd.s32 @!p0 $0x100000, s0  }
0x6bb: {  	[sflag:s0] =	ssyncadd.tile.s32 @!p0 $0x1;
	_ =	shalt  }
.Lfunc_end2:
_tile_overlayer_lowered:
.L_overlay_start_2:
0x6bc: {  	(tag) =	ssettag $0x2  }
0x6bd: {  	s0 =	rddreg [dreg:$0x0];
	s2 =	stileid.u32  }
0x6be: {  	s1 =	rddreg [dreg:$0x1];
	p0 =	sne.s32 s2, $0x0  }
0x6bf: {  	s3 =	rddreg [dreg:$0x2];
	[bflag:$0x3] =	sbarrier.arrive $0xFFFF;
	s2 =	simm.s32 @!p0 $0x1C05  }
0x6c0: {  	[timem:s3], [sflag:s2] =	dma.local @!p0 [hbm:s0], s1  }
0x6c1: {  	s0 =	simm.s32 @!p0 $0x5  }
0x6c2: {  	_ =	swait.ge @!p0 [sflag:s0], s1  }
0x6c3: {  	s1 =	ssub.s32 @!p0 $0x0, s1;
	[sflag:s0] =	ssyncset.done @!p0 $0x0  }
0x6c4: {  	[sflag:s0] =	ssyncadd.s32 @!p0 s1  }
0x6c5: {  	[bflag:$0x3] =	sbarrier.arrive $0xFFFF  }
0x6c6: {  	_ =	shalt  }

</sc_bundles>
